<compile_context>
chip_gen: v7x
topology: tpu7x:2x2x1
jax: 0.10.2.dev20260603
libtpu: 0.0.44.dev20260713+nightly
codegen_flags: <defaults>
</compile_context>

<pallas_src>
import functools

import jax
import jax.numpy as jnp
from jax import lax
from jax.experimental import pallas as pl
from jax.experimental.pallas import tpu as pltpu, tpu_sc as plsc

N = 10000
D = 128
DE = 16
E = 320000

NC = 2
NS = 16
NW = NC * NS
CHUNK = 128
CPT = 80
E_PAD = CPT * CHUNK * NW
GRP = 8
NGRP = CPT // GRP
ACC_ROWS = N
ROWS_MAIN = 624
ROWS_LAST = N - 15 * ROWS_MAIN


def _eproj_body(ea_ref, we_ref, be_ref, o_ref):
    i = pl.program_id(0)
    e = (
        jnp.dot(ea_ref[...], we_ref[...], preferred_element_type=jnp.float32)
        + be_ref[...]
    )
    rows = lax.broadcasted_iota(jnp.int32, (e.shape[0], 1), 0) + i * e.shape[0]
    o_ref[...] = jnp.where(rows < E, e, -1e30)


def _edge_proj(ea_pad, W_e, b_e):
    BE = 1024
    grid = (E_PAD // BE,)
    return pl.pallas_call(
        _eproj_body,
        grid=grid,
        in_specs=[
            pl.BlockSpec((BE, DE), lambda i: (i, 0)),
            pl.BlockSpec((DE, D), lambda i: (0, 0)),
            pl.BlockSpec((1, D), lambda i: (0, 0)),
        ],
        out_specs=pl.BlockSpec((BE, D), lambda i: (i, 0)),
        out_shape=jax.ShapeDtypeStruct((E_PAD, D), jnp.float32),
    )(ea_pad, W_e, b_e.reshape(1, D))


def _sc_body(x_hbm, eproj_hbm, srcs_hbm, dsts_hbm, out_hbm,
             src8, dst8, e_buf, g_buf, agg_sh,
             sem_e, sem_g, sem_s):
    c = lax.axis_index("c")
    s = lax.axis_index("s")
    wid = s * NC + c

    z_buf = g_buf

    def _zrow(r, carry):
        for k in range(D // 16):
            z_buf[r, pl.ds(k * 16, 16)] = jnp.zeros((16,), jnp.float32)
        return carry

    lax.fori_loop(0, CHUNK, _zrow, 0)
    zbase = s * ROWS_MAIN

    @pl.when(s < NS - 1)
    def _():
        for k in range(4):
            cnt = CHUNK if k < 4 - 1 else ROWS_MAIN - 3 * CHUNK
            pltpu.sync_copy(z_buf.at[pl.ds(0, cnt)],
                            agg_sh.at[pl.ds(zbase + k * CHUNK, cnt)])

    @pl.when(s == NS - 1)
    def _():
        for k in range(5):
            cnt = CHUNK if k < 5 - 1 else ROWS_LAST - 4 * CHUNK
            pltpu.sync_copy(z_buf.at[pl.ds(0, cnt)],
                            agg_sh.at[pl.ds(zbase + k * CHUNK, cnt)])

    plsc.subcore_barrier()

    def _issue_g(src_row):
        pltpu.async_copy(x_hbm.at[src_row], g_buf, sem_g)

    def _wait_g(src_row):
        pltpu.make_async_copy(x_hbm.at[src_row], g_buf, sem_g).wait()

    def _eproj_rows(jj):
        return eproj_hbm.at[pl.ds((wid * CPT + jj) * CHUNK, CHUNK)]

    def _issue_e(jj):
        pltpu.async_copy(_eproj_rows(jj), e_buf, sem_e)

    def _wait_e(jj):
        pltpu.make_async_copy(_eproj_rows(jj), e_buf, sem_e).wait()

    def _wait_scat(dst_row):
        pltpu.make_async_copy(e_buf, agg_sh.at[dst_row], sem_s).wait()

    _issue_e(0)

    def _group(p, carry):
        @pl.when(p > 0)
        def _():
            _wait_scat(dst8.at[GRP - 1])
            _issue_e(p * GRP)

        off = wid * CPT + p * GRP
        pltpu.sync_copy(srcs_hbm.at[pl.ds(off, GRP)], src8)
        pltpu.sync_copy(dsts_hbm.at[pl.ds(off, GRP)], dst8)
        _issue_g(src8.at[0])

        for q in range(GRP):
            _wait_g(src8.at[q])
            _wait_e(p * GRP + q)

            def _row(r, rc):
                for rr in range(2):
                    for k in range(D // 16):
                        sl = pl.ds(k * 16, 16)
                        e_buf[2 * r + rr, sl] = jnp.maximum(
                            g_buf[2 * r + rr, sl] + e_buf[2 * r + rr, sl], 0.0)
                return rc

            lax.fori_loop(0, CHUNK // 2, _row, 0)

            pltpu.async_copy(e_buf, agg_sh.at[dst8.at[q]], sem_s, add=True)
            if q < GRP - 1:
                _issue_g(src8.at[q + 1])
                _wait_scat(dst8.at[q])
                _issue_e(p * GRP + q + 1)

        return carry

    lax.fori_loop(0, NGRP, _group, 0)
    _wait_scat(dst8.at[GRP - 1])
    plsc.subcore_barrier()

    @pl.when(s < NS - 1)
    def _():
        pltpu.sync_copy(agg_sh.at[pl.ds(zbase, ROWS_MAIN)],
                        out_hbm.at[c].at[pl.ds(zbase, ROWS_MAIN)])

    @pl.when(s == NS - 1)
    def _():
        pltpu.sync_copy(agg_sh.at[pl.ds(zbase, ROWS_LAST)],
                        out_hbm.at[c].at[pl.ds(zbase, ROWS_LAST)])


def _sc_aggregate(x, eproj, srcs2d, dsts2d):
    mesh = plsc.VectorSubcoreMesh(core_axis_name="c", subcore_axis_name="s",
                                  num_cores=NC, num_subcores=NS)
    fn = pl.kernel(
        _sc_body,
        out_type=jax.ShapeDtypeStruct((NC, N, D), jnp.float32),
        mesh=mesh,
        scratch_types=[
            pltpu.VMEM((GRP, CHUNK), jnp.int32),
            pltpu.VMEM((GRP, CHUNK), jnp.int32),
            pltpu.VMEM((CHUNK, D), jnp.float32),
            pltpu.VMEM((CHUNK, D), jnp.float32),
            pltpu.VMEM_SHARED((ACC_ROWS, D), jnp.float32),
            pltpu.SemaphoreType.DMA,
            pltpu.SemaphoreType.DMA,
            pltpu.SemaphoreType.DMA,
        ],
    )
    return fn(x, eproj, srcs2d, dsts2d)


def _mlp_body(eps_ref, x_ref, a0_ref, a1_ref, w1_ref, b1_ref, w2_ref, b2_ref,
              lng_ref, lnb_ref, o_ref):
    h = x_ref[...] * eps_ref[0] + a0_ref[...] + a1_ref[...]
    h1 = jnp.dot(h, w1_ref[...], preferred_element_type=jnp.float32) + b1_ref[...]
    h1 = jnp.maximum(h1, 0.0)
    h2 = jnp.dot(h1, w2_ref[...], preferred_element_type=jnp.float32) + b2_ref[...]
    mu = jnp.mean(h2, axis=1, keepdims=True)
    dc = h2 - mu
    var = jnp.mean(dc * dc, axis=1, keepdims=True)
    hn = dc * lax.rsqrt(var + 1e-5) * lng_ref[...] + lnb_ref[...]
    o_ref[...] = jnp.maximum(hn + x_ref[...], 0.0)


def _node_mlp(epsv, x, a0, a1, W1f, b1f, W2, b2, ln_gamma, ln_beta):
    BN = 1000
    grid = (N // BN,)
    vec = lambda a: a.reshape(1, D)
    return pl.pallas_call(
        _mlp_body,
        grid=grid,
        in_specs=[
            pl.BlockSpec(memory_space=pltpu.SMEM),
            pl.BlockSpec((BN, D), lambda i: (i, 0)),
            pl.BlockSpec((BN, D), lambda i: (i, 0)),
            pl.BlockSpec((BN, D), lambda i: (i, 0)),
            pl.BlockSpec((D, D), lambda i: (0, 0)),
            pl.BlockSpec((1, D), lambda i: (0, 0)),
            pl.BlockSpec((D, D), lambda i: (0, 0)),
            pl.BlockSpec((1, D), lambda i: (0, 0)),
            pl.BlockSpec((1, D), lambda i: (0, 0)),
            pl.BlockSpec((1, D), lambda i: (0, 0)),
        ],
        out_specs=pl.BlockSpec((BN, D), lambda i: (i, 0)),
        out_shape=jax.ShapeDtypeStruct((N, D), jnp.float32),
    )(epsv, x, a0, a1, W1f, vec(b1f), W2, vec(b2), vec(ln_gamma), vec(ln_beta))


def kernel(x, edge_index, edge_attr, W_e, b_e, eps, W1, b1, bn_gamma, bn_beta,
           W2, b2, ln_gamma, ln_beta):
    src = edge_index[0].astype(jnp.int32)
    dst = edge_index[1].astype(jnp.int32)
    pad = E_PAD - E
    src_p = jnp.concatenate([src, jnp.zeros((pad,), jnp.int32)])
    dst_p = jnp.concatenate([dst, jnp.zeros((pad,), jnp.int32)])
    srcs2d = src_p.reshape(E_PAD // CHUNK, CHUNK)
    dsts2d = dst_p.reshape(E_PAD // CHUNK, CHUNK)
    ea_pad = jnp.concatenate(
        [edge_attr, jnp.zeros((pad, DE), edge_attr.dtype)], axis=0)

    eproj = _edge_proj(ea_pad, W_e, b_e)
    partials = _sc_aggregate(x, eproj, srcs2d, dsts2d)
    a0 = partials[0]
    a1 = partials[1]

    scale = bn_gamma / jnp.sqrt(1.0 + 1e-5)
    W1f = W1 * scale[None, :]
    b1f = b1 * scale + bn_beta
    epsv = (1.0 + eps).reshape(1).astype(jnp.float32)

    return _node_mlp(epsv, x, a0, a1, W1f, b1f, W2, b2, ln_gamma, ln_beta)

# --- scband reference (transcript-rebuilt; emitter-appended) ---
"""Pipeline reference for scband-gineblock-19765439496859 (READ-ONLY COPY).

The authoritative reference and input builder live on the scoring server;
editing this copy changes nothing except your own understanding.
"""

import jax, jax.numpy as jnp
import numpy as np

N = 10000
E = 320000
D = 128
DE = 16

def setup_inputs(seed: int = 0) -> dict:
    key = jax.random.key(seed)
    ks = jax.random.split(key, 12)
    x = jax.random.normal(ks[0], (N, D), dtype=jnp.float32)
    edge_index = jax.random.randint(ks[1], (2, E), 0, N, dtype=jnp.int64)
    edge_attr = jax.random.normal(ks[2], (E, DE), dtype=jnp.float32)
    # GINEConv internal edge projection Linear(edge_dim -> in_channels)
    W_e = jax.random.normal(ks[3], (DE, D), dtype=jnp.float32) * (1.0 / np.sqrt(DE))
    b_e = jnp.zeros((D,), dtype=jnp.float32)
    eps = jnp.zeros((), dtype=jnp.float32)  # train_eps=True, init 0
    # mlp: Linear -> BatchNorm1d -> ReLU -> Dropout -> Linear
    W1 = jax.random.normal(ks[4], (D, D), dtype=jnp.float32) * (1.0 / np.sqrt(D))
    b1 = jnp.zeros((D,), dtype=jnp.float32)
    bn_gamma = jnp.ones((D,), dtype=jnp.float32)
    bn_beta = jnp.zeros((D,), dtype=jnp.float32)
    W2 = jax.random.normal(ks[5], (D, D), dtype=jnp.float32) * (1.0 / np.sqrt(D))
    b2 = jnp.zeros((D,), dtype=jnp.float32)
    # LayerNorm(out_channels)
    ln_gamma = jnp.ones((D,), dtype=jnp.float32)
    ln_beta = jnp.zeros((D,), dtype=jnp.float32)
    return {"x": x, "edge_index": edge_index, "edge_attr": edge_attr,
            "W_e": W_e, "b_e": b_e, "eps": eps,
            "W1": W1, "b1": b1, "bn_gamma": bn_gamma, "bn_beta": bn_beta,
            "W2": W2, "b2": b2, "ln_gamma": ln_gamma, "ln_beta": ln_beta}

def reference(x, edge_index, edge_attr, W_e, b_e, eps, W1, b1, bn_gamma, bn_beta, W2, b2, ln_gamma, ln_beta):
    # Residual is Identity since in_channels == out_channels
    identity = x
    src = edge_index[0]
    dst = edge_index[1]
    # GINEConv: message = relu(x_j + lin(edge_attr)); sum-aggregate at dst
    e = edge_attr @ W_e + b_e
    msg = jax.nn.relu(x[src] + e)
    agg = jax.ops.segment_sum(msg, dst, num_segments=x.shape[0])
    h = (1.0 + eps) * x + agg
    # mlp (eval mode: BatchNorm uses running stats mean=0, var=1; dropout is identity)
    h = h @ W1 + b1
    h = (h / jnp.sqrt(1.0 + 1e-5)) * bn_gamma + bn_beta
    h = jax.nn.relu(h)
    h = h @ W2 + b2
    # LayerNorm over feature dim (per node)
    mu = jnp.mean(h, axis=-1, keepdims=True)
    var = jnp.var(h, axis=-1, keepdims=True)
    h = (h - mu) / jnp.sqrt(var + 1e-5) * ln_gamma + ln_beta
    out = jax.nn.relu(h + identity)
    return out

if __name__ == "__main__":
    import jax
    _d = setup_inputs()
    print(jax.jit(kernel)(*tuple(_d.values())))

</pallas_src>

<mosaic_0001>
#map = affine_map<(d0, d1) -> (0, 0)>
#map1 = affine_map<(d0, d1) -> (0, 0, 0)>
module attributes {stable_mosaic.version = 14 : i64} {
  func.func @_sc_body(%arg0: i32, %arg1: i32, %arg2: memref<10000x128xf32, #tpu.memory_space<hbm>>, %arg3: memref<327680x128xf32, #tpu.memory_space<hbm>>, %arg4: memref<2560x128xi32, #tpu.memory_space<hbm>>, %arg5: memref<2560x128xi32, #tpu.memory_space<hbm>>, %arg6: memref<2x10000x128xf32, #tpu.memory_space<hbm>>, %arg7: memref<8x128xi32, #tpu.memory_space<vmem>>, %arg8: memref<8x128xi32, #tpu.memory_space<vmem>>, %arg9: memref<128x128xf32, #tpu.memory_space<vmem>>, %arg10: memref<128x128xf32, #tpu.memory_space<vmem>>, %arg11: memref<10000x128xf32, #tpu.memory_space<vmem_shared>>, %arg12: memref<!tpu.dma_semaphore, #tpu.memory_space<semaphore_mem>>, %arg13: memref<!tpu.dma_semaphore, #tpu.memory_space<semaphore_mem>>, %arg14: memref<!tpu.dma_semaphore, #tpu.memory_space<semaphore_mem>>) attributes {dimension_semantics = [#tpu.dimension_semantics<core_parallel>, #tpu.dimension_semantics<subcore_parallel>], iteration_bounds = array<i64: 2, 16>, scalar_prefetch = 0 : i64, scratch_operands = 8 : i64, tpu.core_type = #tpu.core_type<sc_vector_subcore>, window_params = [{transform_indices = #map}, {transform_indices = #map}, {transform_indices = #map}, {transform_indices = #map}, {transform_indices = #map1}]} {
    %mul3A = arith.constant 2 : i32
    %mul3A_0 = arith.muli %arg1, %mul3A : i32
    %add3A = arith.addi %mul3A_0, %arg0 : i32
    %scan3A = arith.constant 0 : i32
    %scan3A_1 = arith.constant 0 : i32
    %scan3A_2 = arith.constant 128 : i32
    %scan3A_3 = arith.addi %scan3A_1, %scan3A_2 : i32
    %scan3A_4 = arith.constant 1 : i32
    scf.for %scan3A_46 = %scan3A_1 to %scan3A_3 step %scan3A_4  : i32 {
      %broadcast_in_dim3A = arith.constant 0.000000e+00 : f32
      %broadcast_in_dim3A_47 = vector.broadcast %broadcast_in_dim3A : f32 to vector<16xf32>
      %swap3A = arith.index_cast %scan3A_46 : i32 to index
      %swap3A_48 = arith.constant 0 : index
      %swap3A_49 = tpu.vector_load %arg10[%swap3A, %swap3A_48] {strides = array<i32>} : memref<128x128xf32, #tpu.memory_space<vmem>>, vector<1x16xf32>,
      %swap3A_50 = vector.shape_cast %swap3A_49 : vector<1x16xf32> to vector<16xf32>
      %swap3A_51 = vector.shape_cast %broadcast_in_dim3A_47 : vector<16xf32> to vector<1x16xf32>
      tpu.vector_store %arg10[%swap3A, %swap3A_48], %swap3A_51 {strides = array<i32>} : memref<128x128xf32, #tpu.memory_space<vmem>>, vector<1x16xf32>,
      %broadcast_in_dim3A_52 = arith.constant 0.000000e+00 : f32
      %broadcast_in_dim3A_53 = vector.broadcast %broadcast_in_dim3A_52 : f32 to vector<16xf32>
      %swap3A_54 = arith.index_cast %scan3A_46 : i32 to index
      %swap3A_55 = arith.constant 16 : index
      %swap3A_56 = tpu.vector_load %arg10[%swap3A_54, %swap3A_55] {strides = array<i32>} : memref<128x128xf32, #tpu.memory_space<vmem>>, vector<1x16xf32>,
      %swap3A_57 = vector.shape_cast %swap3A_56 : vector<1x16xf32> to vector<16xf32>
      %swap3A_58 = vector.shape_cast %broadcast_in_dim3A_53 : vector<16xf32> to vector<1x16xf32>
      tpu.vector_store %arg10[%swap3A_54, %swap3A_55], %swap3A_58 {strides = array<i32>} : memref<128x128xf32, #tpu.memory_space<vmem>>, vector<1x16xf32>,
      %broadcast_in_dim3A_59 = arith.constant 0.000000e+00 : f32
      %broadcast_in_dim3A_60 = vector.broadcast %broadcast_in_dim3A_59 : f32 to vector<16xf32>
      %swap3A_61 = arith.index_cast %scan3A_46 : i32 to index
      %swap3A_62 = arith.constant 32 : index
      %swap3A_63 = tpu.vector_load %arg10[%swap3A_61, %swap3A_62] {strides = array<i32>} : memref<128x128xf32, #tpu.memory_space<vmem>>, vector<1x16xf32>,
      %swap3A_64 = vector.shape_cast %swap3A_63 : vector<1x16xf32> to vector<16xf32>
      %swap3A_65 = vector.shape_cast %broadcast_in_dim3A_60 : vector<16xf32> to vector<1x16xf32>
      tpu.vector_store %arg10[%swap3A_61, %swap3A_62], %swap3A_65 {strides = array<i32>} : memref<128x128xf32, #tpu.memory_space<vmem>>, vector<1x16xf32>,
      %broadcast_in_dim3A_66 = arith.constant 0.000000e+00 : f32
      %broadcast_in_dim3A_67 = vector.broadcast %broadcast_in_dim3A_66 : f32 to vector<16xf32>
      %swap3A_68 = arith.index_cast %scan3A_46 : i32 to index
      %swap3A_69 = arith.constant 48 : index
      %swap3A_70 = tpu.vector_load %arg10[%swap3A_68, %swap3A_69] {strides = array<i32>} : memref<128x128xf32, #tpu.memory_space<vmem>>, vector<1x16xf32>,
      %swap3A_71 = vector.shape_cast %swap3A_70 : vector<1x16xf32> to vector<16xf32>
      %swap3A_72 = vector.shape_cast %broadcast_in_dim3A_67 : vector<16xf32> to vector<1x16xf32>
      tpu.vector_store %arg10[%swap3A_68, %swap3A_69], %swap3A_72 {strides = array<i32>} : memref<128x128xf32, #tpu.memory_space<vmem>>, vector<1x16xf32>,
      %broadcast_in_dim3A_73 = arith.constant 0.000000e+00 : f32
      %broadcast_in_dim3A_74 = vector.broadcast %broadcast_in_dim3A_73 : f32 to vector<16xf32>
      %swap3A_75 = arith.index_cast %scan3A_46 : i32 to index
      %swap3A_76 = arith.constant 64 : index
      %swap3A_77 = tpu.vector_load %arg10[%swap3A_75, %swap3A_76] {strides = array<i32>} : memref<128x128xf32, #tpu.memory_space<vmem>>, vector<1x16xf32>,
      %swap3A_78 = vector.shape_cast %swap3A_77 : vector<1x16xf32> to vector<16xf32>
      %swap3A_79 = vector.shape_cast %broadcast_in_dim3A_74 : vector<16xf32> to vector<1x16xf32>
      tpu.vector_store %arg10[%swap3A_75, %swap3A_76], %swap3A_79 {strides = array<i32>} : memref<128x128xf32, #tpu.memory_space<vmem>>, vector<1x16xf32>,
      %broadcast_in_dim3A_80 = arith.constant 0.000000e+00 : f32
      %broadcast_in_dim3A_81 = vector.broadcast %broadcast_in_dim3A_80 : f32 to vector<16xf32>
      %swap3A_82 = arith.index_cast %scan3A_46 : i32 to index
      %swap3A_83 = arith.constant 80 : index
      %swap3A_84 = tpu.vector_load %arg10[%swap3A_82, %swap3A_83] {strides = array<i32>} : memref<128x128xf32, #tpu.memory_space<vmem>>, vector<1x16xf32>,
      %swap3A_85 = vector.shape_cast %swap3A_84 : vector<1x16xf32> to vector<16xf32>
      %swap3A_86 = vector.shape_cast %broadcast_in_dim3A_81 : vector<16xf32> to vector<1x16xf32>
      tpu.vector_store %arg10[%swap3A_82, %swap3A_83], %swap3A_86 {strides = array<i32>} : memref<128x128xf32, #tpu.memory_space<vmem>>, vector<1x16xf32>,
      %broadcast_in_dim3A_87 = arith.constant 0.000000e+00 : f32
      %broadcast_in_dim3A_88 = vector.broadcast %broadcast_in_dim3A_87 : f32 to vector<16xf32>
      %swap3A_89 = arith.index_cast %scan3A_46 : i32 to index
      %swap3A_90 = arith.constant 96 : index
      %swap3A_91 = tpu.vector_load %arg10[%swap3A_89, %swap3A_90] {strides = array<i32>} : memref<128x128xf32, #tpu.memory_space<vmem>>, vector<1x16xf32>,
      %swap3A_92 = vector.shape_cast %swap3A_91 : vector<1x16xf32> to vector<16xf32>
      %swap3A_93 = vector.shape_cast %broadcast_in_dim3A_88 : vector<16xf32> to vector<1x16xf32>
      tpu.vector_store %arg10[%swap3A_89, %swap3A_90], %swap3A_93 {strides = array<i32>} : memref<128x128xf32, #tpu.memory_space<vmem>>, vector<1x16xf32>,
      %broadcast_in_dim3A_94 = arith.constant 0.000000e+00 : f32
      %broadcast_in_dim3A_95 = vector.broadcast %broadcast_in_dim3A_94 : f32 to vector<16xf32>
      %swap3A_96 = arith.index_cast %scan3A_46 : i32 to index
      %swap3A_97 = arith.constant 112 : index
      %swap3A_98 = tpu.vector_load %arg10[%swap3A_96, %swap3A_97] {strides = array<i32>} : memref<128x128xf32, #tpu.memory_space<vmem>>, vector<1x16xf32>,
      %swap3A_99 = vector.shape_cast %swap3A_98 : vector<1x16xf32> to vector<16xf32>
      %swap3A_100 = vector.shape_cast %broadcast_in_dim3A_95 : vector<16xf32> to vector<1x16xf32>
      tpu.vector_store %arg10[%swap3A_96, %swap3A_97], %swap3A_100 {strides = array<i32>} : memref<128x128xf32, #tpu.memory_space<vmem>>, vector<1x16xf32>,
    }
    %scan3A_5 = arith.constant 128 : i32
    %mul3A_6 = arith.constant 624 : i32
    %mul3A_7 = arith.muli %arg1, %mul3A_6 : i32
    %lt3A = arith.constant 15 : i32
    %lt3A_8 = arith.cmpi slt, %arg1, %lt3A : i32
    %convert_element_type3A = arith.extui %lt3A_8 : i1 to i32
    %cond3A = arith.constant 0 : i32
    %cond3A_9 = arith.cmpi ne, %convert_element_type3A, %cond3A : i32
    scf.if %cond3A_9 {
      %add3A_46 = arith.constant 0 : i32
      %add3A_47 = arith.addi %mul3A_7, %add3A_46 : i32
      "tpu.region"() ({
        %run_scoped3A = tpu.sem_alloc : memref<!tpu.dma_semaphore, #tpu.memory_space<semaphore_mem>>
        %dma_start3A_54 = arith.constant 0 : i32
        %dma_start3A_55 = arith.constant 0 : i32
        %dma_start3A_56 = tpu.memref_slice %arg10[%dma_start3A_54, %dma_start3A_55] : memref<128x128xf32, #tpu.memory_space<vmem>> -> memref<128x128xf32, #tpu.memory_space<vmem>>
        %dma_start3A_57 = arith.constant 0 : i32
        %dma_start3A_58 = tpu.memref_slice %arg11[%add3A_47, %dma_start3A_57] : memref<10000x128xf32, #tpu.memory_space<vmem_shared>> -> memref<128x128xf32, #tpu.memory_space<vmem_shared>>
        %dma_start3A_59 = arith.constant 0 : i32
        %dma_start3A_60 = tpu.memref_slice %arg11[%add3A_47, %dma_start3A_59] : memref<10000x128xf32, #tpu.memory_space<vmem_shared>> -> memref<128x128xf32, #tpu.memory_space<vmem_shared>>
        %dma_start3A_61 = arith.constant 0 : i32
        %dma_start3A_62 = arith.constant 0 : i32
        %dma_start3A_63 = tpu.memref_slice %arg10[%dma_start3A_61, %dma_start3A_62] : memref<128x128xf32, #tpu.memory_space<vmem>> -> memref<128x128xf32, #tpu.memory_space<vmem>>
        tpu.enqueue_dma source(%dma_start3A_63 : memref<128x128xf32, #tpu.memory_space<vmem>>) target(%dma_start3A_60 : memref<128x128xf32, #tpu.memory_space<vmem_shared>>) target_semaphore(%run_scoped3A : memref<!tpu.dma_semaphore, #tpu.memory_space<semaphore_mem>>)
        %dma_wait3A_64 = arith.constant 0 : i32
        %dma_wait3A_65 = arith.constant 0 : i32
        %dma_wait3A_66 = tpu.memref_slice %arg10[%dma_wait3A_64, %dma_wait3A_65] : memref<128x128xf32, #tpu.memory_space<vmem>> -> memref<128x128xf32, #tpu.memory_space<vmem>>
        %dma_wait3A_67 = arith.constant 0 : i32
        %dma_wait3A_68 = tpu.memref_slice %arg11[%add3A_47, %dma_wait3A_67] : memref<10000x128xf32, #tpu.memory_space<vmem_shared>> -> memref<128x128xf32, #tpu.memory_space<vmem_shared>>
        %dma_wait3A_69 = arith.constant 0 : i32
        %dma_wait3A_70 = tpu.memref_slice %arg11[%add3A_47, %dma_wait3A_69] : memref<10000x128xf32, #tpu.memory_space<vmem_shared>> -> memref<128x128xf32, #tpu.memory_space<vmem_shared>>
        %dma_wait3A_71 = arith.constant 0 : i32
        %dma_wait3A_72 = arith.constant 0 : i32
        %dma_wait3A_73 = tpu.memref_slice %arg10[%dma_wait3A_71, %dma_wait3A_72] : memref<128x128xf32, #tpu.memory_space<vmem>> -> memref<128x128xf32, #tpu.memory_space<vmem>>
        tpu.wait_dma2 semaphore(%run_scoped3A : memref<!tpu.dma_semaphore, #tpu.memory_space<semaphore_mem>>) src(%dma_wait3A_73 : memref<128x128xf32, #tpu.memory_space<vmem>>) dst(%dma_wait3A_70 : memref<128x128xf32, #tpu.memory_space<vmem_shared>>)
        tpu.yield
      }) : () -> ()
      %add3A_48 = arith.constant 128 : i32
      %add3A_49 = arith.addi %mul3A_7, %add3A_48 : i32
      "tpu.region"() ({
        %run_scoped3A = tpu.sem_alloc : memref<!tpu.dma_semaphore, #tpu.memory_space<semaphore_mem>>
        %dma_start3A_54 = arith.constant 0 : i32
        %dma_start3A_55 = arith.constant 0 : i32
        %dma_start3A_56 = tpu.memref_slice %arg10[%dma_start3A_54, %dma_start3A_55] : memref<128x128xf32, #tpu.memory_space<vmem>> -> memref<128x128xf32, #tpu.memory_space<vmem>>
        %dma_start3A_57 = arith.constant 0 : i32
        %dma_start3A_58 = tpu.memref_slice %arg11[%add3A_49, %dma_start3A_57] : memref<10000x128xf32, #tpu.memory_space<vmem_shared>> -> memref<128x128xf32, #tpu.memory_space<vmem_shared>>
        %dma_start3A_59 = arith.constant 0 : i32
        %dma_start3A_60 = tpu.memref_slice %arg11[%add3A_49, %dma_start3A_59] : memref<10000x128xf32, #tpu.memory_space<vmem_shared>> -> memref<128x128xf32, #tpu.memory_space<vmem_shared>>
        %dma_start3A_61 = arith.constant 0 : i32
        %dma_start3A_62 = arith.constant 0 : i32
        %dma_start3A_63 = tpu.memref_slice %arg10[%dma_start3A_61, %dma_start3A_62] : memref<128x128xf32, #tpu.memory_space<vmem>> -> memref<128x128xf32, #tpu.memory_space<vmem>>
        tpu.enqueue_dma source(%dma_start3A_63 : memref<128x128xf32, #tpu.memory_space<vmem>>) target(%dma_start3A_60 : memref<128x128xf32, #tpu.memory_space<vmem_shared>>) target_semaphore(%run_scoped3A : memref<!tpu.dma_semaphore, #tpu.memory_space<semaphore_mem>>)
        %dma_wait3A_64 = arith.constant 0 : i32
        %dma_wait3A_65 = arith.constant 0 : i32
        %dma_wait3A_66 = tpu.memref_slice %arg10[%dma_wait3A_64, %dma_wait3A_65] : memref<128x128xf32, #tpu.memory_space<vmem>> -> memref<128x128xf32, #tpu.memory_space<vmem>>
        %dma_wait3A_67 = arith.constant 0 : i32
        %dma_wait3A_68 = tpu.memref_slice %arg11[%add3A_49, %dma_wait3A_67] : memref<10000x128xf32, #tpu.memory_space<vmem_shared>> -> memref<128x128xf32, #tpu.memory_space<vmem_shared>>
        %dma_wait3A_69 = arith.constant 0 : i32
        %dma_wait3A_70 = tpu.memref_slice %arg11[%add3A_49, %dma_wait3A_69] : memref<10000x128xf32, #tpu.memory_space<vmem_shared>> -> memref<128x128xf32, #tpu.memory_space<vmem_shared>>
        %dma_wait3A_71 = arith.constant 0 : i32
        %dma_wait3A_72 = arith.constant 0 : i32
        %dma_wait3A_73 = tpu.memref_slice %arg10[%dma_wait3A_71, %dma_wait3A_72] : memref<128x128xf32, #tpu.memory_space<vmem>> -> memref<128x128xf32, #tpu.memory_space<vmem>>
        tpu.wait_dma2 semaphore(%run_scoped3A : memref<!tpu.dma_semaphore, #tpu.memory_space<semaphore_mem>>) src(%dma_wait3A_73 : memref<128x128xf32, #tpu.memory_space<vmem>>) dst(%dma_wait3A_70 : memref<128x128xf32, #tpu.memory_space<vmem_shared>>)
        tpu.yield
      }) : () -> ()
      %add3A_50 = arith.constant 256 : i32
      %add3A_51 = arith.addi %mul3A_7, %add3A_50 : i32
      "tpu.region"() ({
        %run_scoped3A = tpu.sem_alloc : memref<!tpu.dma_semaphore, #tpu.memory_space<semaphore_mem>>
        %dma_start3A_54 = arith.constant 0 : i32
        %dma_start3A_55 = arith.constant 0 : i32
        %dma_start3A_56 = tpu.memref_slice %arg10[%dma_start3A_54, %dma_start3A_55] : memref<128x128xf32, #tpu.memory_space<vmem>> -> memref<128x128xf32, #tpu.memory_space<vmem>>
        %dma_start3A_57 = arith.constant 0 : i32
        %dma_start3A_58 = tpu.memref_slice %arg11[%add3A_51, %dma_start3A_57] : memref<10000x128xf32, #tpu.memory_space<vmem_shared>> -> memref<128x128xf32, #tpu.memory_space<vmem_shared>>
        %dma_start3A_59 = arith.constant 0 : i32
        %dma_start3A_60 = tpu.memref_slice %arg11[%add3A_51, %dma_start3A_59] : memref<10000x128xf32, #tpu.memory_space<vmem_shared>> -> memref<128x128xf32, #tpu.memory_space<vmem_shared>>
        %dma_start3A_61 = arith.constant 0 : i32
        %dma_start3A_62 = arith.constant 0 : i32
        %dma_start3A_63 = tpu.memref_slice %arg10[%dma_start3A_61, %dma_start3A_62] : memref<128x128xf32, #tpu.memory_space<vmem>> -> memref<128x128xf32, #tpu.memory_space<vmem>>
        tpu.enqueue_dma source(%dma_start3A_63 : memref<128x128xf32, #tpu.memory_space<vmem>>) target(%dma_start3A_60 : memref<128x128xf32, #tpu.memory_space<vmem_shared>>) target_semaphore(%run_scoped3A : memref<!tpu.dma_semaphore, #tpu.memory_space<semaphore_mem>>)
        %dma_wait3A_64 = arith.constant 0 : i32
        %dma_wait3A_65 = arith.constant 0 : i32
        %dma_wait3A_66 = tpu.memref_slice %arg10[%dma_wait3A_64, %dma_wait3A_65] : memref<128x128xf32, #tpu.memory_space<vmem>> -> memref<128x128xf32, #tpu.memory_space<vmem>>
        %dma_wait3A_67 = arith.constant 0 : i32
        %dma_wait3A_68 = tpu.memref_slice %arg11[%add3A_51, %dma_wait3A_67] : memref<10000x128xf32, #tpu.memory_space<vmem_shared>> -> memref<128x128xf32, #tpu.memory_space<vmem_shared>>
        %dma_wait3A_69 = arith.constant 0 : i32
        %dma_wait3A_70 = tpu.memref_slice %arg11[%add3A_51, %dma_wait3A_69] : memref<10000x128xf32, #tpu.memory_space<vmem_shared>> -> memref<128x128xf32, #tpu.memory_space<vmem_shared>>
        %dma_wait3A_71 = arith.constant 0 : i32
        %dma_wait3A_72 = arith.constant 0 : i32
        %dma_wait3A_73 = tpu.memref_slice %arg10[%dma_wait3A_71, %dma_wait3A_72] : memref<128x128xf32, #tpu.memory_space<vmem>> -> memref<128x128xf32, #tpu.memory_space<vmem>>
        tpu.wait_dma2 semaphore(%run_scoped3A : memref<!tpu.dma_semaphore, #tpu.memory_space<semaphore_mem>>) src(%dma_wait3A_73 : memref<128x128xf32, #tpu.memory_space<vmem>>) dst(%dma_wait3A_70 : memref<128x128xf32, #tpu.memory_space<vmem_shared>>)
        tpu.yield
      }) : () -> ()
      %add3A_52 = arith.constant 384 : i32
      %add3A_53 = arith.addi %mul3A_7, %add3A_52 : i32
      "tpu.region"() ({
        %run_scoped3A = tpu.sem_alloc : memref<!tpu.dma_semaphore, #tpu.memory_space<semaphore_mem>>
        %dma_start3A_54 = arith.constant 0 : i32
        %dma_start3A_55 = arith.constant 0 : i32
        %dma_start3A_56 = tpu.memref_slice %arg10[%dma_start3A_54, %dma_start3A_55] : memref<128x128xf32, #tpu.memory_space<vmem>> -> memref<240x128xf32, #tpu.memory_space<vmem>>
        %dma_start3A_57 = arith.constant 0 : i32
        %dma_start3A_58 = tpu.memref_slice %arg11[%add3A_53, %dma_start3A_57] : memref<10000x128xf32, #tpu.memory_space<vmem_shared>> -> memref<240x128xf32, #tpu.memory_space<vmem_shared>>
        %dma_start3A_59 = arith.constant 0 : i32
        %dma_start3A_60 = tpu.memref_slice %arg11[%add3A_53, %dma_start3A_59] : memref<10000x128xf32, #tpu.memory_space<vmem_shared>> -> memref<240x128xf32, #tpu.memory_space<vmem_shared>>
        %dma_start3A_61 = arith.constant 0 : i32
        %dma_start3A_62 = arith.constant 0 : i32
        %dma_start3A_63 = tpu.memref_slice %arg10[%dma_start3A_61, %dma_start3A_62] : memref<128x128xf32, #tpu.memory_space<vmem>> -> memref<240x128xf32, #tpu.memory_space<vmem>>
        tpu.enqueue_dma source(%dma_start3A_63 : memref<240x128xf32, #tpu.memory_space<vmem>>) target(%dma_start3A_60 : memref<240x128xf32, #tpu.memory_space<vmem_shared>>) target_semaphore(%run_scoped3A : memref<!tpu.dma_semaphore, #tpu.memory_space<semaphore_mem>>)
        %dma_wait3A_64 = arith.constant 0 : i32
        %dma_wait3A_65 = arith.constant 0 : i32
        %dma_wait3A_66 = tpu.memref_slice %arg10[%dma_wait3A_64, %dma_wait3A_65] : memref<128x128xf32, #tpu.memory_space<vmem>> -> memref<240x128xf32, #tpu.memory_space<vmem>>
        %dma_wait3A_67 = arith.constant 0 : i32
        %dma_wait3A_68 = tpu.memref_slice %arg11[%add3A_53, %dma_wait3A_67] : memref<10000x128xf32, #tpu.memory_space<vmem_shared>> -> memref<240x128xf32, #tpu.memory_space<vmem_shared>>
        %dma_wait3A_69 = arith.constant 0 : i32
        %dma_wait3A_70 = tpu.memref_slice %arg11[%add3A_53, %dma_wait3A_69] : memref<10000x128xf32, #tpu.memory_space<vmem_shared>> -> memref<240x128xf32, #tpu.memory_space<vmem_shared>>
        %dma_wait3A_71 = arith.constant 0 : i32
        %dma_wait3A_72 = arith.constant 0 : i32
        %dma_wait3A_73 = tpu.memref_slice %arg10[%dma_wait3A_71, %dma_wait3A_72] : memref<128x128xf32, #tpu.memory_space<vmem>> -> memref<240x128xf32, #tpu.memory_space<vmem>>
        tpu.wait_dma2 semaphore(%run_scoped3A : memref<!tpu.dma_semaphore, #tpu.memory_space<semaphore_mem>>) src(%dma_wait3A_73 : memref<240x128xf32, #tpu.memory_space<vmem>>) dst(%dma_wait3A_70 : memref<240x128xf32, #tpu.memory_space<vmem_shared>>)
        tpu.yield
      }) : () -> ()
    } else {
    }
    %eq3A = arith.constant 15 : i32
    %eq3A_10 = arith.cmpi eq, %arg1, %eq3A : i32
    %convert_element_type3A_11 = arith.extui %eq3A_10 : i1 to i32
    %cond3A_12 = arith.constant 0 : i32
    %cond3A_13 = arith.cmpi ne, %convert_element_type3A_11, %cond3A_12 : i32
    scf.if %cond3A_13 {
      %add3A_46 = arith.constant 0 : i32
      %add3A_47 = arith.addi %mul3A_7, %add3A_46 : i32
      "tpu.region"() ({
        %run_scoped3A = tpu.sem_alloc : memref<!tpu.dma_semaphore, #tpu.memory_space<semaphore_mem>>
        %dma_start3A_56 = arith.constant 0 : i32
        %dma_start3A_57 = arith.constant 0 : i32
        %dma_start3A_58 = tpu.memref_slice %arg10[%dma_start3A_56, %dma_start3A_57] : memref<128x128xf32, #tpu.memory_space<vmem>> -> memref<128x128xf32, #tpu.memory_space<vmem>>
        %dma_start3A_59 = arith.constant 0 : i32
        %dma_start3A_60 = tpu.memref_slice %arg11[%add3A_47, %dma_start3A_59] : memref<10000x128xf32, #tpu.memory_space<vmem_shared>> -> memref<128x128xf32, #tpu.memory_space<vmem_shared>>
        %dma_start3A_61 = arith.constant 0 : i32
        %dma_start3A_62 = tpu.memref_slice %arg11[%add3A_47, %dma_start3A_61] : memref<10000x128xf32, #tpu.memory_space<vmem_shared>> -> memref<128x128xf32, #tpu.memory_space<vmem_shared>>
        %dma_start3A_63 = arith.constant 0 : i32
        %dma_start3A_64 = arith.constant 0 : i32
        %dma_start3A_65 = tpu.memref_slice %arg10[%dma_start3A_63, %dma_start3A_64] : memref<128x128xf32, #tpu.memory_space<vmem>> -> memref<128x128xf32, #tpu.memory_space<vmem>>
        tpu.enqueue_dma source(%dma_start3A_65 : memref<128x128xf32, #tpu.memory_space<vmem>>) target(%dma_start3A_62 : memref<128x128xf32, #tpu.memory_space<vmem_shared>>) target_semaphore(%run_scoped3A : memref<!tpu.dma_semaphore, #tpu.memory_space<semaphore_mem>>)
        %dma_wait3A_66 = arith.constant 0 : i32
        %dma_wait3A_67 = arith.constant 0 : i32
        %dma_wait3A_68 = tpu.memref_slice %arg10[%dma_wait3A_66, %dma_wait3A_67] : memref<128x128xf32, #tpu.memory_space<vmem>> -> memref<128x128xf32, #tpu.memory_space<vmem>>
        %dma_wait3A_69 = arith.constant 0 : i32
        %dma_wait3A_70 = tpu.memref_slice %arg11[%add3A_47, %dma_wait3A_69] : memref<10000x128xf32, #tpu.memory_space<vmem_shared>> -> memref<128x128xf32, #tpu.memory_space<vmem_shared>>
        %dma_wait3A_71 = arith.constant 0 : i32
        %dma_wait3A_72 = tpu.memref_slice %arg11[%add3A_47, %dma_wait3A_71] : memref<10000x128xf32, #tpu.memory_space<vmem_shared>> -> memref<128x128xf32, #tpu.memory_space<vmem_shared>>
        %dma_wait3A_73 = arith.constant 0 : i32
        %dma_wait3A_74 = arith.constant 0 : i32
        %dma_wait3A_75 = tpu.memref_slice %arg10[%dma_wait3A_73, %dma_wait3A_74] : memref<128x128xf32, #tpu.memory_space<vmem>> -> memref<128x128xf32, #tpu.memory_space<vmem>>
        tpu.wait_dma2 semaphore(%run_scoped3A : memref<!tpu.dma_semaphore, #tpu.memory_space<semaphore_mem>>) src(%dma_wait3A_75 : memref<128x128xf32, #tpu.memory_space<vmem>>) dst(%dma_wait3A_72 : memref<128x128xf32, #tpu.memory_space<vmem_shared>>)
        tpu.yield
      }) : () -> ()
      %add3A_48 = arith.constant 128 : i32
      %add3A_49 = arith.addi %mul3A_7, %add3A_48 : i32
      "tpu.region"() ({
        %run_scoped3A = tpu.sem_alloc : memref<!tpu.dma_semaphore, #tpu.memory_space<semaphore_mem>>
        %dma_start3A_56 = arith.constant 0 : i32
        %dma_start3A_57 = arith.constant 0 : i32
        %dma_start3A_58 = tpu.memref_slice %arg10[%dma_start3A_56, %dma_start3A_57] : memref<128x128xf32, #tpu.memory_space<vmem>> -> memref<128x128xf32, #tpu.memory_space<vmem>>
        %dma_start3A_59 = arith.constant 0 : i32
        %dma_start3A_60 = tpu.memref_slice %arg11[%add3A_49, %dma_start3A_59] : memref<10000x128xf32, #tpu.memory_space<vmem_shared>> -> memref<128x128xf32, #tpu.memory_space<vmem_shared>>
        %dma_start3A_61 = arith.constant 0 : i32
        %dma_start3A_62 = tpu.memref_slice %arg11[%add3A_49, %dma_start3A_61] : memref<10000x128xf32, #tpu.memory_space<vmem_shared>> -> memref<128x128xf32, #tpu.memory_space<vmem_shared>>
        %dma_start3A_63 = arith.constant 0 : i32
        %dma_start3A_64 = arith.constant 0 : i32
        %dma_start3A_65 = tpu.memref_slice %arg10[%dma_start3A_63, %dma_start3A_64] : memref<128x128xf32, #tpu.memory_space<vmem>> -> memref<128x128xf32, #tpu.memory_space<vmem>>
        tpu.enqueue_dma source(%dma_start3A_65 : memref<128x128xf32, #tpu.memory_space<vmem>>) target(%dma_start3A_62 : memref<128x128xf32, #tpu.memory_space<vmem_shared>>) target_semaphore(%run_scoped3A : memref<!tpu.dma_semaphore, #tpu.memory_space<semaphore_mem>>)
        %dma_wait3A_66 = arith.constant 0 : i32
        %dma_wait3A_67 = arith.constant 0 : i32
        %dma_wait3A_68 = tpu.memref_slice %arg10[%dma_wait3A_66, %dma_wait3A_67] : memref<128x128xf32, #tpu.memory_space<vmem>> -> memref<128x128xf32, #tpu.memory_space<vmem>>
        %dma_wait3A_69 = arith.constant 0 : i32
        %dma_wait3A_70 = tpu.memref_slice %arg11[%add3A_49, %dma_wait3A_69] : memref<10000x128xf32, #tpu.memory_space<vmem_shared>> -> memref<128x128xf32, #tpu.memory_space<vmem_shared>>
        %dma_wait3A_71 = arith.constant 0 : i32
        %dma_wait3A_72 = tpu.memref_slice %arg11[%add3A_49, %dma_wait3A_71] : memref<10000x128xf32, #tpu.memory_space<vmem_shared>> -> memref<128x128xf32, #tpu.memory_space<vmem_shared>>
        %dma_wait3A_73 = arith.constant 0 : i32
        %dma_wait3A_74 = arith.constant 0 : i32
        %dma_wait3A_75 = tpu.memref_slice %arg10[%dma_wait3A_73, %dma_wait3A_74] : memref<128x128xf32, #tpu.memory_space<vmem>> -> memref<128x128xf32, #tpu.memory_space<vmem>>
        tpu.wait_dma2 semaphore(%run_scoped3A : memref<!tpu.dma_semaphore, #tpu.memory_space<semaphore_mem>>) src(%dma_wait3A_75 : memref<128x128xf32, #tpu.memory_space<vmem>>) dst(%dma_wait3A_72 : memref<128x128xf32, #tpu.memory_space<vmem_shared>>)
        tpu.yield
      }) : () -> ()
      %add3A_50 = arith.constant 256 : i32
      %add3A_51 = arith.addi %mul3A_7, %add3A_50 : i32
      "tpu.region"() ({
        %run_scoped3A = tpu.sem_alloc : memref<!tpu.dma_semaphore, #tpu.memory_space<semaphore_mem>>
        %dma_start3A_56 = arith.constant 0 : i32
        %dma_start3A_57 = arith.constant 0 : i32
        %dma_start3A_58 = tpu.memref_slice %arg10[%dma_start3A_56, %dma_start3A_57] : memref<128x128xf32, #tpu.memory_space<vmem>> -> memref<128x128xf32, #tpu.memory_space<vmem>>
        %dma_start3A_59 = arith.constant 0 : i32
        %dma_start3A_60 = tpu.memref_slice %arg11[%add3A_51, %dma_start3A_59] : memref<10000x128xf32, #tpu.memory_space<vmem_shared>> -> memref<128x128xf32, #tpu.memory_space<vmem_shared>>
        %dma_start3A_61 = arith.constant 0 : i32
        %dma_start3A_62 = tpu.memref_slice %arg11[%add3A_51, %dma_start3A_61] : memref<10000x128xf32, #tpu.memory_space<vmem_shared>> -> memref<128x128xf32, #tpu.memory_space<vmem_shared>>
        %dma_start3A_63 = arith.constant 0 : i32
        %dma_start3A_64 = arith.constant 0 : i32
        %dma_start3A_65 = tpu.memref_slice %arg10[%dma_start3A_63, %dma_start3A_64] : memref<128x128xf32, #tpu.memory_space<vmem>> -> memref<128x128xf32, #tpu.memory_space<vmem>>
        tpu.enqueue_dma source(%dma_start3A_65 : memref<128x128xf32, #tpu.memory_space<vmem>>) target(%dma_start3A_62 : memref<128x128xf32, #tpu.memory_space<vmem_shared>>) target_semaphore(%run_scoped3A : memref<!tpu.dma_semaphore, #tpu.memory_space<semaphore_mem>>)
        %dma_wait3A_66 = arith.constant 0 : i32
        %dma_wait3A_67 = arith.constant 0 : i32
        %dma_wait3A_68 = tpu.memref_slice %arg10[%dma_wait3A_66, %dma_wait3A_67] : memref<128x128xf32, #tpu.memory_space<vmem>> -> memref<128x128xf32, #tpu.memory_space<vmem>>
        %dma_wait3A_69 = arith.constant 0 : i32
        %dma_wait3A_70 = tpu.memref_slice %arg11[%add3A_51, %dma_wait3A_69] : memref<10000x128xf32, #tpu.memory_space<vmem_shared>> -> memref<128x128xf32, #tpu.memory_space<vmem_shared>>
        %dma_wait3A_71 = arith.constant 0 : i32
        %dma_wait3A_72 = tpu.memref_slice %arg11[%add3A_51, %dma_wait3A_71] : memref<10000x128xf32, #tpu.memory_space<vmem_shared>> -> memref<128x128xf32, #tpu.memory_space<vmem_shared>>
        %dma_wait3A_73 = arith.constant 0 : i32
        %dma_wait3A_74 = arith.constant 0 : i32
        %dma_wait3A_75 = tpu.memref_slice %arg10[%dma_wait3A_73, %dma_wait3A_74] : memref<128x128xf32, #tpu.memory_space<vmem>> -> memref<128x128xf32, #tpu.memory_space<vmem>>
        tpu.wait_dma2 semaphore(%run_scoped3A : memref<!tpu.dma_semaphore, #tpu.memory_space<semaphore_mem>>) src(%dma_wait3A_75 : memref<128x128xf32, #tpu.memory_space<vmem>>) dst(%dma_wait3A_72 : memref<128x128xf32, #tpu.memory_space<vmem_shared>>)
        tpu.yield
      }) : () -> ()
      %add3A_52 = arith.constant 384 : i32
      %add3A_53 = arith.addi %mul3A_7, %add3A_52 : i32
      "tpu.region"() ({
        %run_scoped3A = tpu.sem_alloc : memref<!tpu.dma_semaphore, #tpu.memory_space<semaphore_mem>>
        %dma_start3A_56 = arith.constant 0 : i32
        %dma_start3A_57 = arith.constant 0 : i32
        %dma_start3A_58 = tpu.memref_slice %arg10[%dma_start3A_56, %dma_start3A_57] : memref<128x128xf32, #tpu.memory_space<vmem>> -> memref<128x128xf32, #tpu.memory_space<vmem>>
        %dma_start3A_59 = arith.constant 0 : i32
        %dma_start3A_60 = tpu.memref_slice %arg11[%add3A_53, %dma_start3A_59] : memref<10000x128xf32, #tpu.memory_space<vmem_shared>> -> memref<128x128xf32, #tpu.memory_space<vmem_shared>>
        %dma_start3A_61 = arith.constant 0 : i32
        %dma_start3A_62 = tpu.memref_slice %arg11[%add3A_53, %dma_start3A_61] : memref<10000x128xf32, #tpu.memory_space<vmem_shared>> -> memref<128x128xf32, #tpu.memory_space<vmem_shared>>
        %dma_start3A_63 = arith.constant 0 : i32
        %dma_start3A_64 = arith.constant 0 : i32
        %dma_start3A_65 = tpu.memref_slice %arg10[%dma_start3A_63, %dma_start3A_64] : memref<128x128xf32, #tpu.memory_space<vmem>> -> memref<128x128xf32, #tpu.memory_space<vmem>>
        tpu.enqueue_dma source(%dma_start3A_65 : memref<128x128xf32, #tpu.memory_space<vmem>>) target(%dma_start3A_62 : memref<128x128xf32, #tpu.memory_space<vmem_shared>>) target_semaphore(%run_scoped3A : memref<!tpu.dma_semaphore, #tpu.memory_space<semaphore_mem>>)
        %dma_wait3A_66 = arith.constant 0 : i32
        %dma_wait3A_67 = arith.constant 0 : i32
        %dma_wait3A_68 = tpu.memref_slice %arg10[%dma_wait3A_66, %dma_wait3A_67] : memref<128x128xf32, #tpu.memory_space<vmem>> -> memref<128x128xf32, #tpu.memory_space<vmem>>
        %dma_wait3A_69 = arith.constant 0 : i32
        %dma_wait3A_70 = tpu.memref_slice %arg11[%add3A_53, %dma_wait3A_69] : memref<10000x128xf32, #tpu.memory_space<vmem_shared>> -> memref<128x128xf32, #tpu.memory_space<vmem_shared>>
        %dma_wait3A_71 = arith.constant 0 : i32
        %dma_wait3A_72 = tpu.memref_slice %arg11[%add3A_53, %dma_wait3A_71] : memref<10000x128xf32, #tpu.memory_space<vmem_shared>> -> memref<128x128xf32, #tpu.memory_space<vmem_shared>>
        %dma_wait3A_73 = arith.constant 0 : i32
        %dma_wait3A_74 = arith.constant 0 : i32
        %dma_wait3A_75 = tpu.memref_slice %arg10[%dma_wait3A_73, %dma_wait3A_74] : memref<128x128xf32, #tpu.memory_space<vmem>> -> memref<128x128xf32, #tpu.memory_space<vmem>>
        tpu.wait_dma2 semaphore(%run_scoped3A : memref<!tpu.dma_semaphore, #tpu.memory_space<semaphore_mem>>) src(%dma_wait3A_75 : memref<128x128xf32, #tpu.memory_space<vmem>>) dst(%dma_wait3A_72 : memref<128x128xf32, #tpu.memory_space<vmem_shared>>)
        tpu.yield
      }) : () -> ()
      %add3A_54 = arith.constant 512 : i32
      %add3A_55 = arith.addi %mul3A_7, %add3A_54 : i32
      "tpu.region"() ({
        %run_scoped3A = tpu.sem_alloc : memref<!tpu.dma_semaphore, #tpu.memory_space<semaphore_mem>>
        %dma_start3A_56 = arith.constant 0 : i32
        %dma_start3A_57 = arith.constant 0 : i32
        %dma_start3A_58 = tpu.memref_slice %arg10[%dma_start3A_56, %dma_start3A_57] : memref<128x128xf32, #tpu.memory_space<vmem>> -> memref<128x128xf32, #tpu.memory_space<vmem>>
        %dma_start3A_59 = arith.constant 0 : i32
        %dma_start3A_60 = tpu.memref_slice %arg11[%add3A_55, %dma_start3A_59] : memref<10000x128xf32, #tpu.memory_space<vmem_shared>> -> memref<128x128xf32, #tpu.memory_space<vmem_shared>>
        %dma_start3A_61 = arith.constant 0 : i32
        %dma_start3A_62 = tpu.memref_slice %arg11[%add3A_55, %dma_start3A_61] : memref<10000x128xf32, #tpu.memory_space<vmem_shared>> -> memref<128x128xf32, #tpu.memory_space<vmem_shared>>
        %dma_start3A_63 = arith.constant 0 : i32
        %dma_start3A_64 = arith.constant 0 : i32
        %dma_start3A_65 = tpu.memref_slice %arg10[%dma_start3A_63, %dma_start3A_64] : memref<128x128xf32, #tpu.memory_space<vmem>> -> memref<128x128xf32, #tpu.memory_space<vmem>>
        tpu.enqueue_dma source(%dma_start3A_65 : memref<128x128xf32, #tpu.memory_space<vmem>>) target(%dma_start3A_62 : memref<128x128xf32, #tpu.memory_space<vmem_shared>>) target_semaphore(%run_scoped3A : memref<!tpu.dma_semaphore, #tpu.memory_space<semaphore_mem>>)
        %dma_wait3A_66 = arith.constant 0 : i32
        %dma_wait3A_67 = arith.constant 0 : i32
        %dma_wait3A_68 = tpu.memref_slice %arg10[%dma_wait3A_66, %dma_wait3A_67] : memref<128x128xf32, #tpu.memory_space<vmem>> -> memref<128x128xf32, #tpu.memory_space<vmem>>
        %dma_wait3A_69 = arith.constant 0 : i32
        %dma_wait3A_70 = tpu.memref_slice %arg11[%add3A_55, %dma_wait3A_69] : memref<10000x128xf32, #tpu.memory_space<vmem_shared>> -> memref<128x128xf32, #tpu.memory_space<vmem_shared>>
        %dma_wait3A_71 = arith.constant 0 : i32
        %dma_wait3A_72 = tpu.memref_slice %arg11[%add3A_55, %dma_wait3A_71] : memref<10000x128xf32, #tpu.memory_space<vmem_shared>> -> memref<128x128xf32, #tpu.memory_space<vmem_shared>>
        %dma_wait3A_73 = arith.constant 0 : i32
        %dma_wait3A_74 = arith.constant 0 : i32
        %dma_wait3A_75 = tpu.memref_slice %arg10[%dma_wait3A_73, %dma_wait3A_74] : memref<128x128xf32, #tpu.memory_space<vmem>> -> memref<128x128xf32, #tpu.memory_space<vmem>>
        tpu.wait_dma2 semaphore(%run_scoped3A : memref<!tpu.dma_semaphore, #tpu.memory_space<semaphore_mem>>) src(%dma_wait3A_75 : memref<128x128xf32, #tpu.memory_space<vmem>>) dst(%dma_wait3A_72 : memref<128x128xf32, #tpu.memory_space<vmem_shared>>)
        tpu.yield
      }) : () -> ()
    } else {
    }
    %barrier3A = arith.constant 0 : index
    tpu.barrier barrier_id(%barrier3A)
    %mul3A_14 = arith.constant 80 : i32
    %mul3A_15 = arith.muli %add3A, %mul3A_14 : i32
    %add3A_16 = arith.constant 0 : i32
    %add3A_17 = arith.addi %mul3A_15, %add3A_16 : i32
    %mul3A_18 = arith.constant 128 : i32
    %mul3A_19 = arith.muli %add3A_17, %mul3A_18 : i32
    %dma_start3A = arith.constant 0 : i32
    %dma_start3A_20 = tpu.memref_slice %arg3[%mul3A_19, %dma_start3A] : memref<327680x128xf32, #tpu.memory_space<hbm>> -> memref<128x128xf32, #tpu.memory_space<hbm>>
    %dma_start3A_21 = arith.constant 0 : i32
    %dma_start3A_22 = tpu.memref_slice %arg3[%mul3A_19, %dma_start3A_21] : memref<327680x128xf32, #tpu.memory_space<hbm>> -> memref<128x128xf32, #tpu.memory_space<hbm>>
    tpu.enqueue_dma source(%dma_start3A_22 : memref<128x128xf32, #tpu.memory_space<hbm>>) target(%arg9 : memref<128x128xf32, #tpu.memory_space<vmem>>) target_semaphore(%arg12 : memref<!tpu.dma_semaphore, #tpu.memory_space<semaphore_mem>>)
    %scan3A_23 = arith.constant 0 : i32
    %scan3A_24 = arith.constant 0 : i32
    %scan3A_25 = arith.constant 10 : i32
    %scan3A_26 = arith.addi %scan3A_24, %scan3A_25 : i32
    %scan3A_27 = arith.constant 1 : i32
    scf.for %scan3A_46 = %scan3A_24 to %scan3A_26 step %scan3A_27  : i32 {
      %gt3A = arith.constant 0 : i32
      %gt3A_47 = arith.cmpi sgt, %scan3A_46, %gt3A : i32
      %convert_element_type3A_48 = arith.extui %gt3A_47 : i1 to i32
      %cond3A_49 = arith.constant 0 : i32
      %cond3A_50 = arith.cmpi ne, %convert_element_type3A_48, %cond3A_49 : i32
      scf.if %cond3A_50 {
        %dma_wait3A_530 = arith.constant 7 : i32
        %dma_wait3A_531 = arith.constant 0 : i32
        %dma_wait3A_532 = tpu.memref_slice %arg8[%dma_wait3A_530, %dma_wait3A_531] : memref<8x128xi32, #tpu.memory_space<vmem>> -> memref<1x128xi32, #tpu.memory_space<vmem>>
        %dma_wait3A_533 = tpu.memref_squeeze %dma_wait3A_532 : memref<1x128xi32, #tpu.memory_space<vmem>> -> memref<128xi32, #tpu.memory_space<vmem>>
        %dma_wait3A_534 = arith.constant 0 : i32
        %dma_wait3A_535 = arith.constant 0 : i32
        %dma_wait3A_536 = tpu.memref_slice %arg11[%dma_wait3A_534, %dma_wait3A_535] : memref<10000x128xf32, #tpu.memory_space<vmem_shared>> -> memref<10000x128xf32, #tpu.memory_space<vmem_shared>>
        tpu.wait_indirect_dma semaphore(%arg14 : memref<!tpu.dma_semaphore, #tpu.memory_space<semaphore_mem>>) src(%arg9 : memref<128x128xf32, #tpu.memory_space<vmem>>) dst(%dma_wait3A_536 : memref<10000x128xf32, #tpu.memory_space<vmem_shared>>)
        %mul3A_537 = arith.constant 8 : i32
        %mul3A_538 = arith.muli %scan3A_46, %mul3A_537 : i32
        %mul3A_539 = arith.constant 80 : i32
        %mul3A_540 = arith.muli %add3A, %mul3A_539 : i32
        %add3A_541 = arith.addi %mul3A_540, %mul3A_538 : i32
        %mul3A_542 = arith.constant 128 : i32
        %mul3A_543 = arith.muli %add3A_541, %mul3A_542 : i32
        %dma_start3A_544 = arith.constant 0 : i32
        %dma_start3A_545 = tpu.memref_slice %arg3[%mul3A_543, %dma_start3A_544] : memref<327680x128xf32, #tpu.memory_space<hbm>> -> memref<128x128xf32, #tpu.memory_space<hbm>>
        %dma_start3A_546 = arith.constant 0 : i32
        %dma_start3A_547 = tpu.memref_slice %arg3[%mul3A_543, %dma_start3A_546] : memref<327680x128xf32, #tpu.memory_space<hbm>> -> memref<128x128xf32, #tpu.memory_space<hbm>>
        tpu.enqueue_dma source(%dma_start3A_547 : memref<128x128xf32, #tpu.memory_space<hbm>>) target(%arg9 : memref<128x128xf32, #tpu.memory_space<vmem>>) target_semaphore(%arg12 : memref<!tpu.dma_semaphore, #tpu.memory_space<semaphore_mem>>)
      } else {
      }
      %mul3A_51 = arith.constant 80 : i32
      %mul3A_52 = arith.muli %add3A, %mul3A_51 : i32
      %mul3A_53 = arith.constant 8 : i32
      %mul3A_54 = arith.muli %scan3A_46, %mul3A_53 : i32
      %add3A_55 = arith.addi %mul3A_52, %mul3A_54 : i32
      "tpu.region"() ({
        %run_scoped3A = tpu.sem_alloc : memref<!tpu.dma_semaphore, #tpu.memory_space<semaphore_mem>>
        %dma_start3A_530 = arith.constant 0 : i32
        %dma_start3A_531 = tpu.memref_slice %arg4[%add3A_55, %dma_start3A_530] : memref<2560x128xi32, #tpu.memory_space<hbm>> -> memref<8x128xi32, #tpu.memory_space<hbm>>
        %dma_start3A_532 = arith.constant 0 : i32
        %dma_start3A_533 = tpu.memref_slice %arg4[%add3A_55, %dma_start3A_532] : memref<2560x128xi32, #tpu.memory_space<hbm>> -> memref<8x128xi32, #tpu.memory_space<hbm>>
        tpu.enqueue_dma source(%dma_start3A_533 : memref<8x128xi32, #tpu.memory_space<hbm>>) target(%arg7 : memref<8x128xi32, #tpu.memory_space<vmem>>) target_semaphore(%run_scoped3A : memref<!tpu.dma_semaphore, #tpu.memory_space<semaphore_mem>>)
        %dma_wait3A_534 = arith.constant 0 : i32
        %dma_wait3A_535 = tpu.memref_slice %arg4[%add3A_55, %dma_wait3A_534] : memref<2560x128xi32, #tpu.memory_space<hbm>> -> memref<8x128xi32, #tpu.memory_space<hbm>>
        %dma_wait3A_536 = arith.constant 0 : i32
        %dma_wait3A_537 = tpu.memref_slice %arg4[%add3A_55, %dma_wait3A_536] : memref<2560x128xi32, #tpu.memory_space<hbm>> -> memref<8x128xi32, #tpu.memory_space<hbm>>
        tpu.wait_dma2 semaphore(%run_scoped3A : memref<!tpu.dma_semaphore, #tpu.memory_space<semaphore_mem>>) src(%dma_wait3A_537 : memref<8x128xi32, #tpu.memory_space<hbm>>) dst(%arg7 : memref<8x128xi32, #tpu.memory_space<vmem>>)
        tpu.yield
      }) : () -> ()
      "tpu.region"() ({
        %run_scoped3A = tpu.sem_alloc : memref<!tpu.dma_semaphore, #tpu.memory_space<semaphore_mem>>
        %dma_start3A_530 = arith.constant 0 : i32
        %dma_start3A_531 = tpu.memref_slice %arg5[%add3A_55, %dma_start3A_530] : memref<2560x128xi32, #tpu.memory_space<hbm>> -> memref<8x128xi32, #tpu.memory_space<hbm>>
        %dma_start3A_532 = arith.constant 0 : i32
        %dma_start3A_533 = tpu.memref_slice %arg5[%add3A_55, %dma_start3A_532] : memref<2560x128xi32, #tpu.memory_space<hbm>> -> memref<8x128xi32, #tpu.memory_space<hbm>>
        tpu.enqueue_dma source(%dma_start3A_533 : memref<8x128xi32, #tpu.memory_space<hbm>>) target(%arg8 : memref<8x128xi32, #tpu.memory_space<vmem>>) target_semaphore(%run_scoped3A : memref<!tpu.dma_semaphore, #tpu.memory_space<semaphore_mem>>)
        %dma_wait3A_534 = arith.constant 0 : i32
        %dma_wait3A_535 = tpu.memref_slice %arg5[%add3A_55, %dma_wait3A_534] : memref<2560x128xi32, #tpu.memory_space<hbm>> -> memref<8x128xi32, #tpu.memory_space<hbm>>
        %dma_wait3A_536 = arith.constant 0 : i32
        %dma_wait3A_537 = tpu.memref_slice %arg5[%add3A_55, %dma_wait3A_536] : memref<2560x128xi32, #tpu.memory_space<hbm>> -> memref<8x128xi32, #tpu.memory_space<hbm>>
        tpu.wait_dma2 semaphore(%run_scoped3A : memref<!tpu.dma_semaphore, #tpu.memory_space<semaphore_mem>>) src(%dma_wait3A_537 : memref<8x128xi32, #tpu.memory_space<hbm>>) dst(%arg8 : memref<8x128xi32, #tpu.memory_space<vmem>>)
        tpu.yield
      }) : () -> ()
      %dma_start3A_56 = arith.constant 0 : i32
      %dma_start3A_57 = arith.constant 0 : i32
      %dma_start3A_58 = tpu.memref_slice %arg7[%dma_start3A_56, %dma_start3A_57] : memref<8x128xi32, #tpu.memory_space<vmem>> -> memref<1x128xi32, #tpu.memory_space<vmem>>
      %dma_start3A_59 = tpu.memref_squeeze %dma_start3A_58 : memref<1x128xi32, #tpu.memory_space<vmem>> -> memref<128xi32, #tpu.memory_space<vmem>>
      %dma_start3A_60 = arith.constant 0 : i32
      %dma_start3A_61 = arith.constant 0 : i32
      %dma_start3A_62 = tpu.memref_slice %arg2[%dma_start3A_60, %dma_start3A_61] : memref<10000x128xf32, #tpu.memory_space<hbm>> -> memref<10000x128xf32, #tpu.memory_space<hbm>>
      tpu.enqueue_indirect_dma source(%dma_start3A_62 : memref<10000x128xf32, #tpu.memory_space<hbm>>) target(%arg10 : memref<128x128xf32, #tpu.memory_space<vmem>>) offsets(%dma_start3A_59 : memref<128xi32, #tpu.memory_space<vmem>>) semaphore(%arg13 : memref<!tpu.dma_semaphore, #tpu.memory_space<semaphore_mem>>)
      %dma_wait3A_63 = arith.constant 0 : i32
      %dma_wait3A_64 = arith.constant 0 : i32
      %dma_wait3A_65 = tpu.memref_slice %arg7[%dma_wait3A_63, %dma_wait3A_64] : memref<8x128xi32, #tpu.memory_space<vmem>> -> memref<1x128xi32, #tpu.memory_space<vmem>>
      %dma_wait3A_66 = tpu.memref_squeeze %dma_wait3A_65 : memref<1x128xi32, #tpu.memory_space<vmem>> -> memref<128xi32, #tpu.memory_space<vmem>>
      %dma_wait3A_67 = arith.constant 0 : i32
      %dma_wait3A_68 = arith.constant 0 : i32
      %dma_wait3A_69 = tpu.memref_slice %arg2[%dma_wait3A_67, %dma_wait3A_68] : memref<10000x128xf32, #tpu.memory_space<hbm>> -> memref<10000x128xf32, #tpu.memory_space<hbm>>
      tpu.wait_indirect_dma semaphore(%arg13 : memref<!tpu.dma_semaphore, #tpu.memory_space<semaphore_mem>>) src(%dma_wait3A_69 : memref<10000x128xf32, #tpu.memory_space<hbm>>) dst(%arg10 : memref<128x128xf32, #tpu.memory_space<vmem>>)
      %mul3A_70 = arith.constant 8 : i32
      %mul3A_71 = arith.muli %scan3A_46, %mul3A_70 : i32
      %add3A_72 = arith.constant 0 : i32
      %add3A_73 = arith.addi %mul3A_71, %add3A_72 : i32
      %mul3A_74 = arith.constant 80 : i32
      %mul3A_75 = arith.muli %add3A, %mul3A_74 : i32
      %add3A_76 = arith.addi %mul3A_75, %add3A_73 : i32
      %mul3A_77 = arith.constant 128 : i32
      %mul3A_78 = arith.muli %add3A_76, %mul3A_77 : i32
      %dma_wait3A_79 = arith.constant 0 : i32
      %dma_wait3A_80 = tpu.memref_slice %arg3[%mul3A_78, %dma_wait3A_79] : memref<327680x128xf32, #tpu.memory_space<hbm>> -> memref<128x128xf32, #tpu.memory_space<hbm>>
      %dma_wait3A_81 = arith.constant 0 : i32
      %dma_wait3A_82 = tpu.memref_slice %arg3[%mul3A_78, %dma_wait3A_81] : memref<327680x128xf32, #tpu.memory_space<hbm>> -> memref<128x128xf32, #tpu.memory_space<hbm>>
      tpu.wait_dma2 semaphore(%arg12 : memref<!tpu.dma_semaphore, #tpu.memory_space<semaphore_mem>>) src(%dma_wait3A_82 : memref<128x128xf32, #tpu.memory_space<hbm>>) dst(%arg9 : memref<128x128xf32, #tpu.memory_space<vmem>>)
      %scan3A_83 = arith.constant 0 : i32
      %scan3A_84 = arith.constant 0 : i32
      %scan3A_85 = arith.constant 64 : i32
      %scan3A_86 = arith.addi %scan3A_84, %scan3A_85 : i32
      %scan3A_87 = arith.constant 1 : i32
      scf.for %scan3A_530 = %scan3A_84 to %scan3A_86 step %scan3A_87  : i32 {
        %mul3A_531 = arith.constant 2 : i32
        %mul3A_532 = arith.muli %mul3A_531, %scan3A_530 : i32
        %add3A_533 = arith.constant 0 : i32
        %add3A_534 = arith.addi %mul3A_532, %add3A_533 : i32
        %get3A = arith.index_cast %add3A_534 : i32 to index
        %get3A_535 = arith.constant 0 : index
        %get3A_536 = tpu.vector_load %arg10[%get3A, %get3A_535] {strides = array<i32>} : memref<128x128xf32, #tpu.memory_space<vmem>>, vector<1x16xf32>,
        %get3A_537 = vector.shape_cast %get3A_536 : vector<1x16xf32> to vector<16xf32>
        %mul3A_538 = arith.constant 2 : i32
        %mul3A_539 = arith.muli %mul3A_538, %scan3A_530 : i32
        %add3A_540 = arith.constant 0 : i32
        %add3A_541 = arith.addi %mul3A_539, %add3A_540 : i32
        %get3A_542 = arith.index_cast %add3A_541 : i32 to index
        %get3A_543 = arith.constant 0 : index
        %get3A_544 = tpu.vector_load %arg9[%get3A_542, %get3A_543] {strides = array<i32>} : memref<128x128xf32, #tpu.memory_space<vmem>>, vector<1x16xf32>,
        %get3A_545 = vector.shape_cast %get3A_544 : vector<1x16xf32> to vector<16xf32>
        %add3A_546 = arith.addf %get3A_537, %get3A_545 : vector<16xf32>
        %max3A = arith.constant 0.000000e+00 : f32
        %max3A_547 = vector.broadcast %max3A : f32 to vector<16xf32>
        %max3A_548 = arith.maximumf %add3A_546, %max3A_547 : vector<16xf32>
        %mul3A_549 = arith.constant 2 : i32
        %mul3A_550 = arith.muli %mul3A_549, %scan3A_530 : i32
        %add3A_551 = arith.constant 0 : i32
        %add3A_552 = arith.addi %mul3A_550, %add3A_551 : i32
        %swap3A = arith.index_cast %add3A_552 : i32 to index
        %swap3A_553 = arith.constant 0 : index
        %swap3A_554 = tpu.vector_load %arg9[%swap3A, %swap3A_553] {strides = array<i32>} : memref<128x128xf32, #tpu.memory_space<vmem>>, vector<1x16xf32>,
        %swap3A_555 = vector.shape_cast %swap3A_554 : vector<1x16xf32> to vector<16xf32>
        %swap3A_556 = vector.shape_cast %max3A_548 : vector<16xf32> to vector<1x16xf32>
        tpu.vector_store %arg9[%swap3A, %swap3A_553], %swap3A_556 {strides = array<i32>} : memref<128x128xf32, #tpu.memory_space<vmem>>, vector<1x16xf32>,
        %mul3A_557 = arith.constant 2 : i32
        %mul3A_558 = arith.muli %mul3A_557, %scan3A_530 : i32
        %add3A_559 = arith.constant 0 : i32
        %add3A_560 = arith.addi %mul3A_558, %add3A_559 : i32
        %get3A_561 = arith.index_cast %add3A_560 : i32 to index
        %get3A_562 = arith.constant 16 : index
        %get3A_563 = tpu.vector_load %arg10[%get3A_561, %get3A_562] {strides = array<i32>} : memref<128x128xf32, #tpu.memory_space<vmem>>, vector<1x16xf32>,
        %get3A_564 = vector.shape_cast %get3A_563 : vector<1x16xf32> to vector<16xf32>
        %mul3A_565 = arith.constant 2 : i32
        %mul3A_566 = arith.muli %mul3A_565, %scan3A_530 : i32
        %add3A_567 = arith.constant 0 : i32
        %add3A_568 = arith.addi %mul3A_566, %add3A_567 : i32
        %get3A_569 = arith.index_cast %add3A_568 : i32 to index
        %get3A_570 = arith.constant 16 : index
        %get3A_571 = tpu.vector_load %arg9[%get3A_569, %get3A_570] {strides = array<i32>} : memref<128x128xf32, #tpu.memory_space<vmem>>, vector<1x16xf32>,
        %get3A_572 = vector.shape_cast %get3A_571 : vector<1x16xf32> to vector<16xf32>
        %add3A_573 = arith.addf %get3A_564, %get3A_572 : vector<16xf32>
        %max3A_574 = arith.constant 0.000000e+00 : f32
        %max3A_575 = vector.broadcast %max3A_574 : f32 to vector<16xf32>
        %max3A_576 = arith.maximumf %add3A_573, %max3A_575 : vector<16xf32>
        %mul3A_577 = arith.constant 2 : i32
        %mul3A_578 = arith.muli %mul3A_577, %scan3A_530 : i32
        %add3A_579 = arith.constant 0 : i32
        %add3A_580 = arith.addi %mul3A_578, %add3A_579 : i32
        %swap3A_581 = arith.index_cast %add3A_580 : i32 to index
        %swap3A_582 = arith.constant 16 : index
        %swap3A_583 = tpu.vector_load %arg9[%swap3A_581, %swap3A_582] {strides = array<i32>} : memref<128x128xf32, #tpu.memory_space<vmem>>, vector<1x16xf32>,
        %swap3A_584 = vector.shape_cast %swap3A_583 : vector<1x16xf32> to vector<16xf32>
        %swap3A_585 = vector.shape_cast %max3A_576 : vector<16xf32> to vector<1x16xf32>
        tpu.vector_store %arg9[%swap3A_581, %swap3A_582], %swap3A_585 {strides = array<i32>} : memref<128x128xf32, #tpu.memory_space<vmem>>, vector<1x16xf32>,
        %mul3A_586 = arith.constant 2 : i32
        %mul3A_587 = arith.muli %mul3A_586, %scan3A_530 : i32
        %add3A_588 = arith.constant 0 : i32
        %add3A_589 = arith.addi %mul3A_587, %add3A_588 : i32
        %get3A_590 = arith.index_cast %add3A_589 : i32 to index
        %get3A_591 = arith.constant 32 : index
        %get3A_592 = tpu.vector_load %arg10[%get3A_590, %get3A_591] {strides = array<i32>} : memref<128x128xf32, #tpu.memory_space<vmem>>, vector<1x16xf32>,
        %get3A_593 = vector.shape_cast %get3A_592 : vector<1x16xf32> to vector<16xf32>
        %mul3A_594 = arith.constant 2 : i32
        %mul3A_595 = arith.muli %mul3A_594, %scan3A_530 : i32
        %add3A_596 = arith.constant 0 : i32
        %add3A_597 = arith.addi %mul3A_595, %add3A_596 : i32
        %get3A_598 = arith.index_cast %add3A_597 : i32 to index
        %get3A_599 = arith.constant 32 : index
        %get3A_600 = tpu.vector_load %arg9[%get3A_598, %get3A_599] {strides = array<i32>} : memref<128x128xf32, #tpu.memory_space<vmem>>, vector<1x16xf32>,
        %get3A_601 = vector.shape_cast %get3A_600 : vector<1x16xf32> to vector<16xf32>
        %add3A_602 = arith.addf %get3A_593, %get3A_601 : vector<16xf32>
        %max3A_603 = arith.constant 0.000000e+00 : f32
        %max3A_604 = vector.broadcast %max3A_603 : f32 to vector<16xf32>
        %max3A_605 = arith.maximumf %add3A_602, %max3A_604 : vector<16xf32>
        %mul3A_606 = arith.constant 2 : i32
        %mul3A_607 = arith.muli %mul3A_606, %scan3A_530 : i32
        %add3A_608 = arith.constant 0 : i32
        %add3A_609 = arith.addi %mul3A_607, %add3A_608 : i32
        %swap3A_610 = arith.index_cast %add3A_609 : i32 to index
        %swap3A_611 = arith.constant 32 : index
        %swap3A_612 = tpu.vector_load %arg9[%swap3A_610, %swap3A_611] {strides = array<i32>} : memref<128x128xf32, #tpu.memory_space<vmem>>, vector<1x16xf32>,
        %swap3A_613 = vector.shape_cast %swap3A_612 : vector<1x16xf32> to vector<16xf32>
        %swap3A_614 = vector.shape_cast %max3A_605 : vector<16xf32> to vector<1x16xf32>
        tpu.vector_store %arg9[%swap3A_610, %swap3A_611], %swap3A_614 {strides = array<i32>} : memref<128x128xf32, #tpu.memory_space<vmem>>, vector<1x16xf32>,
        %mul3A_615 = arith.constant 2 : i32
        %mul3A_616 = arith.muli %mul3A_615, %scan3A_530 : i32
        %add3A_617 = arith.constant 0 : i32
        %add3A_618 = arith.addi %mul3A_616, %add3A_617 : i32
        %get3A_619 = arith.index_cast %add3A_618 : i32 to index
        %get3A_620 = arith.constant 48 : index
        %get3A_621 = tpu.vector_load %arg10[%get3A_619, %get3A_620] {strides = array<i32>} : memref<128x128xf32, #tpu.memory_space<vmem>>, vector<1x16xf32>,
        %get3A_622 = vector.shape_cast %get3A_621 : vector<1x16xf32> to vector<16xf32>
        %mul3A_623 = arith.constant 2 : i32
        %mul3A_624 = arith.muli %mul3A_623, %scan3A_530 : i32
        %add3A_625 = arith.constant 0 : i32
        %add3A_626 = arith.addi %mul3A_624, %add3A_625 : i32
        %get3A_627 = arith.index_cast %add3A_626 : i32 to index
        %get3A_628 = arith.constant 48 : index
        %get3A_629 = tpu.vector_load %arg9[%get3A_627, %get3A_628] {strides = array<i32>} : memref<128x128xf32, #tpu.memory_space<vmem>>, vector<1x16xf32>,
        %get3A_630 = vector.shape_cast %get3A_629 : vector<1x16xf32> to vector<16xf32>
        %add3A_631 = arith.addf %get3A_622, %get3A_630 : vector<16xf32>
        %max3A_632 = arith.constant 0.000000e+00 : f32
        %max3A_633 = vector.broadcast %max3A_632 : f32 to vector<16xf32>
        %max3A_634 = arith.maximumf %add3A_631, %max3A_633 : vector<16xf32>
        %mul3A_635 = arith.constant 2 : i32
        %mul3A_636 = arith.muli %mul3A_635, %scan3A_530 : i32
        %add3A_637 = arith.constant 0 : i32
        %add3A_638 = arith.addi %mul3A_636, %add3A_637 : i32
        %swap3A_639 = arith.index_cast %add3A_638 : i32 to index
        %swap3A_640 = arith.constant 48 : index
        %swap3A_641 = tpu.vector_load %arg9[%swap3A_639, %swap3A_640] {strides = array<i32>} : memref<128x128xf32, #tpu.memory_space<vmem>>, vector<1x16xf32>,
        %swap3A_642 = vector.shape_cast %swap3A_641 : vector<1x16xf32> to vector<16xf32>
        %swap3A_643 = vector.shape_cast %max3A_634 : vector<16xf32> to vector<1x16xf32>
        tpu.vector_store %arg9[%swap3A_639, %swap3A_640], %swap3A_643 {strides = array<i32>} : memref<128x128xf32, #tpu.memory_space<vmem>>, vector<1x16xf32>,
        %mul3A_644 = arith.constant 2 : i32
        %mul3A_645 = arith.muli %mul3A_644, %scan3A_530 : i32
        %add3A_646 = arith.constant 0 : i32
        %add3A_647 = arith.addi %mul3A_645, %add3A_646 : i32
        %get3A_648 = arith.index_cast %add3A_647 : i32 to index
        %get3A_649 = arith.constant 64 : index
        %get3A_650 = tpu.vector_load %arg10[%get3A_648, %get3A_649] {strides = array<i32>} : memref<128x128xf32, #tpu.memory_space<vmem>>, vector<1x16xf32>,
        %get3A_651 = vector.shape_cast %get3A_650 : vector<1x16xf32> to vector<16xf32>
        %mul3A_652 = arith.constant 2 : i32
        %mul3A_653 = arith.muli %mul3A_652, %scan3A_530 : i32
        %add3A_654 = arith.constant 0 : i32
        %add3A_655 = arith.addi %mul3A_653, %add3A_654 : i32
        %get3A_656 = arith.index_cast %add3A_655 : i32 to index
        %get3A_657 = arith.constant 64 : index
        %get3A_658 = tpu.vector_load %arg9[%get3A_656, %get3A_657] {strides = array<i32>} : memref<128x128xf32, #tpu.memory_space<vmem>>, vector<1x16xf32>,
        %get3A_659 = vector.shape_cast %get3A_658 : vector<1x16xf32> to vector<16xf32>
        %add3A_660 = arith.addf %get3A_651, %get3A_659 : vector<16xf32>
        %max3A_661 = arith.constant 0.000000e+00 : f32
        %max3A_662 = vector.broadcast %max3A_661 : f32 to vector<16xf32>
        %max3A_663 = arith.maximumf %add3A_660, %max3A_662 : vector<16xf32>
        %mul3A_664 = arith.constant 2 : i32
        %mul3A_665 = arith.muli %mul3A_664, %scan3A_530 : i32
        %add3A_666 = arith.constant 0 : i32
        %add3A_667 = arith.addi %mul3A_665, %add3A_666 : i32
        %swap3A_668 = arith.index_cast %add3A_667 : i32 to index
        %swap3A_669 = arith.constant 64 : index
        %swap3A_670 = tpu.vector_load %arg9[%swap3A_668, %swap3A_669] {strides = array<i32>} : memref<128x128xf32, #tpu.memory_space<vmem>>, vector<1x16xf32>,
        %swap3A_671 = vector.shape_cast %swap3A_670 : vector<1x16xf32> to vector<16xf32>
        %swap3A_672 = vector.shape_cast %max3A_663 : vector<16xf32> to vector<1x16xf32>
        tpu.vector_store %arg9[%swap3A_668, %swap3A_669], %swap3A_672 {strides = array<i32>} : memref<128x128xf32, #tpu.memory_space<vmem>>, vector<1x16xf32>,
        %mul3A_673 = arith.constant 2 : i32
        %mul3A_674 = arith.muli %mul3A_673, %scan3A_530 : i32
        %add3A_675 = arith.constant 0 : i32
        %add3A_676 = arith.addi %mul3A_674, %add3A_675 : i32
        %get3A_677 = arith.index_cast %add3A_676 : i32 to index
        %get3A_678 = arith.constant 80 : index
        %get3A_679 = tpu.vector_load %arg10[%get3A_677, %get3A_678] {strides = array<i32>} : memref<128x128xf32, #tpu.memory_space<vmem>>, vector<1x16xf32>,
        %get3A_680 = vector.shape_cast %get3A_679 : vector<1x16xf32> to vector<16xf32>
        %mul3A_681 = arith.constant 2 : i32
        %mul3A_682 = arith.muli %mul3A_681, %scan3A_530 : i32
        %add3A_683 = arith.constant 0 : i32
        %add3A_684 = arith.addi %mul3A_682, %add3A_683 : i32
        %get3A_685 = arith.index_cast %add3A_684 : i32 to index
        %get3A_686 = arith.constant 80 : index
        %get3A_687 = tpu.vector_load %arg9[%get3A_685, %get3A_686] {strides = array<i32>} : memref<128x128xf32, #tpu.memory_space<vmem>>, vector<1x16xf32>,
        %get3A_688 = vector.shape_cast %get3A_687 : vector<1x16xf32> to vector<16xf32>
        %add3A_689 = arith.addf %get3A_680, %get3A_688 : vector<16xf32>
        %max3A_690 = arith.constant 0.000000e+00 : f32
        %max3A_691 = vector.broadcast %max3A_690 : f32 to vector<16xf32>
        %max3A_692 = arith.maximumf %add3A_689, %max3A_691 : vector<16xf32>
        %mul3A_693 = arith.constant 2 : i32
        %mul3A_694 = arith.muli %mul3A_693, %scan3A_530 : i32
        %add3A_695 = arith.constant 0 : i32
        %add3A_696 = arith.addi %mul3A_694, %add3A_695 : i32
        %swap3A_697 = arith.index_cast %add3A_696 : i32 to index
        %swap3A_698 = arith.constant 80 : index
        %swap3A_699 = tpu.vector_load %arg9[%swap3A_697, %swap3A_698] {strides = array<i32>} : memref<128x128xf32, #tpu.memory_space<vmem>>, vector<1x16xf32>,
        %swap3A_700 = vector.shape_cast %swap3A_699 : vector<1x16xf32> to vector<16xf32>
        %swap3A_701 = vector.shape_cast %max3A_692 : vector<16xf32> to vector<1x16xf32>
        tpu.vector_store %arg9[%swap3A_697, %swap3A_698], %swap3A_701 {strides = array<i32>} : memref<128x128xf32, #tpu.memory_space<vmem>>, vector<1x16xf32>,
        %mul3A_702 = arith.constant 2 : i32
        %mul3A_703 = arith.muli %mul3A_702, %scan3A_530 : i32
        %add3A_704 = arith.constant 0 : i32
        %add3A_705 = arith.addi %mul3A_703, %add3A_704 : i32
        %get3A_706 = arith.index_cast %add3A_705 : i32 to index
        %get3A_707 = arith.constant 96 : index
        %get3A_708 = tpu.vector_load %arg10[%get3A_706, %get3A_707] {strides = array<i32>} : memref<128x128xf32, #tpu.memory_space<vmem>>, vector<1x16xf32>,
        %get3A_709 = vector.shape_cast %get3A_708 : vector<1x16xf32> to vector<16xf32>
        %mul3A_710 = arith.constant 2 : i32
        %mul3A_711 = arith.muli %mul3A_710, %scan3A_530 : i32
        %add3A_712 = arith.constant 0 : i32
        %add3A_713 = arith.addi %mul3A_711, %add3A_712 : i32
        %get3A_714 = arith.index_cast %add3A_713 : i32 to index
        %get3A_715 = arith.constant 96 : index
        %get3A_716 = tpu.vector_load %arg9[%get3A_714, %get3A_715] {strides = array<i32>} : memref<128x128xf32, #tpu.memory_space<vmem>>, vector<1x16xf32>,
        %get3A_717 = vector.shape_cast %get3A_716 : vector<1x16xf32> to vector<16xf32>
        %add3A_718 = arith.addf %get3A_709, %get3A_717 : vector<16xf32>
        %max3A_719 = arith.constant 0.000000e+00 : f32
        %max3A_720 = vector.broadcast %max3A_719 : f32 to vector<16xf32>
        %max3A_721 = arith.maximumf %add3A_718, %max3A_720 : vector<16xf32>
        %mul3A_722 = arith.constant 2 : i32
        %mul3A_723 = arith.muli %mul3A_722, %scan3A_530 : i32
        %add3A_724 = arith.constant 0 : i32
        %add3A_725 = arith.addi %mul3A_723, %add3A_724 : i32
        %swap3A_726 = arith.index_cast %add3A_725 : i32 to index
        %swap3A_727 = arith.constant 96 : index
        %swap3A_728 = tpu.vector_load %arg9[%swap3A_726, %swap3A_727] {strides = array<i32>} : memref<128x128xf32, #tpu.memory_space<vmem>>, vector<1x16xf32>,
        %swap3A_729 = vector.shape_cast %swap3A_728 : vector<1x16xf32> to vector<16xf32>
        %swap3A_730 = vector.shape_cast %max3A_721 : vector<16xf32> to vector<1x16xf32>
        tpu.vector_store %arg9[%swap3A_726, %swap3A_727], %swap3A_730 {strides = array<i32>} : memref<128x128xf32, #tpu.memory_space<vmem>>, vector<1x16xf32>,
        %mul3A_731 = arith.constant 2 : i32
        %mul3A_732 = arith.muli %mul3A_731, %scan3A_530 : i32
        %add3A_733 = arith.constant 0 : i32
        %add3A_734 = arith.addi %mul3A_732, %add3A_733 : i32
        %get3A_735 = arith.index_cast %add3A_734 : i32 to index
        %get3A_736 = arith.constant 112 : index
        %get3A_737 = tpu.vector_load %arg10[%get3A_735, %get3A_736] {strides = array<i32>} : memref<128x128xf32, #tpu.memory_space<vmem>>, vector<1x16xf32>,
        %get3A_738 = vector.shape_cast %get3A_737 : vector<1x16xf32> to vector<16xf32>
        %mul3A_739 = arith.constant 2 : i32
        %mul3A_740 = arith.muli %mul3A_739, %scan3A_530 : i32
        %add3A_741 = arith.constant 0 : i32
        %add3A_742 = arith.addi %mul3A_740, %add3A_741 : i32
        %get3A_743 = arith.index_cast %add3A_742 : i32 to index
        %get3A_744 = arith.constant 112 : index
        %get3A_745 = tpu.vector_load %arg9[%get3A_743, %get3A_744] {strides = array<i32>} : memref<128x128xf32, #tpu.memory_space<vmem>>, vector<1x16xf32>,
        %get3A_746 = vector.shape_cast %get3A_745 : vector<1x16xf32> to vector<16xf32>
        %add3A_747 = arith.addf %get3A_738, %get3A_746 : vector<16xf32>
        %max3A_748 = arith.constant 0.000000e+00 : f32
        %max3A_749 = vector.broadcast %max3A_748 : f32 to vector<16xf32>
        %max3A_750 = arith.maximumf %add3A_747, %max3A_749 : vector<16xf32>
        %mul3A_751 = arith.constant 2 : i32
        %mul3A_752 = arith.muli %mul3A_751, %scan3A_530 : i32
        %add3A_753 = arith.constant 0 : i32
        %add3A_754 = arith.addi %mul3A_752, %add3A_753 : i32
        %swap3A_755 = arith.index_cast %add3A_754 : i32 to index
        %swap3A_756 = arith.constant 112 : index
        %swap3A_757 = tpu.vector_load %arg9[%swap3A_755, %swap3A_756] {strides = array<i32>} : memref<128x128xf32, #tpu.memory_space<vmem>>, vector<1x16xf32>,
        %swap3A_758 = vector.shape_cast %swap3A_757 : vector<1x16xf32> to vector<16xf32>
        %swap3A_759 = vector.shape_cast %max3A_750 : vector<16xf32> to vector<1x16xf32>
        tpu.vector_store %arg9[%swap3A_755, %swap3A_756], %swap3A_759 {strides = array<i32>} : memref<128x128xf32, #tpu.memory_space<vmem>>, vector<1x16xf32>,
        %mul3A_760 = arith.constant 2 : i32
        %mul3A_761 = arith.muli %mul3A_760, %scan3A_530 : i32
        %add3A_762 = arith.constant 1 : i32
        %add3A_763 = arith.addi %mul3A_761, %add3A_762 : i32
        %get3A_764 = arith.index_cast %add3A_763 : i32 to index
        %get3A_765 = arith.constant 0 : index
        %get3A_766 = tpu.vector_load %arg10[%get3A_764, %get3A_765] {strides = array<i32>} : memref<128x128xf32, #tpu.memory_space<vmem>>, vector<1x16xf32>,
        %get3A_767 = vector.shape_cast %get3A_766 : vector<1x16xf32> to vector<16xf32>
        %mul3A_768 = arith.constant 2 : i32
        %mul3A_769 = arith.muli %mul3A_768, %scan3A_530 : i32
        %add3A_770 = arith.constant 1 : i32
        %add3A_771 = arith.addi %mul3A_769, %add3A_770 : i32
        %get3A_772 = arith.index_cast %add3A_771 : i32 to index
        %get3A_773 = arith.constant 0 : index
        %get3A_774 = tpu.vector_load %arg9[%get3A_772, %get3A_773] {strides = array<i32>} : memref<128x128xf32, #tpu.memory_space<vmem>>, vector<1x16xf32>,
        %get3A_775 = vector.shape_cast %get3A_774 : vector<1x16xf32> to vector<16xf32>
        %add3A_776 = arith.addf %get3A_767, %get3A_775 : vector<16xf32>
        %max3A_777 = arith.constant 0.000000e+00 : f32
        %max3A_778 = vector.broadcast %max3A_777 : f32 to vector<16xf32>
        %max3A_779 = arith.maximumf %add3A_776, %max3A_778 : vector<16xf32>
        %mul3A_780 = arith.constant 2 : i32
        %mul3A_781 = arith.muli %mul3A_780, %scan3A_530 : i32
        %add3A_782 = arith.constant 1 : i32
        %add3A_783 = arith.addi %mul3A_781, %add3A_782 : i32
        %swap3A_784 = arith.index_cast %add3A_783 : i32 to index
        %swap3A_785 = arith.constant 0 : index
        %swap3A_786 = tpu.vector_load %arg9[%swap3A_784, %swap3A_785] {strides = array<i32>} : memref<128x128xf32, #tpu.memory_space<vmem>>, vector<1x16xf32>,
        %swap3A_787 = vector.shape_cast %swap3A_786 : vector<1x16xf32> to vector<16xf32>
        %swap3A_788 = vector.shape_cast %max3A_779 : vector<16xf32> to vector<1x16xf32>
        tpu.vector_store %arg9[%swap3A_784, %swap3A_785], %swap3A_788 {strides = array<i32>} : memref<128x128xf32, #tpu.memory_space<vmem>>, vector<1x16xf32>,
        %mul3A_789 = arith.constant 2 : i32
        %mul3A_790 = arith.muli %mul3A_789, %scan3A_530 : i32
        %add3A_791 = arith.constant 1 : i32
        %add3A_792 = arith.addi %mul3A_790, %add3A_791 : i32
        %get3A_793 = arith.index_cast %add3A_792 : i32 to index
        %get3A_794 = arith.constant 16 : index
        %get3A_795 = tpu.vector_load %arg10[%get3A_793, %get3A_794] {strides = array<i32>} : memref<128x128xf32, #tpu.memory_space<vmem>>, vector<1x16xf32>,
        %get3A_796 = vector.shape_cast %get3A_795 : vector<1x16xf32> to vector<16xf32>
        %mul3A_797 = arith.constant 2 : i32
        %mul3A_798 = arith.muli %mul3A_797, %scan3A_530 : i32
        %add3A_799 = arith.constant 1 : i32
        %add3A_800 = arith.addi %mul3A_798, %add3A_799 : i32
        %get3A_801 = arith.index_cast %add3A_800 : i32 to index
        %get3A_802 = arith.constant 16 : index
        %get3A_803 = tpu.vector_load %arg9[%get3A_801, %get3A_802] {strides = array<i32>} : memref<128x128xf32, #tpu.memory_space<vmem>>, vector<1x16xf32>,
        %get3A_804 = vector.shape_cast %get3A_803 : vector<1x16xf32> to vector<16xf32>
        %add3A_805 = arith.addf %get3A_796, %get3A_804 : vector<16xf32>
        %max3A_806 = arith.constant 0.000000e+00 : f32
        %max3A_807 = vector.broadcast %max3A_806 : f32 to vector<16xf32>
        %max3A_808 = arith.maximumf %add3A_805, %max3A_807 : vector<16xf32>
        %mul3A_809 = arith.constant 2 : i32
        %mul3A_810 = arith.muli %mul3A_809, %scan3A_530 : i32
        %add3A_811 = arith.constant 1 : i32
        %add3A_812 = arith.addi %mul3A_810, %add3A_811 : i32
        %swap3A_813 = arith.index_cast %add3A_812 : i32 to index
        %swap3A_814 = arith.constant 16 : index
        %swap3A_815 = tpu.vector_load %arg9[%swap3A_813, %swap3A_814] {strides = array<i32>} : memref<128x128xf32, #tpu.memory_space<vmem>>, vector<1x16xf32>,
        %swap3A_816 = vector.shape_cast %swap3A_815 : vector<1x16xf32> to vector<16xf32>
        %swap3A_817 = vector.shape_cast %max3A_808 : vector<16xf32> to vector<1x16xf32>
        tpu.vector_store %arg9[%swap3A_813, %swap3A_814], %swap3A_817 {strides = array<i32>} : memref<128x128xf32, #tpu.memory_space<vmem>>, vector<1x16xf32>,
        %mul3A_818 = arith.constant 2 : i32
        %mul3A_819 = arith.muli %mul3A_818, %scan3A_530 : i32
        %add3A_820 = arith.constant 1 : i32
        %add3A_821 = arith.addi %mul3A_819, %add3A_820 : i32
        %get3A_822 = arith.index_cast %add3A_821 : i32 to index
        %get3A_823 = arith.constant 32 : index
        %get3A_824 = tpu.vector_load %arg10[%get3A_822, %get3A_823] {strides = array<i32>} : memref<128x128xf32, #tpu.memory_space<vmem>>, vector<1x16xf32>,
        %get3A_825 = vector.shape_cast %get3A_824 : vector<1x16xf32> to vector<16xf32>
        %mul3A_826 = arith.constant 2 : i32
        %mul3A_827 = arith.muli %mul3A_826, %scan3A_530 : i32
        %add3A_828 = arith.constant 1 : i32
        %add3A_829 = arith.addi %mul3A_827, %add3A_828 : i32
        %get3A_830 = arith.index_cast %add3A_829 : i32 to index
        %get3A_831 = arith.constant 32 : index
        %get3A_832 = tpu.vector_load %arg9[%get3A_830, %get3A_831] {strides = array<i32>} : memref<128x128xf32, #tpu.memory_space<vmem>>, vector<1x16xf32>,
        %get3A_833 = vector.shape_cast %get3A_832 : vector<1x16xf32> to vector<16xf32>
        %add3A_834 = arith.addf %get3A_825, %get3A_833 : vector<16xf32>
        %max3A_835 = arith.constant 0.000000e+00 : f32
        %max3A_836 = vector.broadcast %max3A_835 : f32 to vector<16xf32>
        %max3A_837 = arith.maximumf %add3A_834, %max3A_836 : vector<16xf32>
        %mul3A_838 = arith.constant 2 : i32
        %mul3A_839 = arith.muli %mul3A_838, %scan3A_530 : i32
        %add3A_840 = arith.constant 1 : i32
        %add3A_841 = arith.addi %mul3A_839, %add3A_840 : i32
        %swap3A_842 = arith.index_cast %add3A_841 : i32 to index
        %swap3A_843 = arith.constant 32 : index
        %swap3A_844 = tpu.vector_load %arg9[%swap3A_842, %swap3A_843] {strides = array<i32>} : memref<128x128xf32, #tpu.memory_space<vmem>>, vector<1x16xf32>,
        %swap3A_845 = vector.shape_cast %swap3A_844 : vector<1x16xf32> to vector<16xf32>
        %swap3A_846 = vector.shape_cast %max3A_837 : vector<16xf32> to vector<1x16xf32>
        tpu.vector_store %arg9[%swap3A_842, %swap3A_843], %swap3A_846 {strides = array<i32>} : memref<128x128xf32, #tpu.memory_space<vmem>>, vector<1x16xf32>,
        %mul3A_847 = arith.constant 2 : i32
        %mul3A_848 = arith.muli %mul3A_847, %scan3A_530 : i32
        %add3A_849 = arith.constant 1 : i32
        %add3A_850 = arith.addi %mul3A_848, %add3A_849 : i32
        %get3A_851 = arith.index_cast %add3A_850 : i32 to index
        %get3A_852 = arith.constant 48 : index
        %get3A_853 = tpu.vector_load %arg10[%get3A_851, %get3A_852] {strides = array<i32>} : memref<128x128xf32, #tpu.memory_space<vmem>>, vector<1x16xf32>,
        %get3A_854 = vector.shape_cast %get3A_853 : vector<1x16xf32> to vector<16xf32>
        %mul3A_855 = arith.constant 2 : i32
        %mul3A_856 = arith.muli %mul3A_855, %scan3A_530 : i32
        %add3A_857 = arith.constant 1 : i32
        %add3A_858 = arith.addi %mul3A_856, %add3A_857 : i32
        %get3A_859 = arith.index_cast %add3A_858 : i32 to index
        %get3A_860 = arith.constant 48 : index
        %get3A_861 = tpu.vector_load %arg9[%get3A_859, %get3A_860] {strides = array<i32>} : memref<128x128xf32, #tpu.memory_space<vmem>>, vector<1x16xf32>,
        %get3A_862 = vector.shape_cast %get3A_861 : vector<1x16xf32> to vector<16xf32>
        %add3A_863 = arith.addf %get3A_854, %get3A_862 : vector<16xf32>
        %max3A_864 = arith.constant 0.000000e+00 : f32
        %max3A_865 = vector.broadcast %max3A_864 : f32 to vector<16xf32>
        %max3A_866 = arith.maximumf %add3A_863, %max3A_865 : vector<16xf32>
        %mul3A_867 = arith.constant 2 : i32
        %mul3A_868 = arith.muli %mul3A_867, %scan3A_530 : i32
        %add3A_869 = arith.constant 1 : i32
        %add3A_870 = arith.addi %mul3A_868, %add3A_869 : i32
        %swap3A_871 = arith.index_cast %add3A_870 : i32 to index
        %swap3A_872 = arith.constant 48 : index
        %swap3A_873 = tpu.vector_load %arg9[%swap3A_871, %swap3A_872] {strides = array<i32>} : memref<128x128xf32, #tpu.memory_space<vmem>>, vector<1x16xf32>,
        %swap3A_874 = vector.shape_cast %swap3A_873 : vector<1x16xf32> to vector<16xf32>
        %swap3A_875 = vector.shape_cast %max3A_866 : vector<16xf32> to vector<1x16xf32>
        tpu.vector_store %arg9[%swap3A_871, %swap3A_872], %swap3A_875 {strides = array<i32>} : memref<128x128xf32, #tpu.memory_space<vmem>>, vector<1x16xf32>,
        %mul3A_876 = arith.constant 2 : i32
        %mul3A_877 = arith.muli %mul3A_876, %scan3A_530 : i32
        %add3A_878 = arith.constant 1 : i32
        %add3A_879 = arith.addi %mul3A_877, %add3A_878 : i32
        %get3A_880 = arith.index_cast %add3A_879 : i32 to index
        %get3A_881 = arith.constant 64 : index
        %get3A_882 = tpu.vector_load %arg10[%get3A_880, %get3A_881] {strides = array<i32>} : memref<128x128xf32, #tpu.memory_space<vmem>>, vector<1x16xf32>,
        %get3A_883 = vector.shape_cast %get3A_882 : vector<1x16xf32> to vector<16xf32>
        %mul3A_884 = arith.constant 2 : i32
        %mul3A_885 = arith.muli %mul3A_884, %scan3A_530 : i32
        %add3A_886 = arith.constant 1 : i32
        %add3A_887 = arith.addi %mul3A_885, %add3A_886 : i32
        %get3A_888 = arith.index_cast %add3A_887 : i32 to index
        %get3A_889 = arith.constant 64 : index
        %get3A_890 = tpu.vector_load %arg9[%get3A_888, %get3A_889] {strides = array<i32>} : memref<128x128xf32, #tpu.memory_space<vmem>>, vector<1x16xf32>,
        %get3A_891 = vector.shape_cast %get3A_890 : vector<1x16xf32> to vector<16xf32>
        %add3A_892 = arith.addf %get3A_883, %get3A_891 : vector<16xf32>
        %max3A_893 = arith.constant 0.000000e+00 : f32
        %max3A_894 = vector.broadcast %max3A_893 : f32 to vector<16xf32>
        %max3A_895 = arith.maximumf %add3A_892, %max3A_894 : vector<16xf32>
        %mul3A_896 = arith.constant 2 : i32
        %mul3A_897 = arith.muli %mul3A_896, %scan3A_530 : i32
        %add3A_898 = arith.constant 1 : i32
        %add3A_899 = arith.addi %mul3A_897, %add3A_898 : i32
        %swap3A_900 = arith.index_cast %add3A_899 : i32 to index
        %swap3A_901 = arith.constant 64 : index
        %swap3A_902 = tpu.vector_load %arg9[%swap3A_900, %swap3A_901] {strides = array<i32>} : memref<128x128xf32, #tpu.memory_space<vmem>>, vector<1x16xf32>,
        %swap3A_903 = vector.shape_cast %swap3A_902 : vector<1x16xf32> to vector<16xf32>
        %swap3A_904 = vector.shape_cast %max3A_895 : vector<16xf32> to vector<1x16xf32>
        tpu.vector_store %arg9[%swap3A_900, %swap3A_901], %swap3A_904 {strides = array<i32>} : memref<128x128xf32, #tpu.memory_space<vmem>>, vector<1x16xf32>,
        %mul3A_905 = arith.constant 2 : i32
        %mul3A_906 = arith.muli %mul3A_905, %scan3A_530 : i32
        %add3A_907 = arith.constant 1 : i32
        %add3A_908 = arith.addi %mul3A_906, %add3A_907 : i32
        %get3A_909 = arith.index_cast %add3A_908 : i32 to index
        %get3A_910 = arith.constant 80 : index
        %get3A_911 = tpu.vector_load %arg10[%get3A_909, %get3A_910] {strides = array<i32>} : memref<128x128xf32, #tpu.memory_space<vmem>>, vector<1x16xf32>,
        %get3A_912 = vector.shape_cast %get3A_911 : vector<1x16xf32> to vector<16xf32>
        %mul3A_913 = arith.constant 2 : i32
        %mul3A_914 = arith.muli %mul3A_913, %scan3A_530 : i32
        %add3A_915 = arith.constant 1 : i32
        %add3A_916 = arith.addi %mul3A_914, %add3A_915 : i32
        %get3A_917 = arith.index_cast %add3A_916 : i32 to index
        %get3A_918 = arith.constant 80 : index
        %get3A_919 = tpu.vector_load %arg9[%get3A_917, %get3A_918] {strides = array<i32>} : memref<128x128xf32, #tpu.memory_space<vmem>>, vector<1x16xf32>,
        %get3A_920 = vector.shape_cast %get3A_919 : vector<1x16xf32> to vector<16xf32>
        %add3A_921 = arith.addf %get3A_912, %get3A_920 : vector<16xf32>
        %max3A_922 = arith.constant 0.000000e+00 : f32
        %max3A_923 = vector.broadcast %max3A_922 : f32 to vector<16xf32>
        %max3A_924 = arith.maximumf %add3A_921, %max3A_923 : vector<16xf32>
        %mul3A_925 = arith.constant 2 : i32
        %mul3A_926 = arith.muli %mul3A_925, %scan3A_530 : i32
        %add3A_927 = arith.constant 1 : i32
        %add3A_928 = arith.addi %mul3A_926, %add3A_927 : i32
        %swap3A_929 = arith.index_cast %add3A_928 : i32 to index
        %swap3A_930 = arith.constant 80 : index
        %swap3A_931 = tpu.vector_load %arg9[%swap3A_929, %swap3A_930] {strides = array<i32>} : memref<128x128xf32, #tpu.memory_space<vmem>>, vector<1x16xf32>,
        %swap3A_932 = vector.shape_cast %swap3A_931 : vector<1x16xf32> to vector<16xf32>
        %swap3A_933 = vector.shape_cast %max3A_924 : vector<16xf32> to vector<1x16xf32>
        tpu.vector_store %arg9[%swap3A_929, %swap3A_930], %swap3A_933 {strides = array<i32>} : memref<128x128xf32, #tpu.memory_space<vmem>>, vector<1x16xf32>,
        %mul3A_934 = arith.constant 2 : i32
        %mul3A_935 = arith.muli %mul3A_934, %scan3A_530 : i32
        %add3A_936 = arith.constant 1 : i32
        %add3A_937 = arith.addi %mul3A_935, %add3A_936 : i32
        %get3A_938 = arith.index_cast %add3A_937 : i32 to index
        %get3A_939 = arith.constant 96 : index
        %get3A_940 = tpu.vector_load %arg10[%get3A_938, %get3A_939] {strides = array<i32>} : memref<128x128xf32, #tpu.memory_space<vmem>>, vector<1x16xf32>,
        %get3A_941 = vector.shape_cast %get3A_940 : vector<1x16xf32> to vector<16xf32>
        %mul3A_942 = arith.constant 2 : i32
        %mul3A_943 = arith.muli %mul3A_942, %scan3A_530 : i32
        %add3A_944 = arith.constant 1 : i32
        %add3A_945 = arith.addi %mul3A_943, %add3A_944 : i32
        %get3A_946 = arith.index_cast %add3A_945 : i32 to index
        %get3A_947 = arith.constant 96 : index
        %get3A_948 = tpu.vector_load %arg9[%get3A_946, %get3A_947] {strides = array<i32>} : memref<128x128xf32, #tpu.memory_space<vmem>>, vector<1x16xf32>,
        %get3A_949 = vector.shape_cast %get3A_948 : vector<1x16xf32> to vector<16xf32>
        %add3A_950 = arith.addf %get3A_941, %get3A_949 : vector<16xf32>
        %max3A_951 = arith.constant 0.000000e+00 : f32
        %max3A_952 = vector.broadcast %max3A_951 : f32 to vector<16xf32>
        %max3A_953 = arith.maximumf %add3A_950, %max3A_952 : vector<16xf32>
        %mul3A_954 = arith.constant 2 : i32
        %mul3A_955 = arith.muli %mul3A_954, %scan3A_530 : i32
        %add3A_956 = arith.constant 1 : i32
        %add3A_957 = arith.addi %mul3A_955, %add3A_956 : i32
        %swap3A_958 = arith.index_cast %add3A_957 : i32 to index
        %swap3A_959 = arith.constant 96 : index
        %swap3A_960 = tpu.vector_load %arg9[%swap3A_958, %swap3A_959] {strides = array<i32>} : memref<128x128xf32, #tpu.memory_space<vmem>>, vector<1x16xf32>,
        %swap3A_961 = vector.shape_cast %swap3A_960 : vector<1x16xf32> to vector<16xf32>
        %swap3A_962 = vector.shape_cast %max3A_953 : vector<16xf32> to vector<1x16xf32>
        tpu.vector_store %arg9[%swap3A_958, %swap3A_959], %swap3A_962 {strides = array<i32>} : memref<128x128xf32, #tpu.memory_space<vmem>>, vector<1x16xf32>,
        %mul3A_963 = arith.constant 2 : i32
        %mul3A_964 = arith.muli %mul3A_963, %scan3A_530 : i32
        %add3A_965 = arith.constant 1 : i32
        %add3A_966 = arith.addi %mul3A_964, %add3A_965 : i32
        %get3A_967 = arith.index_cast %add3A_966 : i32 to index
        %get3A_968 = arith.constant 112 : index
        %get3A_969 = tpu.vector_load %arg10[%get3A_967, %get3A_968] {strides = array<i32>} : memref<128x128xf32, #tpu.memory_space<vmem>>, vector<1x16xf32>,
        %get3A_970 = vector.shape_cast %get3A_969 : vector<1x16xf32> to vector<16xf32>
        %mul3A_971 = arith.constant 2 : i32
        %mul3A_972 = arith.muli %mul3A_971, %scan3A_530 : i32
        %add3A_973 = arith.constant 1 : i32
        %add3A_974 = arith.addi %mul3A_972, %add3A_973 : i32
        %get3A_975 = arith.index_cast %add3A_974 : i32 to index
        %get3A_976 = arith.constant 112 : index
        %get3A_977 = tpu.vector_load %arg9[%get3A_975, %get3A_976] {strides = array<i32>} : memref<128x128xf32, #tpu.memory_space<vmem>>, vector<1x16xf32>,
        %get3A_978 = vector.shape_cast %get3A_977 : vector<1x16xf32> to vector<16xf32>
        %add3A_979 = arith.addf %get3A_970, %get3A_978 : vector<16xf32>
        %max3A_980 = arith.constant 0.000000e+00 : f32
        %max3A_981 = vector.broadcast %max3A_980 : f32 to vector<16xf32>
        %max3A_982 = arith.maximumf %add3A_979, %max3A_981 : vector<16xf32>
        %mul3A_983 = arith.constant 2 : i32
        %mul3A_984 = arith.muli %mul3A_983, %scan3A_530 : i32
        %add3A_985 = arith.constant 1 : i32
        %add3A_986 = arith.addi %mul3A_984, %add3A_985 : i32
        %swap3A_987 = arith.index_cast %add3A_986 : i32 to index
        %swap3A_988 = arith.constant 112 : index
        %swap3A_989 = tpu.vector_load %arg9[%swap3A_987, %swap3A_988] {strides = array<i32>} : memref<128x128xf32, #tpu.memory_space<vmem>>, vector<1x16xf32>,
        %swap3A_990 = vector.shape_cast %swap3A_989 : vector<1x16xf32> to vector<16xf32>
        %swap3A_991 = vector.shape_cast %max3A_982 : vector<16xf32> to vector<1x16xf32>
        tpu.vector_store %arg9[%swap3A_987, %swap3A_988], %swap3A_991 {strides = array<i32>} : memref<128x128xf32, #tpu.memory_space<vmem>>, vector<1x16xf32>,
      }
      %scan3A_88 = arith.constant 64 : i32
      %dma_start3A_89 = arith.constant 0 : i32
      %dma_start3A_90 = arith.constant 0 : i32
      %dma_start3A_91 = tpu.memref_slice %arg8[%dma_start3A_89, %dma_start3A_90] : memref<8x128xi32, #tpu.memory_space<vmem>> -> memref<1x128xi32, #tpu.memory_space<vmem>>
      %dma_start3A_92 = tpu.memref_squeeze %dma_start3A_91 : memref<1x128xi32, #tpu.memory_space<vmem>> -> memref<128xi32, #tpu.memory_space<vmem>>
      %dma_start3A_93 = arith.constant 0 : i32
      %dma_start3A_94 = arith.constant 0 : i32
      %dma_start3A_95 = tpu.memref_slice %arg11[%dma_start3A_93, %dma_start3A_94] : memref<10000x128xf32, #tpu.memory_space<vmem_shared>> -> memref<10000x128xf32, #tpu.memory_space<vmem_shared>>
      tpu.enqueue_indirect_dma source(%arg9 : memref<128x128xf32, #tpu.memory_space<vmem>>) target(%dma_start3A_95 : memref<10000x128xf32, #tpu.memory_space<vmem_shared>>) offsets(%dma_start3A_92 : memref<128xi32, #tpu.memory_space<vmem>>) semaphore(%arg14 : memref<!tpu.dma_semaphore, #tpu.memory_space<semaphore_mem>>) {add = true}
      %dma_start3A_96 = arith.constant 1 : i32
      %dma_start3A_97 = arith.constant 0 : i32
      %dma_start3A_98 = tpu.memref_slice %arg7[%dma_start3A_96, %dma_start3A_97] : memref<8x128xi32, #tpu.memory_space<vmem>> -> memref<1x128xi32, #tpu.memory_space<vmem>>
      %dma_start3A_99 = tpu.memref_squeeze %dma_start3A_98 : memref<1x128xi32, #tpu.memory_space<vmem>> -> memref<128xi32, #tpu.memory_space<vmem>>
      %dma_start3A_100 = arith.constant 0 : i32
      %dma_start3A_101 = arith.constant 0 : i32
      %dma_start3A_102 = tpu.memref_slice %arg2[%dma_start3A_100, %dma_start3A_101] : memref<10000x128xf32, #tpu.memory_space<hbm>> -> memref<10000x128xf32, #tpu.memory_space<hbm>>
      tpu.enqueue_indirect_dma source(%dma_start3A_102 : memref<10000x128xf32, #tpu.memory_space<hbm>>) target(%arg10 : memref<128x128xf32, #tpu.memory_space<vmem>>) offsets(%dma_start3A_99 : memref<128xi32, #tpu.memory_space<vmem>>) semaphore(%arg13 : memref<!tpu.dma_semaphore, #tpu.memory_space<semaphore_mem>>)
      %dma_wait3A_103 = arith.constant 0 : i32
      %dma_wait3A_104 = arith.constant 0 : i32
      %dma_wait3A_105 = tpu.memref_slice %arg8[%dma_wait3A_103, %dma_wait3A_104] : memref<8x128xi32, #tpu.memory_space<vmem>> -> memref<1x128xi32, #tpu.memory_space<vmem>>
      %dma_wait3A_106 = tpu.memref_squeeze %dma_wait3A_105 : memref<1x128xi32, #tpu.memory_space<vmem>> -> memref<128xi32, #tpu.memory_space<vmem>>
      %dma_wait3A_107 = arith.constant 0 : i32
      %dma_wait3A_108 = arith.constant 0 : i32
      %dma_wait3A_109 = tpu.memref_slice %arg11[%dma_wait3A_107, %dma_wait3A_108] : memref<10000x128xf32, #tpu.memory_space<vmem_shared>> -> memref<10000x128xf32, #tpu.memory_space<vmem_shared>>
      tpu.wait_indirect_dma semaphore(%arg14 : memref<!tpu.dma_semaphore, #tpu.memory_space<semaphore_mem>>) src(%arg9 : memref<128x128xf32, #tpu.memory_space<vmem>>) dst(%dma_wait3A_109 : memref<10000x128xf32, #tpu.memory_space<vmem_shared>>)
      %mul3A_110 = arith.constant 8 : i32
      %mul3A_111 = arith.muli %scan3A_46, %mul3A_110 : i32
      %add3A_112 = arith.constant 0 : i32
      %add3A_113 = arith.addi %mul3A_111, %add3A_112 : i32
      %add3A_114 = arith.constant 1 : i32
      %add3A_115 = arith.addi %add3A_113, %add3A_114 : i32
      %mul3A_116 = arith.constant 80 : i32
      %mul3A_117 = arith.muli %add3A, %mul3A_116 : i32
      %add3A_118 = arith.addi %mul3A_117, %add3A_115 : i32
      %mul3A_119 = arith.constant 128 : i32
      %mul3A_120 = arith.muli %add3A_118, %mul3A_119 : i32
      %dma_start3A_121 = arith.constant 0 : i32
      %dma_start3A_122 = tpu.memref_slice %arg3[%mul3A_120, %dma_start3A_121] : memref<327680x128xf32, #tpu.memory_space<hbm>> -> memref<128x128xf32, #tpu.memory_space<hbm>>
      %dma_start3A_123 = arith.constant 0 : i32
      %dma_start3A_124 = tpu.memref_slice %arg3[%mul3A_120, %dma_start3A_123] : memref<327680x128xf32, #tpu.memory_space<hbm>> -> memref<128x128xf32, #tpu.memory_space<hbm>>
      tpu.enqueue_dma source(%dma_start3A_124 : memref<128x128xf32, #tpu.memory_space<hbm>>) target(%arg9 : memref<128x128xf32, #tpu.memory_space<vmem>>) target_semaphore(%arg12 : memref<!tpu.dma_semaphore, #tpu.memory_space<semaphore_mem>>)
      %dma_wait3A_125 = arith.constant 1 : i32
      %dma_wait3A_126 = arith.constant 0 : i32
      %dma_wait3A_127 = tpu.memref_slice %arg7[%dma_wait3A_125, %dma_wait3A_126] : memref<8x128xi32, #tpu.memory_space<vmem>> -> memref<1x128xi32, #tpu.memory_space<vmem>>
      %dma_wait3A_128 = tpu.memref_squeeze %dma_wait3A_127 : memref<1x128xi32, #tpu.memory_space<vmem>> -> memref<128xi32, #tpu.memory_space<vmem>>
      %dma_wait3A_129 = arith.constant 0 : i32
      %dma_wait3A_130 = arith.constant 0 : i32
      %dma_wait3A_131 = tpu.memref_slice %arg2[%dma_wait3A_129, %dma_wait3A_130] : memref<10000x128xf32, #tpu.memory_space<hbm>> -> memref<10000x128xf32, #tpu.memory_space<hbm>>
      tpu.wait_indirect_dma semaphore(%arg13 : memref<!tpu.dma_semaphore, #tpu.memory_space<semaphore_mem>>) src(%dma_wait3A_131 : memref<10000x128xf32, #tpu.memory_space<hbm>>) dst(%arg10 : memref<128x128xf32, #tpu.memory_space<vmem>>)
      %mul3A_132 = arith.constant 8 : i32
      %mul3A_133 = arith.muli %scan3A_46, %mul3A_132 : i32
      %add3A_134 = arith.constant 1 : i32
      %add3A_135 = arith.addi %mul3A_133, %add3A_134 : i32
      %mul3A_136 = arith.constant 80 : i32
      %mul3A_137 = arith.muli %add3A, %mul3A_136 : i32
      %add3A_138 = arith.addi %mul3A_137, %add3A_135 : i32
      %mul3A_139 = arith.constant 128 : i32
      %mul3A_140 = arith.muli %add3A_138, %mul3A_139 : i32
      %dma_wait3A_141 = arith.constant 0 : i32
      %dma_wait3A_142 = tpu.memref_slice %arg3[%mul3A_140, %dma_wait3A_141] : memref<327680x128xf32, #tpu.memory_space<hbm>> -> memref<128x128xf32, #tpu.memory_space<hbm>>
      %dma_wait3A_143 = arith.constant 0 : i32
      %dma_wait3A_144 = tpu.memref_slice %arg3[%mul3A_140, %dma_wait3A_143] : memref<327680x128xf32, #tpu.memory_space<hbm>> -> memref<128x128xf32, #tpu.memory_space<hbm>>
      tpu.wait_dma2 semaphore(%arg12 : memref<!tpu.dma_semaphore, #tpu.memory_space<semaphore_mem>>) src(%dma_wait3A_144 : memref<128x128xf32, #tpu.memory_space<hbm>>) dst(%arg9 : memref<128x128xf32, #tpu.memory_space<vmem>>)
      %scan3A_145 = arith.constant 0 : i32
      %scan3A_146 = arith.constant 0 : i32
      %scan3A_147 = arith.constant 64 : i32
      %scan3A_148 = arith.addi %scan3A_146, %scan3A_147 : i32
      %scan3A_149 = arith.constant 1 : i32
      scf.for %scan3A_530 = %scan3A_146 to %scan3A_148 step %scan3A_149  : i32 {
        %mul3A_531 = arith.constant 2 : i32
        %mul3A_532 = arith.muli %mul3A_531, %scan3A_530 : i32
        %add3A_533 = arith.constant 0 : i32
        %add3A_534 = arith.addi %mul3A_532, %add3A_533 : i32
        %get3A = arith.index_cast %add3A_534 : i32 to index
        %get3A_535 = arith.constant 0 : index
        %get3A_536 = tpu.vector_load %arg10[%get3A, %get3A_535] {strides = array<i32>} : memref<128x128xf32, #tpu.memory_space<vmem>>, vector<1x16xf32>,
        %get3A_537 = vector.shape_cast %get3A_536 : vector<1x16xf32> to vector<16xf32>
        %mul3A_538 = arith.constant 2 : i32
        %mul3A_539 = arith.muli %mul3A_538, %scan3A_530 : i32
        %add3A_540 = arith.constant 0 : i32
        %add3A_541 = arith.addi %mul3A_539, %add3A_540 : i32
        %get3A_542 = arith.index_cast %add3A_541 : i32 to index
        %get3A_543 = arith.constant 0 : index
        %get3A_544 = tpu.vector_load %arg9[%get3A_542, %get3A_543] {strides = array<i32>} : memref<128x128xf32, #tpu.memory_space<vmem>>, vector<1x16xf32>,
        %get3A_545 = vector.shape_cast %get3A_544 : vector<1x16xf32> to vector<16xf32>
        %add3A_546 = arith.addf %get3A_537, %get3A_545 : vector<16xf32>
        %max3A = arith.constant 0.000000e+00 : f32
        %max3A_547 = vector.broadcast %max3A : f32 to vector<16xf32>
        %max3A_548 = arith.maximumf %add3A_546, %max3A_547 : vector<16xf32>
        %mul3A_549 = arith.constant 2 : i32
        %mul3A_550 = arith.muli %mul3A_549, %scan3A_530 : i32
        %add3A_551 = arith.constant 0 : i32
        %add3A_552 = arith.addi %mul3A_550, %add3A_551 : i32
        %swap3A = arith.index_cast %add3A_552 : i32 to index
        %swap3A_553 = arith.constant 0 : index
        %swap3A_554 = tpu.vector_load %arg9[%swap3A, %swap3A_553] {strides = array<i32>} : memref<128x128xf32, #tpu.memory_space<vmem>>, vector<1x16xf32>,
        %swap3A_555 = vector.shape_cast %swap3A_554 : vector<1x16xf32> to vector<16xf32>
        %swap3A_556 = vector.shape_cast %max3A_548 : vector<16xf32> to vector<1x16xf32>
        tpu.vector_store %arg9[%swap3A, %swap3A_553], %swap3A_556 {strides = array<i32>} : memref<128x128xf32, #tpu.memory_space<vmem>>, vector<1x16xf32>,
        %mul3A_557 = arith.constant 2 : i32
        %mul3A_558 = arith.muli %mul3A_557, %scan3A_530 : i32
        %add3A_559 = arith.constant 0 : i32
        %add3A_560 = arith.addi %mul3A_558, %add3A_559 : i32
        %get3A_561 = arith.index_cast %add3A_560 : i32 to index
        %get3A_562 = arith.constant 16 : index
        %get3A_563 = tpu.vector_load %arg10[%get3A_561, %get3A_562] {strides = array<i32>} : memref<128x128xf32, #tpu.memory_space<vmem>>, vector<1x16xf32>,
        %get3A_564 = vector.shape_cast %get3A_563 : vector<1x16xf32> to vector<16xf32>
        %mul3A_565 = arith.constant 2 : i32
        %mul3A_566 = arith.muli %mul3A_565, %scan3A_530 : i32
        %add3A_567 = arith.constant 0 : i32
        %add3A_568 = arith.addi %mul3A_566, %add3A_567 : i32
        %get3A_569 = arith.index_cast %add3A_568 : i32 to index
        %get3A_570 = arith.constant 16 : index
        %get3A_571 = tpu.vector_load %arg9[%get3A_569, %get3A_570] {strides = array<i32>} : memref<128x128xf32, #tpu.memory_space<vmem>>, vector<1x16xf32>,
        %get3A_572 = vector.shape_cast %get3A_571 : vector<1x16xf32> to vector<16xf32>
        %add3A_573 = arith.addf %get3A_564, %get3A_572 : vector<16xf32>
        %max3A_574 = arith.constant 0.000000e+00 : f32
        %max3A_575 = vector.broadcast %max3A_574 : f32 to vector<16xf32>
        %max3A_576 = arith.maximumf %add3A_573, %max3A_575 : vector<16xf32>
        %mul3A_577 = arith.constant 2 : i32
        %mul3A_578 = arith.muli %mul3A_577, %scan3A_530 : i32
        %add3A_579 = arith.constant 0 : i32
        %add3A_580 = arith.addi %mul3A_578, %add3A_579 : i32
        %swap3A_581 = arith.index_cast %add3A_580 : i32 to index
        %swap3A_582 = arith.constant 16 : index
        %swap3A_583 = tpu.vector_load %arg9[%swap3A_581, %swap3A_582] {strides = array<i32>} : memref<128x128xf32, #tpu.memory_space<vmem>>, vector<1x16xf32>,
        %swap3A_584 = vector.shape_cast %swap3A_583 : vector<1x16xf32> to vector<16xf32>
        %swap3A_585 = vector.shape_cast %max3A_576 : vector<16xf32> to vector<1x16xf32>
        tpu.vector_store %arg9[%swap3A_581, %swap3A_582], %swap3A_585 {strides = array<i32>} : memref<128x128xf32, #tpu.memory_space<vmem>>, vector<1x16xf32>,
        %mul3A_586 = arith.constant 2 : i32
        %mul3A_587 = arith.muli %mul3A_586, %scan3A_530 : i32
        %add3A_588 = arith.constant 0 : i32
        %add3A_589 = arith.addi %mul3A_587, %add3A_588 : i32
        %get3A_590 = arith.index_cast %add3A_589 : i32 to index
        %get3A_591 = arith.constant 32 : index
        %get3A_592 = tpu.vector_load %arg10[%get3A_590, %get3A_591] {strides = array<i32>} : memref<128x128xf32, #tpu.memory_space<vmem>>, vector<1x16xf32>,
        %get3A_593 = vector.shape_cast %get3A_592 : vector<1x16xf32> to vector<16xf32>
        %mul3A_594 = arith.constant 2 : i32
        %mul3A_595 = arith.muli %mul3A_594, %scan3A_530 : i32
        %add3A_596 = arith.constant 0 : i32
        %add3A_597 = arith.addi %mul3A_595, %add3A_596 : i32
        %get3A_598 = arith.index_cast %add3A_597 : i32 to index
        %get3A_599 = arith.constant 32 : index
        %get3A_600 = tpu.vector_load %arg9[%get3A_598, %get3A_599] {strides = array<i32>} : memref<128x128xf32, #tpu.memory_space<vmem>>, vector<1x16xf32>,
        %get3A_601 = vector.shape_cast %get3A_600 : vector<1x16xf32> to vector<16xf32>
        %add3A_602 = arith.addf %get3A_593, %get3A_601 : vector<16xf32>
        %max3A_603 = arith.constant 0.000000e+00 : f32
        %max3A_604 = vector.broadcast %max3A_603 : f32 to vector<16xf32>
        %max3A_605 = arith.maximumf %add3A_602, %max3A_604 : vector<16xf32>
        %mul3A_606 = arith.constant 2 : i32
        %mul3A_607 = arith.muli %mul3A_606, %scan3A_530 : i32
        %add3A_608 = arith.constant 0 : i32
        %add3A_609 = arith.addi %mul3A_607, %add3A_608 : i32
        %swap3A_610 = arith.index_cast %add3A_609 : i32 to index
        %swap3A_611 = arith.constant 32 : index
        %swap3A_612 = tpu.vector_load %arg9[%swap3A_610, %swap3A_611] {strides = array<i32>} : memref<128x128xf32, #tpu.memory_space<vmem>>, vector<1x16xf32>,
        %swap3A_613 = vector.shape_cast %swap3A_612 : vector<1x16xf32> to vector<16xf32>
        %swap3A_614 = vector.shape_cast %max3A_605 : vector<16xf32> to vector<1x16xf32>
        tpu.vector_store %arg9[%swap3A_610, %swap3A_611], %swap3A_614 {strides = array<i32>} : memref<128x128xf32, #tpu.memory_space<vmem>>, vector<1x16xf32>,
        %mul3A_615 = arith.constant 2 : i32
        %mul3A_616 = arith.muli %mul3A_615, %scan3A_530 : i32
        %add3A_617 = arith.constant 0 : i32
        %add3A_618 = arith.addi %mul3A_616, %add3A_617 : i32
        %get3A_619 = arith.index_cast %add3A_618 : i32 to index
        %get3A_620 = arith.constant 48 : index
        %get3A_621 = tpu.vector_load %arg10[%get3A_619, %get3A_620] {strides = array<i32>} : memref<128x128xf32, #tpu.memory_space<vmem>>, vector<1x16xf32>,
        %get3A_622 = vector.shape_cast %get3A_621 : vector<1x16xf32> to vector<16xf32>
        %mul3A_623 = arith.constant 2 : i32
        %mul3A_624 = arith.muli %mul3A_623, %scan3A_530 : i32
        %add3A_625 = arith.constant 0 : i32
        %add3A_626 = arith.addi %mul3A_624, %add3A_625 : i32
        %get3A_627 = arith.index_cast %add3A_626 : i32 to index
        %get3A_628 = arith.constant 48 : index
        %get3A_629 = tpu.vector_load %arg9[%get3A_627, %get3A_628] {strides = array<i32>} : memref<128x128xf32, #tpu.memory_space<vmem>>, vector<1x16xf32>,
        %get3A_630 = vector.shape_cast %get3A_629 : vector<1x16xf32> to vector<16xf32>
        %add3A_631 = arith.addf %get3A_622, %get3A_630 : vector<16xf32>
        %max3A_632 = arith.constant 0.000000e+00 : f32
        %max3A_633 = vector.broadcast %max3A_632 : f32 to vector<16xf32>
        %max3A_634 = arith.maximumf %add3A_631, %max3A_633 : vector<16xf32>
        %mul3A_635 = arith.constant 2 : i32
        %mul3A_636 = arith.muli %mul3A_635, %scan3A_530 : i32
        %add3A_637 = arith.constant 0 : i32
        %add3A_638 = arith.addi %mul3A_636, %add3A_637 : i32
        %swap3A_639 = arith.index_cast %add3A_638 : i32 to index
        %swap3A_640 = arith.constant 48 : index
        %swap3A_641 = tpu.vector_load %arg9[%swap3A_639, %swap3A_640] {strides = array<i32>} : memref<128x128xf32, #tpu.memory_space<vmem>>, vector<1x16xf32>,
        %swap3A_642 = vector.shape_cast %swap3A_641 : vector<1x16xf32> to vector<16xf32>
        %swap3A_643 = vector.shape_cast %max3A_634 : vector<16xf32> to vector<1x16xf32>
        tpu.vector_store %arg9[%swap3A_639, %swap3A_640], %swap3A_643 {strides = array<i32>} : memref<128x128xf32, #tpu.memory_space<vmem>>, vector<1x16xf32>,
        %mul3A_644 = arith.constant 2 : i32
        %mul3A_645 = arith.muli %mul3A_644, %scan3A_530 : i32
        %add3A_646 = arith.constant 0 : i32
        %add3A_647 = arith.addi %mul3A_645, %add3A_646 : i32
        %get3A_648 = arith.index_cast %add3A_647 : i32 to index
        %get3A_649 = arith.constant 64 : index
        %get3A_650 = tpu.vector_load %arg10[%get3A_648, %get3A_649] {strides = array<i32>} : memref<128x128xf32, #tpu.memory_space<vmem>>, vector<1x16xf32>,
        %get3A_651 = vector.shape_cast %get3A_650 : vector<1x16xf32> to vector<16xf32>
        %mul3A_652 = arith.constant 2 : i32
        %mul3A_653 = arith.muli %mul3A_652, %scan3A_530 : i32
        %add3A_654 = arith.constant 0 : i32
        %add3A_655 = arith.addi %mul3A_653, %add3A_654 : i32
        %get3A_656 = arith.index_cast %add3A_655 : i32 to index
        %get3A_657 = arith.constant 64 : index
        %get3A_658 = tpu.vector_load %arg9[%get3A_656, %get3A_657] {strides = array<i32>} : memref<128x128xf32, #tpu.memory_space<vmem>>, vector<1x16xf32>,
        %get3A_659 = vector.shape_cast %get3A_658 : vector<1x16xf32> to vector<16xf32>
        %add3A_660 = arith.addf %get3A_651, %get3A_659 : vector<16xf32>
        %max3A_661 = arith.constant 0.000000e+00 : f32
        %max3A_662 = vector.broadcast %max3A_661 : f32 to vector<16xf32>
        %max3A_663 = arith.maximumf %add3A_660, %max3A_662 : vector<16xf32>
        %mul3A_664 = arith.constant 2 : i32
        %mul3A_665 = arith.muli %mul3A_664, %scan3A_530 : i32
        %add3A_666 = arith.constant 0 : i32
        %add3A_667 = arith.addi %mul3A_665, %add3A_666 : i32
        %swap3A_668 = arith.index_cast %add3A_667 : i32 to index
        %swap3A_669 = arith.constant 64 : index
        %swap3A_670 = tpu.vector_load %arg9[%swap3A_668, %swap3A_669] {strides = array<i32>} : memref<128x128xf32, #tpu.memory_space<vmem>>, vector<1x16xf32>,
        %swap3A_671 = vector.shape_cast %swap3A_670 : vector<1x16xf32> to vector<16xf32>
        %swap3A_672 = vector.shape_cast %max3A_663 : vector<16xf32> to vector<1x16xf32>
        tpu.vector_store %arg9[%swap3A_668, %swap3A_669], %swap3A_672 {strides = array<i32>} : memref<128x128xf32, #tpu.memory_space<vmem>>, vector<1x16xf32>,
        %mul3A_673 = arith.constant 2 : i32
        %mul3A_674 = arith.muli %mul3A_673, %scan3A_530 : i32
        %add3A_675 = arith.constant 0 : i32
        %add3A_676 = arith.addi %mul3A_674, %add3A_675 : i32
        %get3A_677 = arith.index_cast %add3A_676 : i32 to index
        %get3A_678 = arith.constant 80 : index
        %get3A_679 = tpu.vector_load %arg10[%get3A_677, %get3A_678] {strides = array<i32>} : memref<128x128xf32, #tpu.memory_space<vmem>>, vector<1x16xf32>,
        %get3A_680 = vector.shape_cast %get3A_679 : vector<1x16xf32> to vector<16xf32>
        %mul3A_681 = arith.constant 2 : i32
        %mul3A_682 = arith.muli %mul3A_681, %scan3A_530 : i32
        %add3A_683 = arith.constant 0 : i32
        %add3A_684 = arith.addi %mul3A_682, %add3A_683 : i32
        %get3A_685 = arith.index_cast %add3A_684 : i32 to index
        %get3A_686 = arith.constant 80 : index
        %get3A_687 = tpu.vector_load %arg9[%get3A_685, %get3A_686] {strides = array<i32>} : memref<128x128xf32, #tpu.memory_space<vmem>>, vector<1x16xf32>,
        %get3A_688 = vector.shape_cast %get3A_687 : vector<1x16xf32> to vector<16xf32>
        %add3A_689 = arith.addf %get3A_680, %get3A_688 : vector<16xf32>
        %max3A_690 = arith.constant 0.000000e+00 : f32
        %max3A_691 = vector.broadcast %max3A_690 : f32 to vector<16xf32>
        %max3A_692 = arith.maximumf %add3A_689, %max3A_691 : vector<16xf32>
        %mul3A_693 = arith.constant 2 : i32
        %mul3A_694 = arith.muli %mul3A_693, %scan3A_530 : i32
        %add3A_695 = arith.constant 0 : i32
        %add3A_696 = arith.addi %mul3A_694, %add3A_695 : i32
        %swap3A_697 = arith.index_cast %add3A_696 : i32 to index
        %swap3A_698 = arith.constant 80 : index
        %swap3A_699 = tpu.vector_load %arg9[%swap3A_697, %swap3A_698] {strides = array<i32>} : memref<128x128xf32, #tpu.memory_space<vmem>>, vector<1x16xf32>,
        %swap3A_700 = vector.shape_cast %swap3A_699 : vector<1x16xf32> to vector<16xf32>
        %swap3A_701 = vector.shape_cast %max3A_692 : vector<16xf32> to vector<1x16xf32>
        tpu.vector_store %arg9[%swap3A_697, %swap3A_698], %swap3A_701 {strides = array<i32>} : memref<128x128xf32, #tpu.memory_space<vmem>>, vector<1x16xf32>,
        %mul3A_702 = arith.constant 2 : i32
        %mul3A_703 = arith.muli %mul3A_702, %scan3A_530 : i32
        %add3A_704 = arith.constant 0 : i32
        %add3A_705 = arith.addi %mul3A_703, %add3A_704 : i32
        %get3A_706 = arith.index_cast %add3A_705 : i32 to index
        %get3A_707 = arith.constant 96 : index
        %get3A_708 = tpu.vector_load %arg10[%get3A_706, %get3A_707] {strides = array<i32>} : memref<128x128xf32, #tpu.memory_space<vmem>>, vector<1x16xf32>,
        %get3A_709 = vector.shape_cast %get3A_708 : vector<1x16xf32> to vector<16xf32>
        %mul3A_710 = arith.constant 2 : i32
        %mul3A_711 = arith.muli %mul3A_710, %scan3A_530 : i32
        %add3A_712 = arith.constant 0 : i32
        %add3A_713 = arith.addi %mul3A_711, %add3A_712 : i32
        %get3A_714 = arith.index_cast %add3A_713 : i32 to index
        %get3A_715 = arith.constant 96 : index
        %get3A_716 = tpu.vector_load %arg9[%get3A_714, %get3A_715] {strides = array<i32>} : memref<128x128xf32, #tpu.memory_space<vmem>>, vector<1x16xf32>,
        %get3A_717 = vector.shape_cast %get3A_716 : vector<1x16xf32> to vector<16xf32>
        %add3A_718 = arith.addf %get3A_709, %get3A_717 : vector<16xf32>
        %max3A_719 = arith.constant 0.000000e+00 : f32
        %max3A_720 = vector.broadcast %max3A_719 : f32 to vector<16xf32>
        %max3A_721 = arith.maximumf %add3A_718, %max3A_720 : vector<16xf32>
        %mul3A_722 = arith.constant 2 : i32
        %mul3A_723 = arith.muli %mul3A_722, %scan3A_530 : i32
        %add3A_724 = arith.constant 0 : i32
        %add3A_725 = arith.addi %mul3A_723, %add3A_724 : i32
        %swap3A_726 = arith.index_cast %add3A_725 : i32 to index
        %swap3A_727 = arith.constant 96 : index
        %swap3A_728 = tpu.vector_load %arg9[%swap3A_726, %swap3A_727] {strides = array<i32>} : memref<128x128xf32, #tpu.memory_space<vmem>>, vector<1x16xf32>,
        %swap3A_729 = vector.shape_cast %swap3A_728 : vector<1x16xf32> to vector<16xf32>
        %swap3A_730 = vector.shape_cast %max3A_721 : vector<16xf32> to vector<1x16xf32>
        tpu.vector_store %arg9[%swap3A_726, %swap3A_727], %swap3A_730 {strides = array<i32>} : memref<128x128xf32, #tpu.memory_space<vmem>>, vector<1x16xf32>,
        %mul3A_731 = arith.constant 2 : i32
        %mul3A_732 = arith.muli %mul3A_731, %scan3A_530 : i32
        %add3A_733 = arith.constant 0 : i32
        %add3A_734 = arith.addi %mul3A_732, %add3A_733 : i32
        %get3A_735 = arith.index_cast %add3A_734 : i32 to index
        %get3A_736 = arith.constant 112 : index
        %get3A_737 = tpu.vector_load %arg10[%get3A_735, %get3A_736] {strides = array<i32>} : memref<128x128xf32, #tpu.memory_space<vmem>>, vector<1x16xf32>,
        %get3A_738 = vector.shape_cast %get3A_737 : vector<1x16xf32> to vector<16xf32>
        %mul3A_739 = arith.constant 2 : i32
        %mul3A_740 = arith.muli %mul3A_739, %scan3A_530 : i32
        %add3A_741 = arith.constant 0 : i32
        %add3A_742 = arith.addi %mul3A_740, %add3A_741 : i32
        %get3A_743 = arith.index_cast %add3A_742 : i32 to index
        %get3A_744 = arith.constant 112 : index
        %get3A_745 = tpu.vector_load %arg9[%get3A_743, %get3A_744] {strides = array<i32>} : memref<128x128xf32, #tpu.memory_space<vmem>>, vector<1x16xf32>,
        %get3A_746 = vector.shape_cast %get3A_745 : vector<1x16xf32> to vector<16xf32>
        %add3A_747 = arith.addf %get3A_738, %get3A_746 : vector<16xf32>
        %max3A_748 = arith.constant 0.000000e+00 : f32
        %max3A_749 = vector.broadcast %max3A_748 : f32 to vector<16xf32>
        %max3A_750 = arith.maximumf %add3A_747, %max3A_749 : vector<16xf32>
        %mul3A_751 = arith.constant 2 : i32
        %mul3A_752 = arith.muli %mul3A_751, %scan3A_530 : i32
        %add3A_753 = arith.constant 0 : i32
        %add3A_754 = arith.addi %mul3A_752, %add3A_753 : i32
        %swap3A_755 = arith.index_cast %add3A_754 : i32 to index
        %swap3A_756 = arith.constant 112 : index
        %swap3A_757 = tpu.vector_load %arg9[%swap3A_755, %swap3A_756] {strides = array<i32>} : memref<128x128xf32, #tpu.memory_space<vmem>>, vector<1x16xf32>,
        %swap3A_758 = vector.shape_cast %swap3A_757 : vector<1x16xf32> to vector<16xf32>
        %swap3A_759 = vector.shape_cast %max3A_750 : vector<16xf32> to vector<1x16xf32>
        tpu.vector_store %arg9[%swap3A_755, %swap3A_756], %swap3A_759 {strides = array<i32>} : memref<128x128xf32, #tpu.memory_space<vmem>>, vector<1x16xf32>,
        %mul3A_760 = arith.constant 2 : i32
        %mul3A_761 = arith.muli %mul3A_760, %scan3A_530 : i32
        %add3A_762 = arith.constant 1 : i32
        %add3A_763 = arith.addi %mul3A_761, %add3A_762 : i32
        %get3A_764 = arith.index_cast %add3A_763 : i32 to index
        %get3A_765 = arith.constant 0 : index
        %get3A_766 = tpu.vector_load %arg10[%get3A_764, %get3A_765] {strides = array<i32>} : memref<128x128xf32, #tpu.memory_space<vmem>>, vector<1x16xf32>,
        %get3A_767 = vector.shape_cast %get3A_766 : vector<1x16xf32> to vector<16xf32>
        %mul3A_768 = arith.constant 2 : i32
        %mul3A_769 = arith.muli %mul3A_768, %scan3A_530 : i32
        %add3A_770 = arith.constant 1 : i32
        %add3A_771 = arith.addi %mul3A_769, %add3A_770 : i32
        %get3A_772 = arith.index_cast %add3A_771 : i32 to index
        %get3A_773 = arith.constant 0 : index
        %get3A_774 = tpu.vector_load %arg9[%get3A_772, %get3A_773] {strides = array<i32>} : memref<128x128xf32, #tpu.memory_space<vmem>>, vector<1x16xf32>,
        %get3A_775 = vector.shape_cast %get3A_774 : vector<1x16xf32> to vector<16xf32>
        %add3A_776 = arith.addf %get3A_767, %get3A_775 : vector<16xf32>
        %max3A_777 = arith.constant 0.000000e+00 : f32
        %max3A_778 = vector.broadcast %max3A_777 : f32 to vector<16xf32>
        %max3A_779 = arith.maximumf %add3A_776, %max3A_778 : vector<16xf32>
        %mul3A_780 = arith.constant 2 : i32
        %mul3A_781 = arith.muli %mul3A_780, %scan3A_530 : i32
        %add3A_782 = arith.constant 1 : i32
        %add3A_783 = arith.addi %mul3A_781, %add3A_782 : i32
        %swap3A_784 = arith.index_cast %add3A_783 : i32 to index
        %swap3A_785 = arith.constant 0 : index
        %swap3A_786 = tpu.vector_load %arg9[%swap3A_784, %swap3A_785] {strides = array<i32>} : memref<128x128xf32, #tpu.memory_space<vmem>>, vector<1x16xf32>,
        %swap3A_787 = vector.shape_cast %swap3A_786 : vector<1x16xf32> to vector<16xf32>
        %swap3A_788 = vector.shape_cast %max3A_779 : vector<16xf32> to vector<1x16xf32>
        tpu.vector_store %arg9[%swap3A_784, %swap3A_785], %swap3A_788 {strides = array<i32>} : memref<128x128xf32, #tpu.memory_space<vmem>>, vector<1x16xf32>,
        %mul3A_789 = arith.constant 2 : i32
        %mul3A_790 = arith.muli %mul3A_789, %scan3A_530 : i32
        %add3A_791 = arith.constant 1 : i32
        %add3A_792 = arith.addi %mul3A_790, %add3A_791 : i32
        %get3A_793 = arith.index_cast %add3A_792 : i32 to index
        %get3A_794 = arith.constant 16 : index
        %get3A_795 = tpu.vector_load %arg10[%get3A_793, %get3A_794] {strides = array<i32>} : memref<128x128xf32, #tpu.memory_space<vmem>>, vector<1x16xf32>,
        %get3A_796 = vector.shape_cast %get3A_795 : vector<1x16xf32> to vector<16xf32>
        %mul3A_797 = arith.constant 2 : i32
        %mul3A_798 = arith.muli %mul3A_797, %scan3A_530 : i32
        %add3A_799 = arith.constant 1 : i32
        %add3A_800 = arith.addi %mul3A_798, %add3A_799 : i32
        %get3A_801 = arith.index_cast %add3A_800 : i32 to index
        %get3A_802 = arith.constant 16 : index
        %get3A_803 = tpu.vector_load %arg9[%get3A_801, %get3A_802] {strides = array<i32>} : memref<128x128xf32, #tpu.memory_space<vmem>>, vector<1x16xf32>,
        %get3A_804 = vector.shape_cast %get3A_803 : vector<1x16xf32> to vector<16xf32>
        %add3A_805 = arith.addf %get3A_796, %get3A_804 : vector<16xf32>
        %max3A_806 = arith.constant 0.000000e+00 : f32
        %max3A_807 = vector.broadcast %max3A_806 : f32 to vector<16xf32>
        %max3A_808 = arith.maximumf %add3A_805, %max3A_807 : vector<16xf32>
        %mul3A_809 = arith.constant 2 : i32
        %mul3A_810 = arith.muli %mul3A_809, %scan3A_530 : i32
        %add3A_811 = arith.constant 1 : i32
        %add3A_812 = arith.addi %mul3A_810, %add3A_811 : i32
        %swap3A_813 = arith.index_cast %add3A_812 : i32 to index
        %swap3A_814 = arith.constant 16 : index
        %swap3A_815 = tpu.vector_load %arg9[%swap3A_813, %swap3A_814] {strides = array<i32>} : memref<128x128xf32, #tpu.memory_space<vmem>>, vector<1x16xf32>,
        %swap3A_816 = vector.shape_cast %swap3A_815 : vector<1x16xf32> to vector<16xf32>
        %swap3A_817 = vector.shape_cast %max3A_808 : vector<16xf32> to vector<1x16xf32>
        tpu.vector_store %arg9[%swap3A_813, %swap3A_814], %swap3A_817 {strides = array<i32>} : memref<128x128xf32, #tpu.memory_space<vmem>>, vector<1x16xf32>,
        %mul3A_818 = arith.constant 2 : i32
        %mul3A_819 = arith.muli %mul3A_818, %scan3A_530 : i32
        %add3A_820 = arith.constant 1 : i32
        %add3A_821 = arith.addi %mul3A_819, %add3A_820 : i32
        %get3A_822 = arith.index_cast %add3A_821 : i32 to index
        %get3A_823 = arith.constant 32 : index
        %get3A_824 = tpu.vector_load %arg10[%get3A_822, %get3A_823] {strides = array<i32>} : memref<128x128xf32, #tpu.memory_space<vmem>>, vector<1x16xf32>,
        %get3A_825 = vector.shape_cast %get3A_824 : vector<1x16xf32> to vector<16xf32>
        %mul3A_826 = arith.constant 2 : i32
        %mul3A_827 = arith.muli %mul3A_826, %scan3A_530 : i32
        %add3A_828 = arith.constant 1 : i32
        %add3A_829 = arith.addi %mul3A_827, %add3A_828 : i32
        %get3A_830 = arith.index_cast %add3A_829 : i32 to index
        %get3A_831 = arith.constant 32 : index
        %get3A_832 = tpu.vector_load %arg9[%get3A_830, %get3A_831] {strides = array<i32>} : memref<128x128xf32, #tpu.memory_space<vmem>>, vector<1x16xf32>,
        %get3A_833 = vector.shape_cast %get3A_832 : vector<1x16xf32> to vector<16xf32>
        %add3A_834 = arith.addf %get3A_825, %get3A_833 : vector<16xf32>
        %max3A_835 = arith.constant 0.000000e+00 : f32
        %max3A_836 = vector.broadcast %max3A_835 : f32 to vector<16xf32>
        %max3A_837 = arith.maximumf %add3A_834, %max3A_836 : vector<16xf32>
        %mul3A_838 = arith.constant 2 : i32
        %mul3A_839 = arith.muli %mul3A_838, %scan3A_530 : i32
        %add3A_840 = arith.constant 1 : i32
        %add3A_841 = arith.addi %mul3A_839, %add3A_840 : i32
        %swap3A_842 = arith.index_cast %add3A_841 : i32 to index
        %swap3A_843 = arith.constant 32 : index
        %swap3A_844 = tpu.vector_load %arg9[%swap3A_842, %swap3A_843] {strides = array<i32>} : memref<128x128xf32, #tpu.memory_space<vmem>>, vector<1x16xf32>,
        %swap3A_845 = vector.shape_cast %swap3A_844 : vector<1x16xf32> to vector<16xf32>
        %swap3A_846 = vector.shape_cast %max3A_837 : vector<16xf32> to vector<1x16xf32>
        tpu.vector_store %arg9[%swap3A_842, %swap3A_843], %swap3A_846 {strides = array<i32>} : memref<128x128xf32, #tpu.memory_space<vmem>>, vector<1x16xf32>,
        %mul3A_847 = arith.constant 2 : i32
        %mul3A_848 = arith.muli %mul3A_847, %scan3A_530 : i32
        %add3A_849 = arith.constant 1 : i32
        %add3A_850 = arith.addi %mul3A_848, %add3A_849 : i32
        %get3A_851 = arith.index_cast %add3A_850 : i32 to index
        %get3A_852 = arith.constant 48 : index
        %get3A_853 = tpu.vector_load %arg10[%get3A_851, %get3A_852] {strides = array<i32>} : memref<128x128xf32, #tpu.memory_space<vmem>>, vector<1x16xf32>,
        %get3A_854 = vector.shape_cast %get3A_853 : vector<1x16xf32> to vector<16xf32>
        %mul3A_855 = arith.constant 2 : i32
        %mul3A_856 = arith.muli %mul3A_855, %scan3A_530 : i32
        %add3A_857 = arith.constant 1 : i32
        %add3A_858 = arith.addi %mul3A_856, %add3A_857 : i32
        %get3A_859 = arith.index_cast %add3A_858 : i32 to index
        %get3A_860 = arith.constant 48 : index
        %get3A_861 = tpu.vector_load %arg9[%get3A_859, %get3A_860] {strides = array<i32>} : memref<128x128xf32, #tpu.memory_space<vmem>>, vector<1x16xf32>,
        %get3A_862 = vector.shape_cast %get3A_861 : vector<1x16xf32> to vector<16xf32>
        %add3A_863 = arith.addf %get3A_854, %get3A_862 : vector<16xf32>
        %max3A_864 = arith.constant 0.000000e+00 : f32
        %max3A_865 = vector.broadcast %max3A_864 : f32 to vector<16xf32>
        %max3A_866 = arith.maximumf %add3A_863, %max3A_865 : vector<16xf32>
        %mul3A_867 = arith.constant 2 : i32
        %mul3A_868 = arith.muli %mul3A_867, %scan3A_530 : i32
        %add3A_869 = arith.constant 1 : i32
        %add3A_870 = arith.addi %mul3A_868, %add3A_869 : i32
        %swap3A_871 = arith.index_cast %add3A_870 : i32 to index
        %swap3A_872 = arith.constant 48 : index
        %swap3A_873 = tpu.vector_load %arg9[%swap3A_871, %swap3A_872] {strides = array<i32>} : memref<128x128xf32, #tpu.memory_space<vmem>>, vector<1x16xf32>,
        %swap3A_874 = vector.shape_cast %swap3A_873 : vector<1x16xf32> to vector<16xf32>
        %swap3A_875 = vector.shape_cast %max3A_866 : vector<16xf32> to vector<1x16xf32>
        tpu.vector_store %arg9[%swap3A_871, %swap3A_872], %swap3A_875 {strides = array<i32>} : memref<128x128xf32, #tpu.memory_space<vmem>>, vector<1x16xf32>,
        %mul3A_876 = arith.constant 2 : i32
        %mul3A_877 = arith.muli %mul3A_876, %scan3A_530 : i32
        %add3A_878 = arith.constant 1 : i32
        %add3A_879 = arith.addi %mul3A_877, %add3A_878 : i32
        %get3A_880 = arith.index_cast %add3A_879 : i32 to index
        %get3A_881 = arith.constant 64 : index
        %get3A_882 = tpu.vector_load %arg10[%get3A_880, %get3A_881] {strides = array<i32>} : memref<128x128xf32, #tpu.memory_space<vmem>>, vector<1x16xf32>,
        %get3A_883 = vector.shape_cast %get3A_882 : vector<1x16xf32> to vector<16xf32>
        %mul3A_884 = arith.constant 2 : i32
        %mul3A_885 = arith.muli %mul3A_884, %scan3A_530 : i32
        %add3A_886 = arith.constant 1 : i32
        %add3A_887 = arith.addi %mul3A_885, %add3A_886 : i32
        %get3A_888 = arith.index_cast %add3A_887 : i32 to index
        %get3A_889 = arith.constant 64 : index
        %get3A_890 = tpu.vector_load %arg9[%get3A_888, %get3A_889] {strides = array<i32>} : memref<128x128xf32, #tpu.memory_space<vmem>>, vector<1x16xf32>,
        %get3A_891 = vector.shape_cast %get3A_890 : vector<1x16xf32> to vector<16xf32>
        %add3A_892 = arith.addf %get3A_883, %get3A_891 : vector<16xf32>
        %max3A_893 = arith.constant 0.000000e+00 : f32
        %max3A_894 = vector.broadcast %max3A_893 : f32 to vector<16xf32>
        %max3A_895 = arith.maximumf %add3A_892, %max3A_894 : vector<16xf32>
        %mul3A_896 = arith.constant 2 : i32
        %mul3A_897 = arith.muli %mul3A_896, %scan3A_530 : i32
        %add3A_898 = arith.constant 1 : i32
        %add3A_899 = arith.addi %mul3A_897, %add3A_898 : i32
        %swap3A_900 = arith.index_cast %add3A_899 : i32 to index
        %swap3A_901 = arith.constant 64 : index
        %swap3A_902 = tpu.vector_load %arg9[%swap3A_900, %swap3A_901] {strides = array<i32>} : memref<128x128xf32, #tpu.memory_space<vmem>>, vector<1x16xf32>,
        %swap3A_903 = vector.shape_cast %swap3A_902 : vector<1x16xf32> to vector<16xf32>
        %swap3A_904 = vector.shape_cast %max3A_895 : vector<16xf32> to vector<1x16xf32>
        tpu.vector_store %arg9[%swap3A_900, %swap3A_901], %swap3A_904 {strides = array<i32>} : memref<128x128xf32, #tpu.memory_space<vmem>>, vector<1x16xf32>,
        %mul3A_905 = arith.constant 2 : i32
        %mul3A_906 = arith.muli %mul3A_905, %scan3A_530 : i32
        %add3A_907 = arith.constant 1 : i32
        %add3A_908 = arith.addi %mul3A_906, %add3A_907 : i32
        %get3A_909 = arith.index_cast %add3A_908 : i32 to index
        %get3A_910 = arith.constant 80 : index
        %get3A_911 = tpu.vector_load %arg10[%get3A_909, %get3A_910] {strides = array<i32>} : memref<128x128xf32, #tpu.memory_space<vmem>>, vector<1x16xf32>,
        %get3A_912 = vector.shape_cast %get3A_911 : vector<1x16xf32> to vector<16xf32>
        %mul3A_913 = arith.constant 2 : i32
        %mul3A_914 = arith.muli %mul3A_913, %scan3A_530 : i32
        %add3A_915 = arith.constant 1 : i32
        %add3A_916 = arith.addi %mul3A_914, %add3A_915 : i32
        %get3A_917 = arith.index_cast %add3A_916 : i32 to index
        %get3A_918 = arith.constant 80 : index
        %get3A_919 = tpu.vector_load %arg9[%get3A_917, %get3A_918] {strides = array<i32>} : memref<128x128xf32, #tpu.memory_space<vmem>>, vector<1x16xf32>,
        %get3A_920 = vector.shape_cast %get3A_919 : vector<1x16xf32> to vector<16xf32>
        %add3A_921 = arith.addf %get3A_912, %get3A_920 : vector<16xf32>
        %max3A_922 = arith.constant 0.000000e+00 : f32
        %max3A_923 = vector.broadcast %max3A_922 : f32 to vector<16xf32>
        %max3A_924 = arith.maximumf %add3A_921, %max3A_923 : vector<16xf32>
        %mul3A_925 = arith.constant 2 : i32
        %mul3A_926 = arith.muli %mul3A_925, %scan3A_530 : i32
        %add3A_927 = arith.constant 1 : i32
        %add3A_928 = arith.addi %mul3A_926, %add3A_927 : i32
        %swap3A_929 = arith.index_cast %add3A_928 : i32 to index
        %swap3A_930 = arith.constant 80 : index
        %swap3A_931 = tpu.vector_load %arg9[%swap3A_929, %swap3A_930] {strides = array<i32>} : memref<128x128xf32, #tpu.memory_space<vmem>>, vector<1x16xf32>,
        %swap3A_932 = vector.shape_cast %swap3A_931 : vector<1x16xf32> to vector<16xf32>
        %swap3A_933 = vector.shape_cast %max3A_924 : vector<16xf32> to vector<1x16xf32>
        tpu.vector_store %arg9[%swap3A_929, %swap3A_930], %swap3A_933 {strides = array<i32>} : memref<128x128xf32, #tpu.memory_space<vmem>>, vector<1x16xf32>,
        %mul3A_934 = arith.constant 2 : i32
        %mul3A_935 = arith.muli %mul3A_934, %scan3A_530 : i32
        %add3A_936 = arith.constant 1 : i32
        %add3A_937 = arith.addi %mul3A_935, %add3A_936 : i32
        %get3A_938 = arith.index_cast %add3A_937 : i32 to index
        %get3A_939 = arith.constant 96 : index
        %get3A_940 = tpu.vector_load %arg10[%get3A_938, %get3A_939] {strides = array<i32>} : memref<128x128xf32, #tpu.memory_space<vmem>>, vector<1x16xf32>,
        %get3A_941 = vector.shape_cast %get3A_940 : vector<1x16xf32> to vector<16xf32>
        %mul3A_942 = arith.constant 2 : i32
        %mul3A_943 = arith.muli %mul3A_942, %scan3A_530 : i32
        %add3A_944 = arith.constant 1 : i32
        %add3A_945 = arith.addi %mul3A_943, %add3A_944 : i32
        %get3A_946 = arith.index_cast %add3A_945 : i32 to index
        %get3A_947 = arith.constant 96 : index
        %get3A_948 = tpu.vector_load %arg9[%get3A_946, %get3A_947] {strides = array<i32>} : memref<128x128xf32, #tpu.memory_space<vmem>>, vector<1x16xf32>,
        %get3A_949 = vector.shape_cast %get3A_948 : vector<1x16xf32> to vector<16xf32>
        %add3A_950 = arith.addf %get3A_941, %get3A_949 : vector<16xf32>
        %max3A_951 = arith.constant 0.000000e+00 : f32
        %max3A_952 = vector.broadcast %max3A_951 : f32 to vector<16xf32>
        %max3A_953 = arith.maximumf %add3A_950, %max3A_952 : vector<16xf32>
        %mul3A_954 = arith.constant 2 : i32
        %mul3A_955 = arith.muli %mul3A_954, %scan3A_530 : i32
        %add3A_956 = arith.constant 1 : i32
        %add3A_957 = arith.addi %mul3A_955, %add3A_956 : i32
        %swap3A_958 = arith.index_cast %add3A_957 : i32 to index
        %swap3A_959 = arith.constant 96 : index
        %swap3A_960 = tpu.vector_load %arg9[%swap3A_958, %swap3A_959] {strides = array<i32>} : memref<128x128xf32, #tpu.memory_space<vmem>>, vector<1x16xf32>,
        %swap3A_961 = vector.shape_cast %swap3A_960 : vector<1x16xf32> to vector<16xf32>
        %swap3A_962 = vector.shape_cast %max3A_953 : vector<16xf32> to vector<1x16xf32>
        tpu.vector_store %arg9[%swap3A_958, %swap3A_959], %swap3A_962 {strides = array<i32>} : memref<128x128xf32, #tpu.memory_space<vmem>>, vector<1x16xf32>,
        %mul3A_963 = arith.constant 2 : i32
        %mul3A_964 = arith.muli %mul3A_963, %scan3A_530 : i32
        %add3A_965 = arith.constant 1 : i32
        %add3A_966 = arith.addi %mul3A_964, %add3A_965 : i32
        %get3A_967 = arith.index_cast %add3A_966 : i32 to index
        %get3A_968 = arith.constant 112 : index
        %get3A_969 = tpu.vector_load %arg10[%get3A_967, %get3A_968] {strides = array<i32>} : memref<128x128xf32, #tpu.memory_space<vmem>>, vector<1x16xf32>,
        %get3A_970 = vector.shape_cast %get3A_969 : vector<1x16xf32> to vector<16xf32>
        %mul3A_971 = arith.constant 2 : i32
        %mul3A_972 = arith.muli %mul3A_971, %scan3A_530 : i32
        %add3A_973 = arith.constant 1 : i32
        %add3A_974 = arith.addi %mul3A_972, %add3A_973 : i32
        %get3A_975 = arith.index_cast %add3A_974 : i32 to index
        %get3A_976 = arith.constant 112 : index
        %get3A_977 = tpu.vector_load %arg9[%get3A_975, %get3A_976] {strides = array<i32>} : memref<128x128xf32, #tpu.memory_space<vmem>>, vector<1x16xf32>,
        %get3A_978 = vector.shape_cast %get3A_977 : vector<1x16xf32> to vector<16xf32>
        %add3A_979 = arith.addf %get3A_970, %get3A_978 : vector<16xf32>
        %max3A_980 = arith.constant 0.000000e+00 : f32
        %max3A_981 = vector.broadcast %max3A_980 : f32 to vector<16xf32>
        %max3A_982 = arith.maximumf %add3A_979, %max3A_981 : vector<16xf32>
        %mul3A_983 = arith.constant 2 : i32
        %mul3A_984 = arith.muli %mul3A_983, %scan3A_530 : i32
        %add3A_985 = arith.constant 1 : i32
        %add3A_986 = arith.addi %mul3A_984, %add3A_985 : i32
        %swap3A_987 = arith.index_cast %add3A_986 : i32 to index
        %swap3A_988 = arith.constant 112 : index
        %swap3A_989 = tpu.vector_load %arg9[%swap3A_987, %swap3A_988] {strides = array<i32>} : memref<128x128xf32, #tpu.memory_space<vmem>>, vector<1x16xf32>,
        %swap3A_990 = vector.shape_cast %swap3A_989 : vector<1x16xf32> to vector<16xf32>
        %swap3A_991 = vector.shape_cast %max3A_982 : vector<16xf32> to vector<1x16xf32>
        tpu.vector_store %arg9[%swap3A_987, %swap3A_988], %swap3A_991 {strides = array<i32>} : memref<128x128xf32, #tpu.memory_space<vmem>>, vector<1x16xf32>,
      }
      %scan3A_150 = arith.constant 64 : i32
      %dma_start3A_151 = arith.constant 1 : i32
      %dma_start3A_152 = arith.constant 0 : i32
      %dma_start3A_153 = tpu.memref_slice %arg8[%dma_start3A_151, %dma_start3A_152] : memref<8x128xi32, #tpu.memory_space<vmem>> -> memref<1x128xi32, #tpu.memory_space<vmem>>
      %dma_start3A_154 = tpu.memref_squeeze %dma_start3A_153 : memref<1x128xi32, #tpu.memory_space<vmem>> -> memref<128xi32, #tpu.memory_space<vmem>>
      %dma_start3A_155 = arith.constant 0 : i32
      %dma_start3A_156 = arith.constant 0 : i32
      %dma_start3A_157 = tpu.memref_slice %arg11[%dma_start3A_155, %dma_start3A_156] : memref<10000x128xf32, #tpu.memory_space<vmem_shared>> -> memref<10000x128xf32, #tpu.memory_space<vmem_shared>>
      tpu.enqueue_indirect_dma source(%arg9 : memref<128x128xf32, #tpu.memory_space<vmem>>) target(%dma_start3A_157 : memref<10000x128xf32, #tpu.memory_space<vmem_shared>>) offsets(%dma_start3A_154 : memref<128xi32, #tpu.memory_space<vmem>>) semaphore(%arg14 : memref<!tpu.dma_semaphore, #tpu.memory_space<semaphore_mem>>) {add = true}
      %dma_start3A_158 = arith.constant 2 : i32
      %dma_start3A_159 = arith.constant 0 : i32
      %dma_start3A_160 = tpu.memref_slice %arg7[%dma_start3A_158, %dma_start3A_159] : memref<8x128xi32, #tpu.memory_space<vmem>> -> memref<1x128xi32, #tpu.memory_space<vmem>>
      %dma_start3A_161 = tpu.memref_squeeze %dma_start3A_160 : memref<1x128xi32, #tpu.memory_space<vmem>> -> memref<128xi32, #tpu.memory_space<vmem>>
      %dma_start3A_162 = arith.constant 0 : i32
      %dma_start3A_163 = arith.constant 0 : i32
      %dma_start3A_164 = tpu.memref_slice %arg2[%dma_start3A_162, %dma_start3A_163] : memref<10000x128xf32, #tpu.memory_space<hbm>> -> memref<10000x128xf32, #tpu.memory_space<hbm>>
      tpu.enqueue_indirect_dma source(%dma_start3A_164 : memref<10000x128xf32, #tpu.memory_space<hbm>>) target(%arg10 : memref<128x128xf32, #tpu.memory_space<vmem>>) offsets(%dma_start3A_161 : memref<128xi32, #tpu.memory_space<vmem>>) semaphore(%arg13 : memref<!tpu.dma_semaphore, #tpu.memory_space<semaphore_mem>>)
      %dma_wait3A_165 = arith.constant 1 : i32
      %dma_wait3A_166 = arith.constant 0 : i32
      %dma_wait3A_167 = tpu.memref_slice %arg8[%dma_wait3A_165, %dma_wait3A_166] : memref<8x128xi32, #tpu.memory_space<vmem>> -> memref<1x128xi32, #tpu.memory_space<vmem>>
      %dma_wait3A_168 = tpu.memref_squeeze %dma_wait3A_167 : memref<1x128xi32, #tpu.memory_space<vmem>> -> memref<128xi32, #tpu.memory_space<vmem>>
      %dma_wait3A_169 = arith.constant 0 : i32
      %dma_wait3A_170 = arith.constant 0 : i32
      %dma_wait3A_171 = tpu.memref_slice %arg11[%dma_wait3A_169, %dma_wait3A_170] : memref<10000x128xf32, #tpu.memory_space<vmem_shared>> -> memref<10000x128xf32, #tpu.memory_space<vmem_shared>>
      tpu.wait_indirect_dma semaphore(%arg14 : memref<!tpu.dma_semaphore, #tpu.memory_space<semaphore_mem>>) src(%arg9 : memref<128x128xf32, #tpu.memory_space<vmem>>) dst(%dma_wait3A_171 : memref<10000x128xf32, #tpu.memory_space<vmem_shared>>)
      %mul3A_172 = arith.constant 8 : i32
      %mul3A_173 = arith.muli %scan3A_46, %mul3A_172 : i32
      %add3A_174 = arith.constant 1 : i32
      %add3A_175 = arith.addi %mul3A_173, %add3A_174 : i32
      %add3A_176 = arith.constant 1 : i32
      %add3A_177 = arith.addi %add3A_175, %add3A_176 : i32
      %mul3A_178 = arith.constant 80 : i32
      %mul3A_179 = arith.muli %add3A, %mul3A_178 : i32
      %add3A_180 = arith.addi %mul3A_179, %add3A_177 : i32
      %mul3A_181 = arith.constant 128 : i32
      %mul3A_182 = arith.muli %add3A_180, %mul3A_181 : i32
      %dma_start3A_183 = arith.constant 0 : i32
      %dma_start3A_184 = tpu.memref_slice %arg3[%mul3A_182, %dma_start3A_183] : memref<327680x128xf32, #tpu.memory_space<hbm>> -> memref<128x128xf32, #tpu.memory_space<hbm>>
      %dma_start3A_185 = arith.constant 0 : i32
      %dma_start3A_186 = tpu.memref_slice %arg3[%mul3A_182, %dma_start3A_185] : memref<327680x128xf32, #tpu.memory_space<hbm>> -> memref<128x128xf32, #tpu.memory_space<hbm>>
      tpu.enqueue_dma source(%dma_start3A_186 : memref<128x128xf32, #tpu.memory_space<hbm>>) target(%arg9 : memref<128x128xf32, #tpu.memory_space<vmem>>) target_semaphore(%arg12 : memref<!tpu.dma_semaphore, #tpu.memory_space<semaphore_mem>>)
      %dma_wait3A_187 = arith.constant 2 : i32
      %dma_wait3A_188 = arith.constant 0 : i32
      %dma_wait3A_189 = tpu.memref_slice %arg7[%dma_wait3A_187, %dma_wait3A_188] : memref<8x128xi32, #tpu.memory_space<vmem>> -> memref<1x128xi32, #tpu.memory_space<vmem>>
      %dma_wait3A_190 = tpu.memref_squeeze %dma_wait3A_189 : memref<1x128xi32, #tpu.memory_space<vmem>> -> memref<128xi32, #tpu.memory_space<vmem>>
      %dma_wait3A_191 = arith.constant 0 : i32
      %dma_wait3A_192 = arith.constant 0 : i32
      %dma_wait3A_193 = tpu.memref_slice %arg2[%dma_wait3A_191, %dma_wait3A_192] : memref<10000x128xf32, #tpu.memory_space<hbm>> -> memref<10000x128xf32, #tpu.memory_space<hbm>>
      tpu.wait_indirect_dma semaphore(%arg13 : memref<!tpu.dma_semaphore, #tpu.memory_space<semaphore_mem>>) src(%dma_wait3A_193 : memref<10000x128xf32, #tpu.memory_space<hbm>>) dst(%arg10 : memref<128x128xf32, #tpu.memory_space<vmem>>)
      %mul3A_194 = arith.constant 8 : i32
      %mul3A_195 = arith.muli %scan3A_46, %mul3A_194 : i32
      %add3A_196 = arith.constant 2 : i32
      %add3A_197 = arith.addi %mul3A_195, %add3A_196 : i32
      %mul3A_198 = arith.constant 80 : i32
      %mul3A_199 = arith.muli %add3A, %mul3A_198 : i32
      %add3A_200 = arith.addi %mul3A_199, %add3A_197 : i32
      %mul3A_201 = arith.constant 128 : i32
      %mul3A_202 = arith.muli %add3A_200, %mul3A_201 : i32
      %dma_wait3A_203 = arith.constant 0 : i32
      %dma_wait3A_204 = tpu.memref_slice %arg3[%mul3A_202, %dma_wait3A_203] : memref<327680x128xf32, #tpu.memory_space<hbm>> -> memref<128x128xf32, #tpu.memory_space<hbm>>
      %dma_wait3A_205 = arith.constant 0 : i32
      %dma_wait3A_206 = tpu.memref_slice %arg3[%mul3A_202, %dma_wait3A_205] : memref<327680x128xf32, #tpu.memory_space<hbm>> -> memref<128x128xf32, #tpu.memory_space<hbm>>
      tpu.wait_dma2 semaphore(%arg12 : memref<!tpu.dma_semaphore, #tpu.memory_space<semaphore_mem>>) src(%dma_wait3A_206 : memref<128x128xf32, #tpu.memory_space<hbm>>) dst(%arg9 : memref<128x128xf32, #tpu.memory_space<vmem>>)
      %scan3A_207 = arith.constant 0 : i32
      %scan3A_208 = arith.constant 0 : i32
      %scan3A_209 = arith.constant 64 : i32
      %scan3A_210 = arith.addi %scan3A_208, %scan3A_209 : i32
      %scan3A_211 = arith.constant 1 : i32
      scf.for %scan3A_530 = %scan3A_208 to %scan3A_210 step %scan3A_211  : i32 {
        %mul3A_531 = arith.constant 2 : i32
        %mul3A_532 = arith.muli %mul3A_531, %scan3A_530 : i32
        %add3A_533 = arith.constant 0 : i32
        %add3A_534 = arith.addi %mul3A_532, %add3A_533 : i32
        %get3A = arith.index_cast %add3A_534 : i32 to index
        %get3A_535 = arith.constant 0 : index
        %get3A_536 = tpu.vector_load %arg10[%get3A, %get3A_535] {strides = array<i32>} : memref<128x128xf32, #tpu.memory_space<vmem>>, vector<1x16xf32>,
        %get3A_537 = vector.shape_cast %get3A_536 : vector<1x16xf32> to vector<16xf32>
        %mul3A_538 = arith.constant 2 : i32
        %mul3A_539 = arith.muli %mul3A_538, %scan3A_530 : i32
        %add3A_540 = arith.constant 0 : i32
        %add3A_541 = arith.addi %mul3A_539, %add3A_540 : i32
        %get3A_542 = arith.index_cast %add3A_541 : i32 to index
        %get3A_543 = arith.constant 0 : index
        %get3A_544 = tpu.vector_load %arg9[%get3A_542, %get3A_543] {strides = array<i32>} : memref<128x128xf32, #tpu.memory_space<vmem>>, vector<1x16xf32>,
        %get3A_545 = vector.shape_cast %get3A_544 : vector<1x16xf32> to vector<16xf32>
        %add3A_546 = arith.addf %get3A_537, %get3A_545 : vector<16xf32>
        %max3A = arith.constant 0.000000e+00 : f32
        %max3A_547 = vector.broadcast %max3A : f32 to vector<16xf32>
        %max3A_548 = arith.maximumf %add3A_546, %max3A_547 : vector<16xf32>
        %mul3A_549 = arith.constant 2 : i32
        %mul3A_550 = arith.muli %mul3A_549, %scan3A_530 : i32
        %add3A_551 = arith.constant 0 : i32
        %add3A_552 = arith.addi %mul3A_550, %add3A_551 : i32
        %swap3A = arith.index_cast %add3A_552 : i32 to index
        %swap3A_553 = arith.constant 0 : index
        %swap3A_554 = tpu.vector_load %arg9[%swap3A, %swap3A_553] {strides = array<i32>} : memref<128x128xf32, #tpu.memory_space<vmem>>, vector<1x16xf32>,
        %swap3A_555 = vector.shape_cast %swap3A_554 : vector<1x16xf32> to vector<16xf32>
        %swap3A_556 = vector.shape_cast %max3A_548 : vector<16xf32> to vector<1x16xf32>
        tpu.vector_store %arg9[%swap3A, %swap3A_553], %swap3A_556 {strides = array<i32>} : memref<128x128xf32, #tpu.memory_space<vmem>>, vector<1x16xf32>,
        %mul3A_557 = arith.constant 2 : i32
        %mul3A_558 = arith.muli %mul3A_557, %scan3A_530 : i32
        %add3A_559 = arith.constant 0 : i32
        %add3A_560 = arith.addi %mul3A_558, %add3A_559 : i32
        %get3A_561 = arith.index_cast %add3A_560 : i32 to index
        %get3A_562 = arith.constant 16 : index
        %get3A_563 = tpu.vector_load %arg10[%get3A_561, %get3A_562] {strides = array<i32>} : memref<128x128xf32, #tpu.memory_space<vmem>>, vector<1x16xf32>,
        %get3A_564 = vector.shape_cast %get3A_563 : vector<1x16xf32> to vector<16xf32>
        %mul3A_565 = arith.constant 2 : i32
        %mul3A_566 = arith.muli %mul3A_565, %scan3A_530 : i32
        %add3A_567 = arith.constant 0 : i32
        %add3A_568 = arith.addi %mul3A_566, %add3A_567 : i32
        %get3A_569 = arith.index_cast %add3A_568 : i32 to index
        %get3A_570 = arith.constant 16 : index
        %get3A_571 = tpu.vector_load %arg9[%get3A_569, %get3A_570] {strides = array<i32>} : memref<128x128xf32, #tpu.memory_space<vmem>>, vector<1x16xf32>,
        %get3A_572 = vector.shape_cast %get3A_571 : vector<1x16xf32> to vector<16xf32>
        %add3A_573 = arith.addf %get3A_564, %get3A_572 : vector<16xf32>
        %max3A_574 = arith.constant 0.000000e+00 : f32
        %max3A_575 = vector.broadcast %max3A_574 : f32 to vector<16xf32>
        %max3A_576 = arith.maximumf %add3A_573, %max3A_575 : vector<16xf32>
        %mul3A_577 = arith.constant 2 : i32
        %mul3A_578 = arith.muli %mul3A_577, %scan3A_530 : i32
        %add3A_579 = arith.constant 0 : i32
        %add3A_580 = arith.addi %mul3A_578, %add3A_579 : i32
        %swap3A_581 = arith.index_cast %add3A_580 : i32 to index
        %swap3A_582 = arith.constant 16 : index
        %swap3A_583 = tpu.vector_load %arg9[%swap3A_581, %swap3A_582] {strides = array<i32>} : memref<128x128xf32, #tpu.memory_space<vmem>>, vector<1x16xf32>,
        %swap3A_584 = vector.shape_cast %swap3A_583 : vector<1x16xf32> to vector<16xf32>
        %swap3A_585 = vector.shape_cast %max3A_576 : vector<16xf32> to vector<1x16xf32>
        tpu.vector_store %arg9[%swap3A_581, %swap3A_582], %swap3A_585 {strides = array<i32>} : memref<128x128xf32, #tpu.memory_space<vmem>>, vector<1x16xf32>,
        %mul3A_586 = arith.constant 2 : i32
        %mul3A_587 = arith.muli %mul3A_586, %scan3A_530 : i32
        %add3A_588 = arith.constant 0 : i32
        %add3A_589 = arith.addi %mul3A_587, %add3A_588 : i32
        %get3A_590 = arith.index_cast %add3A_589 : i32 to index
        %get3A_591 = arith.constant 32 : index
        %get3A_592 = tpu.vector_load %arg10[%get3A_590, %get3A_591] {strides = array<i32>} : memref<128x128xf32, #tpu.memory_space<vmem>>, vector<1x16xf32>,
        %get3A_593 = vector.shape_cast %get3A_592 : vector<1x16xf32> to vector<16xf32>
        %mul3A_594 = arith.constant 2 : i32
        %mul3A_595 = arith.muli %mul3A_594, %scan3A_530 : i32
        %add3A_596 = arith.constant 0 : i32
        %add3A_597 = arith.addi %mul3A_595, %add3A_596 : i32
        %get3A_598 = arith.index_cast %add3A_597 : i32 to index
        %get3A_599 = arith.constant 32 : index
        %get3A_600 = tpu.vector_load %arg9[%get3A_598, %get3A_599] {strides = array<i32>} : memref<128x128xf32, #tpu.memory_space<vmem>>, vector<1x16xf32>,
        %get3A_601 = vector.shape_cast %get3A_600 : vector<1x16xf32> to vector<16xf32>
        %add3A_602 = arith.addf %get3A_593, %get3A_601 : vector<16xf32>
        %max3A_603 = arith.constant 0.000000e+00 : f32
        %max3A_604 = vector.broadcast %max3A_603 : f32 to vector<16xf32>
        %max3A_605 = arith.maximumf %add3A_602, %max3A_604 : vector<16xf32>
        %mul3A_606 = arith.constant 2 : i32
        %mul3A_607 = arith.muli %mul3A_606, %scan3A_530 : i32
        %add3A_608 = arith.constant 0 : i32
        %add3A_609 = arith.addi %mul3A_607, %add3A_608 : i32
        %swap3A_610 = arith.index_cast %add3A_609 : i32 to index
        %swap3A_611 = arith.constant 32 : index
        %swap3A_612 = tpu.vector_load %arg9[%swap3A_610, %swap3A_611] {strides = array<i32>} : memref<128x128xf32, #tpu.memory_space<vmem>>, vector<1x16xf32>,
        %swap3A_613 = vector.shape_cast %swap3A_612 : vector<1x16xf32> to vector<16xf32>
        %swap3A_614 = vector.shape_cast %max3A_605 : vector<16xf32> to vector<1x16xf32>
        tpu.vector_store %arg9[%swap3A_610, %swap3A_611], %swap3A_614 {strides = array<i32>} : memref<128x128xf32, #tpu.memory_space<vmem>>, vector<1x16xf32>,
        %mul3A_615 = arith.constant 2 : i32
        %mul3A_616 = arith.muli %mul3A_615, %scan3A_530 : i32
        %add3A_617 = arith.constant 0 : i32
        %add3A_618 = arith.addi %mul3A_616, %add3A_617 : i32
        %get3A_619 = arith.index_cast %add3A_618 : i32 to index
        %get3A_620 = arith.constant 48 : index
        %get3A_621 = tpu.vector_load %arg10[%get3A_619, %get3A_620] {strides = array<i32>} : memref<128x128xf32, #tpu.memory_space<vmem>>, vector<1x16xf32>,
        %get3A_622 = vector.shape_cast %get3A_621 : vector<1x16xf32> to vector<16xf32>
        %mul3A_623 = arith.constant 2 : i32
        %mul3A_624 = arith.muli %mul3A_623, %scan3A_530 : i32
        %add3A_625 = arith.constant 0 : i32
        %add3A_626 = arith.addi %mul3A_624, %add3A_625 : i32
        %get3A_627 = arith.index_cast %add3A_626 : i32 to index
        %get3A_628 = arith.constant 48 : index
        %get3A_629 = tpu.vector_load %arg9[%get3A_627, %get3A_628] {strides = array<i32>} : memref<128x128xf32, #tpu.memory_space<vmem>>, vector<1x16xf32>,
        %get3A_630 = vector.shape_cast %get3A_629 : vector<1x16xf32> to vector<16xf32>
        %add3A_631 = arith.addf %get3A_622, %get3A_630 : vector<16xf32>
        %max3A_632 = arith.constant 0.000000e+00 : f32
        %max3A_633 = vector.broadcast %max3A_632 : f32 to vector<16xf32>
        %max3A_634 = arith.maximumf %add3A_631, %max3A_633 : vector<16xf32>
        %mul3A_635 = arith.constant 2 : i32
        %mul3A_636 = arith.muli %mul3A_635, %scan3A_530 : i32
        %add3A_637 = arith.constant 0 : i32
        %add3A_638 = arith.addi %mul3A_636, %add3A_637 : i32
        %swap3A_639 = arith.index_cast %add3A_638 : i32 to index
        %swap3A_640 = arith.constant 48 : index
        %swap3A_641 = tpu.vector_load %arg9[%swap3A_639, %swap3A_640] {strides = array<i32>} : memref<128x128xf32, #tpu.memory_space<vmem>>, vector<1x16xf32>,
        %swap3A_642 = vector.shape_cast %swap3A_641 : vector<1x16xf32> to vector<16xf32>
        %swap3A_643 = vector.shape_cast %max3A_634 : vector<16xf32> to vector<1x16xf32>
        tpu.vector_store %arg9[%swap3A_639, %swap3A_640], %swap3A_643 {strides = array<i32>} : memref<128x128xf32, #tpu.memory_space<vmem>>, vector<1x16xf32>,
        %mul3A_644 = arith.constant 2 : i32
        %mul3A_645 = arith.muli %mul3A_644, %scan3A_530 : i32
        %add3A_646 = arith.constant 0 : i32
        %add3A_647 = arith.addi %mul3A_645, %add3A_646 : i32
        %get3A_648 = arith.index_cast %add3A_647 : i32 to index
        %get3A_649 = arith.constant 64 : index
        %get3A_650 = tpu.vector_load %arg10[%get3A_648, %get3A_649] {strides = array<i32>} : memref<128x128xf32, #tpu.memory_space<vmem>>, vector<1x16xf32>,
        %get3A_651 = vector.shape_cast %get3A_650 : vector<1x16xf32> to vector<16xf32>
        %mul3A_652 = arith.constant 2 : i32
        %mul3A_653 = arith.muli %mul3A_652, %scan3A_530 : i32
        %add3A_654 = arith.constant 0 : i32
        %add3A_655 = arith.addi %mul3A_653, %add3A_654 : i32
        %get3A_656 = arith.index_cast %add3A_655 : i32 to index
        %get3A_657 = arith.constant 64 : index
        %get3A_658 = tpu.vector_load %arg9[%get3A_656, %get3A_657] {strides = array<i32>} : memref<128x128xf32, #tpu.memory_space<vmem>>, vector<1x16xf32>,
        %get3A_659 = vector.shape_cast %get3A_658 : vector<1x16xf32> to vector<16xf32>
        %add3A_660 = arith.addf %get3A_651, %get3A_659 : vector<16xf32>
        %max3A_661 = arith.constant 0.000000e+00 : f32
        %max3A_662 = vector.broadcast %max3A_661 : f32 to vector<16xf32>
        %max3A_663 = arith.maximumf %add3A_660, %max3A_662 : vector<16xf32>
        %mul3A_664 = arith.constant 2 : i32
        %mul3A_665 = arith.muli %mul3A_664, %scan3A_530 : i32
        %add3A_666 = arith.constant 0 : i32
        %add3A_667 = arith.addi %mul3A_665, %add3A_666 : i32
        %swap3A_668 = arith.index_cast %add3A_667 : i32 to index
        %swap3A_669 = arith.constant 64 : index
        %swap3A_670 = tpu.vector_load %arg9[%swap3A_668, %swap3A_669] {strides = array<i32>} : memref<128x128xf32, #tpu.memory_space<vmem>>, vector<1x16xf32>,
        %swap3A_671 = vector.shape_cast %swap3A_670 : vector<1x16xf32> to vector<16xf32>
        %swap3A_672 = vector.shape_cast %max3A_663 : vector<16xf32> to vector<1x16xf32>
        tpu.vector_store %arg9[%swap3A_668, %swap3A_669], %swap3A_672 {strides = array<i32>} : memref<128x128xf32, #tpu.memory_space<vmem>>, vector<1x16xf32>,
        %mul3A_673 = arith.constant 2 : i32
        %mul3A_674 = arith.muli %mul3A_673, %scan3A_530 : i32
        %add3A_675 = arith.constant 0 : i32
        %add3A_676 = arith.addi %mul3A_674, %add3A_675 : i32
        %get3A_677 = arith.index_cast %add3A_676 : i32 to index
        %get3A_678 = arith.constant 80 : index
        %get3A_679 = tpu.vector_load %arg10[%get3A_677, %get3A_678] {strides = array<i32>} : memref<128x128xf32, #tpu.memory_space<vmem>>, vector<1x16xf32>,
        %get3A_680 = vector.shape_cast %get3A_679 : vector<1x16xf32> to vector<16xf32>
        %mul3A_681 = arith.constant 2 : i32
        %mul3A_682 = arith.muli %mul3A_681, %scan3A_530 : i32
        %add3A_683 = arith.constant 0 : i32
        %add3A_684 = arith.addi %mul3A_682, %add3A_683 : i32
        %get3A_685 = arith.index_cast %add3A_684 : i32 to index
        %get3A_686 = arith.constant 80 : index
        %get3A_687 = tpu.vector_load %arg9[%get3A_685, %get3A_686] {strides = array<i32>} : memref<128x128xf32, #tpu.memory_space<vmem>>, vector<1x16xf32>,
        %get3A_688 = vector.shape_cast %get3A_687 : vector<1x16xf32> to vector<16xf32>
        %add3A_689 = arith.addf %get3A_680, %get3A_688 : vector<16xf32>
        %max3A_690 = arith.constant 0.000000e+00 : f32
        %max3A_691 = vector.broadcast %max3A_690 : f32 to vector<16xf32>
        %max3A_692 = arith.maximumf %add3A_689, %max3A_691 : vector<16xf32>
        %mul3A_693 = arith.constant 2 : i32
        %mul3A_694 = arith.muli %mul3A_693, %scan3A_530 : i32
        %add3A_695 = arith.constant 0 : i32
        %add3A_696 = arith.addi %mul3A_694, %add3A_695 : i32
        %swap3A_697 = arith.index_cast %add3A_696 : i32 to index
        %swap3A_698 = arith.constant 80 : index
        %swap3A_699 = tpu.vector_load %arg9[%swap3A_697, %swap3A_698] {strides = array<i32>} : memref<128x128xf32, #tpu.memory_space<vmem>>, vector<1x16xf32>,
        %swap3A_700 = vector.shape_cast %swap3A_699 : vector<1x16xf32> to vector<16xf32>
        %swap3A_701 = vector.shape_cast %max3A_692 : vector<16xf32> to vector<1x16xf32>
        tpu.vector_store %arg9[%swap3A_697, %swap3A_698], %swap3A_701 {strides = array<i32>} : memref<128x128xf32, #tpu.memory_space<vmem>>, vector<1x16xf32>,
        %mul3A_702 = arith.constant 2 : i32
        %mul3A_703 = arith.muli %mul3A_702, %scan3A_530 : i32
        %add3A_704 = arith.constant 0 : i32
        %add3A_705 = arith.addi %mul3A_703, %add3A_704 : i32
        %get3A_706 = arith.index_cast %add3A_705 : i32 to index
        %get3A_707 = arith.constant 96 : index
        %get3A_708 = tpu.vector_load %arg10[%get3A_706, %get3A_707] {strides = array<i32>} : memref<128x128xf32, #tpu.memory_space<vmem>>, vector<1x16xf32>,
        %get3A_709 = vector.shape_cast %get3A_708 : vector<1x16xf32> to vector<16xf32>
        %mul3A_710 = arith.constant 2 : i32
        %mul3A_711 = arith.muli %mul3A_710, %scan3A_530 : i32
        %add3A_712 = arith.constant 0 : i32
        %add3A_713 = arith.addi %mul3A_711, %add3A_712 : i32
        %get3A_714 = arith.index_cast %add3A_713 : i32 to index
        %get3A_715 = arith.constant 96 : index
        %get3A_716 = tpu.vector_load %arg9[%get3A_714, %get3A_715] {strides = array<i32>} : memref<128x128xf32, #tpu.memory_space<vmem>>, vector<1x16xf32>,
        %get3A_717 = vector.shape_cast %get3A_716 : vector<1x16xf32> to vector<16xf32>
        %add3A_718 = arith.addf %get3A_709, %get3A_717 : vector<16xf32>
        %max3A_719 = arith.constant 0.000000e+00 : f32
        %max3A_720 = vector.broadcast %max3A_719 : f32 to vector<16xf32>
        %max3A_721 = arith.maximumf %add3A_718, %max3A_720 : vector<16xf32>
        %mul3A_722 = arith.constant 2 : i32
        %mul3A_723 = arith.muli %mul3A_722, %scan3A_530 : i32
        %add3A_724 = arith.constant 0 : i32
        %add3A_725 = arith.addi %mul3A_723, %add3A_724 : i32
        %swap3A_726 = arith.index_cast %add3A_725 : i32 to index
        %swap3A_727 = arith.constant 96 : index
        %swap3A_728 = tpu.vector_load %arg9[%swap3A_726, %swap3A_727] {strides = array<i32>} : memref<128x128xf32, #tpu.memory_space<vmem>>, vector<1x16xf32>,
        %swap3A_729 = vector.shape_cast %swap3A_728 : vector<1x16xf32> to vector<16xf32>
        %swap3A_730 = vector.shape_cast %max3A_721 : vector<16xf32> to vector<1x16xf32>
        tpu.vector_store %arg9[%swap3A_726, %swap3A_727], %swap3A_730 {strides = array<i32>} : memref<128x128xf32, #tpu.memory_space<vmem>>, vector<1x16xf32>,
        %mul3A_731 = arith.constant 2 : i32
        %mul3A_732 = arith.muli %mul3A_731, %scan3A_530 : i32
        %add3A_733 = arith.constant 0 : i32
        %add3A_734 = arith.addi %mul3A_732, %add3A_733 : i32
        %get3A_735 = arith.index_cast %add3A_734 : i32 to index
        %get3A_736 = arith.constant 112 : index
        %get3A_737 = tpu.vector_load %arg10[%get3A_735, %get3A_736] {strides = array<i32>} : memref<128x128xf32, #tpu.memory_space<vmem>>, vector<1x16xf32>,
        %get3A_738 = vector.shape_cast %get3A_737 : vector<1x16xf32> to vector<16xf32>
        %mul3A_739 = arith.constant 2 : i32
        %mul3A_740 = arith.muli %mul3A_739, %scan3A_530 : i32
        %add3A_741 = arith.constant 0 : i32
        %add3A_742 = arith.addi %mul3A_740, %add3A_741 : i32
        %get3A_743 = arith.index_cast %add3A_742 : i32 to index
        %get3A_744 = arith.constant 112 : index
        %get3A_745 = tpu.vector_load %arg9[%get3A_743, %get3A_744] {strides = array<i32>} : memref<128x128xf32, #tpu.memory_space<vmem>>, vector<1x16xf32>,
        %get3A_746 = vector.shape_cast %get3A_745 : vector<1x16xf32> to vector<16xf32>
        %add3A_747 = arith.addf %get3A_738, %get3A_746 : vector<16xf32>
        %max3A_748 = arith.constant 0.000000e+00 : f32
        %max3A_749 = vector.broadcast %max3A_748 : f32 to vector<16xf32>
        %max3A_750 = arith.maximumf %add3A_747, %max3A_749 : vector<16xf32>
        %mul3A_751 = arith.constant 2 : i32
        %mul3A_752 = arith.muli %mul3A_751, %scan3A_530 : i32
        %add3A_753 = arith.constant 0 : i32
        %add3A_754 = arith.addi %mul3A_752, %add3A_753 : i32
        %swap3A_755 = arith.index_cast %add3A_754 : i32 to index
        %swap3A_756 = arith.constant 112 : index
        %swap3A_757 = tpu.vector_load %arg9[%swap3A_755, %swap3A_756] {strides = array<i32>} : memref<128x128xf32, #tpu.memory_space<vmem>>, vector<1x16xf32>,
        %swap3A_758 = vector.shape_cast %swap3A_757 : vector<1x16xf32> to vector<16xf32>
        %swap3A_759 = vector.shape_cast %max3A_750 : vector<16xf32> to vector<1x16xf32>
        tpu.vector_store %arg9[%swap3A_755, %swap3A_756], %swap3A_759 {strides = array<i32>} : memref<128x128xf32, #tpu.memory_space<vmem>>, vector<1x16xf32>,
        %mul3A_760 = arith.constant 2 : i32
        %mul3A_761 = arith.muli %mul3A_760, %scan3A_530 : i32
        %add3A_762 = arith.constant 1 : i32
        %add3A_763 = arith.addi %mul3A_761, %add3A_762 : i32
        %get3A_764 = arith.index_cast %add3A_763 : i32 to index
        %get3A_765 = arith.constant 0 : index
        %get3A_766 = tpu.vector_load %arg10[%get3A_764, %get3A_765] {strides = array<i32>} : memref<128x128xf32, #tpu.memory_space<vmem>>, vector<1x16xf32>,
        %get3A_767 = vector.shape_cast %get3A_766 : vector<1x16xf32> to vector<16xf32>
        %mul3A_768 = arith.constant 2 : i32
        %mul3A_769 = arith.muli %mul3A_768, %scan3A_530 : i32
        %add3A_770 = arith.constant 1 : i32
        %add3A_771 = arith.addi %mul3A_769, %add3A_770 : i32
        %get3A_772 = arith.index_cast %add3A_771 : i32 to index
        %get3A_773 = arith.constant 0 : index
        %get3A_774 = tpu.vector_load %arg9[%get3A_772, %get3A_773] {strides = array<i32>} : memref<128x128xf32, #tpu.memory_space<vmem>>, vector<1x16xf32>,
        %get3A_775 = vector.shape_cast %get3A_774 : vector<1x16xf32> to vector<16xf32>
        %add3A_776 = arith.addf %get3A_767, %get3A_775 : vector<16xf32>
        %max3A_777 = arith.constant 0.000000e+00 : f32
        %max3A_778 = vector.broadcast %max3A_777 : f32 to vector<16xf32>
        %max3A_779 = arith.maximumf %add3A_776, %max3A_778 : vector<16xf32>
        %mul3A_780 = arith.constant 2 : i32
        %mul3A_781 = arith.muli %mul3A_780, %scan3A_530 : i32
        %add3A_782 = arith.constant 1 : i32
        %add3A_783 = arith.addi %mul3A_781, %add3A_782 : i32
        %swap3A_784 = arith.index_cast %add3A_783 : i32 to index
        %swap3A_785 = arith.constant 0 : index
        %swap3A_786 = tpu.vector_load %arg9[%swap3A_784, %swap3A_785] {strides = array<i32>} : memref<128x128xf32, #tpu.memory_space<vmem>>, vector<1x16xf32>,
        %swap3A_787 = vector.shape_cast %swap3A_786 : vector<1x16xf32> to vector<16xf32>
        %swap3A_788 = vector.shape_cast %max3A_779 : vector<16xf32> to vector<1x16xf32>
        tpu.vector_store %arg9[%swap3A_784, %swap3A_785], %swap3A_788 {strides = array<i32>} : memref<128x128xf32, #tpu.memory_space<vmem>>, vector<1x16xf32>,
        %mul3A_789 = arith.constant 2 : i32
        %mul3A_790 = arith.muli %mul3A_789, %scan3A_530 : i32
        %add3A_791 = arith.constant 1 : i32
        %add3A_792 = arith.addi %mul3A_790, %add3A_791 : i32
        %get3A_793 = arith.index_cast %add3A_792 : i32 to index
        %get3A_794 = arith.constant 16 : index
        %get3A_795 = tpu.vector_load %arg10[%get3A_793, %get3A_794] {strides = array<i32>} : memref<128x128xf32, #tpu.memory_space<vmem>>, vector<1x16xf32>,
        %get3A_796 = vector.shape_cast %get3A_795 : vector<1x16xf32> to vector<16xf32>
        %mul3A_797 = arith.constant 2 : i32
        %mul3A_798 = arith.muli %mul3A_797, %scan3A_530 : i32
        %add3A_799 = arith.constant 1 : i32
        %add3A_800 = arith.addi %mul3A_798, %add3A_799 : i32
        %get3A_801 = arith.index_cast %add3A_800 : i32 to index
        %get3A_802 = arith.constant 16 : index
        %get3A_803 = tpu.vector_load %arg9[%get3A_801, %get3A_802] {strides = array<i32>} : memref<128x128xf32, #tpu.memory_space<vmem>>, vector<1x16xf32>,
        %get3A_804 = vector.shape_cast %get3A_803 : vector<1x16xf32> to vector<16xf32>
        %add3A_805 = arith.addf %get3A_796, %get3A_804 : vector<16xf32>
        %max3A_806 = arith.constant 0.000000e+00 : f32
        %max3A_807 = vector.broadcast %max3A_806 : f32 to vector<16xf32>
        %max3A_808 = arith.maximumf %add3A_805, %max3A_807 : vector<16xf32>
        %mul3A_809 = arith.constant 2 : i32
        %mul3A_810 = arith.muli %mul3A_809, %scan3A_530 : i32
        %add3A_811 = arith.constant 1 : i32
        %add3A_812 = arith.addi %mul3A_810, %add3A_811 : i32
        %swap3A_813 = arith.index_cast %add3A_812 : i32 to index
        %swap3A_814 = arith.constant 16 : index
        %swap3A_815 = tpu.vector_load %arg9[%swap3A_813, %swap3A_814] {strides = array<i32>} : memref<128x128xf32, #tpu.memory_space<vmem>>, vector<1x16xf32>,
        %swap3A_816 = vector.shape_cast %swap3A_815 : vector<1x16xf32> to vector<16xf32>
        %swap3A_817 = vector.shape_cast %max3A_808 : vector<16xf32> to vector<1x16xf32>
        tpu.vector_store %arg9[%swap3A_813, %swap3A_814], %swap3A_817 {strides = array<i32>} : memref<128x128xf32, #tpu.memory_space<vmem>>, vector<1x16xf32>,
        %mul3A_818 = arith.constant 2 : i32
        %mul3A_819 = arith.muli %mul3A_818, %scan3A_530 : i32
        %add3A_820 = arith.constant 1 : i32
        %add3A_821 = arith.addi %mul3A_819, %add3A_820 : i32
        %get3A_822 = arith.index_cast %add3A_821 : i32 to index
        %get3A_823 = arith.constant 32 : index
        %get3A_824 = tpu.vector_load %arg10[%get3A_822, %get3A_823] {strides = array<i32>} : memref<128x128xf32, #tpu.memory_space<vmem>>, vector<1x16xf32>,
        %get3A_825 = vector.shape_cast %get3A_824 : vector<1x16xf32> to vector<16xf32>
        %mul3A_826 = arith.constant 2 : i32
        %mul3A_827 = arith.muli %mul3A_826, %scan3A_530 : i32
        %add3A_828 = arith.constant 1 : i32
        %add3A_829 = arith.addi %mul3A_827, %add3A_828 : i32
        %get3A_830 = arith.index_cast %add3A_829 : i32 to index
        %get3A_831 = arith.constant 32 : index
        %get3A_832 = tpu.vector_load %arg9[%get3A_830, %get3A_831] {strides = array<i32>} : memref<128x128xf32, #tpu.memory_space<vmem>>, vector<1x16xf32>,
        %get3A_833 = vector.shape_cast %get3A_832 : vector<1x16xf32> to vector<16xf32>
        %add3A_834 = arith.addf %get3A_825, %get3A_833 : vector<16xf32>
        %max3A_835 = arith.constant 0.000000e+00 : f32
        %max3A_836 = vector.broadcast %max3A_835 : f32 to vector<16xf32>
        %max3A_837 = arith.maximumf %add3A_834, %max3A_836 : vector<16xf32>
        %mul3A_838 = arith.constant 2 : i32
        %mul3A_839 = arith.muli %mul3A_838, %scan3A_530 : i32
        %add3A_840 = arith.constant 1 : i32
        %add3A_841 = arith.addi %mul3A_839, %add3A_840 : i32
        %swap3A_842 = arith.index_cast %add3A_841 : i32 to index
        %swap3A_843 = arith.constant 32 : index
        %swap3A_844 = tpu.vector_load %arg9[%swap3A_842, %swap3A_843] {strides = array<i32>} : memref<128x128xf32, #tpu.memory_space<vmem>>, vector<1x16xf32>,
        %swap3A_845 = vector.shape_cast %swap3A_844 : vector<1x16xf32> to vector<16xf32>
        %swap3A_846 = vector.shape_cast %max3A_837 : vector<16xf32> to vector<1x16xf32>
        tpu.vector_store %arg9[%swap3A_842, %swap3A_843], %swap3A_846 {strides = array<i32>} : memref<128x128xf32, #tpu.memory_space<vmem>>, vector<1x16xf32>,
        %mul3A_847 = arith.constant 2 : i32
        %mul3A_848 = arith.muli %mul3A_847, %scan3A_530 : i32
        %add3A_849 = arith.constant 1 : i32
        %add3A_850 = arith.addi %mul3A_848, %add3A_849 : i32
        %get3A_851 = arith.index_cast %add3A_850 : i32 to index
        %get3A_852 = arith.constant 48 : index
        %get3A_853 = tpu.vector_load %arg10[%get3A_851, %get3A_852] {strides = array<i32>} : memref<128x128xf32, #tpu.memory_space<vmem>>, vector<1x16xf32>,
        %get3A_854 = vector.shape_cast %get3A_853 : vector<1x16xf32> to vector<16xf32>
        %mul3A_855 = arith.constant 2 : i32
        %mul3A_856 = arith.muli %mul3A_855, %scan3A_530 : i32
        %add3A_857 = arith.constant 1 : i32
        %add3A_858 = arith.addi %mul3A_856, %add3A_857 : i32
        %get3A_859 = arith.index_cast %add3A_858 : i32 to index
        %get3A_860 = arith.constant 48 : index
        %get3A_861 = tpu.vector_load %arg9[%get3A_859, %get3A_860] {strides = array<i32>} : memref<128x128xf32, #tpu.memory_space<vmem>>, vector<1x16xf32>,
        %get3A_862 = vector.shape_cast %get3A_861 : vector<1x16xf32> to vector<16xf32>
        %add3A_863 = arith.addf %get3A_854, %get3A_862 : vector<16xf32>
        %max3A_864 = arith.constant 0.000000e+00 : f32
        %max3A_865 = vector.broadcast %max3A_864 : f32 to vector<16xf32>
        %max3A_866 = arith.maximumf %add3A_863, %max3A_865 : vector<16xf32>
        %mul3A_867 = arith.constant 2 : i32
        %mul3A_868 = arith.muli %mul3A_867, %scan3A_530 : i32
        %add3A_869 = arith.constant 1 : i32
        %add3A_870 = arith.addi %mul3A_868, %add3A_869 : i32
        %swap3A_871 = arith.index_cast %add3A_870 : i32 to index
        %swap3A_872 = arith.constant 48 : index
        %swap3A_873 = tpu.vector_load %arg9[%swap3A_871, %swap3A_872] {strides = array<i32>} : memref<128x128xf32, #tpu.memory_space<vmem>>, vector<1x16xf32>,
        %swap3A_874 = vector.shape_cast %swap3A_873 : vector<1x16xf32> to vector<16xf32>
        %swap3A_875 = vector.shape_cast %max3A_866 : vector<16xf32> to vector<1x16xf32>
        tpu.vector_store %arg9[%swap3A_871, %swap3A_872], %swap3A_875 {strides = array<i32>} : memref<128x128xf32, #tpu.memory_space<vmem>>, vector<1x16xf32>,
        %mul3A_876 = arith.constant 2 : i32
        %mul3A_877 = arith.muli %mul3A_876, %scan3A_530 : i32
        %add3A_878 = arith.constant 1 : i32
        %add3A_879 = arith.addi %mul3A_877, %add3A_878 : i32
        %get3A_880 = arith.index_cast %add3A_879 : i32 to index
        %get3A_881 = arith.constant 64 : index
        %get3A_882 = tpu.vector_load %arg10[%get3A_880, %get3A_881] {strides = array<i32>} : memref<128x128xf32, #tpu.memory_space<vmem>>, vector<1x16xf32>,
        %get3A_883 = vector.shape_cast %get3A_882 : vector<1x16xf32> to vector<16xf32>
        %mul3A_884 = arith.constant 2 : i32
        %mul3A_885 = arith.muli %mul3A_884, %scan3A_530 : i32
        %add3A_886 = arith.constant 1 : i32
        %add3A_887 = arith.addi %mul3A_885, %add3A_886 : i32
        %get3A_888 = arith.index_cast %add3A_887 : i32 to index
        %get3A_889 = arith.constant 64 : index
        %get3A_890 = tpu.vector_load %arg9[%get3A_888, %get3A_889] {strides = array<i32>} : memref<128x128xf32, #tpu.memory_space<vmem>>, vector<1x16xf32>,
        %get3A_891 = vector.shape_cast %get3A_890 : vector<1x16xf32> to vector<16xf32>
        %add3A_892 = arith.addf %get3A_883, %get3A_891 : vector<16xf32>
        %max3A_893 = arith.constant 0.000000e+00 : f32
        %max3A_894 = vector.broadcast %max3A_893 : f32 to vector<16xf32>
        %max3A_895 = arith.maximumf %add3A_892, %max3A_894 : vector<16xf32>
        %mul3A_896 = arith.constant 2 : i32
        %mul3A_897 = arith.muli %mul3A_896, %scan3A_530 : i32
        %add3A_898 = arith.constant 1 : i32
        %add3A_899 = arith.addi %mul3A_897, %add3A_898 : i32
        %swap3A_900 = arith.index_cast %add3A_899 : i32 to index
        %swap3A_901 = arith.constant 64 : index
        %swap3A_902 = tpu.vector_load %arg9[%swap3A_900, %swap3A_901] {strides = array<i32>} : memref<128x128xf32, #tpu.memory_space<vmem>>, vector<1x16xf32>,
        %swap3A_903 = vector.shape_cast %swap3A_902 : vector<1x16xf32> to vector<16xf32>
        %swap3A_904 = vector.shape_cast %max3A_895 : vector<16xf32> to vector<1x16xf32>
        tpu.vector_store %arg9[%swap3A_900, %swap3A_901], %swap3A_904 {strides = array<i32>} : memref<128x128xf32, #tpu.memory_space<vmem>>, vector<1x16xf32>,
        %mul3A_905 = arith.constant 2 : i32
        %mul3A_906 = arith.muli %mul3A_905, %scan3A_530 : i32
        %add3A_907 = arith.constant 1 : i32
        %add3A_908 = arith.addi %mul3A_906, %add3A_907 : i32
        %get3A_909 = arith.index_cast %add3A_908 : i32 to index
        %get3A_910 = arith.constant 80 : index
        %get3A_911 = tpu.vector_load %arg10[%get3A_909, %get3A_910] {strides = array<i32>} : memref<128x128xf32, #tpu.memory_space<vmem>>, vector<1x16xf32>,
        %get3A_912 = vector.shape_cast %get3A_911 : vector<1x16xf32> to vector<16xf32>
        %mul3A_913 = arith.constant 2 : i32
        %mul3A_914 = arith.muli %mul3A_913, %scan3A_530 : i32
        %add3A_915 = arith.constant 1 : i32
        %add3A_916 = arith.addi %mul3A_914, %add3A_915 : i32
        %get3A_917 = arith.index_cast %add3A_916 : i32 to index
        %get3A_918 = arith.constant 80 : index
        %get3A_919 = tpu.vector_load %arg9[%get3A_917, %get3A_918] {strides = array<i32>} : memref<128x128xf32, #tpu.memory_space<vmem>>, vector<1x16xf32>,
        %get3A_920 = vector.shape_cast %get3A_919 : vector<1x16xf32> to vector<16xf32>
        %add3A_921 = arith.addf %get3A_912, %get3A_920 : vector<16xf32>
        %max3A_922 = arith.constant 0.000000e+00 : f32
        %max3A_923 = vector.broadcast %max3A_922 : f32 to vector<16xf32>
        %max3A_924 = arith.maximumf %add3A_921, %max3A_923 : vector<16xf32>
        %mul3A_925 = arith.constant 2 : i32
        %mul3A_926 = arith.muli %mul3A_925, %scan3A_530 : i32
        %add3A_927 = arith.constant 1 : i32
        %add3A_928 = arith.addi %mul3A_926, %add3A_927 : i32
        %swap3A_929 = arith.index_cast %add3A_928 : i32 to index
        %swap3A_930 = arith.constant 80 : index
        %swap3A_931 = tpu.vector_load %arg9[%swap3A_929, %swap3A_930] {strides = array<i32>} : memref<128x128xf32, #tpu.memory_space<vmem>>, vector<1x16xf32>,
        %swap3A_932 = vector.shape_cast %swap3A_931 : vector<1x16xf32> to vector<16xf32>
        %swap3A_933 = vector.shape_cast %max3A_924 : vector<16xf32> to vector<1x16xf32>
        tpu.vector_store %arg9[%swap3A_929, %swap3A_930], %swap3A_933 {strides = array<i32>} : memref<128x128xf32, #tpu.memory_space<vmem>>, vector<1x16xf32>,
        %mul3A_934 = arith.constant 2 : i32
        %mul3A_935 = arith.muli %mul3A_934, %scan3A_530 : i32
        %add3A_936 = arith.constant 1 : i32
        %add3A_937 = arith.addi %mul3A_935, %add3A_936 : i32
        %get3A_938 = arith.index_cast %add3A_937 : i32 to index
        %get3A_939 = arith.constant 96 : index
        %get3A_940 = tpu.vector_load %arg10[%get3A_938, %get3A_939] {strides = array<i32>} : memref<128x128xf32, #tpu.memory_space<vmem>>, vector<1x16xf32>,
        %get3A_941 = vector.shape_cast %get3A_940 : vector<1x16xf32> to vector<16xf32>
        %mul3A_942 = arith.constant 2 : i32
        %mul3A_943 = arith.muli %mul3A_942, %scan3A_530 : i32
        %add3A_944 = arith.constant 1 : i32
        %add3A_945 = arith.addi %mul3A_943, %add3A_944 : i32
        %get3A_946 = arith.index_cast %add3A_945 : i32 to index
        %get3A_947 = arith.constant 96 : index
        %get3A_948 = tpu.vector_load %arg9[%get3A_946, %get3A_947] {strides = array<i32>} : memref<128x128xf32, #tpu.memory_space<vmem>>, vector<1x16xf32>,
        %get3A_949 = vector.shape_cast %get3A_948 : vector<1x16xf32> to vector<16xf32>
        %add3A_950 = arith.addf %get3A_941, %get3A_949 : vector<16xf32>
        %max3A_951 = arith.constant 0.000000e+00 : f32
        %max3A_952 = vector.broadcast %max3A_951 : f32 to vector<16xf32>
        %max3A_953 = arith.maximumf %add3A_950, %max3A_952 : vector<16xf32>
        %mul3A_954 = arith.constant 2 : i32
        %mul3A_955 = arith.muli %mul3A_954, %scan3A_530 : i32
        %add3A_956 = arith.constant 1 : i32
        %add3A_957 = arith.addi %mul3A_955, %add3A_956 : i32
        %swap3A_958 = arith.index_cast %add3A_957 : i32 to index
        %swap3A_959 = arith.constant 96 : index
        %swap3A_960 = tpu.vector_load %arg9[%swap3A_958, %swap3A_959] {strides = array<i32>} : memref<128x128xf32, #tpu.memory_space<vmem>>, vector<1x16xf32>,
        %swap3A_961 = vector.shape_cast %swap3A_960 : vector<1x16xf32> to vector<16xf32>
        %swap3A_962 = vector.shape_cast %max3A_953 : vector<16xf32> to vector<1x16xf32>
        tpu.vector_store %arg9[%swap3A_958, %swap3A_959], %swap3A_962 {strides = array<i32>} : memref<128x128xf32, #tpu.memory_space<vmem>>, vector<1x16xf32>,
        %mul3A_963 = arith.constant 2 : i32
        %mul3A_964 = arith.muli %mul3A_963, %scan3A_530 : i32
        %add3A_965 = arith.constant 1 : i32
        %add3A_966 = arith.addi %mul3A_964, %add3A_965 : i32
        %get3A_967 = arith.index_cast %add3A_966 : i32 to index
        %get3A_968 = arith.constant 112 : index
        %get3A_969 = tpu.vector_load %arg10[%get3A_967, %get3A_968] {strides = array<i32>} : memref<128x128xf32, #tpu.memory_space<vmem>>, vector<1x16xf32>,
        %get3A_970 = vector.shape_cast %get3A_969 : vector<1x16xf32> to vector<16xf32>
        %mul3A_971 = arith.constant 2 : i32
        %mul3A_972 = arith.muli %mul3A_971, %scan3A_530 : i32
        %add3A_973 = arith.constant 1 : i32
        %add3A_974 = arith.addi %mul3A_972, %add3A_973 : i32
        %get3A_975 = arith.index_cast %add3A_974 : i32 to index
        %get3A_976 = arith.constant 112 : index
        %get3A_977 = tpu.vector_load %arg9[%get3A_975, %get3A_976] {strides = array<i32>} : memref<128x128xf32, #tpu.memory_space<vmem>>, vector<1x16xf32>,
        %get3A_978 = vector.shape_cast %get3A_977 : vector<1x16xf32> to vector<16xf32>
        %add3A_979 = arith.addf %get3A_970, %get3A_978 : vector<16xf32>
        %max3A_980 = arith.constant 0.000000e+00 : f32
        %max3A_981 = vector.broadcast %max3A_980 : f32 to vector<16xf32>
        %max3A_982 = arith.maximumf %add3A_979, %max3A_981 : vector<16xf32>
        %mul3A_983 = arith.constant 2 : i32
        %mul3A_984 = arith.muli %mul3A_983, %scan3A_530 : i32
        %add3A_985 = arith.constant 1 : i32
        %add3A_986 = arith.addi %mul3A_984, %add3A_985 : i32
        %swap3A_987 = arith.index_cast %add3A_986 : i32 to index
        %swap3A_988 = arith.constant 112 : index
        %swap3A_989 = tpu.vector_load %arg9[%swap3A_987, %swap3A_988] {strides = array<i32>} : memref<128x128xf32, #tpu.memory_space<vmem>>, vector<1x16xf32>,
        %swap3A_990 = vector.shape_cast %swap3A_989 : vector<1x16xf32> to vector<16xf32>
        %swap3A_991 = vector.shape_cast %max3A_982 : vector<16xf32> to vector<1x16xf32>
        tpu.vector_store %arg9[%swap3A_987, %swap3A_988], %swap3A_991 {strides = array<i32>} : memref<128x128xf32, #tpu.memory_space<vmem>>, vector<1x16xf32>,
      }
      %scan3A_212 = arith.constant 64 : i32
      %dma_start3A_213 = arith.constant 2 : i32
      %dma_start3A_214 = arith.constant 0 : i32
      %dma_start3A_215 = tpu.memref_slice %arg8[%dma_start3A_213, %dma_start3A_214] : memref<8x128xi32, #tpu.memory_space<vmem>> -> memref<1x128xi32, #tpu.memory_space<vmem>>
      %dma_start3A_216 = tpu.memref_squeeze %dma_start3A_215 : memref<1x128xi32, #tpu.memory_space<vmem>> -> memref<128xi32, #tpu.memory_space<vmem>>
      %dma_start3A_217 = arith.constant 0 : i32
      %dma_start3A_218 = arith.constant 0 : i32
      %dma_start3A_219 = tpu.memref_slice %arg11[%dma_start3A_217, %dma_start3A_218] : memref<10000x128xf32, #tpu.memory_space<vmem_shared>> -> memref<10000x128xf32, #tpu.memory_space<vmem_shared>>
      tpu.enqueue_indirect_dma source(%arg9 : memref<128x128xf32, #tpu.memory_space<vmem>>) target(%dma_start3A_219 : memref<10000x128xf32, #tpu.memory_space<vmem_shared>>) offsets(%dma_start3A_216 : memref<128xi32, #tpu.memory_space<vmem>>) semaphore(%arg14 : memref<!tpu.dma_semaphore, #tpu.memory_space<semaphore_mem>>) {add = true}
      %dma_start3A_220 = arith.constant 3 : i32
      %dma_start3A_221 = arith.constant 0 : i32
      %dma_start3A_222 = tpu.memref_slice %arg7[%dma_start3A_220, %dma_start3A_221] : memref<8x128xi32, #tpu.memory_space<vmem>> -> memref<1x128xi32, #tpu.memory_space<vmem>>
      %dma_start3A_223 = tpu.memref_squeeze %dma_start3A_222 : memref<1x128xi32, #tpu.memory_space<vmem>> -> memref<128xi32, #tpu.memory_space<vmem>>
      %dma_start3A_224 = arith.constant 0 : i32
      %dma_start3A_225 = arith.constant 0 : i32
      %dma_start3A_226 = tpu.memref_slice %arg2[%dma_start3A_224, %dma_start3A_225] : memref<10000x128xf32, #tpu.memory_space<hbm>> -> memref<10000x128xf32, #tpu.memory_space<hbm>>
      tpu.enqueue_indirect_dma source(%dma_start3A_226 : memref<10000x128xf32, #tpu.memory_space<hbm>>) target(%arg10 : memref<128x128xf32, #tpu.memory_space<vmem>>) offsets(%dma_start3A_223 : memref<128xi32, #tpu.memory_space<vmem>>) semaphore(%arg13 : memref<!tpu.dma_semaphore, #tpu.memory_space<semaphore_mem>>)
      %dma_wait3A_227 = arith.constant 2 : i32
      %dma_wait3A_228 = arith.constant 0 : i32
      %dma_wait3A_229 = tpu.memref_slice %arg8[%dma_wait3A_227, %dma_wait3A_228] : memref<8x128xi32, #tpu.memory_space<vmem>> -> memref<1x128xi32, #tpu.memory_space<vmem>>
      %dma_wait3A_230 = tpu.memref_squeeze %dma_wait3A_229 : memref<1x128xi32, #tpu.memory_space<vmem>> -> memref<128xi32, #tpu.memory_space<vmem>>
      %dma_wait3A_231 = arith.constant 0 : i32
      %dma_wait3A_232 = arith.constant 0 : i32
      %dma_wait3A_233 = tpu.memref_slice %arg11[%dma_wait3A_231, %dma_wait3A_232] : memref<10000x128xf32, #tpu.memory_space<vmem_shared>> -> memref<10000x128xf32, #tpu.memory_space<vmem_shared>>
      tpu.wait_indirect_dma semaphore(%arg14 : memref<!tpu.dma_semaphore, #tpu.memory_space<semaphore_mem>>) src(%arg9 : memref<128x128xf32, #tpu.memory_space<vmem>>) dst(%dma_wait3A_233 : memref<10000x128xf32, #tpu.memory_space<vmem_shared>>)
      %mul3A_234 = arith.constant 8 : i32
      %mul3A_235 = arith.muli %scan3A_46, %mul3A_234 : i32
      %add3A_236 = arith.constant 2 : i32
      %add3A_237 = arith.addi %mul3A_235, %add3A_236 : i32
      %add3A_238 = arith.constant 1 : i32
      %add3A_239 = arith.addi %add3A_237, %add3A_238 : i32
      %mul3A_240 = arith.constant 80 : i32
      %mul3A_241 = arith.muli %add3A, %mul3A_240 : i32
      %add3A_242 = arith.addi %mul3A_241, %add3A_239 : i32
      %mul3A_243 = arith.constant 128 : i32
      %mul3A_244 = arith.muli %add3A_242, %mul3A_243 : i32
      %dma_start3A_245 = arith.constant 0 : i32
      %dma_start3A_246 = tpu.memref_slice %arg3[%mul3A_244, %dma_start3A_245] : memref<327680x128xf32, #tpu.memory_space<hbm>> -> memref<128x128xf32, #tpu.memory_space<hbm>>
      %dma_start3A_247 = arith.constant 0 : i32
      %dma_start3A_248 = tpu.memref_slice %arg3[%mul3A_244, %dma_start3A_247] : memref<327680x128xf32, #tpu.memory_space<hbm>> -> memref<128x128xf32, #tpu.memory_space<hbm>>
      tpu.enqueue_dma source(%dma_start3A_248 : memref<128x128xf32, #tpu.memory_space<hbm>>) target(%arg9 : memref<128x128xf32, #tpu.memory_space<vmem>>) target_semaphore(%arg12 : memref<!tpu.dma_semaphore, #tpu.memory_space<semaphore_mem>>)
      %dma_wait3A_249 = arith.constant 3 : i32
      %dma_wait3A_250 = arith.constant 0 : i32
      %dma_wait3A_251 = tpu.memref_slice %arg7[%dma_wait3A_249, %dma_wait3A_250] : memref<8x128xi32, #tpu.memory_space<vmem>> -> memref<1x128xi32, #tpu.memory_space<vmem>>
      %dma_wait3A_252 = tpu.memref_squeeze %dma_wait3A_251 : memref<1x128xi32, #tpu.memory_space<vmem>> -> memref<128xi32, #tpu.memory_space<vmem>>
      %dma_wait3A_253 = arith.constant 0 : i32
      %dma_wait3A_254 = arith.constant 0 : i32
      %dma_wait3A_255 = tpu.memref_slice %arg2[%dma_wait3A_253, %dma_wait3A_254] : memref<10000x128xf32, #tpu.memory_space<hbm>> -> memref<10000x128xf32, #tpu.memory_space<hbm>>
      tpu.wait_indirect_dma semaphore(%arg13 : memref<!tpu.dma_semaphore, #tpu.memory_space<semaphore_mem>>) src(%dma_wait3A_255 : memref<10000x128xf32, #tpu.memory_space<hbm>>) dst(%arg10 : memref<128x128xf32, #tpu.memory_space<vmem>>)
      %mul3A_256 = arith.constant 8 : i32
      %mul3A_257 = arith.muli %scan3A_46, %mul3A_256 : i32
      %add3A_258 = arith.constant 3 : i32
      %add3A_259 = arith.addi %mul3A_257, %add3A_258 : i32
      %mul3A_260 = arith.constant 80 : i32
      %mul3A_261 = arith.muli %add3A, %mul3A_260 : i32
      %add3A_262 = arith.addi %mul3A_261, %add3A_259 : i32
      %mul3A_263 = arith.constant 128 : i32
      %mul3A_264 = arith.muli %add3A_262, %mul3A_263 : i32
      %dma_wait3A_265 = arith.constant 0 : i32
      %dma_wait3A_266 = tpu.memref_slice %arg3[%mul3A_264, %dma_wait3A_265] : memref<327680x128xf32, #tpu.memory_space<hbm>> -> memref<128x128xf32, #tpu.memory_space<hbm>>
      %dma_wait3A_267 = arith.constant 0 : i32
      %dma_wait3A_268 = tpu.memref_slice %arg3[%mul3A_264, %dma_wait3A_267] : memref<327680x128xf32, #tpu.memory_space<hbm>> -> memref<128x128xf32, #tpu.memory_space<hbm>>
      tpu.wait_dma2 semaphore(%arg12 : memref<!tpu.dma_semaphore, #tpu.memory_space<semaphore_mem>>) src(%dma_wait3A_268 : memref<128x128xf32, #tpu.memory_space<hbm>>) dst(%arg9 : memref<128x128xf32, #tpu.memory_space<vmem>>)
      %scan3A_269 = arith.constant 0 : i32
      %scan3A_270 = arith.constant 0 : i32
      %scan3A_271 = arith.constant 64 : i32
      %scan3A_272 = arith.addi %scan3A_270, %scan3A_271 : i32
      %scan3A_273 = arith.constant 1 : i32
      scf.for %scan3A_530 = %scan3A_270 to %scan3A_272 step %scan3A_273  : i32 {
        %mul3A_531 = arith.constant 2 : i32
        %mul3A_532 = arith.muli %mul3A_531, %scan3A_530 : i32
        %add3A_533 = arith.constant 0 : i32
        %add3A_534 = arith.addi %mul3A_532, %add3A_533 : i32
        %get3A = arith.index_cast %add3A_534 : i32 to index
        %get3A_535 = arith.constant 0 : index
        %get3A_536 = tpu.vector_load %arg10[%get3A, %get3A_535] {strides = array<i32>} : memref<128x128xf32, #tpu.memory_space<vmem>>, vector<1x16xf32>,
        %get3A_537 = vector.shape_cast %get3A_536 : vector<1x16xf32> to vector<16xf32>
        %mul3A_538 = arith.constant 2 : i32
        %mul3A_539 = arith.muli %mul3A_538, %scan3A_530 : i32
        %add3A_540 = arith.constant 0 : i32
        %add3A_541 = arith.addi %mul3A_539, %add3A_540 : i32
        %get3A_542 = arith.index_cast %add3A_541 : i32 to index
        %get3A_543 = arith.constant 0 : index
        %get3A_544 = tpu.vector_load %arg9[%get3A_542, %get3A_543] {strides = array<i32>} : memref<128x128xf32, #tpu.memory_space<vmem>>, vector<1x16xf32>,
        %get3A_545 = vector.shape_cast %get3A_544 : vector<1x16xf32> to vector<16xf32>
        %add3A_546 = arith.addf %get3A_537, %get3A_545 : vector<16xf32>
        %max3A = arith.constant 0.000000e+00 : f32
        %max3A_547 = vector.broadcast %max3A : f32 to vector<16xf32>
        %max3A_548 = arith.maximumf %add3A_546, %max3A_547 : vector<16xf32>
        %mul3A_549 = arith.constant 2 : i32
        %mul3A_550 = arith.muli %mul3A_549, %scan3A_530 : i32
        %add3A_551 = arith.constant 0 : i32
        %add3A_552 = arith.addi %mul3A_550, %add3A_551 : i32
        %swap3A = arith.index_cast %add3A_552 : i32 to index
        %swap3A_553 = arith.constant 0 : index
        %swap3A_554 = tpu.vector_load %arg9[%swap3A, %swap3A_553] {strides = array<i32>} : memref<128x128xf32, #tpu.memory_space<vmem>>, vector<1x16xf32>,
        %swap3A_555 = vector.shape_cast %swap3A_554 : vector<1x16xf32> to vector<16xf32>
        %swap3A_556 = vector.shape_cast %max3A_548 : vector<16xf32> to vector<1x16xf32>
        tpu.vector_store %arg9[%swap3A, %swap3A_553], %swap3A_556 {strides = array<i32>} : memref<128x128xf32, #tpu.memory_space<vmem>>, vector<1x16xf32>,
        %mul3A_557 = arith.constant 2 : i32
        %mul3A_558 = arith.muli %mul3A_557, %scan3A_530 : i32
        %add3A_559 = arith.constant 0 : i32
        %add3A_560 = arith.addi %mul3A_558, %add3A_559 : i32
        %get3A_561 = arith.index_cast %add3A_560 : i32 to index
        %get3A_562 = arith.constant 16 : index
        %get3A_563 = tpu.vector_load %arg10[%get3A_561, %get3A_562] {strides = array<i32>} : memref<128x128xf32, #tpu.memory_space<vmem>>, vector<1x16xf32>,
        %get3A_564 = vector.shape_cast %get3A_563 : vector<1x16xf32> to vector<16xf32>
        %mul3A_565 = arith.constant 2 : i32
        %mul3A_566 = arith.muli %mul3A_565, %scan3A_530 : i32
        %add3A_567 = arith.constant 0 : i32
        %add3A_568 = arith.addi %mul3A_566, %add3A_567 : i32
        %get3A_569 = arith.index_cast %add3A_568 : i32 to index
        %get3A_570 = arith.constant 16 : index
        %get3A_571 = tpu.vector_load %arg9[%get3A_569, %get3A_570] {strides = array<i32>} : memref<128x128xf32, #tpu.memory_space<vmem>>, vector<1x16xf32>,
        %get3A_572 = vector.shape_cast %get3A_571 : vector<1x16xf32> to vector<16xf32>
        %add3A_573 = arith.addf %get3A_564, %get3A_572 : vector<16xf32>
        %max3A_574 = arith.constant 0.000000e+00 : f32
        %max3A_575 = vector.broadcast %max3A_574 : f32 to vector<16xf32>
        %max3A_576 = arith.maximumf %add3A_573, %max3A_575 : vector<16xf32>
        %mul3A_577 = arith.constant 2 : i32
        %mul3A_578 = arith.muli %mul3A_577, %scan3A_530 : i32
        %add3A_579 = arith.constant 0 : i32
        %add3A_580 = arith.addi %mul3A_578, %add3A_579 : i32
        %swap3A_581 = arith.index_cast %add3A_580 : i32 to index
        %swap3A_582 = arith.constant 16 : index
        %swap3A_583 = tpu.vector_load %arg9[%swap3A_581, %swap3A_582] {strides = array<i32>} : memref<128x128xf32, #tpu.memory_space<vmem>>, vector<1x16xf32>,
        %swap3A_584 = vector.shape_cast %swap3A_583 : vector<1x16xf32> to vector<16xf32>
        %swap3A_585 = vector.shape_cast %max3A_576 : vector<16xf32> to vector<1x16xf32>
        tpu.vector_store %arg9[%swap3A_581, %swap3A_582], %swap3A_585 {strides = array<i32>} : memref<128x128xf32, #tpu.memory_space<vmem>>, vector<1x16xf32>,
        %mul3A_586 = arith.constant 2 : i32
        %mul3A_587 = arith.muli %mul3A_586, %scan3A_530 : i32
        %add3A_588 = arith.constant 0 : i32
        %add3A_589 = arith.addi %mul3A_587, %add3A_588 : i32
        %get3A_590 = arith.index_cast %add3A_589 : i32 to index
        %get3A_591 = arith.constant 32 : index
        %get3A_592 = tpu.vector_load %arg10[%get3A_590, %get3A_591] {strides = array<i32>} : memref<128x128xf32, #tpu.memory_space<vmem>>, vector<1x16xf32>,
        %get3A_593 = vector.shape_cast %get3A_592 : vector<1x16xf32> to vector<16xf32>
        %mul3A_594 = arith.constant 2 : i32
        %mul3A_595 = arith.muli %mul3A_594, %scan3A_530 : i32
        %add3A_596 = arith.constant 0 : i32
        %add3A_597 = arith.addi %mul3A_595, %add3A_596 : i32
        %get3A_598 = arith.index_cast %add3A_597 : i32 to index
        %get3A_599 = arith.constant 32 : index
        %get3A_600 = tpu.vector_load %arg9[%get3A_598, %get3A_599] {strides = array<i32>} : memref<128x128xf32, #tpu.memory_space<vmem>>, vector<1x16xf32>,
        %get3A_601 = vector.shape_cast %get3A_600 : vector<1x16xf32> to vector<16xf32>
        %add3A_602 = arith.addf %get3A_593, %get3A_601 : vector<16xf32>
        %max3A_603 = arith.constant 0.000000e+00 : f32
        %max3A_604 = vector.broadcast %max3A_603 : f32 to vector<16xf32>
        %max3A_605 = arith.maximumf %add3A_602, %max3A_604 : vector<16xf32>
        %mul3A_606 = arith.constant 2 : i32
        %mul3A_607 = arith.muli %mul3A_606, %scan3A_530 : i32
        %add3A_608 = arith.constant 0 : i32
        %add3A_609 = arith.addi %mul3A_607, %add3A_608 : i32
        %swap3A_610 = arith.index_cast %add3A_609 : i32 to index
        %swap3A_611 = arith.constant 32 : index
        %swap3A_612 = tpu.vector_load %arg9[%swap3A_610, %swap3A_611] {strides = array<i32>} : memref<128x128xf32, #tpu.memory_space<vmem>>, vector<1x16xf32>,
        %swap3A_613 = vector.shape_cast %swap3A_612 : vector<1x16xf32> to vector<16xf32>
        %swap3A_614 = vector.shape_cast %max3A_605 : vector<16xf32> to vector<1x16xf32>
        tpu.vector_store %arg9[%swap3A_610, %swap3A_611], %swap3A_614 {strides = array<i32>} : memref<128x128xf32, #tpu.memory_space<vmem>>, vector<1x16xf32>,
        %mul3A_615 = arith.constant 2 : i32
        %mul3A_616 = arith.muli %mul3A_615, %scan3A_530 : i32
        %add3A_617 = arith.constant 0 : i32
        %add3A_618 = arith.addi %mul3A_616, %add3A_617 : i32
        %get3A_619 = arith.index_cast %add3A_618 : i32 to index
        %get3A_620 = arith.constant 48 : index
        %get3A_621 = tpu.vector_load %arg10[%get3A_619, %get3A_620] {strides = array<i32>} : memref<128x128xf32, #tpu.memory_space<vmem>>, vector<1x16xf32>,
        %get3A_622 = vector.shape_cast %get3A_621 : vector<1x16xf32> to vector<16xf32>
        %mul3A_623 = arith.constant 2 : i32
        %mul3A_624 = arith.muli %mul3A_623, %scan3A_530 : i32
        %add3A_625 = arith.constant 0 : i32
        %add3A_626 = arith.addi %mul3A_624, %add3A_625 : i32
        %get3A_627 = arith.index_cast %add3A_626 : i32 to index
        %get3A_628 = arith.constant 48 : index
        %get3A_629 = tpu.vector_load %arg9[%get3A_627, %get3A_628] {strides = array<i32>} : memref<128x128xf32, #tpu.memory_space<vmem>>, vector<1x16xf32>,
        %get3A_630 = vector.shape_cast %get3A_629 : vector<1x16xf32> to vector<16xf32>
        %add3A_631 = arith.addf %get3A_622, %get3A_630 : vector<16xf32>
        %max3A_632 = arith.constant 0.000000e+00 : f32
        %max3A_633 = vector.broadcast %max3A_632 : f32 to vector<16xf32>
        %max3A_634 = arith.maximumf %add3A_631, %max3A_633 : vector<16xf32>
        %mul3A_635 = arith.constant 2 : i32
        %mul3A_636 = arith.muli %mul3A_635, %scan3A_530 : i32
        %add3A_637 = arith.constant 0 : i32
        %add3A_638 = arith.addi %mul3A_636, %add3A_637 : i32
        %swap3A_639 = arith.index_cast %add3A_638 : i32 to index
        %swap3A_640 = arith.constant 48 : index
        %swap3A_641 = tpu.vector_load %arg9[%swap3A_639, %swap3A_640] {strides = array<i32>} : memref<128x128xf32, #tpu.memory_space<vmem>>, vector<1x16xf32>,
        %swap3A_642 = vector.shape_cast %swap3A_641 : vector<1x16xf32> to vector<16xf32>
        %swap3A_643 = vector.shape_cast %max3A_634 : vector<16xf32> to vector<1x16xf32>
        tpu.vector_store %arg9[%swap3A_639, %swap3A_640], %swap3A_643 {strides = array<i32>} : memref<128x128xf32, #tpu.memory_space<vmem>>, vector<1x16xf32>,
        %mul3A_644 = arith.constant 2 : i32
        %mul3A_645 = arith.muli %mul3A_644, %scan3A_530 : i32
        %add3A_646 = arith.constant 0 : i32
        %add3A_647 = arith.addi %mul3A_645, %add3A_646 : i32
        %get3A_648 = arith.index_cast %add3A_647 : i32 to index
        %get3A_649 = arith.constant 64 : index
        %get3A_650 = tpu.vector_load %arg10[%get3A_648, %get3A_649] {strides = array<i32>} : memref<128x128xf32, #tpu.memory_space<vmem>>, vector<1x16xf32>,
        %get3A_651 = vector.shape_cast %get3A_650 : vector<1x16xf32> to vector<16xf32>
        %mul3A_652 = arith.constant 2 : i32
        %mul3A_653 = arith.muli %mul3A_652, %scan3A_530 : i32
        %add3A_654 = arith.constant 0 : i32
        %add3A_655 = arith.addi %mul3A_653, %add3A_654 : i32
        %get3A_656 = arith.index_cast %add3A_655 : i32 to index
        %get3A_657 = arith.constant 64 : index
        %get3A_658 = tpu.vector_load %arg9[%get3A_656, %get3A_657] {strides = array<i32>} : memref<128x128xf32, #tpu.memory_space<vmem>>, vector<1x16xf32>,
        %get3A_659 = vector.shape_cast %get3A_658 : vector<1x16xf32> to vector<16xf32>
        %add3A_660 = arith.addf %get3A_651, %get3A_659 : vector<16xf32>
        %max3A_661 = arith.constant 0.000000e+00 : f32
        %max3A_662 = vector.broadcast %max3A_661 : f32 to vector<16xf32>
        %max3A_663 = arith.maximumf %add3A_660, %max3A_662 : vector<16xf32>
        %mul3A_664 = arith.constant 2 : i32
        %mul3A_665 = arith.muli %mul3A_664, %scan3A_530 : i32
        %add3A_666 = arith.constant 0 : i32
        %add3A_667 = arith.addi %mul3A_665, %add3A_666 : i32
        %swap3A_668 = arith.index_cast %add3A_667 : i32 to index
        %swap3A_669 = arith.constant 64 : index
        %swap3A_670 = tpu.vector_load %arg9[%swap3A_668, %swap3A_669] {strides = array<i32>} : memref<128x128xf32, #tpu.memory_space<vmem>>, vector<1x16xf32>,
        %swap3A_671 = vector.shape_cast %swap3A_670 : vector<1x16xf32> to vector<16xf32>
        %swap3A_672 = vector.shape_cast %max3A_663 : vector<16xf32> to vector<1x16xf32>
        tpu.vector_store %arg9[%swap3A_668, %swap3A_669], %swap3A_672 {strides = array<i32>} : memref<128x128xf32, #tpu.memory_space<vmem>>, vector<1x16xf32>,
        %mul3A_673 = arith.constant 2 : i32
        %mul3A_674 = arith.muli %mul3A_673, %scan3A_530 : i32
        %add3A_675 = arith.constant 0 : i32
        %add3A_676 = arith.addi %mul3A_674, %add3A_675 : i32
        %get3A_677 = arith.index_cast %add3A_676 : i32 to index
        %get3A_678 = arith.constant 80 : index
        %get3A_679 = tpu.vector_load %arg10[%get3A_677, %get3A_678] {strides = array<i32>} : memref<128x128xf32, #tpu.memory_space<vmem>>, vector<1x16xf32>,
        %get3A_680 = vector.shape_cast %get3A_679 : vector<1x16xf32> to vector<16xf32>
        %mul3A_681 = arith.constant 2 : i32
        %mul3A_682 = arith.muli %mul3A_681, %scan3A_530 : i32
        %add3A_683 = arith.constant 0 : i32
        %add3A_684 = arith.addi %mul3A_682, %add3A_683 : i32
        %get3A_685 = arith.index_cast %add3A_684 : i32 to index
        %get3A_686 = arith.constant 80 : index
        %get3A_687 = tpu.vector_load %arg9[%get3A_685, %get3A_686] {strides = array<i32>} : memref<128x128xf32, #tpu.memory_space<vmem>>, vector<1x16xf32>,
        %get3A_688 = vector.shape_cast %get3A_687 : vector<1x16xf32> to vector<16xf32>
        %add3A_689 = arith.addf %get3A_680, %get3A_688 : vector<16xf32>
        %max3A_690 = arith.constant 0.000000e+00 : f32
        %max3A_691 = vector.broadcast %max3A_690 : f32 to vector<16xf32>
        %max3A_692 = arith.maximumf %add3A_689, %max3A_691 : vector<16xf32>
        %mul3A_693 = arith.constant 2 : i32
        %mul3A_694 = arith.muli %mul3A_693, %scan3A_530 : i32
        %add3A_695 = arith.constant 0 : i32
        %add3A_696 = arith.addi %mul3A_694, %add3A_695 : i32
        %swap3A_697 = arith.index_cast %add3A_696 : i32 to index
        %swap3A_698 = arith.constant 80 : index
        %swap3A_699 = tpu.vector_load %arg9[%swap3A_697, %swap3A_698] {strides = array<i32>} : memref<128x128xf32, #tpu.memory_space<vmem>>, vector<1x16xf32>,
        %swap3A_700 = vector.shape_cast %swap3A_699 : vector<1x16xf32> to vector<16xf32>
        %swap3A_701 = vector.shape_cast %max3A_692 : vector<16xf32> to vector<1x16xf32>
        tpu.vector_store %arg9[%swap3A_697, %swap3A_698], %swap3A_701 {strides = array<i32>} : memref<128x128xf32, #tpu.memory_space<vmem>>, vector<1x16xf32>,
        %mul3A_702 = arith.constant 2 : i32
        %mul3A_703 = arith.muli %mul3A_702, %scan3A_530 : i32
        %add3A_704 = arith.constant 0 : i32
        %add3A_705 = arith.addi %mul3A_703, %add3A_704 : i32
        %get3A_706 = arith.index_cast %add3A_705 : i32 to index
        %get3A_707 = arith.constant 96 : index
        %get3A_708 = tpu.vector_load %arg10[%get3A_706, %get3A_707] {strides = array<i32>} : memref<128x128xf32, #tpu.memory_space<vmem>>, vector<1x16xf32>,
        %get3A_709 = vector.shape_cast %get3A_708 : vector<1x16xf32> to vector<16xf32>
        %mul3A_710 = arith.constant 2 : i32
        %mul3A_711 = arith.muli %mul3A_710, %scan3A_530 : i32
        %add3A_712 = arith.constant 0 : i32
        %add3A_713 = arith.addi %mul3A_711, %add3A_712 : i32
        %get3A_714 = arith.index_cast %add3A_713 : i32 to index
        %get3A_715 = arith.constant 96 : index
        %get3A_716 = tpu.vector_load %arg9[%get3A_714, %get3A_715] {strides = array<i32>} : memref<128x128xf32, #tpu.memory_space<vmem>>, vector<1x16xf32>,
        %get3A_717 = vector.shape_cast %get3A_716 : vector<1x16xf32> to vector<16xf32>
        %add3A_718 = arith.addf %get3A_709, %get3A_717 : vector<16xf32>
        %max3A_719 = arith.constant 0.000000e+00 : f32
        %max3A_720 = vector.broadcast %max3A_719 : f32 to vector<16xf32>
        %max3A_721 = arith.maximumf %add3A_718, %max3A_720 : vector<16xf32>
        %mul3A_722 = arith.constant 2 : i32
        %mul3A_723 = arith.muli %mul3A_722, %scan3A_530 : i32
        %add3A_724 = arith.constant 0 : i32
        %add3A_725 = arith.addi %mul3A_723, %add3A_724 : i32
        %swap3A_726 = arith.index_cast %add3A_725 : i32 to index
        %swap3A_727 = arith.constant 96 : index
        %swap3A_728 = tpu.vector_load %arg9[%swap3A_726, %swap3A_727] {strides = array<i32>} : memref<128x128xf32, #tpu.memory_space<vmem>>, vector<1x16xf32>,
        %swap3A_729 = vector.shape_cast %swap3A_728 : vector<1x16xf32> to vector<16xf32>
        %swap3A_730 = vector.shape_cast %max3A_721 : vector<16xf32> to vector<1x16xf32>
        tpu.vector_store %arg9[%swap3A_726, %swap3A_727], %swap3A_730 {strides = array<i32>} : memref<128x128xf32, #tpu.memory_space<vmem>>, vector<1x16xf32>,
        %mul3A_731 = arith.constant 2 : i32
        %mul3A_732 = arith.muli %mul3A_731, %scan3A_530 : i32
        %add3A_733 = arith.constant 0 : i32
        %add3A_734 = arith.addi %mul3A_732, %add3A_733 : i32
        %get3A_735 = arith.index_cast %add3A_734 : i32 to index
        %get3A_736 = arith.constant 112 : index
        %get3A_737 = tpu.vector_load %arg10[%get3A_735, %get3A_736] {strides = array<i32>} : memref<128x128xf32, #tpu.memory_space<vmem>>, vector<1x16xf32>,
        %get3A_738 = vector.shape_cast %get3A_737 : vector<1x16xf32> to vector<16xf32>
        %mul3A_739 = arith.constant 2 : i32
        %mul3A_740 = arith.muli %mul3A_739, %scan3A_530 : i32
        %add3A_741 = arith.constant 0 : i32
        %add3A_742 = arith.addi %mul3A_740, %add3A_741 : i32
        %get3A_743 = arith.index_cast %add3A_742 : i32 to index
        %get3A_744 = arith.constant 112 : index
        %get3A_745 = tpu.vector_load %arg9[%get3A_743, %get3A_744] {strides = array<i32>} : memref<128x128xf32, #tpu.memory_space<vmem>>, vector<1x16xf32>,
        %get3A_746 = vector.shape_cast %get3A_745 : vector<1x16xf32> to vector<16xf32>
        %add3A_747 = arith.addf %get3A_738, %get3A_746 : vector<16xf32>
        %max3A_748 = arith.constant 0.000000e+00 : f32
        %max3A_749 = vector.broadcast %max3A_748 : f32 to vector<16xf32>
        %max3A_750 = arith.maximumf %add3A_747, %max3A_749 : vector<16xf32>
        %mul3A_751 = arith.constant 2 : i32
        %mul3A_752 = arith.muli %mul3A_751, %scan3A_530 : i32
        %add3A_753 = arith.constant 0 : i32
        %add3A_754 = arith.addi %mul3A_752, %add3A_753 : i32
        %swap3A_755 = arith.index_cast %add3A_754 : i32 to index
        %swap3A_756 = arith.constant 112 : index
        %swap3A_757 = tpu.vector_load %arg9[%swap3A_755, %swap3A_756] {strides = array<i32>} : memref<128x128xf32, #tpu.memory_space<vmem>>, vector<1x16xf32>,
        %swap3A_758 = vector.shape_cast %swap3A_757 : vector<1x16xf32> to vector<16xf32>
        %swap3A_759 = vector.shape_cast %max3A_750 : vector<16xf32> to vector<1x16xf32>
        tpu.vector_store %arg9[%swap3A_755, %swap3A_756], %swap3A_759 {strides = array<i32>} : memref<128x128xf32, #tpu.memory_space<vmem>>, vector<1x16xf32>,
        %mul3A_760 = arith.constant 2 : i32
        %mul3A_761 = arith.muli %mul3A_760, %scan3A_530 : i32
        %add3A_762 = arith.constant 1 : i32
        %add3A_763 = arith.addi %mul3A_761, %add3A_762 : i32
        %get3A_764 = arith.index_cast %add3A_763 : i32 to index
        %get3A_765 = arith.constant 0 : index
        %get3A_766 = tpu.vector_load %arg10[%get3A_764, %get3A_765] {strides = array<i32>} : memref<128x128xf32, #tpu.memory_space<vmem>>, vector<1x16xf32>,
        %get3A_767 = vector.shape_cast %get3A_766 : vector<1x16xf32> to vector<16xf32>
        %mul3A_768 = arith.constant 2 : i32
        %mul3A_769 = arith.muli %mul3A_768, %scan3A_530 : i32
        %add3A_770 = arith.constant 1 : i32
        %add3A_771 = arith.addi %mul3A_769, %add3A_770 : i32
        %get3A_772 = arith.index_cast %add3A_771 : i32 to index
        %get3A_773 = arith.constant 0 : index
        %get3A_774 = tpu.vector_load %arg9[%get3A_772, %get3A_773] {strides = array<i32>} : memref<128x128xf32, #tpu.memory_space<vmem>>, vector<1x16xf32>,
        %get3A_775 = vector.shape_cast %get3A_774 : vector<1x16xf32> to vector<16xf32>
        %add3A_776 = arith.addf %get3A_767, %get3A_775 : vector<16xf32>
        %max3A_777 = arith.constant 0.000000e+00 : f32
        %max3A_778 = vector.broadcast %max3A_777 : f32 to vector<16xf32>
        %max3A_779 = arith.maximumf %add3A_776, %max3A_778 : vector<16xf32>
        %mul3A_780 = arith.constant 2 : i32
        %mul3A_781 = arith.muli %mul3A_780, %scan3A_530 : i32
        %add3A_782 = arith.constant 1 : i32
        %add3A_783 = arith.addi %mul3A_781, %add3A_782 : i32
        %swap3A_784 = arith.index_cast %add3A_783 : i32 to index
        %swap3A_785 = arith.constant 0 : index
        %swap3A_786 = tpu.vector_load %arg9[%swap3A_784, %swap3A_785] {strides = array<i32>} : memref<128x128xf32, #tpu.memory_space<vmem>>, vector<1x16xf32>,
        %swap3A_787 = vector.shape_cast %swap3A_786 : vector<1x16xf32> to vector<16xf32>
        %swap3A_788 = vector.shape_cast %max3A_779 : vector<16xf32> to vector<1x16xf32>
        tpu.vector_store %arg9[%swap3A_784, %swap3A_785], %swap3A_788 {strides = array<i32>} : memref<128x128xf32, #tpu.memory_space<vmem>>, vector<1x16xf32>,
        %mul3A_789 = arith.constant 2 : i32
        %mul3A_790 = arith.muli %mul3A_789, %scan3A_530 : i32
        %add3A_791 = arith.constant 1 : i32
        %add3A_792 = arith.addi %mul3A_790, %add3A_791 : i32
        %get3A_793 = arith.index_cast %add3A_792 : i32 to index
        %get3A_794 = arith.constant 16 : index
        %get3A_795 = tpu.vector_load %arg10[%get3A_793, %get3A_794] {strides = array<i32>} : memref<128x128xf32, #tpu.memory_space<vmem>>, vector<1x16xf32>,
        %get3A_796 = vector.shape_cast %get3A_795 : vector<1x16xf32> to vector<16xf32>
        %mul3A_797 = arith.constant 2 : i32
        %mul3A_798 = arith.muli %mul3A_797, %scan3A_530 : i32
        %add3A_799 = arith.constant 1 : i32
        %add3A_800 = arith.addi %mul3A_798, %add3A_799 : i32
        %get3A_801 = arith.index_cast %add3A_800 : i32 to index
        %get3A_802 = arith.constant 16 : index
        %get3A_803 = tpu.vector_load %arg9[%get3A_801, %get3A_802] {strides = array<i32>} : memref<128x128xf32, #tpu.memory_space<vmem>>, vector<1x16xf32>,
        %get3A_804 = vector.shape_cast %get3A_803 : vector<1x16xf32> to vector<16xf32>
        %add3A_805 = arith.addf %get3A_796, %get3A_804 : vector<16xf32>
        %max3A_806 = arith.constant 0.000000e+00 : f32
        %max3A_807 = vector.broadcast %max3A_806 : f32 to vector<16xf32>
        %max3A_808 = arith.maximumf %add3A_805, %max3A_807 : vector<16xf32>
        %mul3A_809 = arith.constant 2 : i32
        %mul3A_810 = arith.muli %mul3A_809, %scan3A_530 : i32
        %add3A_811 = arith.constant 1 : i32
        %add3A_812 = arith.addi %mul3A_810, %add3A_811 : i32
        %swap3A_813 = arith.index_cast %add3A_812 : i32 to index
        %swap3A_814 = arith.constant 16 : index
        %swap3A_815 = tpu.vector_load %arg9[%swap3A_813, %swap3A_814] {strides = array<i32>} : memref<128x128xf32, #tpu.memory_space<vmem>>, vector<1x16xf32>,
        %swap3A_816 = vector.shape_cast %swap3A_815 : vector<1x16xf32> to vector<16xf32>
        %swap3A_817 = vector.shape_cast %max3A_808 : vector<16xf32> to vector<1x16xf32>
        tpu.vector_store %arg9[%swap3A_813, %swap3A_814], %swap3A_817 {strides = array<i32>} : memref<128x128xf32, #tpu.memory_space<vmem>>, vector<1x16xf32>,
        %mul3A_818 = arith.constant 2 : i32
        %mul3A_819 = arith.muli %mul3A_818, %scan3A_530 : i32
        %add3A_820 = arith.constant 1 : i32
        %add3A_821 = arith.addi %mul3A_819, %add3A_820 : i32
        %get3A_822 = arith.index_cast %add3A_821 : i32 to index
        %get3A_823 = arith.constant 32 : index
        %get3A_824 = tpu.vector_load %arg10[%get3A_822, %get3A_823] {strides = array<i32>} : memref<128x128xf32, #tpu.memory_space<vmem>>, vector<1x16xf32>,
        %get3A_825 = vector.shape_cast %get3A_824 : vector<1x16xf32> to vector<16xf32>
        %mul3A_826 = arith.constant 2 : i32
        %mul3A_827 = arith.muli %mul3A_826, %scan3A_530 : i32
        %add3A_828 = arith.constant 1 : i32
        %add3A_829 = arith.addi %mul3A_827, %add3A_828 : i32
        %get3A_830 = arith.index_cast %add3A_829 : i32 to index
        %get3A_831 = arith.constant 32 : index
        %get3A_832 = tpu.vector_load %arg9[%get3A_830, %get3A_831] {strides = array<i32>} : memref<128x128xf32, #tpu.memory_space<vmem>>, vector<1x16xf32>,
        %get3A_833 = vector.shape_cast %get3A_832 : vector<1x16xf32> to vector<16xf32>
        %add3A_834 = arith.addf %get3A_825, %get3A_833 : vector<16xf32>
        %max3A_835 = arith.constant 0.000000e+00 : f32
        %max3A_836 = vector.broadcast %max3A_835 : f32 to vector<16xf32>
        %max3A_837 = arith.maximumf %add3A_834, %max3A_836 : vector<16xf32>
        %mul3A_838 = arith.constant 2 : i32
        %mul3A_839 = arith.muli %mul3A_838, %scan3A_530 : i32
        %add3A_840 = arith.constant 1 : i32
        %add3A_841 = arith.addi %mul3A_839, %add3A_840 : i32
        %swap3A_842 = arith.index_cast %add3A_841 : i32 to index
        %swap3A_843 = arith.constant 32 : index
        %swap3A_844 = tpu.vector_load %arg9[%swap3A_842, %swap3A_843] {strides = array<i32>} : memref<128x128xf32, #tpu.memory_space<vmem>>, vector<1x16xf32>,
        %swap3A_845 = vector.shape_cast %swap3A_844 : vector<1x16xf32> to vector<16xf32>
        %swap3A_846 = vector.shape_cast %max3A_837 : vector<16xf32> to vector<1x16xf32>
        tpu.vector_store %arg9[%swap3A_842, %swap3A_843], %swap3A_846 {strides = array<i32>} : memref<128x128xf32, #tpu.memory_space<vmem>>, vector<1x16xf32>,
        %mul3A_847 = arith.constant 2 : i32
        %mul3A_848 = arith.muli %mul3A_847, %scan3A_530 : i32
        %add3A_849 = arith.constant 1 : i32
        %add3A_850 = arith.addi %mul3A_848, %add3A_849 : i32
        %get3A_851 = arith.index_cast %add3A_850 : i32 to index
        %get3A_852 = arith.constant 48 : index
        %get3A_853 = tpu.vector_load %arg10[%get3A_851, %get3A_852] {strides = array<i32>} : memref<128x128xf32, #tpu.memory_space<vmem>>, vector<1x16xf32>,
        %get3A_854 = vector.shape_cast %get3A_853 : vector<1x16xf32> to vector<16xf32>
        %mul3A_855 = arith.constant 2 : i32
        %mul3A_856 = arith.muli %mul3A_855, %scan3A_530 : i32
        %add3A_857 = arith.constant 1 : i32
        %add3A_858 = arith.addi %mul3A_856, %add3A_857 : i32
        %get3A_859 = arith.index_cast %add3A_858 : i32 to index
        %get3A_860 = arith.constant 48 : index
        %get3A_861 = tpu.vector_load %arg9[%get3A_859, %get3A_860] {strides = array<i32>} : memref<128x128xf32, #tpu.memory_space<vmem>>, vector<1x16xf32>,
        %get3A_862 = vector.shape_cast %get3A_861 : vector<1x16xf32> to vector<16xf32>
        %add3A_863 = arith.addf %get3A_854, %get3A_862 : vector<16xf32>
        %max3A_864 = arith.constant 0.000000e+00 : f32
        %max3A_865 = vector.broadcast %max3A_864 : f32 to vector<16xf32>
        %max3A_866 = arith.maximumf %add3A_863, %max3A_865 : vector<16xf32>
        %mul3A_867 = arith.constant 2 : i32
        %mul3A_868 = arith.muli %mul3A_867, %scan3A_530 : i32
        %add3A_869 = arith.constant 1 : i32
        %add3A_870 = arith.addi %mul3A_868, %add3A_869 : i32
        %swap3A_871 = arith.index_cast %add3A_870 : i32 to index
        %swap3A_872 = arith.constant 48 : index
        %swap3A_873 = tpu.vector_load %arg9[%swap3A_871, %swap3A_872] {strides = array<i32>} : memref<128x128xf32, #tpu.memory_space<vmem>>, vector<1x16xf32>,
        %swap3A_874 = vector.shape_cast %swap3A_873 : vector<1x16xf32> to vector<16xf32>
        %swap3A_875 = vector.shape_cast %max3A_866 : vector<16xf32> to vector<1x16xf32>
        tpu.vector_store %arg9[%swap3A_871, %swap3A_872], %swap3A_875 {strides = array<i32>} : memref<128x128xf32, #tpu.memory_space<vmem>>, vector<1x16xf32>,
        %mul3A_876 = arith.constant 2 : i32
        %mul3A_877 = arith.muli %mul3A_876, %scan3A_530 : i32
        %add3A_878 = arith.constant 1 : i32
        %add3A_879 = arith.addi %mul3A_877, %add3A_878 : i32
        %get3A_880 = arith.index_cast %add3A_879 : i32 to index
        %get3A_881 = arith.constant 64 : index
        %get3A_882 = tpu.vector_load %arg10[%get3A_880, %get3A_881] {strides = array<i32>} : memref<128x128xf32, #tpu.memory_space<vmem>>, vector<1x16xf32>,
        %get3A_883 = vector.shape_cast %get3A_882 : vector<1x16xf32> to vector<16xf32>
        %mul3A_884 = arith.constant 2 : i32
        %mul3A_885 = arith.muli %mul3A_884, %scan3A_530 : i32
        %add3A_886 = arith.constant 1 : i32
        %add3A_887 = arith.addi %mul3A_885, %add3A_886 : i32
        %get3A_888 = arith.index_cast %add3A_887 : i32 to index
        %get3A_889 = arith.constant 64 : index
        %get3A_890 = tpu.vector_load %arg9[%get3A_888, %get3A_889] {strides = array<i32>} : memref<128x128xf32, #tpu.memory_space<vmem>>, vector<1x16xf32>,
        %get3A_891 = vector.shape_cast %get3A_890 : vector<1x16xf32> to vector<16xf32>
        %add3A_892 = arith.addf %get3A_883, %get3A_891 : vector<16xf32>
        %max3A_893 = arith.constant 0.000000e+00 : f32
        %max3A_894 = vector.broadcast %max3A_893 : f32 to vector<16xf32>
        %max3A_895 = arith.maximumf %add3A_892, %max3A_894 : vector<16xf32>
        %mul3A_896 = arith.constant 2 : i32
        %mul3A_897 = arith.muli %mul3A_896, %scan3A_530 : i32
        %add3A_898 = arith.constant 1 : i32
        %add3A_899 = arith.addi %mul3A_897, %add3A_898 : i32
        %swap3A_900 = arith.index_cast %add3A_899 : i32 to index
        %swap3A_901 = arith.constant 64 : index
        %swap3A_902 = tpu.vector_load %arg9[%swap3A_900, %swap3A_901] {strides = array<i32>} : memref<128x128xf32, #tpu.memory_space<vmem>>, vector<1x16xf32>,
        %swap3A_903 = vector.shape_cast %swap3A_902 : vector<1x16xf32> to vector<16xf32>
        %swap3A_904 = vector.shape_cast %max3A_895 : vector<16xf32> to vector<1x16xf32>
        tpu.vector_store %arg9[%swap3A_900, %swap3A_901], %swap3A_904 {strides = array<i32>} : memref<128x128xf32, #tpu.memory_space<vmem>>, vector<1x16xf32>,
        %mul3A_905 = arith.constant 2 : i32
        %mul3A_906 = arith.muli %mul3A_905, %scan3A_530 : i32
        %add3A_907 = arith.constant 1 : i32
        %add3A_908 = arith.addi %mul3A_906, %add3A_907 : i32
        %get3A_909 = arith.index_cast %add3A_908 : i32 to index
        %get3A_910 = arith.constant 80 : index
        %get3A_911 = tpu.vector_load %arg10[%get3A_909, %get3A_910] {strides = array<i32>} : memref<128x128xf32, #tpu.memory_space<vmem>>, vector<1x16xf32>,
        %get3A_912 = vector.shape_cast %get3A_911 : vector<1x16xf32> to vector<16xf32>
        %mul3A_913 = arith.constant 2 : i32
        %mul3A_914 = arith.muli %mul3A_913, %scan3A_530 : i32
        %add3A_915 = arith.constant 1 : i32
        %add3A_916 = arith.addi %mul3A_914, %add3A_915 : i32
        %get3A_917 = arith.index_cast %add3A_916 : i32 to index
        %get3A_918 = arith.constant 80 : index
        %get3A_919 = tpu.vector_load %arg9[%get3A_917, %get3A_918] {strides = array<i32>} : memref<128x128xf32, #tpu.memory_space<vmem>>, vector<1x16xf32>,
        %get3A_920 = vector.shape_cast %get3A_919 : vector<1x16xf32> to vector<16xf32>
        %add3A_921 = arith.addf %get3A_912, %get3A_920 : vector<16xf32>
        %max3A_922 = arith.constant 0.000000e+00 : f32
        %max3A_923 = vector.broadcast %max3A_922 : f32 to vector<16xf32>
        %max3A_924 = arith.maximumf %add3A_921, %max3A_923 : vector<16xf32>
        %mul3A_925 = arith.constant 2 : i32
        %mul3A_926 = arith.muli %mul3A_925, %scan3A_530 : i32
        %add3A_927 = arith.constant 1 : i32
        %add3A_928 = arith.addi %mul3A_926, %add3A_927 : i32
        %swap3A_929 = arith.index_cast %add3A_928 : i32 to index
        %swap3A_930 = arith.constant 80 : index
        %swap3A_931 = tpu.vector_load %arg9[%swap3A_929, %swap3A_930] {strides = array<i32>} : memref<128x128xf32, #tpu.memory_space<vmem>>, vector<1x16xf32>,
        %swap3A_932 = vector.shape_cast %swap3A_931 : vector<1x16xf32> to vector<16xf32>
        %swap3A_933 = vector.shape_cast %max3A_924 : vector<16xf32> to vector<1x16xf32>
        tpu.vector_store %arg9[%swap3A_929, %swap3A_930], %swap3A_933 {strides = array<i32>} : memref<128x128xf32, #tpu.memory_space<vmem>>, vector<1x16xf32>,
        %mul3A_934 = arith.constant 2 : i32
        %mul3A_935 = arith.muli %mul3A_934, %scan3A_530 : i32
        %add3A_936 = arith.constant 1 : i32
        %add3A_937 = arith.addi %mul3A_935, %add3A_936 : i32
        %get3A_938 = arith.index_cast %add3A_937 : i32 to index
        %get3A_939 = arith.constant 96 : index
        %get3A_940 = tpu.vector_load %arg10[%get3A_938, %get3A_939] {strides = array<i32>} : memref<128x128xf32, #tpu.memory_space<vmem>>, vector<1x16xf32>,
        %get3A_941 = vector.shape_cast %get3A_940 : vector<1x16xf32> to vector<16xf32>
        %mul3A_942 = arith.constant 2 : i32
        %mul3A_943 = arith.muli %mul3A_942, %scan3A_530 : i32
        %add3A_944 = arith.constant 1 : i32
        %add3A_945 = arith.addi %mul3A_943, %add3A_944 : i32
        %get3A_946 = arith.index_cast %add3A_945 : i32 to index
        %get3A_947 = arith.constant 96 : index
        %get3A_948 = tpu.vector_load %arg9[%get3A_946, %get3A_947] {strides = array<i32>} : memref<128x128xf32, #tpu.memory_space<vmem>>, vector<1x16xf32>,
        %get3A_949 = vector.shape_cast %get3A_948 : vector<1x16xf32> to vector<16xf32>
        %add3A_950 = arith.addf %get3A_941, %get3A_949 : vector<16xf32>
        %max3A_951 = arith.constant 0.000000e+00 : f32
        %max3A_952 = vector.broadcast %max3A_951 : f32 to vector<16xf32>
        %max3A_953 = arith.maximumf %add3A_950, %max3A_952 : vector<16xf32>
        %mul3A_954 = arith.constant 2 : i32
        %mul3A_955 = arith.muli %mul3A_954, %scan3A_530 : i32
        %add3A_956 = arith.constant 1 : i32
        %add3A_957 = arith.addi %mul3A_955, %add3A_956 : i32
        %swap3A_958 = arith.index_cast %add3A_957 : i32 to index
        %swap3A_959 = arith.constant 96 : index
        %swap3A_960 = tpu.vector_load %arg9[%swap3A_958, %swap3A_959] {strides = array<i32>} : memref<128x128xf32, #tpu.memory_space<vmem>>, vector<1x16xf32>,
        %swap3A_961 = vector.shape_cast %swap3A_960 : vector<1x16xf32> to vector<16xf32>
        %swap3A_962 = vector.shape_cast %max3A_953 : vector<16xf32> to vector<1x16xf32>
        tpu.vector_store %arg9[%swap3A_958, %swap3A_959], %swap3A_962 {strides = array<i32>} : memref<128x128xf32, #tpu.memory_space<vmem>>, vector<1x16xf32>,
        %mul3A_963 = arith.constant 2 : i32
        %mul3A_964 = arith.muli %mul3A_963, %scan3A_530 : i32
        %add3A_965 = arith.constant 1 : i32
        %add3A_966 = arith.addi %mul3A_964, %add3A_965 : i32
        %get3A_967 = arith.index_cast %add3A_966 : i32 to index
        %get3A_968 = arith.constant 112 : index
        %get3A_969 = tpu.vector_load %arg10[%get3A_967, %get3A_968] {strides = array<i32>} : memref<128x128xf32, #tpu.memory_space<vmem>>, vector<1x16xf32>,
        %get3A_970 = vector.shape_cast %get3A_969 : vector<1x16xf32> to vector<16xf32>
        %mul3A_971 = arith.constant 2 : i32
        %mul3A_972 = arith.muli %mul3A_971, %scan3A_530 : i32
        %add3A_973 = arith.constant 1 : i32
        %add3A_974 = arith.addi %mul3A_972, %add3A_973 : i32
        %get3A_975 = arith.index_cast %add3A_974 : i32 to index
        %get3A_976 = arith.constant 112 : index
        %get3A_977 = tpu.vector_load %arg9[%get3A_975, %get3A_976] {strides = array<i32>} : memref<128x128xf32, #tpu.memory_space<vmem>>, vector<1x16xf32>,
        %get3A_978 = vector.shape_cast %get3A_977 : vector<1x16xf32> to vector<16xf32>
        %add3A_979 = arith.addf %get3A_970, %get3A_978 : vector<16xf32>
        %max3A_980 = arith.constant 0.000000e+00 : f32
        %max3A_981 = vector.broadcast %max3A_980 : f32 to vector<16xf32>
        %max3A_982 = arith.maximumf %add3A_979, %max3A_981 : vector<16xf32>
        %mul3A_983 = arith.constant 2 : i32
        %mul3A_984 = arith.muli %mul3A_983, %scan3A_530 : i32
        %add3A_985 = arith.constant 1 : i32
        %add3A_986 = arith.addi %mul3A_984, %add3A_985 : i32
        %swap3A_987 = arith.index_cast %add3A_986 : i32 to index
        %swap3A_988 = arith.constant 112 : index
        %swap3A_989 = tpu.vector_load %arg9[%swap3A_987, %swap3A_988] {strides = array<i32>} : memref<128x128xf32, #tpu.memory_space<vmem>>, vector<1x16xf32>,
        %swap3A_990 = vector.shape_cast %swap3A_989 : vector<1x16xf32> to vector<16xf32>
        %swap3A_991 = vector.shape_cast %max3A_982 : vector<16xf32> to vector<1x16xf32>
        tpu.vector_store %arg9[%swap3A_987, %swap3A_988], %swap3A_991 {strides = array<i32>} : memref<128x128xf32, #tpu.memory_space<vmem>>, vector<1x16xf32>,
      }
      %scan3A_274 = arith.constant 64 : i32
      %dma_start3A_275 = arith.constant 3 : i32
      %dma_start3A_276 = arith.constant 0 : i32
      %dma_start3A_277 = tpu.memref_slice %arg8[%dma_start3A_275, %dma_start3A_276] : memref<8x128xi32, #tpu.memory_space<vmem>> -> memref<1x128xi32, #tpu.memory_space<vmem>>
      %dma_start3A_278 = tpu.memref_squeeze %dma_start3A_277 : memref<1x128xi32, #tpu.memory_space<vmem>> -> memref<128xi32, #tpu.memory_space<vmem>>
      %dma_start3A_279 = arith.constant 0 : i32
      %dma_start3A_280 = arith.constant 0 : i32
      %dma_start3A_281 = tpu.memref_slice %arg11[%dma_start3A_279, %dma_start3A_280] : memref<10000x128xf32, #tpu.memory_space<vmem_shared>> -> memref<10000x128xf32, #tpu.memory_space<vmem_shared>>
      tpu.enqueue_indirect_dma source(%arg9 : memref<128x128xf32, #tpu.memory_space<vmem>>) target(%dma_start3A_281 : memref<10000x128xf32, #tpu.memory_space<vmem_shared>>) offsets(%dma_start3A_278 : memref<128xi32, #tpu.memory_space<vmem>>) semaphore(%arg14 : memref<!tpu.dma_semaphore, #tpu.memory_space<semaphore_mem>>) {add = true}
      %dma_start3A_282 = arith.constant 4 : i32
      %dma_start3A_283 = arith.constant 0 : i32
      %dma_start3A_284 = tpu.memref_slice %arg7[%dma_start3A_282, %dma_start3A_283] : memref<8x128xi32, #tpu.memory_space<vmem>> -> memref<1x128xi32, #tpu.memory_space<vmem>>
      %dma_start3A_285 = tpu.memref_squeeze %dma_start3A_284 : memref<1x128xi32, #tpu.memory_space<vmem>> -> memref<128xi32, #tpu.memory_space<vmem>>
      %dma_start3A_286 = arith.constant 0 : i32
      %dma_start3A_287 = arith.constant 0 : i32
      %dma_start3A_288 = tpu.memref_slice %arg2[%dma_start3A_286, %dma_start3A_287] : memref<10000x128xf32, #tpu.memory_space<hbm>> -> memref<10000x128xf32, #tpu.memory_space<hbm>>
      tpu.enqueue_indirect_dma source(%dma_start3A_288 : memref<10000x128xf32, #tpu.memory_space<hbm>>) target(%arg10 : memref<128x128xf32, #tpu.memory_space<vmem>>) offsets(%dma_start3A_285 : memref<128xi32, #tpu.memory_space<vmem>>) semaphore(%arg13 : memref<!tpu.dma_semaphore, #tpu.memory_space<semaphore_mem>>)
      %dma_wait3A_289 = arith.constant 3 : i32
      %dma_wait3A_290 = arith.constant 0 : i32
      %dma_wait3A_291 = tpu.memref_slice %arg8[%dma_wait3A_289, %dma_wait3A_290] : memref<8x128xi32, #tpu.memory_space<vmem>> -> memref<1x128xi32, #tpu.memory_space<vmem>>
      %dma_wait3A_292 = tpu.memref_squeeze %dma_wait3A_291 : memref<1x128xi32, #tpu.memory_space<vmem>> -> memref<128xi32, #tpu.memory_space<vmem>>
      %dma_wait3A_293 = arith.constant 0 : i32
      %dma_wait3A_294 = arith.constant 0 : i32
      %dma_wait3A_295 = tpu.memref_slice %arg11[%dma_wait3A_293, %dma_wait3A_294] : memref<10000x128xf32, #tpu.memory_space<vmem_shared>> -> memref<10000x128xf32, #tpu.memory_space<vmem_shared>>
      tpu.wait_indirect_dma semaphore(%arg14 : memref<!tpu.dma_semaphore, #tpu.memory_space<semaphore_mem>>) src(%arg9 : memref<128x128xf32, #tpu.memory_space<vmem>>) dst(%dma_wait3A_295 : memref<10000x128xf32, #tpu.memory_space<vmem_shared>>)
      %mul3A_296 = arith.constant 8 : i32
      %mul3A_297 = arith.muli %scan3A_46, %mul3A_296 : i32
      %add3A_298 = arith.constant 3 : i32
      %add3A_299 = arith.addi %mul3A_297, %add3A_298 : i32
      %add3A_300 = arith.constant 1 : i32
      %add3A_301 = arith.addi %add3A_299, %add3A_300 : i32
      %mul3A_302 = arith.constant 80 : i32
      %mul3A_303 = arith.muli %add3A, %mul3A_302 : i32
      %add3A_304 = arith.addi %mul3A_303, %add3A_301 : i32
      %mul3A_305 = arith.constant 128 : i32
      %mul3A_306 = arith.muli %add3A_304, %mul3A_305 : i32
      %dma_start3A_307 = arith.constant 0 : i32
      %dma_start3A_308 = tpu.memref_slice %arg3[%mul3A_306, %dma_start3A_307] : memref<327680x128xf32, #tpu.memory_space<hbm>> -> memref<128x128xf32, #tpu.memory_space<hbm>>
      %dma_start3A_309 = arith.constant 0 : i32
      %dma_start3A_310 = tpu.memref_slice %arg3[%mul3A_306, %dma_start3A_309] : memref<327680x128xf32, #tpu.memory_space<hbm>> -> memref<128x128xf32, #tpu.memory_space<hbm>>
      tpu.enqueue_dma source(%dma_start3A_310 : memref<128x128xf32, #tpu.memory_space<hbm>>) target(%arg9 : memref<128x128xf32, #tpu.memory_space<vmem>>) target_semaphore(%arg12 : memref<!tpu.dma_semaphore, #tpu.memory_space<semaphore_mem>>)
      %dma_wait3A_311 = arith.constant 4 : i32
      %dma_wait3A_312 = arith.constant 0 : i32
      %dma_wait3A_313 = tpu.memref_slice %arg7[%dma_wait3A_311, %dma_wait3A_312] : memref<8x128xi32, #tpu.memory_space<vmem>> -> memref<1x128xi32, #tpu.memory_space<vmem>>
      %dma_wait3A_314 = tpu.memref_squeeze %dma_wait3A_313 : memref<1x128xi32, #tpu.memory_space<vmem>> -> memref<128xi32, #tpu.memory_space<vmem>>
      %dma_wait3A_315 = arith.constant 0 : i32
      %dma_wait3A_316 = arith.constant 0 : i32
      %dma_wait3A_317 = tpu.memref_slice %arg2[%dma_wait3A_315, %dma_wait3A_316] : memref<10000x128xf32, #tpu.memory_space<hbm>> -> memref<10000x128xf32, #tpu.memory_space<hbm>>
      tpu.wait_indirect_dma semaphore(%arg13 : memref<!tpu.dma_semaphore, #tpu.memory_space<semaphore_mem>>) src(%dma_wait3A_317 : memref<10000x128xf32, #tpu.memory_space<hbm>>) dst(%arg10 : memref<128x128xf32, #tpu.memory_space<vmem>>)
      %mul3A_318 = arith.constant 8 : i32
      %mul3A_319 = arith.muli %scan3A_46, %mul3A_318 : i32
      %add3A_320 = arith.constant 4 : i32
      %add3A_321 = arith.addi %mul3A_319, %add3A_320 : i32
      %mul3A_322 = arith.constant 80 : i32
      %mul3A_323 = arith.muli %add3A, %mul3A_322 : i32
      %add3A_324 = arith.addi %mul3A_323, %add3A_321 : i32
      %mul3A_325 = arith.constant 128 : i32
      %mul3A_326 = arith.muli %add3A_324, %mul3A_325 : i32
      %dma_wait3A_327 = arith.constant 0 : i32
      %dma_wait3A_328 = tpu.memref_slice %arg3[%mul3A_326, %dma_wait3A_327] : memref<327680x128xf32, #tpu.memory_space<hbm>> -> memref<128x128xf32, #tpu.memory_space<hbm>>
      %dma_wait3A_329 = arith.constant 0 : i32
      %dma_wait3A_330 = tpu.memref_slice %arg3[%mul3A_326, %dma_wait3A_329] : memref<327680x128xf32, #tpu.memory_space<hbm>> -> memref<128x128xf32, #tpu.memory_space<hbm>>
      tpu.wait_dma2 semaphore(%arg12 : memref<!tpu.dma_semaphore, #tpu.memory_space<semaphore_mem>>) src(%dma_wait3A_330 : memref<128x128xf32, #tpu.memory_space<hbm>>) dst(%arg9 : memref<128x128xf32, #tpu.memory_space<vmem>>)
      %scan3A_331 = arith.constant 0 : i32
      %scan3A_332 = arith.constant 0 : i32
      %scan3A_333 = arith.constant 64 : i32
      %scan3A_334 = arith.addi %scan3A_332, %scan3A_333 : i32
      %scan3A_335 = arith.constant 1 : i32
      scf.for %scan3A_530 = %scan3A_332 to %scan3A_334 step %scan3A_335  : i32 {
        %mul3A_531 = arith.constant 2 : i32
        %mul3A_532 = arith.muli %mul3A_531, %scan3A_530 : i32
        %add3A_533 = arith.constant 0 : i32
        %add3A_534 = arith.addi %mul3A_532, %add3A_533 : i32
        %get3A = arith.index_cast %add3A_534 : i32 to index
        %get3A_535 = arith.constant 0 : index
        %get3A_536 = tpu.vector_load %arg10[%get3A, %get3A_535] {strides = array<i32>} : memref<128x128xf32, #tpu.memory_space<vmem>>, vector<1x16xf32>,
        %get3A_537 = vector.shape_cast %get3A_536 : vector<1x16xf32> to vector<16xf32>
        %mul3A_538 = arith.constant 2 : i32
        %mul3A_539 = arith.muli %mul3A_538, %scan3A_530 : i32
        %add3A_540 = arith.constant 0 : i32
        %add3A_541 = arith.addi %mul3A_539, %add3A_540 : i32
        %get3A_542 = arith.index_cast %add3A_541 : i32 to index
        %get3A_543 = arith.constant 0 : index
        %get3A_544 = tpu.vector_load %arg9[%get3A_542, %get3A_543] {strides = array<i32>} : memref<128x128xf32, #tpu.memory_space<vmem>>, vector<1x16xf32>,
        %get3A_545 = vector.shape_cast %get3A_544 : vector<1x16xf32> to vector<16xf32>
        %add3A_546 = arith.addf %get3A_537, %get3A_545 : vector<16xf32>
        %max3A = arith.constant 0.000000e+00 : f32
        %max3A_547 = vector.broadcast %max3A : f32 to vector<16xf32>
        %max3A_548 = arith.maximumf %add3A_546, %max3A_547 : vector<16xf32>
        %mul3A_549 = arith.constant 2 : i32
        %mul3A_550 = arith.muli %mul3A_549, %scan3A_530 : i32
        %add3A_551 = arith.constant 0 : i32
        %add3A_552 = arith.addi %mul3A_550, %add3A_551 : i32
        %swap3A = arith.index_cast %add3A_552 : i32 to index
        %swap3A_553 = arith.constant 0 : index
        %swap3A_554 = tpu.vector_load %arg9[%swap3A, %swap3A_553] {strides = array<i32>} : memref<128x128xf32, #tpu.memory_space<vmem>>, vector<1x16xf32>,
        %swap3A_555 = vector.shape_cast %swap3A_554 : vector<1x16xf32> to vector<16xf32>
        %swap3A_556 = vector.shape_cast %max3A_548 : vector<16xf32> to vector<1x16xf32>
        tpu.vector_store %arg9[%swap3A, %swap3A_553], %swap3A_556 {strides = array<i32>} : memref<128x128xf32, #tpu.memory_space<vmem>>, vector<1x16xf32>,
        %mul3A_557 = arith.constant 2 : i32
        %mul3A_558 = arith.muli %mul3A_557, %scan3A_530 : i32
        %add3A_559 = arith.constant 0 : i32
        %add3A_560 = arith.addi %mul3A_558, %add3A_559 : i32
        %get3A_561 = arith.index_cast %add3A_560 : i32 to index
        %get3A_562 = arith.constant 16 : index
        %get3A_563 = tpu.vector_load %arg10[%get3A_561, %get3A_562] {strides = array<i32>} : memref<128x128xf32, #tpu.memory_space<vmem>>, vector<1x16xf32>,
        %get3A_564 = vector.shape_cast %get3A_563 : vector<1x16xf32> to vector<16xf32>
        %mul3A_565 = arith.constant 2 : i32
        %mul3A_566 = arith.muli %mul3A_565, %scan3A_530 : i32
        %add3A_567 = arith.constant 0 : i32
        %add3A_568 = arith.addi %mul3A_566, %add3A_567 : i32
        %get3A_569 = arith.index_cast %add3A_568 : i32 to index
        %get3A_570 = arith.constant 16 : index
        %get3A_571 = tpu.vector_load %arg9[%get3A_569, %get3A_570] {strides = array<i32>} : memref<128x128xf32, #tpu.memory_space<vmem>>, vector<1x16xf32>,
        %get3A_572 = vector.shape_cast %get3A_571 : vector<1x16xf32> to vector<16xf32>
        %add3A_573 = arith.addf %get3A_564, %get3A_572 : vector<16xf32>
        %max3A_574 = arith.constant 0.000000e+00 : f32
        %max3A_575 = vector.broadcast %max3A_574 : f32 to vector<16xf32>
        %max3A_576 = arith.maximumf %add3A_573, %max3A_575 : vector<16xf32>
        %mul3A_577 = arith.constant 2 : i32
        %mul3A_578 = arith.muli %mul3A_577, %scan3A_530 : i32
        %add3A_579 = arith.constant 0 : i32
        %add3A_580 = arith.addi %mul3A_578, %add3A_579 : i32
        %swap3A_581 = arith.index_cast %add3A_580 : i32 to index
        %swap3A_582 = arith.constant 16 : index
        %swap3A_583 = tpu.vector_load %arg9[%swap3A_581, %swap3A_582] {strides = array<i32>} : memref<128x128xf32, #tpu.memory_space<vmem>>, vector<1x16xf32>,
        %swap3A_584 = vector.shape_cast %swap3A_583 : vector<1x16xf32> to vector<16xf32>
        %swap3A_585 = vector.shape_cast %max3A_576 : vector<16xf32> to vector<1x16xf32>
        tpu.vector_store %arg9[%swap3A_581, %swap3A_582], %swap3A_585 {strides = array<i32>} : memref<128x128xf32, #tpu.memory_space<vmem>>, vector<1x16xf32>,
        %mul3A_586 = arith.constant 2 : i32
        %mul3A_587 = arith.muli %mul3A_586, %scan3A_530 : i32
        %add3A_588 = arith.constant 0 : i32
        %add3A_589 = arith.addi %mul3A_587, %add3A_588 : i32
        %get3A_590 = arith.index_cast %add3A_589 : i32 to index
        %get3A_591 = arith.constant 32 : index
        %get3A_592 = tpu.vector_load %arg10[%get3A_590, %get3A_591] {strides = array<i32>} : memref<128x128xf32, #tpu.memory_space<vmem>>, vector<1x16xf32>,
        %get3A_593 = vector.shape_cast %get3A_592 : vector<1x16xf32> to vector<16xf32>
        %mul3A_594 = arith.constant 2 : i32
        %mul3A_595 = arith.muli %mul3A_594, %scan3A_530 : i32
        %add3A_596 = arith.constant 0 : i32
        %add3A_597 = arith.addi %mul3A_595, %add3A_596 : i32
        %get3A_598 = arith.index_cast %add3A_597 : i32 to index
        %get3A_599 = arith.constant 32 : index
        %get3A_600 = tpu.vector_load %arg9[%get3A_598, %get3A_599] {strides = array<i32>} : memref<128x128xf32, #tpu.memory_space<vmem>>, vector<1x16xf32>,
        %get3A_601 = vector.shape_cast %get3A_600 : vector<1x16xf32> to vector<16xf32>
        %add3A_602 = arith.addf %get3A_593, %get3A_601 : vector<16xf32>
        %max3A_603 = arith.constant 0.000000e+00 : f32
        %max3A_604 = vector.broadcast %max3A_603 : f32 to vector<16xf32>
        %max3A_605 = arith.maximumf %add3A_602, %max3A_604 : vector<16xf32>
        %mul3A_606 = arith.constant 2 : i32
        %mul3A_607 = arith.muli %mul3A_606, %scan3A_530 : i32
        %add3A_608 = arith.constant 0 : i32
        %add3A_609 = arith.addi %mul3A_607, %add3A_608 : i32
        %swap3A_610 = arith.index_cast %add3A_609 : i32 to index
        %swap3A_611 = arith.constant 32 : index
        %swap3A_612 = tpu.vector_load %arg9[%swap3A_610, %swap3A_611] {strides = array<i32>} : memref<128x128xf32, #tpu.memory_space<vmem>>, vector<1x16xf32>,
        %swap3A_613 = vector.shape_cast %swap3A_612 : vector<1x16xf32> to vector<16xf32>
        %swap3A_614 = vector.shape_cast %max3A_605 : vector<16xf32> to vector<1x16xf32>
        tpu.vector_store %arg9[%swap3A_610, %swap3A_611], %swap3A_614 {strides = array<i32>} : memref<128x128xf32, #tpu.memory_space<vmem>>, vector<1x16xf32>,
        %mul3A_615 = arith.constant 2 : i32
        %mul3A_616 = arith.muli %mul3A_615, %scan3A_530 : i32
        %add3A_617 = arith.constant 0 : i32
        %add3A_618 = arith.addi %mul3A_616, %add3A_617 : i32
        %get3A_619 = arith.index_cast %add3A_618 : i32 to index
        %get3A_620 = arith.constant 48 : index
        %get3A_621 = tpu.vector_load %arg10[%get3A_619, %get3A_620] {strides = array<i32>} : memref<128x128xf32, #tpu.memory_space<vmem>>, vector<1x16xf32>,
        %get3A_622 = vector.shape_cast %get3A_621 : vector<1x16xf32> to vector<16xf32>
        %mul3A_623 = arith.constant 2 : i32
        %mul3A_624 = arith.muli %mul3A_623, %scan3A_530 : i32
        %add3A_625 = arith.constant 0 : i32
        %add3A_626 = arith.addi %mul3A_624, %add3A_625 : i32
        %get3A_627 = arith.index_cast %add3A_626 : i32 to index
        %get3A_628 = arith.constant 48 : index
        %get3A_629 = tpu.vector_load %arg9[%get3A_627, %get3A_628] {strides = array<i32>} : memref<128x128xf32, #tpu.memory_space<vmem>>, vector<1x16xf32>,
        %get3A_630 = vector.shape_cast %get3A_629 : vector<1x16xf32> to vector<16xf32>
        %add3A_631 = arith.addf %get3A_622, %get3A_630 : vector<16xf32>
        %max3A_632 = arith.constant 0.000000e+00 : f32
        %max3A_633 = vector.broadcast %max3A_632 : f32 to vector<16xf32>
        %max3A_634 = arith.maximumf %add3A_631, %max3A_633 : vector<16xf32>
        %mul3A_635 = arith.constant 2 : i32
        %mul3A_636 = arith.muli %mul3A_635, %scan3A_530 : i32
        %add3A_637 = arith.constant 0 : i32
        %add3A_638 = arith.addi %mul3A_636, %add3A_637 : i32
        %swap3A_639 = arith.index_cast %add3A_638 : i32 to index
        %swap3A_640 = arith.constant 48 : index
        %swap3A_641 = tpu.vector_load %arg9[%swap3A_639, %swap3A_640] {strides = array<i32>} : memref<128x128xf32, #tpu.memory_space<vmem>>, vector<1x16xf32>,
        %swap3A_642 = vector.shape_cast %swap3A_641 : vector<1x16xf32> to vector<16xf32>
        %swap3A_643 = vector.shape_cast %max3A_634 : vector<16xf32> to vector<1x16xf32>
        tpu.vector_store %arg9[%swap3A_639, %swap3A_640], %swap3A_643 {strides = array<i32>} : memref<128x128xf32, #tpu.memory_space<vmem>>, vector<1x16xf32>,
        %mul3A_644 = arith.constant 2 : i32
        %mul3A_645 = arith.muli %mul3A_644, %scan3A_530 : i32
        %add3A_646 = arith.constant 0 : i32
        %add3A_647 = arith.addi %mul3A_645, %add3A_646 : i32
        %get3A_648 = arith.index_cast %add3A_647 : i32 to index
        %get3A_649 = arith.constant 64 : index
        %get3A_650 = tpu.vector_load %arg10[%get3A_648, %get3A_649] {strides = array<i32>} : memref<128x128xf32, #tpu.memory_space<vmem>>, vector<1x16xf32>,
        %get3A_651 = vector.shape_cast %get3A_650 : vector<1x16xf32> to vector<16xf32>
        %mul3A_652 = arith.constant 2 : i32
        %mul3A_653 = arith.muli %mul3A_652, %scan3A_530 : i32
        %add3A_654 = arith.constant 0 : i32
        %add3A_655 = arith.addi %mul3A_653, %add3A_654 : i32
        %get3A_656 = arith.index_cast %add3A_655 : i32 to index
        %get3A_657 = arith.constant 64 : index
        %get3A_658 = tpu.vector_load %arg9[%get3A_656, %get3A_657] {strides = array<i32>} : memref<128x128xf32, #tpu.memory_space<vmem>>, vector<1x16xf32>,
        %get3A_659 = vector.shape_cast %get3A_658 : vector<1x16xf32> to vector<16xf32>
        %add3A_660 = arith.addf %get3A_651, %get3A_659 : vector<16xf32>
        %max3A_661 = arith.constant 0.000000e+00 : f32
        %max3A_662 = vector.broadcast %max3A_661 : f32 to vector<16xf32>
        %max3A_663 = arith.maximumf %add3A_660, %max3A_662 : vector<16xf32>
        %mul3A_664 = arith.constant 2 : i32
        %mul3A_665 = arith.muli %mul3A_664, %scan3A_530 : i32
        %add3A_666 = arith.constant 0 : i32
        %add3A_667 = arith.addi %mul3A_665, %add3A_666 : i32
        %swap3A_668 = arith.index_cast %add3A_667 : i32 to index
        %swap3A_669 = arith.constant 64 : index
        %swap3A_670 = tpu.vector_load %arg9[%swap3A_668, %swap3A_669] {strides = array<i32>} : memref<128x128xf32, #tpu.memory_space<vmem>>, vector<1x16xf32>,
        %swap3A_671 = vector.shape_cast %swap3A_670 : vector<1x16xf32> to vector<16xf32>
        %swap3A_672 = vector.shape_cast %max3A_663 : vector<16xf32> to vector<1x16xf32>
        tpu.vector_store %arg9[%swap3A_668, %swap3A_669], %swap3A_672 {strides = array<i32>} : memref<128x128xf32, #tpu.memory_space<vmem>>, vector<1x16xf32>,
        %mul3A_673 = arith.constant 2 : i32
        %mul3A_674 = arith.muli %mul3A_673, %scan3A_530 : i32
        %add3A_675 = arith.constant 0 : i32
        %add3A_676 = arith.addi %mul3A_674, %add3A_675 : i32
        %get3A_677 = arith.index_cast %add3A_676 : i32 to index
        %get3A_678 = arith.constant 80 : index
        %get3A_679 = tpu.vector_load %arg10[%get3A_677, %get3A_678] {strides = array<i32>} : memref<128x128xf32, #tpu.memory_space<vmem>>, vector<1x16xf32>,
        %get3A_680 = vector.shape_cast %get3A_679 : vector<1x16xf32> to vector<16xf32>
        %mul3A_681 = arith.constant 2 : i32
        %mul3A_682 = arith.muli %mul3A_681, %scan3A_530 : i32
        %add3A_683 = arith.constant 0 : i32
        %add3A_684 = arith.addi %mul3A_682, %add3A_683 : i32
        %get3A_685 = arith.index_cast %add3A_684 : i32 to index
        %get3A_686 = arith.constant 80 : index
        %get3A_687 = tpu.vector_load %arg9[%get3A_685, %get3A_686] {strides = array<i32>} : memref<128x128xf32, #tpu.memory_space<vmem>>, vector<1x16xf32>,
        %get3A_688 = vector.shape_cast %get3A_687 : vector<1x16xf32> to vector<16xf32>
        %add3A_689 = arith.addf %get3A_680, %get3A_688 : vector<16xf32>
        %max3A_690 = arith.constant 0.000000e+00 : f32
        %max3A_691 = vector.broadcast %max3A_690 : f32 to vector<16xf32>
        %max3A_692 = arith.maximumf %add3A_689, %max3A_691 : vector<16xf32>
        %mul3A_693 = arith.constant 2 : i32
        %mul3A_694 = arith.muli %mul3A_693, %scan3A_530 : i32
        %add3A_695 = arith.constant 0 : i32
        %add3A_696 = arith.addi %mul3A_694, %add3A_695 : i32
        %swap3A_697 = arith.index_cast %add3A_696 : i32 to index
        %swap3A_698 = arith.constant 80 : index
        %swap3A_699 = tpu.vector_load %arg9[%swap3A_697, %swap3A_698] {strides = array<i32>} : memref<128x128xf32, #tpu.memory_space<vmem>>, vector<1x16xf32>,
        %swap3A_700 = vector.shape_cast %swap3A_699 : vector<1x16xf32> to vector<16xf32>
        %swap3A_701 = vector.shape_cast %max3A_692 : vector<16xf32> to vector<1x16xf32>
        tpu.vector_store %arg9[%swap3A_697, %swap3A_698], %swap3A_701 {strides = array<i32>} : memref<128x128xf32, #tpu.memory_space<vmem>>, vector<1x16xf32>,
        %mul3A_702 = arith.constant 2 : i32
        %mul3A_703 = arith.muli %mul3A_702, %scan3A_530 : i32
        %add3A_704 = arith.constant 0 : i32
        %add3A_705 = arith.addi %mul3A_703, %add3A_704 : i32
        %get3A_706 = arith.index_cast %add3A_705 : i32 to index
        %get3A_707 = arith.constant 96 : index
        %get3A_708 = tpu.vector_load %arg10[%get3A_706, %get3A_707] {strides = array<i32>} : memref<128x128xf32, #tpu.memory_space<vmem>>, vector<1x16xf32>,
        %get3A_709 = vector.shape_cast %get3A_708 : vector<1x16xf32> to vector<16xf32>
        %mul3A_710 = arith.constant 2 : i32
        %mul3A_711 = arith.muli %mul3A_710, %scan3A_530 : i32
        %add3A_712 = arith.constant 0 : i32
        %add3A_713 = arith.addi %mul3A_711, %add3A_712 : i32
        %get3A_714 = arith.index_cast %add3A_713 : i32 to index
        %get3A_715 = arith.constant 96 : index
        %get3A_716 = tpu.vector_load %arg9[%get3A_714, %get3A_715] {strides = array<i32>} : memref<128x128xf32, #tpu.memory_space<vmem>>, vector<1x16xf32>,
        %get3A_717 = vector.shape_cast %get3A_716 : vector<1x16xf32> to vector<16xf32>
        %add3A_718 = arith.addf %get3A_709, %get3A_717 : vector<16xf32>
        %max3A_719 = arith.constant 0.000000e+00 : f32
        %max3A_720 = vector.broadcast %max3A_719 : f32 to vector<16xf32>
        %max3A_721 = arith.maximumf %add3A_718, %max3A_720 : vector<16xf32>
        %mul3A_722 = arith.constant 2 : i32
        %mul3A_723 = arith.muli %mul3A_722, %scan3A_530 : i32
        %add3A_724 = arith.constant 0 : i32
        %add3A_725 = arith.addi %mul3A_723, %add3A_724 : i32
        %swap3A_726 = arith.index_cast %add3A_725 : i32 to index
        %swap3A_727 = arith.constant 96 : index
        %swap3A_728 = tpu.vector_load %arg9[%swap3A_726, %swap3A_727] {strides = array<i32>} : memref<128x128xf32, #tpu.memory_space<vmem>>, vector<1x16xf32>,
        %swap3A_729 = vector.shape_cast %swap3A_728 : vector<1x16xf32> to vector<16xf32>
        %swap3A_730 = vector.shape_cast %max3A_721 : vector<16xf32> to vector<1x16xf32>
        tpu.vector_store %arg9[%swap3A_726, %swap3A_727], %swap3A_730 {strides = array<i32>} : memref<128x128xf32, #tpu.memory_space<vmem>>, vector<1x16xf32>,
        %mul3A_731 = arith.constant 2 : i32
        %mul3A_732 = arith.muli %mul3A_731, %scan3A_530 : i32
        %add3A_733 = arith.constant 0 : i32
        %add3A_734 = arith.addi %mul3A_732, %add3A_733 : i32
        %get3A_735 = arith.index_cast %add3A_734 : i32 to index
        %get3A_736 = arith.constant 112 : index
        %get3A_737 = tpu.vector_load %arg10[%get3A_735, %get3A_736] {strides = array<i32>} : memref<128x128xf32, #tpu.memory_space<vmem>>, vector<1x16xf32>,
        %get3A_738 = vector.shape_cast %get3A_737 : vector<1x16xf32> to vector<16xf32>
        %mul3A_739 = arith.constant 2 : i32
        %mul3A_740 = arith.muli %mul3A_739, %scan3A_530 : i32
        %add3A_741 = arith.constant 0 : i32
        %add3A_742 = arith.addi %mul3A_740, %add3A_741 : i32
        %get3A_743 = arith.index_cast %add3A_742 : i32 to index
        %get3A_744 = arith.constant 112 : index
        %get3A_745 = tpu.vector_load %arg9[%get3A_743, %get3A_744] {strides = array<i32>} : memref<128x128xf32, #tpu.memory_space<vmem>>, vector<1x16xf32>,
        %get3A_746 = vector.shape_cast %get3A_745 : vector<1x16xf32> to vector<16xf32>
        %add3A_747 = arith.addf %get3A_738, %get3A_746 : vector<16xf32>
        %max3A_748 = arith.constant 0.000000e+00 : f32
        %max3A_749 = vector.broadcast %max3A_748 : f32 to vector<16xf32>
        %max3A_750 = arith.maximumf %add3A_747, %max3A_749 : vector<16xf32>
        %mul3A_751 = arith.constant 2 : i32
        %mul3A_752 = arith.muli %mul3A_751, %scan3A_530 : i32
        %add3A_753 = arith.constant 0 : i32
        %add3A_754 = arith.addi %mul3A_752, %add3A_753 : i32
        %swap3A_755 = arith.index_cast %add3A_754 : i32 to index
        %swap3A_756 = arith.constant 112 : index
        %swap3A_757 = tpu.vector_load %arg9[%swap3A_755, %swap3A_756] {strides = array<i32>} : memref<128x128xf32, #tpu.memory_space<vmem>>, vector<1x16xf32>,
        %swap3A_758 = vector.shape_cast %swap3A_757 : vector<1x16xf32> to vector<16xf32>
        %swap3A_759 = vector.shape_cast %max3A_750 : vector<16xf32> to vector<1x16xf32>
        tpu.vector_store %arg9[%swap3A_755, %swap3A_756], %swap3A_759 {strides = array<i32>} : memref<128x128xf32, #tpu.memory_space<vmem>>, vector<1x16xf32>,
        %mul3A_760 = arith.constant 2 : i32
        %mul3A_761 = arith.muli %mul3A_760, %scan3A_530 : i32
        %add3A_762 = arith.constant 1 : i32
        %add3A_763 = arith.addi %mul3A_761, %add3A_762 : i32
        %get3A_764 = arith.index_cast %add3A_763 : i32 to index
        %get3A_765 = arith.constant 0 : index
        %get3A_766 = tpu.vector_load %arg10[%get3A_764, %get3A_765] {strides = array<i32>} : memref<128x128xf32, #tpu.memory_space<vmem>>, vector<1x16xf32>,
        %get3A_767 = vector.shape_cast %get3A_766 : vector<1x16xf32> to vector<16xf32>
        %mul3A_768 = arith.constant 2 : i32
        %mul3A_769 = arith.muli %mul3A_768, %scan3A_530 : i32
        %add3A_770 = arith.constant 1 : i32
        %add3A_771 = arith.addi %mul3A_769, %add3A_770 : i32
        %get3A_772 = arith.index_cast %add3A_771 : i32 to index
        %get3A_773 = arith.constant 0 : index
        %get3A_774 = tpu.vector_load %arg9[%get3A_772, %get3A_773] {strides = array<i32>} : memref<128x128xf32, #tpu.memory_space<vmem>>, vector<1x16xf32>,
        %get3A_775 = vector.shape_cast %get3A_774 : vector<1x16xf32> to vector<16xf32>
        %add3A_776 = arith.addf %get3A_767, %get3A_775 : vector<16xf32>
        %max3A_777 = arith.constant 0.000000e+00 : f32
        %max3A_778 = vector.broadcast %max3A_777 : f32 to vector<16xf32>
        %max3A_779 = arith.maximumf %add3A_776, %max3A_778 : vector<16xf32>
        %mul3A_780 = arith.constant 2 : i32
        %mul3A_781 = arith.muli %mul3A_780, %scan3A_530 : i32
        %add3A_782 = arith.constant 1 : i32
        %add3A_783 = arith.addi %mul3A_781, %add3A_782 : i32
        %swap3A_784 = arith.index_cast %add3A_783 : i32 to index
        %swap3A_785 = arith.constant 0 : index
        %swap3A_786 = tpu.vector_load %arg9[%swap3A_784, %swap3A_785] {strides = array<i32>} : memref<128x128xf32, #tpu.memory_space<vmem>>, vector<1x16xf32>,
        %swap3A_787 = vector.shape_cast %swap3A_786 : vector<1x16xf32> to vector<16xf32>
        %swap3A_788 = vector.shape_cast %max3A_779 : vector<16xf32> to vector<1x16xf32>
        tpu.vector_store %arg9[%swap3A_784, %swap3A_785], %swap3A_788 {strides = array<i32>} : memref<128x128xf32, #tpu.memory_space<vmem>>, vector<1x16xf32>,
        %mul3A_789 = arith.constant 2 : i32
        %mul3A_790 = arith.muli %mul3A_789, %scan3A_530 : i32
        %add3A_791 = arith.constant 1 : i32
        %add3A_792 = arith.addi %mul3A_790, %add3A_791 : i32
        %get3A_793 = arith.index_cast %add3A_792 : i32 to index
        %get3A_794 = arith.constant 16 : index
        %get3A_795 = tpu.vector_load %arg10[%get3A_793, %get3A_794] {strides = array<i32>} : memref<128x128xf32, #tpu.memory_space<vmem>>, vector<1x16xf32>,
        %get3A_796 = vector.shape_cast %get3A_795 : vector<1x16xf32> to vector<16xf32>
        %mul3A_797 = arith.constant 2 : i32
        %mul3A_798 = arith.muli %mul3A_797, %scan3A_530 : i32
        %add3A_799 = arith.constant 1 : i32
        %add3A_800 = arith.addi %mul3A_798, %add3A_799 : i32
        %get3A_801 = arith.index_cast %add3A_800 : i32 to index
        %get3A_802 = arith.constant 16 : index
        %get3A_803 = tpu.vector_load %arg9[%get3A_801, %get3A_802] {strides = array<i32>} : memref<128x128xf32, #tpu.memory_space<vmem>>, vector<1x16xf32>,
        %get3A_804 = vector.shape_cast %get3A_803 : vector<1x16xf32> to vector<16xf32>
        %add3A_805 = arith.addf %get3A_796, %get3A_804 : vector<16xf32>
        %max3A_806 = arith.constant 0.000000e+00 : f32
        %max3A_807 = vector.broadcast %max3A_806 : f32 to vector<16xf32>
        %max3A_808 = arith.maximumf %add3A_805, %max3A_807 : vector<16xf32>
        %mul3A_809 = arith.constant 2 : i32
        %mul3A_810 = arith.muli %mul3A_809, %scan3A_530 : i32
        %add3A_811 = arith.constant 1 : i32
        %add3A_812 = arith.addi %mul3A_810, %add3A_811 : i32
        %swap3A_813 = arith.index_cast %add3A_812 : i32 to index
        %swap3A_814 = arith.constant 16 : index
        %swap3A_815 = tpu.vector_load %arg9[%swap3A_813, %swap3A_814] {strides = array<i32>} : memref<128x128xf32, #tpu.memory_space<vmem>>, vector<1x16xf32>,
        %swap3A_816 = vector.shape_cast %swap3A_815 : vector<1x16xf32> to vector<16xf32>
        %swap3A_817 = vector.shape_cast %max3A_808 : vector<16xf32> to vector<1x16xf32>
        tpu.vector_store %arg9[%swap3A_813, %swap3A_814], %swap3A_817 {strides = array<i32>} : memref<128x128xf32, #tpu.memory_space<vmem>>, vector<1x16xf32>,
        %mul3A_818 = arith.constant 2 : i32
        %mul3A_819 = arith.muli %mul3A_818, %scan3A_530 : i32
        %add3A_820 = arith.constant 1 : i32
        %add3A_821 = arith.addi %mul3A_819, %add3A_820 : i32
        %get3A_822 = arith.index_cast %add3A_821 : i32 to index
        %get3A_823 = arith.constant 32 : index
        %get3A_824 = tpu.vector_load %arg10[%get3A_822, %get3A_823] {strides = array<i32>} : memref<128x128xf32, #tpu.memory_space<vmem>>, vector<1x16xf32>,
        %get3A_825 = vector.shape_cast %get3A_824 : vector<1x16xf32> to vector<16xf32>
        %mul3A_826 = arith.constant 2 : i32
        %mul3A_827 = arith.muli %mul3A_826, %scan3A_530 : i32
        %add3A_828 = arith.constant 1 : i32
        %add3A_829 = arith.addi %mul3A_827, %add3A_828 : i32
        %get3A_830 = arith.index_cast %add3A_829 : i32 to index
        %get3A_831 = arith.constant 32 : index
        %get3A_832 = tpu.vector_load %arg9[%get3A_830, %get3A_831] {strides = array<i32>} : memref<128x128xf32, #tpu.memory_space<vmem>>, vector<1x16xf32>,
        %get3A_833 = vector.shape_cast %get3A_832 : vector<1x16xf32> to vector<16xf32>
        %add3A_834 = arith.addf %get3A_825, %get3A_833 : vector<16xf32>
        %max3A_835 = arith.constant 0.000000e+00 : f32
        %max3A_836 = vector.broadcast %max3A_835 : f32 to vector<16xf32>
        %max3A_837 = arith.maximumf %add3A_834, %max3A_836 : vector<16xf32>
        %mul3A_838 = arith.constant 2 : i32
        %mul3A_839 = arith.muli %mul3A_838, %scan3A_530 : i32
        %add3A_840 = arith.constant 1 : i32
        %add3A_841 = arith.addi %mul3A_839, %add3A_840 : i32
        %swap3A_842 = arith.index_cast %add3A_841 : i32 to index
        %swap3A_843 = arith.constant 32 : index
        %swap3A_844 = tpu.vector_load %arg9[%swap3A_842, %swap3A_843] {strides = array<i32>} : memref<128x128xf32, #tpu.memory_space<vmem>>, vector<1x16xf32>,
        %swap3A_845 = vector.shape_cast %swap3A_844 : vector<1x16xf32> to vector<16xf32>
        %swap3A_846 = vector.shape_cast %max3A_837 : vector<16xf32> to vector<1x16xf32>
        tpu.vector_store %arg9[%swap3A_842, %swap3A_843], %swap3A_846 {strides = array<i32>} : memref<128x128xf32, #tpu.memory_space<vmem>>, vector<1x16xf32>,
        %mul3A_847 = arith.constant 2 : i32
        %mul3A_848 = arith.muli %mul3A_847, %scan3A_530 : i32
        %add3A_849 = arith.constant 1 : i32
        %add3A_850 = arith.addi %mul3A_848, %add3A_849 : i32
        %get3A_851 = arith.index_cast %add3A_850 : i32 to index
        %get3A_852 = arith.constant 48 : index
        %get3A_853 = tpu.vector_load %arg10[%get3A_851, %get3A_852] {strides = array<i32>} : memref<128x128xf32, #tpu.memory_space<vmem>>, vector<1x16xf32>,
        %get3A_854 = vector.shape_cast %get3A_853 : vector<1x16xf32> to vector<16xf32>
        %mul3A_855 = arith.constant 2 : i32
        %mul3A_856 = arith.muli %mul3A_855, %scan3A_530 : i32
        %add3A_857 = arith.constant 1 : i32
        %add3A_858 = arith.addi %mul3A_856, %add3A_857 : i32
        %get3A_859 = arith.index_cast %add3A_858 : i32 to index
        %get3A_860 = arith.constant 48 : index
        %get3A_861 = tpu.vector_load %arg9[%get3A_859, %get3A_860] {strides = array<i32>} : memref<128x128xf32, #tpu.memory_space<vmem>>, vector<1x16xf32>,
        %get3A_862 = vector.shape_cast %get3A_861 : vector<1x16xf32> to vector<16xf32>
        %add3A_863 = arith.addf %get3A_854, %get3A_862 : vector<16xf32>
        %max3A_864 = arith.constant 0.000000e+00 : f32
        %max3A_865 = vector.broadcast %max3A_864 : f32 to vector<16xf32>
        %max3A_866 = arith.maximumf %add3A_863, %max3A_865 : vector<16xf32>
        %mul3A_867 = arith.constant 2 : i32
        %mul3A_868 = arith.muli %mul3A_867, %scan3A_530 : i32
        %add3A_869 = arith.constant 1 : i32
        %add3A_870 = arith.addi %mul3A_868, %add3A_869 : i32
        %swap3A_871 = arith.index_cast %add3A_870 : i32 to index
        %swap3A_872 = arith.constant 48 : index
        %swap3A_873 = tpu.vector_load %arg9[%swap3A_871, %swap3A_872] {strides = array<i32>} : memref<128x128xf32, #tpu.memory_space<vmem>>, vector<1x16xf32>,
        %swap3A_874 = vector.shape_cast %swap3A_873 : vector<1x16xf32> to vector<16xf32>
        %swap3A_875 = vector.shape_cast %max3A_866 : vector<16xf32> to vector<1x16xf32>
        tpu.vector_store %arg9[%swap3A_871, %swap3A_872], %swap3A_875 {strides = array<i32>} : memref<128x128xf32, #tpu.memory_space<vmem>>, vector<1x16xf32>,
        %mul3A_876 = arith.constant 2 : i32
        %mul3A_877 = arith.muli %mul3A_876, %scan3A_530 : i32
        %add3A_878 = arith.constant 1 : i32
        %add3A_879 = arith.addi %mul3A_877, %add3A_878 : i32
        %get3A_880 = arith.index_cast %add3A_879 : i32 to index
        %get3A_881 = arith.constant 64 : index
        %get3A_882 = tpu.vector_load %arg10[%get3A_880, %get3A_881] {strides = array<i32>} : memref<128x128xf32, #tpu.memory_space<vmem>>, vector<1x16xf32>,
        %get3A_883 = vector.shape_cast %get3A_882 : vector<1x16xf32> to vector<16xf32>
        %mul3A_884 = arith.constant 2 : i32
        %mul3A_885 = arith.muli %mul3A_884, %scan3A_530 : i32
        %add3A_886 = arith.constant 1 : i32
        %add3A_887 = arith.addi %mul3A_885, %add3A_886 : i32
        %get3A_888 = arith.index_cast %add3A_887 : i32 to index
        %get3A_889 = arith.constant 64 : index
        %get3A_890 = tpu.vector_load %arg9[%get3A_888, %get3A_889] {strides = array<i32>} : memref<128x128xf32, #tpu.memory_space<vmem>>, vector<1x16xf32>,
        %get3A_891 = vector.shape_cast %get3A_890 : vector<1x16xf32> to vector<16xf32>
        %add3A_892 = arith.addf %get3A_883, %get3A_891 : vector<16xf32>
        %max3A_893 = arith.constant 0.000000e+00 : f32
        %max3A_894 = vector.broadcast %max3A_893 : f32 to vector<16xf32>
        %max3A_895 = arith.maximumf %add3A_892, %max3A_894 : vector<16xf32>
        %mul3A_896 = arith.constant 2 : i32
        %mul3A_897 = arith.muli %mul3A_896, %scan3A_530 : i32
        %add3A_898 = arith.constant 1 : i32
        %add3A_899 = arith.addi %mul3A_897, %add3A_898 : i32
        %swap3A_900 = arith.index_cast %add3A_899 : i32 to index
        %swap3A_901 = arith.constant 64 : index
        %swap3A_902 = tpu.vector_load %arg9[%swap3A_900, %swap3A_901] {strides = array<i32>} : memref<128x128xf32, #tpu.memory_space<vmem>>, vector<1x16xf32>,
        %swap3A_903 = vector.shape_cast %swap3A_902 : vector<1x16xf32> to vector<16xf32>
        %swap3A_904 = vector.shape_cast %max3A_895 : vector<16xf32> to vector<1x16xf32>
        tpu.vector_store %arg9[%swap3A_900, %swap3A_901], %swap3A_904 {strides = array<i32>} : memref<128x128xf32, #tpu.memory_space<vmem>>, vector<1x16xf32>,
        %mul3A_905 = arith.constant 2 : i32
        %mul3A_906 = arith.muli %mul3A_905, %scan3A_530 : i32
        %add3A_907 = arith.constant 1 : i32
        %add3A_908 = arith.addi %mul3A_906, %add3A_907 : i32
        %get3A_909 = arith.index_cast %add3A_908 : i32 to index
        %get3A_910 = arith.constant 80 : index
        %get3A_911 = tpu.vector_load %arg10[%get3A_909, %get3A_910] {strides = array<i32>} : memref<128x128xf32, #tpu.memory_space<vmem>>, vector<1x16xf32>,
        %get3A_912 = vector.shape_cast %get3A_911 : vector<1x16xf32> to vector<16xf32>
        %mul3A_913 = arith.constant 2 : i32
        %mul3A_914 = arith.muli %mul3A_913, %scan3A_530 : i32
        %add3A_915 = arith.constant 1 : i32
        %add3A_916 = arith.addi %mul3A_914, %add3A_915 : i32
        %get3A_917 = arith.index_cast %add3A_916 : i32 to index
        %get3A_918 = arith.constant 80 : index
        %get3A_919 = tpu.vector_load %arg9[%get3A_917, %get3A_918] {strides = array<i32>} : memref<128x128xf32, #tpu.memory_space<vmem>>, vector<1x16xf32>,
        %get3A_920 = vector.shape_cast %get3A_919 : vector<1x16xf32> to vector<16xf32>
        %add3A_921 = arith.addf %get3A_912, %get3A_920 : vector<16xf32>
        %max3A_922 = arith.constant 0.000000e+00 : f32
        %max3A_923 = vector.broadcast %max3A_922 : f32 to vector<16xf32>
        %max3A_924 = arith.maximumf %add3A_921, %max3A_923 : vector<16xf32>
        %mul3A_925 = arith.constant 2 : i32
        %mul3A_926 = arith.muli %mul3A_925, %scan3A_530 : i32
        %add3A_927 = arith.constant 1 : i32
        %add3A_928 = arith.addi %mul3A_926, %add3A_927 : i32
        %swap3A_929 = arith.index_cast %add3A_928 : i32 to index
        %swap3A_930 = arith.constant 80 : index
        %swap3A_931 = tpu.vector_load %arg9[%swap3A_929, %swap3A_930] {strides = array<i32>} : memref<128x128xf32, #tpu.memory_space<vmem>>, vector<1x16xf32>,
        %swap3A_932 = vector.shape_cast %swap3A_931 : vector<1x16xf32> to vector<16xf32>
        %swap3A_933 = vector.shape_cast %max3A_924 : vector<16xf32> to vector<1x16xf32>
        tpu.vector_store %arg9[%swap3A_929, %swap3A_930], %swap3A_933 {strides = array<i32>} : memref<128x128xf32, #tpu.memory_space<vmem>>, vector<1x16xf32>,
        %mul3A_934 = arith.constant 2 : i32
        %mul3A_935 = arith.muli %mul3A_934, %scan3A_530 : i32
        %add3A_936 = arith.constant 1 : i32
        %add3A_937 = arith.addi %mul3A_935, %add3A_936 : i32
        %get3A_938 = arith.index_cast %add3A_937 : i32 to index
        %get3A_939 = arith.constant 96 : index
        %get3A_940 = tpu.vector_load %arg10[%get3A_938, %get3A_939] {strides = array<i32>} : memref<128x128xf32, #tpu.memory_space<vmem>>, vector<1x16xf32>,
        %get3A_941 = vector.shape_cast %get3A_940 : vector<1x16xf32> to vector<16xf32>
        %mul3A_942 = arith.constant 2 : i32
        %mul3A_943 = arith.muli %mul3A_942, %scan3A_530 : i32
        %add3A_944 = arith.constant 1 : i32
        %add3A_945 = arith.addi %mul3A_943, %add3A_944 : i32
        %get3A_946 = arith.index_cast %add3A_945 : i32 to index
        %get3A_947 = arith.constant 96 : index
        %get3A_948 = tpu.vector_load %arg9[%get3A_946, %get3A_947] {strides = array<i32>} : memref<128x128xf32, #tpu.memory_space<vmem>>, vector<1x16xf32>,
        %get3A_949 = vector.shape_cast %get3A_948 : vector<1x16xf32> to vector<16xf32>
        %add3A_950 = arith.addf %get3A_941, %get3A_949 : vector<16xf32>
        %max3A_951 = arith.constant 0.000000e+00 : f32
        %max3A_952 = vector.broadcast %max3A_951 : f32 to vector<16xf32>
        %max3A_953 = arith.maximumf %add3A_950, %max3A_952 : vector<16xf32>
        %mul3A_954 = arith.constant 2 : i32
        %mul3A_955 = arith.muli %mul3A_954, %scan3A_530 : i32
        %add3A_956 = arith.constant 1 : i32
        %add3A_957 = arith.addi %mul3A_955, %add3A_956 : i32
        %swap3A_958 = arith.index_cast %add3A_957 : i32 to index
        %swap3A_959 = arith.constant 96 : index
        %swap3A_960 = tpu.vector_load %arg9[%swap3A_958, %swap3A_959] {strides = array<i32>} : memref<128x128xf32, #tpu.memory_space<vmem>>, vector<1x16xf32>,
        %swap3A_961 = vector.shape_cast %swap3A_960 : vector<1x16xf32> to vector<16xf32>
        %swap3A_962 = vector.shape_cast %max3A_953 : vector<16xf32> to vector<1x16xf32>
        tpu.vector_store %arg9[%swap3A_958, %swap3A_959], %swap3A_962 {strides = array<i32>} : memref<128x128xf32, #tpu.memory_space<vmem>>, vector<1x16xf32>,
        %mul3A_963 = arith.constant 2 : i32
        %mul3A_964 = arith.muli %mul3A_963, %scan3A_530 : i32
        %add3A_965 = arith.constant 1 : i32
        %add3A_966 = arith.addi %mul3A_964, %add3A_965 : i32
        %get3A_967 = arith.index_cast %add3A_966 : i32 to index
        %get3A_968 = arith.constant 112 : index
        %get3A_969 = tpu.vector_load %arg10[%get3A_967, %get3A_968] {strides = array<i32>} : memref<128x128xf32, #tpu.memory_space<vmem>>, vector<1x16xf32>,
        %get3A_970 = vector.shape_cast %get3A_969 : vector<1x16xf32> to vector<16xf32>
        %mul3A_971 = arith.constant 2 : i32
        %mul3A_972 = arith.muli %mul3A_971, %scan3A_530 : i32
        %add3A_973 = arith.constant 1 : i32
        %add3A_974 = arith.addi %mul3A_972, %add3A_973 : i32
        %get3A_975 = arith.index_cast %add3A_974 : i32 to index
        %get3A_976 = arith.constant 112 : index
        %get3A_977 = tpu.vector_load %arg9[%get3A_975, %get3A_976] {strides = array<i32>} : memref<128x128xf32, #tpu.memory_space<vmem>>, vector<1x16xf32>,
        %get3A_978 = vector.shape_cast %get3A_977 : vector<1x16xf32> to vector<16xf32>
        %add3A_979 = arith.addf %get3A_970, %get3A_978 : vector<16xf32>
        %max3A_980 = arith.constant 0.000000e+00 : f32
        %max3A_981 = vector.broadcast %max3A_980 : f32 to vector<16xf32>
        %max3A_982 = arith.maximumf %add3A_979, %max3A_981 : vector<16xf32>
        %mul3A_983 = arith.constant 2 : i32
        %mul3A_984 = arith.muli %mul3A_983, %scan3A_530 : i32
        %add3A_985 = arith.constant 1 : i32
        %add3A_986 = arith.addi %mul3A_984, %add3A_985 : i32
        %swap3A_987 = arith.index_cast %add3A_986 : i32 to index
        %swap3A_988 = arith.constant 112 : index
        %swap3A_989 = tpu.vector_load %arg9[%swap3A_987, %swap3A_988] {strides = array<i32>} : memref<128x128xf32, #tpu.memory_space<vmem>>, vector<1x16xf32>,
        %swap3A_990 = vector.shape_cast %swap3A_989 : vector<1x16xf32> to vector<16xf32>
        %swap3A_991 = vector.shape_cast %max3A_982 : vector<16xf32> to vector<1x16xf32>
        tpu.vector_store %arg9[%swap3A_987, %swap3A_988], %swap3A_991 {strides = array<i32>} : memref<128x128xf32, #tpu.memory_space<vmem>>, vector<1x16xf32>,
      }
      %scan3A_336 = arith.constant 64 : i32
      %dma_start3A_337 = arith.constant 4 : i32
      %dma_start3A_338 = arith.constant 0 : i32
      %dma_start3A_339 = tpu.memref_slice %arg8[%dma_start3A_337, %dma_start3A_338] : memref<8x128xi32, #tpu.memory_space<vmem>> -> memref<1x128xi32, #tpu.memory_space<vmem>>
      %dma_start3A_340 = tpu.memref_squeeze %dma_start3A_339 : memref<1x128xi32, #tpu.memory_space<vmem>> -> memref<128xi32, #tpu.memory_space<vmem>>
      %dma_start3A_341 = arith.constant 0 : i32
      %dma_start3A_342 = arith.constant 0 : i32
      %dma_start3A_343 = tpu.memref_slice %arg11[%dma_start3A_341, %dma_start3A_342] : memref<10000x128xf32, #tpu.memory_space<vmem_shared>> -> memref<10000x128xf32, #tpu.memory_space<vmem_shared>>
      tpu.enqueue_indirect_dma source(%arg9 : memref<128x128xf32, #tpu.memory_space<vmem>>) target(%dma_start3A_343 : memref<10000x128xf32, #tpu.memory_space<vmem_shared>>) offsets(%dma_start3A_340 : memref<128xi32, #tpu.memory_space<vmem>>) semaphore(%arg14 : memref<!tpu.dma_semaphore, #tpu.memory_space<semaphore_mem>>) {add = true}
      %dma_start3A_344 = arith.constant 5 : i32
      %dma_start3A_345 = arith.constant 0 : i32
      %dma_start3A_346 = tpu.memref_slice %arg7[%dma_start3A_344, %dma_start3A_345] : memref<8x128xi32, #tpu.memory_space<vmem>> -> memref<1x128xi32, #tpu.memory_space<vmem>>
      %dma_start3A_347 = tpu.memref_squeeze %dma_start3A_346 : memref<1x128xi32, #tpu.memory_space<vmem>> -> memref<128xi32, #tpu.memory_space<vmem>>
      %dma_start3A_348 = arith.constant 0 : i32
      %dma_start3A_349 = arith.constant 0 : i32
      %dma_start3A_350 = tpu.memref_slice %arg2[%dma_start3A_348, %dma_start3A_349] : memref<10000x128xf32, #tpu.memory_space<hbm>> -> memref<10000x128xf32, #tpu.memory_space<hbm>>
      tpu.enqueue_indirect_dma source(%dma_start3A_350 : memref<10000x128xf32, #tpu.memory_space<hbm>>) target(%arg10 : memref<128x128xf32, #tpu.memory_space<vmem>>) offsets(%dma_start3A_347 : memref<128xi32, #tpu.memory_space<vmem>>) semaphore(%arg13 : memref<!tpu.dma_semaphore, #tpu.memory_space<semaphore_mem>>)
      %dma_wait3A_351 = arith.constant 4 : i32
      %dma_wait3A_352 = arith.constant 0 : i32
      %dma_wait3A_353 = tpu.memref_slice %arg8[%dma_wait3A_351, %dma_wait3A_352] : memref<8x128xi32, #tpu.memory_space<vmem>> -> memref<1x128xi32, #tpu.memory_space<vmem>>
      %dma_wait3A_354 = tpu.memref_squeeze %dma_wait3A_353 : memref<1x128xi32, #tpu.memory_space<vmem>> -> memref<128xi32, #tpu.memory_space<vmem>>
      %dma_wait3A_355 = arith.constant 0 : i32
      %dma_wait3A_356 = arith.constant 0 : i32
      %dma_wait3A_357 = tpu.memref_slice %arg11[%dma_wait3A_355, %dma_wait3A_356] : memref<10000x128xf32, #tpu.memory_space<vmem_shared>> -> memref<10000x128xf32, #tpu.memory_space<vmem_shared>>
      tpu.wait_indirect_dma semaphore(%arg14 : memref<!tpu.dma_semaphore, #tpu.memory_space<semaphore_mem>>) src(%arg9 : memref<128x128xf32, #tpu.memory_space<vmem>>) dst(%dma_wait3A_357 : memref<10000x128xf32, #tpu.memory_space<vmem_shared>>)
      %mul3A_358 = arith.constant 8 : i32
      %mul3A_359 = arith.muli %scan3A_46, %mul3A_358 : i32
      %add3A_360 = arith.constant 4 : i32
      %add3A_361 = arith.addi %mul3A_359, %add3A_360 : i32
      %add3A_362 = arith.constant 1 : i32
      %add3A_363 = arith.addi %add3A_361, %add3A_362 : i32
      %mul3A_364 = arith.constant 80 : i32
      %mul3A_365 = arith.muli %add3A, %mul3A_364 : i32
      %add3A_366 = arith.addi %mul3A_365, %add3A_363 : i32
      %mul3A_367 = arith.constant 128 : i32
      %mul3A_368 = arith.muli %add3A_366, %mul3A_367 : i32
      %dma_start3A_369 = arith.constant 0 : i32
      %dma_start3A_370 = tpu.memref_slice %arg3[%mul3A_368, %dma_start3A_369] : memref<327680x128xf32, #tpu.memory_space<hbm>> -> memref<128x128xf32, #tpu.memory_space<hbm>>
      %dma_start3A_371 = arith.constant 0 : i32
      %dma_start3A_372 = tpu.memref_slice %arg3[%mul3A_368, %dma_start3A_371] : memref<327680x128xf32, #tpu.memory_space<hbm>> -> memref<128x128xf32, #tpu.memory_space<hbm>>
      tpu.enqueue_dma source(%dma_start3A_372 : memref<128x128xf32, #tpu.memory_space<hbm>>) target(%arg9 : memref<128x128xf32, #tpu.memory_space<vmem>>) target_semaphore(%arg12 : memref<!tpu.dma_semaphore, #tpu.memory_space<semaphore_mem>>)
      %dma_wait3A_373 = arith.constant 5 : i32
      %dma_wait3A_374 = arith.constant 0 : i32
      %dma_wait3A_375 = tpu.memref_slice %arg7[%dma_wait3A_373, %dma_wait3A_374] : memref<8x128xi32, #tpu.memory_space<vmem>> -> memref<1x128xi32, #tpu.memory_space<vmem>>
      %dma_wait3A_376 = tpu.memref_squeeze %dma_wait3A_375 : memref<1x128xi32, #tpu.memory_space<vmem>> -> memref<128xi32, #tpu.memory_space<vmem>>
      %dma_wait3A_377 = arith.constant 0 : i32
      %dma_wait3A_378 = arith.constant 0 : i32
      %dma_wait3A_379 = tpu.memref_slice %arg2[%dma_wait3A_377, %dma_wait3A_378] : memref<10000x128xf32, #tpu.memory_space<hbm>> -> memref<10000x128xf32, #tpu.memory_space<hbm>>
      tpu.wait_indirect_dma semaphore(%arg13 : memref<!tpu.dma_semaphore, #tpu.memory_space<semaphore_mem>>) src(%dma_wait3A_379 : memref<10000x128xf32, #tpu.memory_space<hbm>>) dst(%arg10 : memref<128x128xf32, #tpu.memory_space<vmem>>)
      %mul3A_380 = arith.constant 8 : i32
      %mul3A_381 = arith.muli %scan3A_46, %mul3A_380 : i32
      %add3A_382 = arith.constant 5 : i32
      %add3A_383 = arith.addi %mul3A_381, %add3A_382 : i32
      %mul3A_384 = arith.constant 80 : i32
      %mul3A_385 = arith.muli %add3A, %mul3A_384 : i32
      %add3A_386 = arith.addi %mul3A_385, %add3A_383 : i32
      %mul3A_387 = arith.constant 128 : i32
      %mul3A_388 = arith.muli %add3A_386, %mul3A_387 : i32
      %dma_wait3A_389 = arith.constant 0 : i32
      %dma_wait3A_390 = tpu.memref_slice %arg3[%mul3A_388, %dma_wait3A_389] : memref<327680x128xf32, #tpu.memory_space<hbm>> -> memref<128x128xf32, #tpu.memory_space<hbm>>
      %dma_wait3A_391 = arith.constant 0 : i32
      %dma_wait3A_392 = tpu.memref_slice %arg3[%mul3A_388, %dma_wait3A_391] : memref<327680x128xf32, #tpu.memory_space<hbm>> -> memref<128x128xf32, #tpu.memory_space<hbm>>
      tpu.wait_dma2 semaphore(%arg12 : memref<!tpu.dma_semaphore, #tpu.memory_space<semaphore_mem>>) src(%dma_wait3A_392 : memref<128x128xf32, #tpu.memory_space<hbm>>) dst(%arg9 : memref<128x128xf32, #tpu.memory_space<vmem>>)
      %scan3A_393 = arith.constant 0 : i32
      %scan3A_394 = arith.constant 0 : i32
      %scan3A_395 = arith.constant 64 : i32
      %scan3A_396 = arith.addi %scan3A_394, %scan3A_395 : i32
      %scan3A_397 = arith.constant 1 : i32
      scf.for %scan3A_530 = %scan3A_394 to %scan3A_396 step %scan3A_397  : i32 {
        %mul3A_531 = arith.constant 2 : i32
        %mul3A_532 = arith.muli %mul3A_531, %scan3A_530 : i32
        %add3A_533 = arith.constant 0 : i32
        %add3A_534 = arith.addi %mul3A_532, %add3A_533 : i32
        %get3A = arith.index_cast %add3A_534 : i32 to index
        %get3A_535 = arith.constant 0 : index
        %get3A_536 = tpu.vector_load %arg10[%get3A, %get3A_535] {strides = array<i32>} : memref<128x128xf32, #tpu.memory_space<vmem>>, vector<1x16xf32>,
        %get3A_537 = vector.shape_cast %get3A_536 : vector<1x16xf32> to vector<16xf32>
        %mul3A_538 = arith.constant 2 : i32
        %mul3A_539 = arith.muli %mul3A_538, %scan3A_530 : i32
        %add3A_540 = arith.constant 0 : i32
        %add3A_541 = arith.addi %mul3A_539, %add3A_540 : i32
        %get3A_542 = arith.index_cast %add3A_541 : i32 to index
        %get3A_543 = arith.constant 0 : index
        %get3A_544 = tpu.vector_load %arg9[%get3A_542, %get3A_543] {strides = array<i32>} : memref<128x128xf32, #tpu.memory_space<vmem>>, vector<1x16xf32>,
        %get3A_545 = vector.shape_cast %get3A_544 : vector<1x16xf32> to vector<16xf32>
        %add3A_546 = arith.addf %get3A_537, %get3A_545 : vector<16xf32>
        %max3A = arith.constant 0.000000e+00 : f32
        %max3A_547 = vector.broadcast %max3A : f32 to vector<16xf32>
        %max3A_548 = arith.maximumf %add3A_546, %max3A_547 : vector<16xf32>
        %mul3A_549 = arith.constant 2 : i32
        %mul3A_550 = arith.muli %mul3A_549, %scan3A_530 : i32
        %add3A_551 = arith.constant 0 : i32
        %add3A_552 = arith.addi %mul3A_550, %add3A_551 : i32
        %swap3A = arith.index_cast %add3A_552 : i32 to index
        %swap3A_553 = arith.constant 0 : index
        %swap3A_554 = tpu.vector_load %arg9[%swap3A, %swap3A_553] {strides = array<i32>} : memref<128x128xf32, #tpu.memory_space<vmem>>, vector<1x16xf32>,
        %swap3A_555 = vector.shape_cast %swap3A_554 : vector<1x16xf32> to vector<16xf32>
        %swap3A_556 = vector.shape_cast %max3A_548 : vector<16xf32> to vector<1x16xf32>
        tpu.vector_store %arg9[%swap3A, %swap3A_553], %swap3A_556 {strides = array<i32>} : memref<128x128xf32, #tpu.memory_space<vmem>>, vector<1x16xf32>,
        %mul3A_557 = arith.constant 2 : i32
        %mul3A_558 = arith.muli %mul3A_557, %scan3A_530 : i32
        %add3A_559 = arith.constant 0 : i32
        %add3A_560 = arith.addi %mul3A_558, %add3A_559 : i32
        %get3A_561 = arith.index_cast %add3A_560 : i32 to index
        %get3A_562 = arith.constant 16 : index
        %get3A_563 = tpu.vector_load %arg10[%get3A_561, %get3A_562] {strides = array<i32>} : memref<128x128xf32, #tpu.memory_space<vmem>>, vector<1x16xf32>,
        %get3A_564 = vector.shape_cast %get3A_563 : vector<1x16xf32> to vector<16xf32>
        %mul3A_565 = arith.constant 2 : i32
        %mul3A_566 = arith.muli %mul3A_565, %scan3A_530 : i32
        %add3A_567 = arith.constant 0 : i32
        %add3A_568 = arith.addi %mul3A_566, %add3A_567 : i32
        %get3A_569 = arith.index_cast %add3A_568 : i32 to index
        %get3A_570 = arith.constant 16 : index
        %get3A_571 = tpu.vector_load %arg9[%get3A_569, %get3A_570] {strides = array<i32>} : memref<128x128xf32, #tpu.memory_space<vmem>>, vector<1x16xf32>,
        %get3A_572 = vector.shape_cast %get3A_571 : vector<1x16xf32> to vector<16xf32>
        %add3A_573 = arith.addf %get3A_564, %get3A_572 : vector<16xf32>
        %max3A_574 = arith.constant 0.000000e+00 : f32
        %max3A_575 = vector.broadcast %max3A_574 : f32 to vector<16xf32>
        %max3A_576 = arith.maximumf %add3A_573, %max3A_575 : vector<16xf32>
        %mul3A_577 = arith.constant 2 : i32
        %mul3A_578 = arith.muli %mul3A_577, %scan3A_530 : i32
        %add3A_579 = arith.constant 0 : i32
        %add3A_580 = arith.addi %mul3A_578, %add3A_579 : i32
        %swap3A_581 = arith.index_cast %add3A_580 : i32 to index
        %swap3A_582 = arith.constant 16 : index
        %swap3A_583 = tpu.vector_load %arg9[%swap3A_581, %swap3A_582] {strides = array<i32>} : memref<128x128xf32, #tpu.memory_space<vmem>>, vector<1x16xf32>,
        %swap3A_584 = vector.shape_cast %swap3A_583 : vector<1x16xf32> to vector<16xf32>
        %swap3A_585 = vector.shape_cast %max3A_576 : vector<16xf32> to vector<1x16xf32>
        tpu.vector_store %arg9[%swap3A_581, %swap3A_582], %swap3A_585 {strides = array<i32>} : memref<128x128xf32, #tpu.memory_space<vmem>>, vector<1x16xf32>,
        %mul3A_586 = arith.constant 2 : i32
        %mul3A_587 = arith.muli %mul3A_586, %scan3A_530 : i32
        %add3A_588 = arith.constant 0 : i32
        %add3A_589 = arith.addi %mul3A_587, %add3A_588 : i32
        %get3A_590 = arith.index_cast %add3A_589 : i32 to index
        %get3A_591 = arith.constant 32 : index
        %get3A_592 = tpu.vector_load %arg10[%get3A_590, %get3A_591] {strides = array<i32>} : memref<128x128xf32, #tpu.memory_space<vmem>>, vector<1x16xf32>,
        %get3A_593 = vector.shape_cast %get3A_592 : vector<1x16xf32> to vector<16xf32>
        %mul3A_594 = arith.constant 2 : i32
        %mul3A_595 = arith.muli %mul3A_594, %scan3A_530 : i32
        %add3A_596 = arith.constant 0 : i32
        %add3A_597 = arith.addi %mul3A_595, %add3A_596 : i32
        %get3A_598 = arith.index_cast %add3A_597 : i32 to index
        %get3A_599 = arith.constant 32 : index
        %get3A_600 = tpu.vector_load %arg9[%get3A_598, %get3A_599] {strides = array<i32>} : memref<128x128xf32, #tpu.memory_space<vmem>>, vector<1x16xf32>,
        %get3A_601 = vector.shape_cast %get3A_600 : vector<1x16xf32> to vector<16xf32>
        %add3A_602 = arith.addf %get3A_593, %get3A_601 : vector<16xf32>
        %max3A_603 = arith.constant 0.000000e+00 : f32
        %max3A_604 = vector.broadcast %max3A_603 : f32 to vector<16xf32>
        %max3A_605 = arith.maximumf %add3A_602, %max3A_604 : vector<16xf32>
        %mul3A_606 = arith.constant 2 : i32
        %mul3A_607 = arith.muli %mul3A_606, %scan3A_530 : i32
        %add3A_608 = arith.constant 0 : i32
        %add3A_609 = arith.addi %mul3A_607, %add3A_608 : i32
        %swap3A_610 = arith.index_cast %add3A_609 : i32 to index
        %swap3A_611 = arith.constant 32 : index
        %swap3A_612 = tpu.vector_load %arg9[%swap3A_610, %swap3A_611] {strides = array<i32>} : memref<128x128xf32, #tpu.memory_space<vmem>>, vector<1x16xf32>,
        %swap3A_613 = vector.shape_cast %swap3A_612 : vector<1x16xf32> to vector<16xf32>
        %swap3A_614 = vector.shape_cast %max3A_605 : vector<16xf32> to vector<1x16xf32>
        tpu.vector_store %arg9[%swap3A_610, %swap3A_611], %swap3A_614 {strides = array<i32>} : memref<128x128xf32, #tpu.memory_space<vmem>>, vector<1x16xf32>,
        %mul3A_615 = arith.constant 2 : i32
        %mul3A_616 = arith.muli %mul3A_615, %scan3A_530 : i32
        %add3A_617 = arith.constant 0 : i32
        %add3A_618 = arith.addi %mul3A_616, %add3A_617 : i32
        %get3A_619 = arith.index_cast %add3A_618 : i32 to index
        %get3A_620 = arith.constant 48 : index
        %get3A_621 = tpu.vector_load %arg10[%get3A_619, %get3A_620] {strides = array<i32>} : memref<128x128xf32, #tpu.memory_space<vmem>>, vector<1x16xf32>,
        %get3A_622 = vector.shape_cast %get3A_621 : vector<1x16xf32> to vector<16xf32>
        %mul3A_623 = arith.constant 2 : i32
        %mul3A_624 = arith.muli %mul3A_623, %scan3A_530 : i32
        %add3A_625 = arith.constant 0 : i32
        %add3A_626 = arith.addi %mul3A_624, %add3A_625 : i32
        %get3A_627 = arith.index_cast %add3A_626 : i32 to index
        %get3A_628 = arith.constant 48 : index
        %get3A_629 = tpu.vector_load %arg9[%get3A_627, %get3A_628] {strides = array<i32>} : memref<128x128xf32, #tpu.memory_space<vmem>>, vector<1x16xf32>,
        %get3A_630 = vector.shape_cast %get3A_629 : vector<1x16xf32> to vector<16xf32>
        %add3A_631 = arith.addf %get3A_622, %get3A_630 : vector<16xf32>
        %max3A_632 = arith.constant 0.000000e+00 : f32
        %max3A_633 = vector.broadcast %max3A_632 : f32 to vector<16xf32>
        %max3A_634 = arith.maximumf %add3A_631, %max3A_633 : vector<16xf32>
        %mul3A_635 = arith.constant 2 : i32
        %mul3A_636 = arith.muli %mul3A_635, %scan3A_530 : i32
        %add3A_637 = arith.constant 0 : i32
        %add3A_638 = arith.addi %mul3A_636, %add3A_637 : i32
        %swap3A_639 = arith.index_cast %add3A_638 : i32 to index
        %swap3A_640 = arith.constant 48 : index
        %swap3A_641 = tpu.vector_load %arg9[%swap3A_639, %swap3A_640] {strides = array<i32>} : memref<128x128xf32, #tpu.memory_space<vmem>>, vector<1x16xf32>,
        %swap3A_642 = vector.shape_cast %swap3A_641 : vector<1x16xf32> to vector<16xf32>
        %swap3A_643 = vector.shape_cast %max3A_634 : vector<16xf32> to vector<1x16xf32>
        tpu.vector_store %arg9[%swap3A_639, %swap3A_640], %swap3A_643 {strides = array<i32>} : memref<128x128xf32, #tpu.memory_space<vmem>>, vector<1x16xf32>,
        %mul3A_644 = arith.constant 2 : i32
        %mul3A_645 = arith.muli %mul3A_644, %scan3A_530 : i32
        %add3A_646 = arith.constant 0 : i32
        %add3A_647 = arith.addi %mul3A_645, %add3A_646 : i32
        %get3A_648 = arith.index_cast %add3A_647 : i32 to index
        %get3A_649 = arith.constant 64 : index
        %get3A_650 = tpu.vector_load %arg10[%get3A_648, %get3A_649] {strides = array<i32>} : memref<128x128xf32, #tpu.memory_space<vmem>>, vector<1x16xf32>,
        %get3A_651 = vector.shape_cast %get3A_650 : vector<1x16xf32> to vector<16xf32>
        %mul3A_652 = arith.constant 2 : i32
        %mul3A_653 = arith.muli %mul3A_652, %scan3A_530 : i32
        %add3A_654 = arith.constant 0 : i32
        %add3A_655 = arith.addi %mul3A_653, %add3A_654 : i32
        %get3A_656 = arith.index_cast %add3A_655 : i32 to index
        %get3A_657 = arith.constant 64 : index
        %get3A_658 = tpu.vector_load %arg9[%get3A_656, %get3A_657] {strides = array<i32>} : memref<128x128xf32, #tpu.memory_space<vmem>>, vector<1x16xf32>,
        %get3A_659 = vector.shape_cast %get3A_658 : vector<1x16xf32> to vector<16xf32>
        %add3A_660 = arith.addf %get3A_651, %get3A_659 : vector<16xf32>
        %max3A_661 = arith.constant 0.000000e+00 : f32
        %max3A_662 = vector.broadcast %max3A_661 : f32 to vector<16xf32>
        %max3A_663 = arith.maximumf %add3A_660, %max3A_662 : vector<16xf32>
        %mul3A_664 = arith.constant 2 : i32
        %mul3A_665 = arith.muli %mul3A_664, %scan3A_530 : i32
        %add3A_666 = arith.constant 0 : i32
        %add3A_667 = arith.addi %mul3A_665, %add3A_666 : i32
        %swap3A_668 = arith.index_cast %add3A_667 : i32 to index
        %swap3A_669 = arith.constant 64 : index
        %swap3A_670 = tpu.vector_load %arg9[%swap3A_668, %swap3A_669] {strides = array<i32>} : memref<128x128xf32, #tpu.memory_space<vmem>>, vector<1x16xf32>,
        %swap3A_671 = vector.shape_cast %swap3A_670 : vector<1x16xf32> to vector<16xf32>
        %swap3A_672 = vector.shape_cast %max3A_663 : vector<16xf32> to vector<1x16xf32>
        tpu.vector_store %arg9[%swap3A_668, %swap3A_669], %swap3A_672 {strides = array<i32>} : memref<128x128xf32, #tpu.memory_space<vmem>>, vector<1x16xf32>,
        %mul3A_673 = arith.constant 2 : i32
        %mul3A_674 = arith.muli %mul3A_673, %scan3A_530 : i32
        %add3A_675 = arith.constant 0 : i32
        %add3A_676 = arith.addi %mul3A_674, %add3A_675 : i32
        %get3A_677 = arith.index_cast %add3A_676 : i32 to index
        %get3A_678 = arith.constant 80 : index
        %get3A_679 = tpu.vector_load %arg10[%get3A_677, %get3A_678] {strides = array<i32>} : memref<128x128xf32, #tpu.memory_space<vmem>>, vector<1x16xf32>,
        %get3A_680 = vector.shape_cast %get3A_679 : vector<1x16xf32> to vector<16xf32>
        %mul3A_681 = arith.constant 2 : i32
        %mul3A_682 = arith.muli %mul3A_681, %scan3A_530 : i32
        %add3A_683 = arith.constant 0 : i32
        %add3A_684 = arith.addi %mul3A_682, %add3A_683 : i32
        %get3A_685 = arith.index_cast %add3A_684 : i32 to index
        %get3A_686 = arith.constant 80 : index
        %get3A_687 = tpu.vector_load %arg9[%get3A_685, %get3A_686] {strides = array<i32>} : memref<128x128xf32, #tpu.memory_space<vmem>>, vector<1x16xf32>,
        %get3A_688 = vector.shape_cast %get3A_687 : vector<1x16xf32> to vector<16xf32>
        %add3A_689 = arith.addf %get3A_680, %get3A_688 : vector<16xf32>
        %max3A_690 = arith.constant 0.000000e+00 : f32
        %max3A_691 = vector.broadcast %max3A_690 : f32 to vector<16xf32>
        %max3A_692 = arith.maximumf %add3A_689, %max3A_691 : vector<16xf32>
        %mul3A_693 = arith.constant 2 : i32
        %mul3A_694 = arith.muli %mul3A_693, %scan3A_530 : i32
        %add3A_695 = arith.constant 0 : i32
        %add3A_696 = arith.addi %mul3A_694, %add3A_695 : i32
        %swap3A_697 = arith.index_cast %add3A_696 : i32 to index
        %swap3A_698 = arith.constant 80 : index
        %swap3A_699 = tpu.vector_load %arg9[%swap3A_697, %swap3A_698] {strides = array<i32>} : memref<128x128xf32, #tpu.memory_space<vmem>>, vector<1x16xf32>,
        %swap3A_700 = vector.shape_cast %swap3A_699 : vector<1x16xf32> to vector<16xf32>
        %swap3A_701 = vector.shape_cast %max3A_692 : vector<16xf32> to vector<1x16xf32>
        tpu.vector_store %arg9[%swap3A_697, %swap3A_698], %swap3A_701 {strides = array<i32>} : memref<128x128xf32, #tpu.memory_space<vmem>>, vector<1x16xf32>,
        %mul3A_702 = arith.constant 2 : i32
        %mul3A_703 = arith.muli %mul3A_702, %scan3A_530 : i32
        %add3A_704 = arith.constant 0 : i32
        %add3A_705 = arith.addi %mul3A_703, %add3A_704 : i32
        %get3A_706 = arith.index_cast %add3A_705 : i32 to index
        %get3A_707 = arith.constant 96 : index
        %get3A_708 = tpu.vector_load %arg10[%get3A_706, %get3A_707] {strides = array<i32>} : memref<128x128xf32, #tpu.memory_space<vmem>>, vector<1x16xf32>,
        %get3A_709 = vector.shape_cast %get3A_708 : vector<1x16xf32> to vector<16xf32>
        %mul3A_710 = arith.constant 2 : i32
        %mul3A_711 = arith.muli %mul3A_710, %scan3A_530 : i32
        %add3A_712 = arith.constant 0 : i32
        %add3A_713 = arith.addi %mul3A_711, %add3A_712 : i32
        %get3A_714 = arith.index_cast %add3A_713 : i32 to index
        %get3A_715 = arith.constant 96 : index
        %get3A_716 = tpu.vector_load %arg9[%get3A_714, %get3A_715] {strides = array<i32>} : memref<128x128xf32, #tpu.memory_space<vmem>>, vector<1x16xf32>,
        %get3A_717 = vector.shape_cast %get3A_716 : vector<1x16xf32> to vector<16xf32>
        %add3A_718 = arith.addf %get3A_709, %get3A_717 : vector<16xf32>
        %max3A_719 = arith.constant 0.000000e+00 : f32
        %max3A_720 = vector.broadcast %max3A_719 : f32 to vector<16xf32>
        %max3A_721 = arith.maximumf %add3A_718, %max3A_720 : vector<16xf32>
        %mul3A_722 = arith.constant 2 : i32
        %mul3A_723 = arith.muli %mul3A_722, %scan3A_530 : i32
        %add3A_724 = arith.constant 0 : i32
        %add3A_725 = arith.addi %mul3A_723, %add3A_724 : i32
        %swap3A_726 = arith.index_cast %add3A_725 : i32 to index
        %swap3A_727 = arith.constant 96 : index
        %swap3A_728 = tpu.vector_load %arg9[%swap3A_726, %swap3A_727] {strides = array<i32>} : memref<128x128xf32, #tpu.memory_space<vmem>>, vector<1x16xf32>,
        %swap3A_729 = vector.shape_cast %swap3A_728 : vector<1x16xf32> to vector<16xf32>
        %swap3A_730 = vector.shape_cast %max3A_721 : vector<16xf32> to vector<1x16xf32>
        tpu.vector_store %arg9[%swap3A_726, %swap3A_727], %swap3A_730 {strides = array<i32>} : memref<128x128xf32, #tpu.memory_space<vmem>>, vector<1x16xf32>,
        %mul3A_731 = arith.constant 2 : i32
        %mul3A_732 = arith.muli %mul3A_731, %scan3A_530 : i32
        %add3A_733 = arith.constant 0 : i32
        %add3A_734 = arith.addi %mul3A_732, %add3A_733 : i32
        %get3A_735 = arith.index_cast %add3A_734 : i32 to index
        %get3A_736 = arith.constant 112 : index
        %get3A_737 = tpu.vector_load %arg10[%get3A_735, %get3A_736] {strides = array<i32>} : memref<128x128xf32, #tpu.memory_space<vmem>>, vector<1x16xf32>,
        %get3A_738 = vector.shape_cast %get3A_737 : vector<1x16xf32> to vector<16xf32>
        %mul3A_739 = arith.constant 2 : i32
        %mul3A_740 = arith.muli %mul3A_739, %scan3A_530 : i32
        %add3A_741 = arith.constant 0 : i32
        %add3A_742 = arith.addi %mul3A_740, %add3A_741 : i32
        %get3A_743 = arith.index_cast %add3A_742 : i32 to index
        %get3A_744 = arith.constant 112 : index
        %get3A_745 = tpu.vector_load %arg9[%get3A_743, %get3A_744] {strides = array<i32>} : memref<128x128xf32, #tpu.memory_space<vmem>>, vector<1x16xf32>,
        %get3A_746 = vector.shape_cast %get3A_745 : vector<1x16xf32> to vector<16xf32>
        %add3A_747 = arith.addf %get3A_738, %get3A_746 : vector<16xf32>
        %max3A_748 = arith.constant 0.000000e+00 : f32
        %max3A_749 = vector.broadcast %max3A_748 : f32 to vector<16xf32>
        %max3A_750 = arith.maximumf %add3A_747, %max3A_749 : vector<16xf32>
        %mul3A_751 = arith.constant 2 : i32
        %mul3A_752 = arith.muli %mul3A_751, %scan3A_530 : i32
        %add3A_753 = arith.constant 0 : i32
        %add3A_754 = arith.addi %mul3A_752, %add3A_753 : i32
        %swap3A_755 = arith.index_cast %add3A_754 : i32 to index
        %swap3A_756 = arith.constant 112 : index
        %swap3A_757 = tpu.vector_load %arg9[%swap3A_755, %swap3A_756] {strides = array<i32>} : memref<128x128xf32, #tpu.memory_space<vmem>>, vector<1x16xf32>,
        %swap3A_758 = vector.shape_cast %swap3A_757 : vector<1x16xf32> to vector<16xf32>
        %swap3A_759 = vector.shape_cast %max3A_750 : vector<16xf32> to vector<1x16xf32>
        tpu.vector_store %arg9[%swap3A_755, %swap3A_756], %swap3A_759 {strides = array<i32>} : memref<128x128xf32, #tpu.memory_space<vmem>>, vector<1x16xf32>,
        %mul3A_760 = arith.constant 2 : i32
        %mul3A_761 = arith.muli %mul3A_760, %scan3A_530 : i32
        %add3A_762 = arith.constant 1 : i32
        %add3A_763 = arith.addi %mul3A_761, %add3A_762 : i32
        %get3A_764 = arith.index_cast %add3A_763 : i32 to index
        %get3A_765 = arith.constant 0 : index
        %get3A_766 = tpu.vector_load %arg10[%get3A_764, %get3A_765] {strides = array<i32>} : memref<128x128xf32, #tpu.memory_space<vmem>>, vector<1x16xf32>,
        %get3A_767 = vector.shape_cast %get3A_766 : vector<1x16xf32> to vector<16xf32>
        %mul3A_768 = arith.constant 2 : i32
        %mul3A_769 = arith.muli %mul3A_768, %scan3A_530 : i32
        %add3A_770 = arith.constant 1 : i32
        %add3A_771 = arith.addi %mul3A_769, %add3A_770 : i32
        %get3A_772 = arith.index_cast %add3A_771 : i32 to index
        %get3A_773 = arith.constant 0 : index
        %get3A_774 = tpu.vector_load %arg9[%get3A_772, %get3A_773] {strides = array<i32>} : memref<128x128xf32, #tpu.memory_space<vmem>>, vector<1x16xf32>,
        %get3A_775 = vector.shape_cast %get3A_774 : vector<1x16xf32> to vector<16xf32>
        %add3A_776 = arith.addf %get3A_767, %get3A_775 : vector<16xf32>
        %max3A_777 = arith.constant 0.000000e+00 : f32
        %max3A_778 = vector.broadcast %max3A_777 : f32 to vector<16xf32>
        %max3A_779 = arith.maximumf %add3A_776, %max3A_778 : vector<16xf32>
        %mul3A_780 = arith.constant 2 : i32
        %mul3A_781 = arith.muli %mul3A_780, %scan3A_530 : i32
        %add3A_782 = arith.constant 1 : i32
        %add3A_783 = arith.addi %mul3A_781, %add3A_782 : i32
        %swap3A_784 = arith.index_cast %add3A_783 : i32 to index
        %swap3A_785 = arith.constant 0 : index
        %swap3A_786 = tpu.vector_load %arg9[%swap3A_784, %swap3A_785] {strides = array<i32>} : memref<128x128xf32, #tpu.memory_space<vmem>>, vector<1x16xf32>,
        %swap3A_787 = vector.shape_cast %swap3A_786 : vector<1x16xf32> to vector<16xf32>
        %swap3A_788 = vector.shape_cast %max3A_779 : vector<16xf32> to vector<1x16xf32>
        tpu.vector_store %arg9[%swap3A_784, %swap3A_785], %swap3A_788 {strides = array<i32>} : memref<128x128xf32, #tpu.memory_space<vmem>>, vector<1x16xf32>,
        %mul3A_789 = arith.constant 2 : i32
        %mul3A_790 = arith.muli %mul3A_789, %scan3A_530 : i32
        %add3A_791 = arith.constant 1 : i32
        %add3A_792 = arith.addi %mul3A_790, %add3A_791 : i32
        %get3A_793 = arith.index_cast %add3A_792 : i32 to index
        %get3A_794 = arith.constant 16 : index
        %get3A_795 = tpu.vector_load %arg10[%get3A_793, %get3A_794] {strides = array<i32>} : memref<128x128xf32, #tpu.memory_space<vmem>>, vector<1x16xf32>,
        %get3A_796 = vector.shape_cast %get3A_795 : vector<1x16xf32> to vector<16xf32>
        %mul3A_797 = arith.constant 2 : i32
        %mul3A_798 = arith.muli %mul3A_797, %scan3A_530 : i32
        %add3A_799 = arith.constant 1 : i32
        %add3A_800 = arith.addi %mul3A_798, %add3A_799 : i32
        %get3A_801 = arith.index_cast %add3A_800 : i32 to index
        %get3A_802 = arith.constant 16 : index
        %get3A_803 = tpu.vector_load %arg9[%get3A_801, %get3A_802] {strides = array<i32>} : memref<128x128xf32, #tpu.memory_space<vmem>>, vector<1x16xf32>,
        %get3A_804 = vector.shape_cast %get3A_803 : vector<1x16xf32> to vector<16xf32>
        %add3A_805 = arith.addf %get3A_796, %get3A_804 : vector<16xf32>
        %max3A_806 = arith.constant 0.000000e+00 : f32
        %max3A_807 = vector.broadcast %max3A_806 : f32 to vector<16xf32>
        %max3A_808 = arith.maximumf %add3A_805, %max3A_807 : vector<16xf32>
        %mul3A_809 = arith.constant 2 : i32
        %mul3A_810 = arith.muli %mul3A_809, %scan3A_530 : i32
        %add3A_811 = arith.constant 1 : i32
        %add3A_812 = arith.addi %mul3A_810, %add3A_811 : i32
        %swap3A_813 = arith.index_cast %add3A_812 : i32 to index
        %swap3A_814 = arith.constant 16 : index
        %swap3A_815 = tpu.vector_load %arg9[%swap3A_813, %swap3A_814] {strides = array<i32>} : memref<128x128xf32, #tpu.memory_space<vmem>>, vector<1x16xf32>,
        %swap3A_816 = vector.shape_cast %swap3A_815 : vector<1x16xf32> to vector<16xf32>
        %swap3A_817 = vector.shape_cast %max3A_808 : vector<16xf32> to vector<1x16xf32>
        tpu.vector_store %arg9[%swap3A_813, %swap3A_814], %swap3A_817 {strides = array<i32>} : memref<128x128xf32, #tpu.memory_space<vmem>>, vector<1x16xf32>,
        %mul3A_818 = arith.constant 2 : i32
        %mul3A_819 = arith.muli %mul3A_818, %scan3A_530 : i32
        %add3A_820 = arith.constant 1 : i32
        %add3A_821 = arith.addi %mul3A_819, %add3A_820 : i32
        %get3A_822 = arith.index_cast %add3A_821 : i32 to index
        %get3A_823 = arith.constant 32 : index
        %get3A_824 = tpu.vector_load %arg10[%get3A_822, %get3A_823] {strides = array<i32>} : memref<128x128xf32, #tpu.memory_space<vmem>>, vector<1x16xf32>,
        %get3A_825 = vector.shape_cast %get3A_824 : vector<1x16xf32> to vector<16xf32>
        %mul3A_826 = arith.constant 2 : i32
        %mul3A_827 = arith.muli %mul3A_826, %scan3A_530 : i32
        %add3A_828 = arith.constant 1 : i32
        %add3A_829 = arith.addi %mul3A_827, %add3A_828 : i32
        %get3A_830 = arith.index_cast %add3A_829 : i32 to index
        %get3A_831 = arith.constant 32 : index
        %get3A_832 = tpu.vector_load %arg9[%get3A_830, %get3A_831] {strides = array<i32>} : memref<128x128xf32, #tpu.memory_space<vmem>>, vector<1x16xf32>,
        %get3A_833 = vector.shape_cast %get3A_832 : vector<1x16xf32> to vector<16xf32>
        %add3A_834 = arith.addf %get3A_825, %get3A_833 : vector<16xf32>
        %max3A_835 = arith.constant 0.000000e+00 : f32
        %max3A_836 = vector.broadcast %max3A_835 : f32 to vector<16xf32>
        %max3A_837 = arith.maximumf %add3A_834, %max3A_836 : vector<16xf32>
        %mul3A_838 = arith.constant 2 : i32
        %mul3A_839 = arith.muli %mul3A_838, %scan3A_530 : i32
        %add3A_840 = arith.constant 1 : i32
        %add3A_841 = arith.addi %mul3A_839, %add3A_840 : i32
        %swap3A_842 = arith.index_cast %add3A_841 : i32 to index
        %swap3A_843 = arith.constant 32 : index
        %swap3A_844 = tpu.vector_load %arg9[%swap3A_842, %swap3A_843] {strides = array<i32>} : memref<128x128xf32, #tpu.memory_space<vmem>>, vector<1x16xf32>,
        %swap3A_845 = vector.shape_cast %swap3A_844 : vector<1x16xf32> to vector<16xf32>
        %swap3A_846 = vector.shape_cast %max3A_837 : vector<16xf32> to vector<1x16xf32>
        tpu.vector_store %arg9[%swap3A_842, %swap3A_843], %swap3A_846 {strides = array<i32>} : memref<128x128xf32, #tpu.memory_space<vmem>>, vector<1x16xf32>,
        %mul3A_847 = arith.constant 2 : i32
        %mul3A_848 = arith.muli %mul3A_847, %scan3A_530 : i32
        %add3A_849 = arith.constant 1 : i32
        %add3A_850 = arith.addi %mul3A_848, %add3A_849 : i32
        %get3A_851 = arith.index_cast %add3A_850 : i32 to index
        %get3A_852 = arith.constant 48 : index
        %get3A_853 = tpu.vector_load %arg10[%get3A_851, %get3A_852] {strides = array<i32>} : memref<128x128xf32, #tpu.memory_space<vmem>>, vector<1x16xf32>,
        %get3A_854 = vector.shape_cast %get3A_853 : vector<1x16xf32> to vector<16xf32>
        %mul3A_855 = arith.constant 2 : i32
        %mul3A_856 = arith.muli %mul3A_855, %scan3A_530 : i32
        %add3A_857 = arith.constant 1 : i32
        %add3A_858 = arith.addi %mul3A_856, %add3A_857 : i32
        %get3A_859 = arith.index_cast %add3A_858 : i32 to index
        %get3A_860 = arith.constant 48 : index
        %get3A_861 = tpu.vector_load %arg9[%get3A_859, %get3A_860] {strides = array<i32>} : memref<128x128xf32, #tpu.memory_space<vmem>>, vector<1x16xf32>,
        %get3A_862 = vector.shape_cast %get3A_861 : vector<1x16xf32> to vector<16xf32>
        %add3A_863 = arith.addf %get3A_854, %get3A_862 : vector<16xf32>
        %max3A_864 = arith.constant 0.000000e+00 : f32
        %max3A_865 = vector.broadcast %max3A_864 : f32 to vector<16xf32>
        %max3A_866 = arith.maximumf %add3A_863, %max3A_865 : vector<16xf32>
        %mul3A_867 = arith.constant 2 : i32
        %mul3A_868 = arith.muli %mul3A_867, %scan3A_530 : i32
        %add3A_869 = arith.constant 1 : i32
        %add3A_870 = arith.addi %mul3A_868, %add3A_869 : i32
        %swap3A_871 = arith.index_cast %add3A_870 : i32 to index
        %swap3A_872 = arith.constant 48 : index
        %swap3A_873 = tpu.vector_load %arg9[%swap3A_871, %swap3A_872] {strides = array<i32>} : memref<128x128xf32, #tpu.memory_space<vmem>>, vector<1x16xf32>,
        %swap3A_874 = vector.shape_cast %swap3A_873 : vector<1x16xf32> to vector<16xf32>
        %swap3A_875 = vector.shape_cast %max3A_866 : vector<16xf32> to vector<1x16xf32>
        tpu.vector_store %arg9[%swap3A_871, %swap3A_872], %swap3A_875 {strides = array<i32>} : memref<128x128xf32, #tpu.memory_space<vmem>>, vector<1x16xf32>,
        %mul3A_876 = arith.constant 2 : i32
        %mul3A_877 = arith.muli %mul3A_876, %scan3A_530 : i32
        %add3A_878 = arith.constant 1 : i32
        %add3A_879 = arith.addi %mul3A_877, %add3A_878 : i32
        %get3A_880 = arith.index_cast %add3A_879 : i32 to index
        %get3A_881 = arith.constant 64 : index
        %get3A_882 = tpu.vector_load %arg10[%get3A_880, %get3A_881] {strides = array<i32>} : memref<128x128xf32, #tpu.memory_space<vmem>>, vector<1x16xf32>,
        %get3A_883 = vector.shape_cast %get3A_882 : vector<1x16xf32> to vector<16xf32>
        %mul3A_884 = arith.constant 2 : i32
        %mul3A_885 = arith.muli %mul3A_884, %scan3A_530 : i32
        %add3A_886 = arith.constant 1 : i32
        %add3A_887 = arith.addi %mul3A_885, %add3A_886 : i32
        %get3A_888 = arith.index_cast %add3A_887 : i32 to index
        %get3A_889 = arith.constant 64 : index
        %get3A_890 = tpu.vector_load %arg9[%get3A_888, %get3A_889] {strides = array<i32>} : memref<128x128xf32, #tpu.memory_space<vmem>>, vector<1x16xf32>,
        %get3A_891 = vector.shape_cast %get3A_890 : vector<1x16xf32> to vector<16xf32>
        %add3A_892 = arith.addf %get3A_883, %get3A_891 : vector<16xf32>
        %max3A_893 = arith.constant 0.000000e+00 : f32
        %max3A_894 = vector.broadcast %max3A_893 : f32 to vector<16xf32>
        %max3A_895 = arith.maximumf %add3A_892, %max3A_894 : vector<16xf32>
        %mul3A_896 = arith.constant 2 : i32
        %mul3A_897 = arith.muli %mul3A_896, %scan3A_530 : i32
        %add3A_898 = arith.constant 1 : i32
        %add3A_899 = arith.addi %mul3A_897, %add3A_898 : i32
        %swap3A_900 = arith.index_cast %add3A_899 : i32 to index
        %swap3A_901 = arith.constant 64 : index
        %swap3A_902 = tpu.vector_load %arg9[%swap3A_900, %swap3A_901] {strides = array<i32>} : memref<128x128xf32, #tpu.memory_space<vmem>>, vector<1x16xf32>,
        %swap3A_903 = vector.shape_cast %swap3A_902 : vector<1x16xf32> to vector<16xf32>
        %swap3A_904 = vector.shape_cast %max3A_895 : vector<16xf32> to vector<1x16xf32>
        tpu.vector_store %arg9[%swap3A_900, %swap3A_901], %swap3A_904 {strides = array<i32>} : memref<128x128xf32, #tpu.memory_space<vmem>>, vector<1x16xf32>,
        %mul3A_905 = arith.constant 2 : i32
        %mul3A_906 = arith.muli %mul3A_905, %scan3A_530 : i32
        %add3A_907 = arith.constant 1 : i32
        %add3A_908 = arith.addi %mul3A_906, %add3A_907 : i32
        %get3A_909 = arith.index_cast %add3A_908 : i32 to index
        %get3A_910 = arith.constant 80 : index
        %get3A_911 = tpu.vector_load %arg10[%get3A_909, %get3A_910] {strides = array<i32>} : memref<128x128xf32, #tpu.memory_space<vmem>>, vector<1x16xf32>,
        %get3A_912 = vector.shape_cast %get3A_911 : vector<1x16xf32> to vector<16xf32>
        %mul3A_913 = arith.constant 2 : i32
        %mul3A_914 = arith.muli %mul3A_913, %scan3A_530 : i32
        %add3A_915 = arith.constant 1 : i32
        %add3A_916 = arith.addi %mul3A_914, %add3A_915 : i32
        %get3A_917 = arith.index_cast %add3A_916 : i32 to index
        %get3A_918 = arith.constant 80 : index
        %get3A_919 = tpu.vector_load %arg9[%get3A_917, %get3A_918] {strides = array<i32>} : memref<128x128xf32, #tpu.memory_space<vmem>>, vector<1x16xf32>,
        %get3A_920 = vector.shape_cast %get3A_919 : vector<1x16xf32> to vector<16xf32>
        %add3A_921 = arith.addf %get3A_912, %get3A_920 : vector<16xf32>
        %max3A_922 = arith.constant 0.000000e+00 : f32
        %max3A_923 = vector.broadcast %max3A_922 : f32 to vector<16xf32>
        %max3A_924 = arith.maximumf %add3A_921, %max3A_923 : vector<16xf32>
        %mul3A_925 = arith.constant 2 : i32
        %mul3A_926 = arith.muli %mul3A_925, %scan3A_530 : i32
        %add3A_927 = arith.constant 1 : i32
        %add3A_928 = arith.addi %mul3A_926, %add3A_927 : i32
        %swap3A_929 = arith.index_cast %add3A_928 : i32 to index
        %swap3A_930 = arith.constant 80 : index
        %swap3A_931 = tpu.vector_load %arg9[%swap3A_929, %swap3A_930] {strides = array<i32>} : memref<128x128xf32, #tpu.memory_space<vmem>>, vector<1x16xf32>,
        %swap3A_932 = vector.shape_cast %swap3A_931 : vector<1x16xf32> to vector<16xf32>
        %swap3A_933 = vector.shape_cast %max3A_924 : vector<16xf32> to vector<1x16xf32>
        tpu.vector_store %arg9[%swap3A_929, %swap3A_930], %swap3A_933 {strides = array<i32>} : memref<128x128xf32, #tpu.memory_space<vmem>>, vector<1x16xf32>,
        %mul3A_934 = arith.constant 2 : i32
        %mul3A_935 = arith.muli %mul3A_934, %scan3A_530 : i32
        %add3A_936 = arith.constant 1 : i32
        %add3A_937 = arith.addi %mul3A_935, %add3A_936 : i32
        %get3A_938 = arith.index_cast %add3A_937 : i32 to index
        %get3A_939 = arith.constant 96 : index
        %get3A_940 = tpu.vector_load %arg10[%get3A_938, %get3A_939] {strides = array<i32>} : memref<128x128xf32, #tpu.memory_space<vmem>>, vector<1x16xf32>,
        %get3A_941 = vector.shape_cast %get3A_940 : vector<1x16xf32> to vector<16xf32>
        %mul3A_942 = arith.constant 2 : i32
        %mul3A_943 = arith.muli %mul3A_942, %scan3A_530 : i32
        %add3A_944 = arith.constant 1 : i32
        %add3A_945 = arith.addi %mul3A_943, %add3A_944 : i32
        %get3A_946 = arith.index_cast %add3A_945 : i32 to index
        %get3A_947 = arith.constant 96 : index
        %get3A_948 = tpu.vector_load %arg9[%get3A_946, %get3A_947] {strides = array<i32>} : memref<128x128xf32, #tpu.memory_space<vmem>>, vector<1x16xf32>,
        %get3A_949 = vector.shape_cast %get3A_948 : vector<1x16xf32> to vector<16xf32>
        %add3A_950 = arith.addf %get3A_941, %get3A_949 : vector<16xf32>
        %max3A_951 = arith.constant 0.000000e+00 : f32
        %max3A_952 = vector.broadcast %max3A_951 : f32 to vector<16xf32>
        %max3A_953 = arith.maximumf %add3A_950, %max3A_952 : vector<16xf32>
        %mul3A_954 = arith.constant 2 : i32
        %mul3A_955 = arith.muli %mul3A_954, %scan3A_530 : i32
        %add3A_956 = arith.constant 1 : i32
        %add3A_957 = arith.addi %mul3A_955, %add3A_956 : i32
        %swap3A_958 = arith.index_cast %add3A_957 : i32 to index
        %swap3A_959 = arith.constant 96 : index
        %swap3A_960 = tpu.vector_load %arg9[%swap3A_958, %swap3A_959] {strides = array<i32>} : memref<128x128xf32, #tpu.memory_space<vmem>>, vector<1x16xf32>,
        %swap3A_961 = vector.shape_cast %swap3A_960 : vector<1x16xf32> to vector<16xf32>
        %swap3A_962 = vector.shape_cast %max3A_953 : vector<16xf32> to vector<1x16xf32>
        tpu.vector_store %arg9[%swap3A_958, %swap3A_959], %swap3A_962 {strides = array<i32>} : memref<128x128xf32, #tpu.memory_space<vmem>>, vector<1x16xf32>,
        %mul3A_963 = arith.constant 2 : i32
        %mul3A_964 = arith.muli %mul3A_963, %scan3A_530 : i32
        %add3A_965 = arith.constant 1 : i32
        %add3A_966 = arith.addi %mul3A_964, %add3A_965 : i32
        %get3A_967 = arith.index_cast %add3A_966 : i32 to index
        %get3A_968 = arith.constant 112 : index
        %get3A_969 = tpu.vector_load %arg10[%get3A_967, %get3A_968] {strides = array<i32>} : memref<128x128xf32, #tpu.memory_space<vmem>>, vector<1x16xf32>,
        %get3A_970 = vector.shape_cast %get3A_969 : vector<1x16xf32> to vector<16xf32>
        %mul3A_971 = arith.constant 2 : i32
        %mul3A_972 = arith.muli %mul3A_971, %scan3A_530 : i32
        %add3A_973 = arith.constant 1 : i32
        %add3A_974 = arith.addi %mul3A_972, %add3A_973 : i32
        %get3A_975 = arith.index_cast %add3A_974 : i32 to index
        %get3A_976 = arith.constant 112 : index
        %get3A_977 = tpu.vector_load %arg9[%get3A_975, %get3A_976] {strides = array<i32>} : memref<128x128xf32, #tpu.memory_space<vmem>>, vector<1x16xf32>,
        %get3A_978 = vector.shape_cast %get3A_977 : vector<1x16xf32> to vector<16xf32>
        %add3A_979 = arith.addf %get3A_970, %get3A_978 : vector<16xf32>
        %max3A_980 = arith.constant 0.000000e+00 : f32
        %max3A_981 = vector.broadcast %max3A_980 : f32 to vector<16xf32>
        %max3A_982 = arith.maximumf %add3A_979, %max3A_981 : vector<16xf32>
        %mul3A_983 = arith.constant 2 : i32
        %mul3A_984 = arith.muli %mul3A_983, %scan3A_530 : i32
        %add3A_985 = arith.constant 1 : i32
        %add3A_986 = arith.addi %mul3A_984, %add3A_985 : i32
        %swap3A_987 = arith.index_cast %add3A_986 : i32 to index
        %swap3A_988 = arith.constant 112 : index
        %swap3A_989 = tpu.vector_load %arg9[%swap3A_987, %swap3A_988] {strides = array<i32>} : memref<128x128xf32, #tpu.memory_space<vmem>>, vector<1x16xf32>,
        %swap3A_990 = vector.shape_cast %swap3A_989 : vector<1x16xf32> to vector<16xf32>
        %swap3A_991 = vector.shape_cast %max3A_982 : vector<16xf32> to vector<1x16xf32>
        tpu.vector_store %arg9[%swap3A_987, %swap3A_988], %swap3A_991 {strides = array<i32>} : memref<128x128xf32, #tpu.memory_space<vmem>>, vector<1x16xf32>,
      }
      %scan3A_398 = arith.constant 64 : i32
      %dma_start3A_399 = arith.constant 5 : i32
      %dma_start3A_400 = arith.constant 0 : i32
      %dma_start3A_401 = tpu.memref_slice %arg8[%dma_start3A_399, %dma_start3A_400] : memref<8x128xi32, #tpu.memory_space<vmem>> -> memref<1x128xi32, #tpu.memory_space<vmem>>
      %dma_start3A_402 = tpu.memref_squeeze %dma_start3A_401 : memref<1x128xi32, #tpu.memory_space<vmem>> -> memref<128xi32, #tpu.memory_space<vmem>>
      %dma_start3A_403 = arith.constant 0 : i32
      %dma_start3A_404 = arith.constant 0 : i32
      %dma_start3A_405 = tpu.memref_slice %arg11[%dma_start3A_403, %dma_start3A_404] : memref<10000x128xf32, #tpu.memory_space<vmem_shared>> -> memref<10000x128xf32, #tpu.memory_space<vmem_shared>>
      tpu.enqueue_indirect_dma source(%arg9 : memref<128x128xf32, #tpu.memory_space<vmem>>) target(%dma_start3A_405 : memref<10000x128xf32, #tpu.memory_space<vmem_shared>>) offsets(%dma_start3A_402 : memref<128xi32, #tpu.memory_space<vmem>>) semaphore(%arg14 : memref<!tpu.dma_semaphore, #tpu.memory_space<semaphore_mem>>) {add = true}
      %dma_start3A_406 = arith.constant 6 : i32
      %dma_start3A_407 = arith.constant 0 : i32
      %dma_start3A_408 = tpu.memref_slice %arg7[%dma_start3A_406, %dma_start3A_407] : memref<8x128xi32, #tpu.memory_space<vmem>> -> memref<1x128xi32, #tpu.memory_space<vmem>>
      %dma_start3A_409 = tpu.memref_squeeze %dma_start3A_408 : memref<1x128xi32, #tpu.memory_space<vmem>> -> memref<128xi32, #tpu.memory_space<vmem>>
      %dma_start3A_410 = arith.constant 0 : i32
      %dma_start3A_411 = arith.constant 0 : i32
      %dma_start3A_412 = tpu.memref_slice %arg2[%dma_start3A_410, %dma_start3A_411] : memref<10000x128xf32, #tpu.memory_space<hbm>> -> memref<10000x128xf32, #tpu.memory_space<hbm>>
      tpu.enqueue_indirect_dma source(%dma_start3A_412 : memref<10000x128xf32, #tpu.memory_space<hbm>>) target(%arg10 : memref<128x128xf32, #tpu.memory_space<vmem>>) offsets(%dma_start3A_409 : memref<128xi32, #tpu.memory_space<vmem>>) semaphore(%arg13 : memref<!tpu.dma_semaphore, #tpu.memory_space<semaphore_mem>>)
      %dma_wait3A_413 = arith.constant 5 : i32
      %dma_wait3A_414 = arith.constant 0 : i32
      %dma_wait3A_415 = tpu.memref_slice %arg8[%dma_wait3A_413, %dma_wait3A_414] : memref<8x128xi32, #tpu.memory_space<vmem>> -> memref<1x128xi32, #tpu.memory_space<vmem>>
      %dma_wait3A_416 = tpu.memref_squeeze %dma_wait3A_415 : memref<1x128xi32, #tpu.memory_space<vmem>> -> memref<128xi32, #tpu.memory_space<vmem>>
      %dma_wait3A_417 = arith.constant 0 : i32
      %dma_wait3A_418 = arith.constant 0 : i32
      %dma_wait3A_419 = tpu.memref_slice %arg11[%dma_wait3A_417, %dma_wait3A_418] : memref<10000x128xf32, #tpu.memory_space<vmem_shared>> -> memref<10000x128xf32, #tpu.memory_space<vmem_shared>>
      tpu.wait_indirect_dma semaphore(%arg14 : memref<!tpu.dma_semaphore, #tpu.memory_space<semaphore_mem>>) src(%arg9 : memref<128x128xf32, #tpu.memory_space<vmem>>) dst(%dma_wait3A_419 : memref<10000x128xf32, #tpu.memory_space<vmem_shared>>)
      %mul3A_420 = arith.constant 8 : i32
      %mul3A_421 = arith.muli %scan3A_46, %mul3A_420 : i32
      %add3A_422 = arith.constant 5 : i32
      %add3A_423 = arith.addi %mul3A_421, %add3A_422 : i32
      %add3A_424 = arith.constant 1 : i32
      %add3A_425 = arith.addi %add3A_423, %add3A_424 : i32
      %mul3A_426 = arith.constant 80 : i32
      %mul3A_427 = arith.muli %add3A, %mul3A_426 : i32
      %add3A_428 = arith.addi %mul3A_427, %add3A_425 : i32
      %mul3A_429 = arith.constant 128 : i32
      %mul3A_430 = arith.muli %add3A_428, %mul3A_429 : i32
      %dma_start3A_431 = arith.constant 0 : i32
      %dma_start3A_432 = tpu.memref_slice %arg3[%mul3A_430, %dma_start3A_431] : memref<327680x128xf32, #tpu.memory_space<hbm>> -> memref<128x128xf32, #tpu.memory_space<hbm>>
      %dma_start3A_433 = arith.constant 0 : i32
      %dma_start3A_434 = tpu.memref_slice %arg3[%mul3A_430, %dma_start3A_433] : memref<327680x128xf32, #tpu.memory_space<hbm>> -> memref<128x128xf32, #tpu.memory_space<hbm>>
      tpu.enqueue_dma source(%dma_start3A_434 : memref<128x128xf32, #tpu.memory_space<hbm>>) target(%arg9 : memref<128x128xf32, #tpu.memory_space<vmem>>) target_semaphore(%arg12 : memref<!tpu.dma_semaphore, #tpu.memory_space<semaphore_mem>>)
      %dma_wait3A_435 = arith.constant 6 : i32
      %dma_wait3A_436 = arith.constant 0 : i32
      %dma_wait3A_437 = tpu.memref_slice %arg7[%dma_wait3A_435, %dma_wait3A_436] : memref<8x128xi32, #tpu.memory_space<vmem>> -> memref<1x128xi32, #tpu.memory_space<vmem>>
      %dma_wait3A_438 = tpu.memref_squeeze %dma_wait3A_437 : memref<1x128xi32, #tpu.memory_space<vmem>> -> memref<128xi32, #tpu.memory_space<vmem>>
      %dma_wait3A_439 = arith.constant 0 : i32
      %dma_wait3A_440 = arith.constant 0 : i32
      %dma_wait3A_441 = tpu.memref_slice %arg2[%dma_wait3A_439, %dma_wait3A_440] : memref<10000x128xf32, #tpu.memory_space<hbm>> -> memref<10000x128xf32, #tpu.memory_space<hbm>>
      tpu.wait_indirect_dma semaphore(%arg13 : memref<!tpu.dma_semaphore, #tpu.memory_space<semaphore_mem>>) src(%dma_wait3A_441 : memref<10000x128xf32, #tpu.memory_space<hbm>>) dst(%arg10 : memref<128x128xf32, #tpu.memory_space<vmem>>)
      %mul3A_442 = arith.constant 8 : i32
      %mul3A_443 = arith.muli %scan3A_46, %mul3A_442 : i32
      %add3A_444 = arith.constant 6 : i32
      %add3A_445 = arith.addi %mul3A_443, %add3A_444 : i32
      %mul3A_446 = arith.constant 80 : i32
      %mul3A_447 = arith.muli %add3A, %mul3A_446 : i32
      %add3A_448 = arith.addi %mul3A_447, %add3A_445 : i32
      %mul3A_449 = arith.constant 128 : i32
      %mul3A_450 = arith.muli %add3A_448, %mul3A_449 : i32
      %dma_wait3A_451 = arith.constant 0 : i32
      %dma_wait3A_452 = tpu.memref_slice %arg3[%mul3A_450, %dma_wait3A_451] : memref<327680x128xf32, #tpu.memory_space<hbm>> -> memref<128x128xf32, #tpu.memory_space<hbm>>
      %dma_wait3A_453 = arith.constant 0 : i32
      %dma_wait3A_454 = tpu.memref_slice %arg3[%mul3A_450, %dma_wait3A_453] : memref<327680x128xf32, #tpu.memory_space<hbm>> -> memref<128x128xf32, #tpu.memory_space<hbm>>
      tpu.wait_dma2 semaphore(%arg12 : memref<!tpu.dma_semaphore, #tpu.memory_space<semaphore_mem>>) src(%dma_wait3A_454 : memref<128x128xf32, #tpu.memory_space<hbm>>) dst(%arg9 : memref<128x128xf32, #tpu.memory_space<vmem>>)
      %scan3A_455 = arith.constant 0 : i32
      %scan3A_456 = arith.constant 0 : i32
      %scan3A_457 = arith.constant 64 : i32
      %scan3A_458 = arith.addi %scan3A_456, %scan3A_457 : i32
      %scan3A_459 = arith.constant 1 : i32
      scf.for %scan3A_530 = %scan3A_456 to %scan3A_458 step %scan3A_459  : i32 {
        %mul3A_531 = arith.constant 2 : i32
        %mul3A_532 = arith.muli %mul3A_531, %scan3A_530 : i32
        %add3A_533 = arith.constant 0 : i32
        %add3A_534 = arith.addi %mul3A_532, %add3A_533 : i32
        %get3A = arith.index_cast %add3A_534 : i32 to index
        %get3A_535 = arith.constant 0 : index
        %get3A_536 = tpu.vector_load %arg10[%get3A, %get3A_535] {strides = array<i32>} : memref<128x128xf32, #tpu.memory_space<vmem>>, vector<1x16xf32>,
        %get3A_537 = vector.shape_cast %get3A_536 : vector<1x16xf32> to vector<16xf32>
        %mul3A_538 = arith.constant 2 : i32
        %mul3A_539 = arith.muli %mul3A_538, %scan3A_530 : i32
        %add3A_540 = arith.constant 0 : i32
        %add3A_541 = arith.addi %mul3A_539, %add3A_540 : i32
        %get3A_542 = arith.index_cast %add3A_541 : i32 to index
        %get3A_543 = arith.constant 0 : index
        %get3A_544 = tpu.vector_load %arg9[%get3A_542, %get3A_543] {strides = array<i32>} : memref<128x128xf32, #tpu.memory_space<vmem>>, vector<1x16xf32>,
        %get3A_545 = vector.shape_cast %get3A_544 : vector<1x16xf32> to vector<16xf32>
        %add3A_546 = arith.addf %get3A_537, %get3A_545 : vector<16xf32>
        %max3A = arith.constant 0.000000e+00 : f32
        %max3A_547 = vector.broadcast %max3A : f32 to vector<16xf32>
        %max3A_548 = arith.maximumf %add3A_546, %max3A_547 : vector<16xf32>
        %mul3A_549 = arith.constant 2 : i32
        %mul3A_550 = arith.muli %mul3A_549, %scan3A_530 : i32
        %add3A_551 = arith.constant 0 : i32
        %add3A_552 = arith.addi %mul3A_550, %add3A_551 : i32
        %swap3A = arith.index_cast %add3A_552 : i32 to index
        %swap3A_553 = arith.constant 0 : index
        %swap3A_554 = tpu.vector_load %arg9[%swap3A, %swap3A_553] {strides = array<i32>} : memref<128x128xf32, #tpu.memory_space<vmem>>, vector<1x16xf32>,
        %swap3A_555 = vector.shape_cast %swap3A_554 : vector<1x16xf32> to vector<16xf32>
        %swap3A_556 = vector.shape_cast %max3A_548 : vector<16xf32> to vector<1x16xf32>
        tpu.vector_store %arg9[%swap3A, %swap3A_553], %swap3A_556 {strides = array<i32>} : memref<128x128xf32, #tpu.memory_space<vmem>>, vector<1x16xf32>,
        %mul3A_557 = arith.constant 2 : i32
        %mul3A_558 = arith.muli %mul3A_557, %scan3A_530 : i32
        %add3A_559 = arith.constant 0 : i32
        %add3A_560 = arith.addi %mul3A_558, %add3A_559 : i32
        %get3A_561 = arith.index_cast %add3A_560 : i32 to index
        %get3A_562 = arith.constant 16 : index
        %get3A_563 = tpu.vector_load %arg10[%get3A_561, %get3A_562] {strides = array<i32>} : memref<128x128xf32, #tpu.memory_space<vmem>>, vector<1x16xf32>,
        %get3A_564 = vector.shape_cast %get3A_563 : vector<1x16xf32> to vector<16xf32>
        %mul3A_565 = arith.constant 2 : i32
        %mul3A_566 = arith.muli %mul3A_565, %scan3A_530 : i32
        %add3A_567 = arith.constant 0 : i32
        %add3A_568 = arith.addi %mul3A_566, %add3A_567 : i32
        %get3A_569 = arith.index_cast %add3A_568 : i32 to index
        %get3A_570 = arith.constant 16 : index
        %get3A_571 = tpu.vector_load %arg9[%get3A_569, %get3A_570] {strides = array<i32>} : memref<128x128xf32, #tpu.memory_space<vmem>>, vector<1x16xf32>,
        %get3A_572 = vector.shape_cast %get3A_571 : vector<1x16xf32> to vector<16xf32>
        %add3A_573 = arith.addf %get3A_564, %get3A_572 : vector<16xf32>
        %max3A_574 = arith.constant 0.000000e+00 : f32
        %max3A_575 = vector.broadcast %max3A_574 : f32 to vector<16xf32>
        %max3A_576 = arith.maximumf %add3A_573, %max3A_575 : vector<16xf32>
        %mul3A_577 = arith.constant 2 : i32
        %mul3A_578 = arith.muli %mul3A_577, %scan3A_530 : i32
        %add3A_579 = arith.constant 0 : i32
        %add3A_580 = arith.addi %mul3A_578, %add3A_579 : i32
        %swap3A_581 = arith.index_cast %add3A_580 : i32 to index
        %swap3A_582 = arith.constant 16 : index
        %swap3A_583 = tpu.vector_load %arg9[%swap3A_581, %swap3A_582] {strides = array<i32>} : memref<128x128xf32, #tpu.memory_space<vmem>>, vector<1x16xf32>,
        %swap3A_584 = vector.shape_cast %swap3A_583 : vector<1x16xf32> to vector<16xf32>
        %swap3A_585 = vector.shape_cast %max3A_576 : vector<16xf32> to vector<1x16xf32>
        tpu.vector_store %arg9[%swap3A_581, %swap3A_582], %swap3A_585 {strides = array<i32>} : memref<128x128xf32, #tpu.memory_space<vmem>>, vector<1x16xf32>,
        %mul3A_586 = arith.constant 2 : i32
        %mul3A_587 = arith.muli %mul3A_586, %scan3A_530 : i32
        %add3A_588 = arith.constant 0 : i32
        %add3A_589 = arith.addi %mul3A_587, %add3A_588 : i32
        %get3A_590 = arith.index_cast %add3A_589 : i32 to index
        %get3A_591 = arith.constant 32 : index
        %get3A_592 = tpu.vector_load %arg10[%get3A_590, %get3A_591] {strides = array<i32>} : memref<128x128xf32, #tpu.memory_space<vmem>>, vector<1x16xf32>,
        %get3A_593 = vector.shape_cast %get3A_592 : vector<1x16xf32> to vector<16xf32>
        %mul3A_594 = arith.constant 2 : i32
        %mul3A_595 = arith.muli %mul3A_594, %scan3A_530 : i32
        %add3A_596 = arith.constant 0 : i32
        %add3A_597 = arith.addi %mul3A_595, %add3A_596 : i32
        %get3A_598 = arith.index_cast %add3A_597 : i32 to index
        %get3A_599 = arith.constant 32 : index
        %get3A_600 = tpu.vector_load %arg9[%get3A_598, %get3A_599] {strides = array<i32>} : memref<128x128xf32, #tpu.memory_space<vmem>>, vector<1x16xf32>,
        %get3A_601 = vector.shape_cast %get3A_600 : vector<1x16xf32> to vector<16xf32>
        %add3A_602 = arith.addf %get3A_593, %get3A_601 : vector<16xf32>
        %max3A_603 = arith.constant 0.000000e+00 : f32
        %max3A_604 = vector.broadcast %max3A_603 : f32 to vector<16xf32>
        %max3A_605 = arith.maximumf %add3A_602, %max3A_604 : vector<16xf32>
        %mul3A_606 = arith.constant 2 : i32
        %mul3A_607 = arith.muli %mul3A_606, %scan3A_530 : i32
        %add3A_608 = arith.constant 0 : i32
        %add3A_609 = arith.addi %mul3A_607, %add3A_608 : i32
        %swap3A_610 = arith.index_cast %add3A_609 : i32 to index
        %swap3A_611 = arith.constant 32 : index
        %swap3A_612 = tpu.vector_load %arg9[%swap3A_610, %swap3A_611] {strides = array<i32>} : memref<128x128xf32, #tpu.memory_space<vmem>>, vector<1x16xf32>,
        %swap3A_613 = vector.shape_cast %swap3A_612 : vector<1x16xf32> to vector<16xf32>
        %swap3A_614 = vector.shape_cast %max3A_605 : vector<16xf32> to vector<1x16xf32>
        tpu.vector_store %arg9[%swap3A_610, %swap3A_611], %swap3A_614 {strides = array<i32>} : memref<128x128xf32, #tpu.memory_space<vmem>>, vector<1x16xf32>,
        %mul3A_615 = arith.constant 2 : i32
        %mul3A_616 = arith.muli %mul3A_615, %scan3A_530 : i32
        %add3A_617 = arith.constant 0 : i32
        %add3A_618 = arith.addi %mul3A_616, %add3A_617 : i32
        %get3A_619 = arith.index_cast %add3A_618 : i32 to index
        %get3A_620 = arith.constant 48 : index
        %get3A_621 = tpu.vector_load %arg10[%get3A_619, %get3A_620] {strides = array<i32>} : memref<128x128xf32, #tpu.memory_space<vmem>>, vector<1x16xf32>,
        %get3A_622 = vector.shape_cast %get3A_621 : vector<1x16xf32> to vector<16xf32>
        %mul3A_623 = arith.constant 2 : i32
        %mul3A_624 = arith.muli %mul3A_623, %scan3A_530 : i32
        %add3A_625 = arith.constant 0 : i32
        %add3A_626 = arith.addi %mul3A_624, %add3A_625 : i32
        %get3A_627 = arith.index_cast %add3A_626 : i32 to index
        %get3A_628 = arith.constant 48 : index
        %get3A_629 = tpu.vector_load %arg9[%get3A_627, %get3A_628] {strides = array<i32>} : memref<128x128xf32, #tpu.memory_space<vmem>>, vector<1x16xf32>,
        %get3A_630 = vector.shape_cast %get3A_629 : vector<1x16xf32> to vector<16xf32>
        %add3A_631 = arith.addf %get3A_622, %get3A_630 : vector<16xf32>
        %max3A_632 = arith.constant 0.000000e+00 : f32
        %max3A_633 = vector.broadcast %max3A_632 : f32 to vector<16xf32>
        %max3A_634 = arith.maximumf %add3A_631, %max3A_633 : vector<16xf32>
        %mul3A_635 = arith.constant 2 : i32
        %mul3A_636 = arith.muli %mul3A_635, %scan3A_530 : i32
        %add3A_637 = arith.constant 0 : i32
        %add3A_638 = arith.addi %mul3A_636, %add3A_637 : i32
        %swap3A_639 = arith.index_cast %add3A_638 : i32 to index
        %swap3A_640 = arith.constant 48 : index
        %swap3A_641 = tpu.vector_load %arg9[%swap3A_639, %swap3A_640] {strides = array<i32>} : memref<128x128xf32, #tpu.memory_space<vmem>>, vector<1x16xf32>,
        %swap3A_642 = vector.shape_cast %swap3A_641 : vector<1x16xf32> to vector<16xf32>
        %swap3A_643 = vector.shape_cast %max3A_634 : vector<16xf32> to vector<1x16xf32>
        tpu.vector_store %arg9[%swap3A_639, %swap3A_640], %swap3A_643 {strides = array<i32>} : memref<128x128xf32, #tpu.memory_space<vmem>>, vector<1x16xf32>,
        %mul3A_644 = arith.constant 2 : i32
        %mul3A_645 = arith.muli %mul3A_644, %scan3A_530 : i32
        %add3A_646 = arith.constant 0 : i32
        %add3A_647 = arith.addi %mul3A_645, %add3A_646 : i32
        %get3A_648 = arith.index_cast %add3A_647 : i32 to index
        %get3A_649 = arith.constant 64 : index
        %get3A_650 = tpu.vector_load %arg10[%get3A_648, %get3A_649] {strides = array<i32>} : memref<128x128xf32, #tpu.memory_space<vmem>>, vector<1x16xf32>,
        %get3A_651 = vector.shape_cast %get3A_650 : vector<1x16xf32> to vector<16xf32>
        %mul3A_652 = arith.constant 2 : i32
        %mul3A_653 = arith.muli %mul3A_652, %scan3A_530 : i32
        %add3A_654 = arith.constant 0 : i32
        %add3A_655 = arith.addi %mul3A_653, %add3A_654 : i32
        %get3A_656 = arith.index_cast %add3A_655 : i32 to index
        %get3A_657 = arith.constant 64 : index
        %get3A_658 = tpu.vector_load %arg9[%get3A_656, %get3A_657] {strides = array<i32>} : memref<128x128xf32, #tpu.memory_space<vmem>>, vector<1x16xf32>,
        %get3A_659 = vector.shape_cast %get3A_658 : vector<1x16xf32> to vector<16xf32>
        %add3A_660 = arith.addf %get3A_651, %get3A_659 : vector<16xf32>
        %max3A_661 = arith.constant 0.000000e+00 : f32
        %max3A_662 = vector.broadcast %max3A_661 : f32 to vector<16xf32>
        %max3A_663 = arith.maximumf %add3A_660, %max3A_662 : vector<16xf32>
        %mul3A_664 = arith.constant 2 : i32
        %mul3A_665 = arith.muli %mul3A_664, %scan3A_530 : i32
        %add3A_666 = arith.constant 0 : i32
        %add3A_667 = arith.addi %mul3A_665, %add3A_666 : i32
        %swap3A_668 = arith.index_cast %add3A_667 : i32 to index
        %swap3A_669 = arith.constant 64 : index
        %swap3A_670 = tpu.vector_load %arg9[%swap3A_668, %swap3A_669] {strides = array<i32>} : memref<128x128xf32, #tpu.memory_space<vmem>>, vector<1x16xf32>,
        %swap3A_671 = vector.shape_cast %swap3A_670 : vector<1x16xf32> to vector<16xf32>
        %swap3A_672 = vector.shape_cast %max3A_663 : vector<16xf32> to vector<1x16xf32>
        tpu.vector_store %arg9[%swap3A_668, %swap3A_669], %swap3A_672 {strides = array<i32>} : memref<128x128xf32, #tpu.memory_space<vmem>>, vector<1x16xf32>,
        %mul3A_673 = arith.constant 2 : i32
        %mul3A_674 = arith.muli %mul3A_673, %scan3A_530 : i32
        %add3A_675 = arith.constant 0 : i32
        %add3A_676 = arith.addi %mul3A_674, %add3A_675 : i32
        %get3A_677 = arith.index_cast %add3A_676 : i32 to index
        %get3A_678 = arith.constant 80 : index
        %get3A_679 = tpu.vector_load %arg10[%get3A_677, %get3A_678] {strides = array<i32>} : memref<128x128xf32, #tpu.memory_space<vmem>>, vector<1x16xf32>,
        %get3A_680 = vector.shape_cast %get3A_679 : vector<1x16xf32> to vector<16xf32>
        %mul3A_681 = arith.constant 2 : i32
        %mul3A_682 = arith.muli %mul3A_681, %scan3A_530 : i32
        %add3A_683 = arith.constant 0 : i32
        %add3A_684 = arith.addi %mul3A_682, %add3A_683 : i32
        %get3A_685 = arith.index_cast %add3A_684 : i32 to index
        %get3A_686 = arith.constant 80 : index
        %get3A_687 = tpu.vector_load %arg9[%get3A_685, %get3A_686] {strides = array<i32>} : memref<128x128xf32, #tpu.memory_space<vmem>>, vector<1x16xf32>,
        %get3A_688 = vector.shape_cast %get3A_687 : vector<1x16xf32> to vector<16xf32>
        %add3A_689 = arith.addf %get3A_680, %get3A_688 : vector<16xf32>
        %max3A_690 = arith.constant 0.000000e+00 : f32
        %max3A_691 = vector.broadcast %max3A_690 : f32 to vector<16xf32>
        %max3A_692 = arith.maximumf %add3A_689, %max3A_691 : vector<16xf32>
        %mul3A_693 = arith.constant 2 : i32
        %mul3A_694 = arith.muli %mul3A_693, %scan3A_530 : i32
        %add3A_695 = arith.constant 0 : i32
        %add3A_696 = arith.addi %mul3A_694, %add3A_695 : i32
        %swap3A_697 = arith.index_cast %add3A_696 : i32 to index
        %swap3A_698 = arith.constant 80 : index
        %swap3A_699 = tpu.vector_load %arg9[%swap3A_697, %swap3A_698] {strides = array<i32>} : memref<128x128xf32, #tpu.memory_space<vmem>>, vector<1x16xf32>,
        %swap3A_700 = vector.shape_cast %swap3A_699 : vector<1x16xf32> to vector<16xf32>
        %swap3A_701 = vector.shape_cast %max3A_692 : vector<16xf32> to vector<1x16xf32>
        tpu.vector_store %arg9[%swap3A_697, %swap3A_698], %swap3A_701 {strides = array<i32>} : memref<128x128xf32, #tpu.memory_space<vmem>>, vector<1x16xf32>,
        %mul3A_702 = arith.constant 2 : i32
        %mul3A_703 = arith.muli %mul3A_702, %scan3A_530 : i32
        %add3A_704 = arith.constant 0 : i32
        %add3A_705 = arith.addi %mul3A_703, %add3A_704 : i32
        %get3A_706 = arith.index_cast %add3A_705 : i32 to index
        %get3A_707 = arith.constant 96 : index
        %get3A_708 = tpu.vector_load %arg10[%get3A_706, %get3A_707] {strides = array<i32>} : memref<128x128xf32, #tpu.memory_space<vmem>>, vector<1x16xf32>,
        %get3A_709 = vector.shape_cast %get3A_708 : vector<1x16xf32> to vector<16xf32>
        %mul3A_710 = arith.constant 2 : i32
        %mul3A_711 = arith.muli %mul3A_710, %scan3A_530 : i32
        %add3A_712 = arith.constant 0 : i32
        %add3A_713 = arith.addi %mul3A_711, %add3A_712 : i32
        %get3A_714 = arith.index_cast %add3A_713 : i32 to index
        %get3A_715 = arith.constant 96 : index
        %get3A_716 = tpu.vector_load %arg9[%get3A_714, %get3A_715] {strides = array<i32>} : memref<128x128xf32, #tpu.memory_space<vmem>>, vector<1x16xf32>,
        %get3A_717 = vector.shape_cast %get3A_716 : vector<1x16xf32> to vector<16xf32>
        %add3A_718 = arith.addf %get3A_709, %get3A_717 : vector<16xf32>
        %max3A_719 = arith.constant 0.000000e+00 : f32
        %max3A_720 = vector.broadcast %max3A_719 : f32 to vector<16xf32>
        %max3A_721 = arith.maximumf %add3A_718, %max3A_720 : vector<16xf32>
        %mul3A_722 = arith.constant 2 : i32
        %mul3A_723 = arith.muli %mul3A_722, %scan3A_530 : i32
        %add3A_724 = arith.constant 0 : i32
        %add3A_725 = arith.addi %mul3A_723, %add3A_724 : i32
        %swap3A_726 = arith.index_cast %add3A_725 : i32 to index
        %swap3A_727 = arith.constant 96 : index
        %swap3A_728 = tpu.vector_load %arg9[%swap3A_726, %swap3A_727] {strides = array<i32>} : memref<128x128xf32, #tpu.memory_space<vmem>>, vector<1x16xf32>,
        %swap3A_729 = vector.shape_cast %swap3A_728 : vector<1x16xf32> to vector<16xf32>
        %swap3A_730 = vector.shape_cast %max3A_721 : vector<16xf32> to vector<1x16xf32>
        tpu.vector_store %arg9[%swap3A_726, %swap3A_727], %swap3A_730 {strides = array<i32>} : memref<128x128xf32, #tpu.memory_space<vmem>>, vector<1x16xf32>,
        %mul3A_731 = arith.constant 2 : i32
        %mul3A_732 = arith.muli %mul3A_731, %scan3A_530 : i32
        %add3A_733 = arith.constant 0 : i32
        %add3A_734 = arith.addi %mul3A_732, %add3A_733 : i32
        %get3A_735 = arith.index_cast %add3A_734 : i32 to index
        %get3A_736 = arith.constant 112 : index
        %get3A_737 = tpu.vector_load %arg10[%get3A_735, %get3A_736] {strides = array<i32>} : memref<128x128xf32, #tpu.memory_space<vmem>>, vector<1x16xf32>,
        %get3A_738 = vector.shape_cast %get3A_737 : vector<1x16xf32> to vector<16xf32>
        %mul3A_739 = arith.constant 2 : i32
        %mul3A_740 = arith.muli %mul3A_739, %scan3A_530 : i32
        %add3A_741 = arith.constant 0 : i32
        %add3A_742 = arith.addi %mul3A_740, %add3A_741 : i32
        %get3A_743 = arith.index_cast %add3A_742 : i32 to index
        %get3A_744 = arith.constant 112 : index
        %get3A_745 = tpu.vector_load %arg9[%get3A_743, %get3A_744] {strides = array<i32>} : memref<128x128xf32, #tpu.memory_space<vmem>>, vector<1x16xf32>,
        %get3A_746 = vector.shape_cast %get3A_745 : vector<1x16xf32> to vector<16xf32>
        %add3A_747 = arith.addf %get3A_738, %get3A_746 : vector<16xf32>
        %max3A_748 = arith.constant 0.000000e+00 : f32
        %max3A_749 = vector.broadcast %max3A_748 : f32 to vector<16xf32>
        %max3A_750 = arith.maximumf %add3A_747, %max3A_749 : vector<16xf32>
        %mul3A_751 = arith.constant 2 : i32
        %mul3A_752 = arith.muli %mul3A_751, %scan3A_530 : i32
        %add3A_753 = arith.constant 0 : i32
        %add3A_754 = arith.addi %mul3A_752, %add3A_753 : i32
        %swap3A_755 = arith.index_cast %add3A_754 : i32 to index
        %swap3A_756 = arith.constant 112 : index
        %swap3A_757 = tpu.vector_load %arg9[%swap3A_755, %swap3A_756] {strides = array<i32>} : memref<128x128xf32, #tpu.memory_space<vmem>>, vector<1x16xf32>,
        %swap3A_758 = vector.shape_cast %swap3A_757 : vector<1x16xf32> to vector<16xf32>
        %swap3A_759 = vector.shape_cast %max3A_750 : vector<16xf32> to vector<1x16xf32>
        tpu.vector_store %arg9[%swap3A_755, %swap3A_756], %swap3A_759 {strides = array<i32>} : memref<128x128xf32, #tpu.memory_space<vmem>>, vector<1x16xf32>,
        %mul3A_760 = arith.constant 2 : i32
        %mul3A_761 = arith.muli %mul3A_760, %scan3A_530 : i32
        %add3A_762 = arith.constant 1 : i32
        %add3A_763 = arith.addi %mul3A_761, %add3A_762 : i32
        %get3A_764 = arith.index_cast %add3A_763 : i32 to index
        %get3A_765 = arith.constant 0 : index
        %get3A_766 = tpu.vector_load %arg10[%get3A_764, %get3A_765] {strides = array<i32>} : memref<128x128xf32, #tpu.memory_space<vmem>>, vector<1x16xf32>,
        %get3A_767 = vector.shape_cast %get3A_766 : vector<1x16xf32> to vector<16xf32>
        %mul3A_768 = arith.constant 2 : i32
        %mul3A_769 = arith.muli %mul3A_768, %scan3A_530 : i32
        %add3A_770 = arith.constant 1 : i32
        %add3A_771 = arith.addi %mul3A_769, %add3A_770 : i32
        %get3A_772 = arith.index_cast %add3A_771 : i32 to index
        %get3A_773 = arith.constant 0 : index
        %get3A_774 = tpu.vector_load %arg9[%get3A_772, %get3A_773] {strides = array<i32>} : memref<128x128xf32, #tpu.memory_space<vmem>>, vector<1x16xf32>,
        %get3A_775 = vector.shape_cast %get3A_774 : vector<1x16xf32> to vector<16xf32>
        %add3A_776 = arith.addf %get3A_767, %get3A_775 : vector<16xf32>
        %max3A_777 = arith.constant 0.000000e+00 : f32
        %max3A_778 = vector.broadcast %max3A_777 : f32 to vector<16xf32>
        %max3A_779 = arith.maximumf %add3A_776, %max3A_778 : vector<16xf32>
        %mul3A_780 = arith.constant 2 : i32
        %mul3A_781 = arith.muli %mul3A_780, %scan3A_530 : i32
        %add3A_782 = arith.constant 1 : i32
        %add3A_783 = arith.addi %mul3A_781, %add3A_782 : i32
        %swap3A_784 = arith.index_cast %add3A_783 : i32 to index
        %swap3A_785 = arith.constant 0 : index
        %swap3A_786 = tpu.vector_load %arg9[%swap3A_784, %swap3A_785] {strides = array<i32>} : memref<128x128xf32, #tpu.memory_space<vmem>>, vector<1x16xf32>,
        %swap3A_787 = vector.shape_cast %swap3A_786 : vector<1x16xf32> to vector<16xf32>
        %swap3A_788 = vector.shape_cast %max3A_779 : vector<16xf32> to vector<1x16xf32>
        tpu.vector_store %arg9[%swap3A_784, %swap3A_785], %swap3A_788 {strides = array<i32>} : memref<128x128xf32, #tpu.memory_space<vmem>>, vector<1x16xf32>,
        %mul3A_789 = arith.constant 2 : i32
        %mul3A_790 = arith.muli %mul3A_789, %scan3A_530 : i32
        %add3A_791 = arith.constant 1 : i32
        %add3A_792 = arith.addi %mul3A_790, %add3A_791 : i32
        %get3A_793 = arith.index_cast %add3A_792 : i32 to index
        %get3A_794 = arith.constant 16 : index
        %get3A_795 = tpu.vector_load %arg10[%get3A_793, %get3A_794] {strides = array<i32>} : memref<128x128xf32, #tpu.memory_space<vmem>>, vector<1x16xf32>,
        %get3A_796 = vector.shape_cast %get3A_795 : vector<1x16xf32> to vector<16xf32>
        %mul3A_797 = arith.constant 2 : i32
        %mul3A_798 = arith.muli %mul3A_797, %scan3A_530 : i32
        %add3A_799 = arith.constant 1 : i32
        %add3A_800 = arith.addi %mul3A_798, %add3A_799 : i32
        %get3A_801 = arith.index_cast %add3A_800 : i32 to index
        %get3A_802 = arith.constant 16 : index
        %get3A_803 = tpu.vector_load %arg9[%get3A_801, %get3A_802] {strides = array<i32>} : memref<128x128xf32, #tpu.memory_space<vmem>>, vector<1x16xf32>,
        %get3A_804 = vector.shape_cast %get3A_803 : vector<1x16xf32> to vector<16xf32>
        %add3A_805 = arith.addf %get3A_796, %get3A_804 : vector<16xf32>
        %max3A_806 = arith.constant 0.000000e+00 : f32
        %max3A_807 = vector.broadcast %max3A_806 : f32 to vector<16xf32>
        %max3A_808 = arith.maximumf %add3A_805, %max3A_807 : vector<16xf32>
        %mul3A_809 = arith.constant 2 : i32
        %mul3A_810 = arith.muli %mul3A_809, %scan3A_530 : i32
        %add3A_811 = arith.constant 1 : i32
        %add3A_812 = arith.addi %mul3A_810, %add3A_811 : i32
        %swap3A_813 = arith.index_cast %add3A_812 : i32 to index
        %swap3A_814 = arith.constant 16 : index
        %swap3A_815 = tpu.vector_load %arg9[%swap3A_813, %swap3A_814] {strides = array<i32>} : memref<128x128xf32, #tpu.memory_space<vmem>>, vector<1x16xf32>,
        %swap3A_816 = vector.shape_cast %swap3A_815 : vector<1x16xf32> to vector<16xf32>
        %swap3A_817 = vector.shape_cast %max3A_808 : vector<16xf32> to vector<1x16xf32>
        tpu.vector_store %arg9[%swap3A_813, %swap3A_814], %swap3A_817 {strides = array<i32>} : memref<128x128xf32, #tpu.memory_space<vmem>>, vector<1x16xf32>,
        %mul3A_818 = arith.constant 2 : i32
        %mul3A_819 = arith.muli %mul3A_818, %scan3A_530 : i32
        %add3A_820 = arith.constant 1 : i32
        %add3A_821 = arith.addi %mul3A_819, %add3A_820 : i32
        %get3A_822 = arith.index_cast %add3A_821 : i32 to index
        %get3A_823 = arith.constant 32 : index
        %get3A_824 = tpu.vector_load %arg10[%get3A_822, %get3A_823] {strides = array<i32>} : memref<128x128xf32, #tpu.memory_space<vmem>>, vector<1x16xf32>,
        %get3A_825 = vector.shape_cast %get3A_824 : vector<1x16xf32> to vector<16xf32>
        %mul3A_826 = arith.constant 2 : i32
        %mul3A_827 = arith.muli %mul3A_826, %scan3A_530 : i32
        %add3A_828 = arith.constant 1 : i32
        %add3A_829 = arith.addi %mul3A_827, %add3A_828 : i32
        %get3A_830 = arith.index_cast %add3A_829 : i32 to index
        %get3A_831 = arith.constant 32 : index
        %get3A_832 = tpu.vector_load %arg9[%get3A_830, %get3A_831] {strides = array<i32>} : memref<128x128xf32, #tpu.memory_space<vmem>>, vector<1x16xf32>,
        %get3A_833 = vector.shape_cast %get3A_832 : vector<1x16xf32> to vector<16xf32>
        %add3A_834 = arith.addf %get3A_825, %get3A_833 : vector<16xf32>
        %max3A_835 = arith.constant 0.000000e+00 : f32
        %max3A_836 = vector.broadcast %max3A_835 : f32 to vector<16xf32>
        %max3A_837 = arith.maximumf %add3A_834, %max3A_836 : vector<16xf32>
        %mul3A_838 = arith.constant 2 : i32
        %mul3A_839 = arith.muli %mul3A_838, %scan3A_530 : i32
        %add3A_840 = arith.constant 1 : i32
        %add3A_841 = arith.addi %mul3A_839, %add3A_840 : i32
        %swap3A_842 = arith.index_cast %add3A_841 : i32 to index
        %swap3A_843 = arith.constant 32 : index
        %swap3A_844 = tpu.vector_load %arg9[%swap3A_842, %swap3A_843] {strides = array<i32>} : memref<128x128xf32, #tpu.memory_space<vmem>>, vector<1x16xf32>,
        %swap3A_845 = vector.shape_cast %swap3A_844 : vector<1x16xf32> to vector<16xf32>
        %swap3A_846 = vector.shape_cast %max3A_837 : vector<16xf32> to vector<1x16xf32>
        tpu.vector_store %arg9[%swap3A_842, %swap3A_843], %swap3A_846 {strides = array<i32>} : memref<128x128xf32, #tpu.memory_space<vmem>>, vector<1x16xf32>,
        %mul3A_847 = arith.constant 2 : i32
        %mul3A_848 = arith.muli %mul3A_847, %scan3A_530 : i32
        %add3A_849 = arith.constant 1 : i32
        %add3A_850 = arith.addi %mul3A_848, %add3A_849 : i32
        %get3A_851 = arith.index_cast %add3A_850 : i32 to index
        %get3A_852 = arith.constant 48 : index
        %get3A_853 = tpu.vector_load %arg10[%get3A_851, %get3A_852] {strides = array<i32>} : memref<128x128xf32, #tpu.memory_space<vmem>>, vector<1x16xf32>,
        %get3A_854 = vector.shape_cast %get3A_853 : vector<1x16xf32> to vector<16xf32>
        %mul3A_855 = arith.constant 2 : i32
        %mul3A_856 = arith.muli %mul3A_855, %scan3A_530 : i32
        %add3A_857 = arith.constant 1 : i32
        %add3A_858 = arith.addi %mul3A_856, %add3A_857 : i32
        %get3A_859 = arith.index_cast %add3A_858 : i32 to index
        %get3A_860 = arith.constant 48 : index
        %get3A_861 = tpu.vector_load %arg9[%get3A_859, %get3A_860] {strides = array<i32>} : memref<128x128xf32, #tpu.memory_space<vmem>>, vector<1x16xf32>,
        %get3A_862 = vector.shape_cast %get3A_861 : vector<1x16xf32> to vector<16xf32>
        %add3A_863 = arith.addf %get3A_854, %get3A_862 : vector<16xf32>
        %max3A_864 = arith.constant 0.000000e+00 : f32
        %max3A_865 = vector.broadcast %max3A_864 : f32 to vector<16xf32>
        %max3A_866 = arith.maximumf %add3A_863, %max3A_865 : vector<16xf32>
        %mul3A_867 = arith.constant 2 : i32
        %mul3A_868 = arith.muli %mul3A_867, %scan3A_530 : i32
        %add3A_869 = arith.constant 1 : i32
        %add3A_870 = arith.addi %mul3A_868, %add3A_869 : i32
        %swap3A_871 = arith.index_cast %add3A_870 : i32 to index
        %swap3A_872 = arith.constant 48 : index
        %swap3A_873 = tpu.vector_load %arg9[%swap3A_871, %swap3A_872] {strides = array<i32>} : memref<128x128xf32, #tpu.memory_space<vmem>>, vector<1x16xf32>,
        %swap3A_874 = vector.shape_cast %swap3A_873 : vector<1x16xf32> to vector<16xf32>
        %swap3A_875 = vector.shape_cast %max3A_866 : vector<16xf32> to vector<1x16xf32>
        tpu.vector_store %arg9[%swap3A_871, %swap3A_872], %swap3A_875 {strides = array<i32>} : memref<128x128xf32, #tpu.memory_space<vmem>>, vector<1x16xf32>,
        %mul3A_876 = arith.constant 2 : i32
        %mul3A_877 = arith.muli %mul3A_876, %scan3A_530 : i32
        %add3A_878 = arith.constant 1 : i32
        %add3A_879 = arith.addi %mul3A_877, %add3A_878 : i32
        %get3A_880 = arith.index_cast %add3A_879 : i32 to index
        %get3A_881 = arith.constant 64 : index
        %get3A_882 = tpu.vector_load %arg10[%get3A_880, %get3A_881] {strides = array<i32>} : memref<128x128xf32, #tpu.memory_space<vmem>>, vector<1x16xf32>,
        %get3A_883 = vector.shape_cast %get3A_882 : vector<1x16xf32> to vector<16xf32>
        %mul3A_884 = arith.constant 2 : i32
        %mul3A_885 = arith.muli %mul3A_884, %scan3A_530 : i32
        %add3A_886 = arith.constant 1 : i32
        %add3A_887 = arith.addi %mul3A_885, %add3A_886 : i32
        %get3A_888 = arith.index_cast %add3A_887 : i32 to index
        %get3A_889 = arith.constant 64 : index
        %get3A_890 = tpu.vector_load %arg9[%get3A_888, %get3A_889] {strides = array<i32>} : memref<128x128xf32, #tpu.memory_space<vmem>>, vector<1x16xf32>,
        %get3A_891 = vector.shape_cast %get3A_890 : vector<1x16xf32> to vector<16xf32>
        %add3A_892 = arith.addf %get3A_883, %get3A_891 : vector<16xf32>
        %max3A_893 = arith.constant 0.000000e+00 : f32
        %max3A_894 = vector.broadcast %max3A_893 : f32 to vector<16xf32>
        %max3A_895 = arith.maximumf %add3A_892, %max3A_894 : vector<16xf32>
        %mul3A_896 = arith.constant 2 : i32
        %mul3A_897 = arith.muli %mul3A_896, %scan3A_530 : i32
        %add3A_898 = arith.constant 1 : i32
        %add3A_899 = arith.addi %mul3A_897, %add3A_898 : i32
        %swap3A_900 = arith.index_cast %add3A_899 : i32 to index
        %swap3A_901 = arith.constant 64 : index
        %swap3A_902 = tpu.vector_load %arg9[%swap3A_900, %swap3A_901] {strides = array<i32>} : memref<128x128xf32, #tpu.memory_space<vmem>>, vector<1x16xf32>,
        %swap3A_903 = vector.shape_cast %swap3A_902 : vector<1x16xf32> to vector<16xf32>
        %swap3A_904 = vector.shape_cast %max3A_895 : vector<16xf32> to vector<1x16xf32>
        tpu.vector_store %arg9[%swap3A_900, %swap3A_901], %swap3A_904 {strides = array<i32>} : memref<128x128xf32, #tpu.memory_space<vmem>>, vector<1x16xf32>,
        %mul3A_905 = arith.constant 2 : i32
        %mul3A_906 = arith.muli %mul3A_905, %scan3A_530 : i32
        %add3A_907 = arith.constant 1 : i32
        %add3A_908 = arith.addi %mul3A_906, %add3A_907 : i32
        %get3A_909 = arith.index_cast %add3A_908 : i32 to index
        %get3A_910 = arith.constant 80 : index
        %get3A_911 = tpu.vector_load %arg10[%get3A_909, %get3A_910] {strides = array<i32>} : memref<128x128xf32, #tpu.memory_space<vmem>>, vector<1x16xf32>,
        %get3A_912 = vector.shape_cast %get3A_911 : vector<1x16xf32> to vector<16xf32>
        %mul3A_913 = arith.constant 2 : i32
        %mul3A_914 = arith.muli %mul3A_913, %scan3A_530 : i32
        %add3A_915 = arith.constant 1 : i32
        %add3A_916 = arith.addi %mul3A_914, %add3A_915 : i32
        %get3A_917 = arith.index_cast %add3A_916 : i32 to index
        %get3A_918 = arith.constant 80 : index
        %get3A_919 = tpu.vector_load %arg9[%get3A_917, %get3A_918] {strides = array<i32>} : memref<128x128xf32, #tpu.memory_space<vmem>>, vector<1x16xf32>,
        %get3A_920 = vector.shape_cast %get3A_919 : vector<1x16xf32> to vector<16xf32>
        %add3A_921 = arith.addf %get3A_912, %get3A_920 : vector<16xf32>
        %max3A_922 = arith.constant 0.000000e+00 : f32
        %max3A_923 = vector.broadcast %max3A_922 : f32 to vector<16xf32>
        %max3A_924 = arith.maximumf %add3A_921, %max3A_923 : vector<16xf32>
        %mul3A_925 = arith.constant 2 : i32
        %mul3A_926 = arith.muli %mul3A_925, %scan3A_530 : i32
        %add3A_927 = arith.constant 1 : i32
        %add3A_928 = arith.addi %mul3A_926, %add3A_927 : i32
        %swap3A_929 = arith.index_cast %add3A_928 : i32 to index
        %swap3A_930 = arith.constant 80 : index
        %swap3A_931 = tpu.vector_load %arg9[%swap3A_929, %swap3A_930] {strides = array<i32>} : memref<128x128xf32, #tpu.memory_space<vmem>>, vector<1x16xf32>,
        %swap3A_932 = vector.shape_cast %swap3A_931 : vector<1x16xf32> to vector<16xf32>
        %swap3A_933 = vector.shape_cast %max3A_924 : vector<16xf32> to vector<1x16xf32>
        tpu.vector_store %arg9[%swap3A_929, %swap3A_930], %swap3A_933 {strides = array<i32>} : memref<128x128xf32, #tpu.memory_space<vmem>>, vector<1x16xf32>,
        %mul3A_934 = arith.constant 2 : i32
        %mul3A_935 = arith.muli %mul3A_934, %scan3A_530 : i32
        %add3A_936 = arith.constant 1 : i32
        %add3A_937 = arith.addi %mul3A_935, %add3A_936 : i32
        %get3A_938 = arith.index_cast %add3A_937 : i32 to index
        %get3A_939 = arith.constant 96 : index
        %get3A_940 = tpu.vector_load %arg10[%get3A_938, %get3A_939] {strides = array<i32>} : memref<128x128xf32, #tpu.memory_space<vmem>>, vector<1x16xf32>,
        %get3A_941 = vector.shape_cast %get3A_940 : vector<1x16xf32> to vector<16xf32>
        %mul3A_942 = arith.constant 2 : i32
        %mul3A_943 = arith.muli %mul3A_942, %scan3A_530 : i32
        %add3A_944 = arith.constant 1 : i32
        %add3A_945 = arith.addi %mul3A_943, %add3A_944 : i32
        %get3A_946 = arith.index_cast %add3A_945 : i32 to index
        %get3A_947 = arith.constant 96 : index
        %get3A_948 = tpu.vector_load %arg9[%get3A_946, %get3A_947] {strides = array<i32>} : memref<128x128xf32, #tpu.memory_space<vmem>>, vector<1x16xf32>,
        %get3A_949 = vector.shape_cast %get3A_948 : vector<1x16xf32> to vector<16xf32>
        %add3A_950 = arith.addf %get3A_941, %get3A_949 : vector<16xf32>
        %max3A_951 = arith.constant 0.000000e+00 : f32
        %max3A_952 = vector.broadcast %max3A_951 : f32 to vector<16xf32>
        %max3A_953 = arith.maximumf %add3A_950, %max3A_952 : vector<16xf32>
        %mul3A_954 = arith.constant 2 : i32
        %mul3A_955 = arith.muli %mul3A_954, %scan3A_530 : i32
        %add3A_956 = arith.constant 1 : i32
        %add3A_957 = arith.addi %mul3A_955, %add3A_956 : i32
        %swap3A_958 = arith.index_cast %add3A_957 : i32 to index
        %swap3A_959 = arith.constant 96 : index
        %swap3A_960 = tpu.vector_load %arg9[%swap3A_958, %swap3A_959] {strides = array<i32>} : memref<128x128xf32, #tpu.memory_space<vmem>>, vector<1x16xf32>,
        %swap3A_961 = vector.shape_cast %swap3A_960 : vector<1x16xf32> to vector<16xf32>
        %swap3A_962 = vector.shape_cast %max3A_953 : vector<16xf32> to vector<1x16xf32>
        tpu.vector_store %arg9[%swap3A_958, %swap3A_959], %swap3A_962 {strides = array<i32>} : memref<128x128xf32, #tpu.memory_space<vmem>>, vector<1x16xf32>,
        %mul3A_963 = arith.constant 2 : i32
        %mul3A_964 = arith.muli %mul3A_963, %scan3A_530 : i32
        %add3A_965 = arith.constant 1 : i32
        %add3A_966 = arith.addi %mul3A_964, %add3A_965 : i32
        %get3A_967 = arith.index_cast %add3A_966 : i32 to index
        %get3A_968 = arith.constant 112 : index
        %get3A_969 = tpu.vector_load %arg10[%get3A_967, %get3A_968] {strides = array<i32>} : memref<128x128xf32, #tpu.memory_space<vmem>>, vector<1x16xf32>,
        %get3A_970 = vector.shape_cast %get3A_969 : vector<1x16xf32> to vector<16xf32>
        %mul3A_971 = arith.constant 2 : i32
        %mul3A_972 = arith.muli %mul3A_971, %scan3A_530 : i32
        %add3A_973 = arith.constant 1 : i32
        %add3A_974 = arith.addi %mul3A_972, %add3A_973 : i32
        %get3A_975 = arith.index_cast %add3A_974 : i32 to index
        %get3A_976 = arith.constant 112 : index
        %get3A_977 = tpu.vector_load %arg9[%get3A_975, %get3A_976] {strides = array<i32>} : memref<128x128xf32, #tpu.memory_space<vmem>>, vector<1x16xf32>,
        %get3A_978 = vector.shape_cast %get3A_977 : vector<1x16xf32> to vector<16xf32>
        %add3A_979 = arith.addf %get3A_970, %get3A_978 : vector<16xf32>
        %max3A_980 = arith.constant 0.000000e+00 : f32
        %max3A_981 = vector.broadcast %max3A_980 : f32 to vector<16xf32>
        %max3A_982 = arith.maximumf %add3A_979, %max3A_981 : vector<16xf32>
        %mul3A_983 = arith.constant 2 : i32
        %mul3A_984 = arith.muli %mul3A_983, %scan3A_530 : i32
        %add3A_985 = arith.constant 1 : i32
        %add3A_986 = arith.addi %mul3A_984, %add3A_985 : i32
        %swap3A_987 = arith.index_cast %add3A_986 : i32 to index
        %swap3A_988 = arith.constant 112 : index
        %swap3A_989 = tpu.vector_load %arg9[%swap3A_987, %swap3A_988] {strides = array<i32>} : memref<128x128xf32, #tpu.memory_space<vmem>>, vector<1x16xf32>,
        %swap3A_990 = vector.shape_cast %swap3A_989 : vector<1x16xf32> to vector<16xf32>
        %swap3A_991 = vector.shape_cast %max3A_982 : vector<16xf32> to vector<1x16xf32>
        tpu.vector_store %arg9[%swap3A_987, %swap3A_988], %swap3A_991 {strides = array<i32>} : memref<128x128xf32, #tpu.memory_space<vmem>>, vector<1x16xf32>,
      }
      %scan3A_460 = arith.constant 64 : i32
      %dma_start3A_461 = arith.constant 6 : i32
      %dma_start3A_462 = arith.constant 0 : i32
      %dma_start3A_463 = tpu.memref_slice %arg8[%dma_start3A_461, %dma_start3A_462] : memref<8x128xi32, #tpu.memory_space<vmem>> -> memref<1x128xi32, #tpu.memory_space<vmem>>
      %dma_start3A_464 = tpu.memref_squeeze %dma_start3A_463 : memref<1x128xi32, #tpu.memory_space<vmem>> -> memref<128xi32, #tpu.memory_space<vmem>>
      %dma_start3A_465 = arith.constant 0 : i32
      %dma_start3A_466 = arith.constant 0 : i32
      %dma_start3A_467 = tpu.memref_slice %arg11[%dma_start3A_465, %dma_start3A_466] : memref<10000x128xf32, #tpu.memory_space<vmem_shared>> -> memref<10000x128xf32, #tpu.memory_space<vmem_shared>>
      tpu.enqueue_indirect_dma source(%arg9 : memref<128x128xf32, #tpu.memory_space<vmem>>) target(%dma_start3A_467 : memref<10000x128xf32, #tpu.memory_space<vmem_shared>>) offsets(%dma_start3A_464 : memref<128xi32, #tpu.memory_space<vmem>>) semaphore(%arg14 : memref<!tpu.dma_semaphore, #tpu.memory_space<semaphore_mem>>) {add = true}
      %dma_start3A_468 = arith.constant 7 : i32
      %dma_start3A_469 = arith.constant 0 : i32
      %dma_start3A_470 = tpu.memref_slice %arg7[%dma_start3A_468, %dma_start3A_469] : memref<8x128xi32, #tpu.memory_space<vmem>> -> memref<1x128xi32, #tpu.memory_space<vmem>>
      %dma_start3A_471 = tpu.memref_squeeze %dma_start3A_470 : memref<1x128xi32, #tpu.memory_space<vmem>> -> memref<128xi32, #tpu.memory_space<vmem>>
      %dma_start3A_472 = arith.constant 0 : i32
      %dma_start3A_473 = arith.constant 0 : i32
      %dma_start3A_474 = tpu.memref_slice %arg2[%dma_start3A_472, %dma_start3A_473] : memref<10000x128xf32, #tpu.memory_space<hbm>> -> memref<10000x128xf32, #tpu.memory_space<hbm>>
      tpu.enqueue_indirect_dma source(%dma_start3A_474 : memref<10000x128xf32, #tpu.memory_space<hbm>>) target(%arg10 : memref<128x128xf32, #tpu.memory_space<vmem>>) offsets(%dma_start3A_471 : memref<128xi32, #tpu.memory_space<vmem>>) semaphore(%arg13 : memref<!tpu.dma_semaphore, #tpu.memory_space<semaphore_mem>>)
      %dma_wait3A_475 = arith.constant 6 : i32
      %dma_wait3A_476 = arith.constant 0 : i32
      %dma_wait3A_477 = tpu.memref_slice %arg8[%dma_wait3A_475, %dma_wait3A_476] : memref<8x128xi32, #tpu.memory_space<vmem>> -> memref<1x128xi32, #tpu.memory_space<vmem>>
      %dma_wait3A_478 = tpu.memref_squeeze %dma_wait3A_477 : memref<1x128xi32, #tpu.memory_space<vmem>> -> memref<128xi32, #tpu.memory_space<vmem>>
      %dma_wait3A_479 = arith.constant 0 : i32
      %dma_wait3A_480 = arith.constant 0 : i32
      %dma_wait3A_481 = tpu.memref_slice %arg11[%dma_wait3A_479, %dma_wait3A_480] : memref<10000x128xf32, #tpu.memory_space<vmem_shared>> -> memref<10000x128xf32, #tpu.memory_space<vmem_shared>>
      tpu.wait_indirect_dma semaphore(%arg14 : memref<!tpu.dma_semaphore, #tpu.memory_space<semaphore_mem>>) src(%arg9 : memref<128x128xf32, #tpu.memory_space<vmem>>) dst(%dma_wait3A_481 : memref<10000x128xf32, #tpu.memory_space<vmem_shared>>)
      %mul3A_482 = arith.constant 8 : i32
      %mul3A_483 = arith.muli %scan3A_46, %mul3A_482 : i32
      %add3A_484 = arith.constant 6 : i32
      %add3A_485 = arith.addi %mul3A_483, %add3A_484 : i32
      %add3A_486 = arith.constant 1 : i32
      %add3A_487 = arith.addi %add3A_485, %add3A_486 : i32
      %mul3A_488 = arith.constant 80 : i32
      %mul3A_489 = arith.muli %add3A, %mul3A_488 : i32
      %add3A_490 = arith.addi %mul3A_489, %add3A_487 : i32
      %mul3A_491 = arith.constant 128 : i32
      %mul3A_492 = arith.muli %add3A_490, %mul3A_491 : i32
      %dma_start3A_493 = arith.constant 0 : i32
      %dma_start3A_494 = tpu.memref_slice %arg3[%mul3A_492, %dma_start3A_493] : memref<327680x128xf32, #tpu.memory_space<hbm>> -> memref<128x128xf32, #tpu.memory_space<hbm>>
      %dma_start3A_495 = arith.constant 0 : i32
      %dma_start3A_496 = tpu.memref_slice %arg3[%mul3A_492, %dma_start3A_495] : memref<327680x128xf32, #tpu.memory_space<hbm>> -> memref<128x128xf32, #tpu.memory_space<hbm>>
      tpu.enqueue_dma source(%dma_start3A_496 : memref<128x128xf32, #tpu.memory_space<hbm>>) target(%arg9 : memref<128x128xf32, #tpu.memory_space<vmem>>) target_semaphore(%arg12 : memref<!tpu.dma_semaphore, #tpu.memory_space<semaphore_mem>>)
      %dma_wait3A_497 = arith.constant 7 : i32
      %dma_wait3A_498 = arith.constant 0 : i32
      %dma_wait3A_499 = tpu.memref_slice %arg7[%dma_wait3A_497, %dma_wait3A_498] : memref<8x128xi32, #tpu.memory_space<vmem>> -> memref<1x128xi32, #tpu.memory_space<vmem>>
      %dma_wait3A_500 = tpu.memref_squeeze %dma_wait3A_499 : memref<1x128xi32, #tpu.memory_space<vmem>> -> memref<128xi32, #tpu.memory_space<vmem>>
      %dma_wait3A_501 = arith.constant 0 : i32
      %dma_wait3A_502 = arith.constant 0 : i32
      %dma_wait3A_503 = tpu.memref_slice %arg2[%dma_wait3A_501, %dma_wait3A_502] : memref<10000x128xf32, #tpu.memory_space<hbm>> -> memref<10000x128xf32, #tpu.memory_space<hbm>>
      tpu.wait_indirect_dma semaphore(%arg13 : memref<!tpu.dma_semaphore, #tpu.memory_space<semaphore_mem>>) src(%dma_wait3A_503 : memref<10000x128xf32, #tpu.memory_space<hbm>>) dst(%arg10 : memref<128x128xf32, #tpu.memory_space<vmem>>)
      %mul3A_504 = arith.constant 8 : i32
      %mul3A_505 = arith.muli %scan3A_46, %mul3A_504 : i32
      %add3A_506 = arith.constant 7 : i32
      %add3A_507 = arith.addi %mul3A_505, %add3A_506 : i32
      %mul3A_508 = arith.constant 80 : i32
      %mul3A_509 = arith.muli %add3A, %mul3A_508 : i32
      %add3A_510 = arith.addi %mul3A_509, %add3A_507 : i32
      %mul3A_511 = arith.constant 128 : i32
      %mul3A_512 = arith.muli %add3A_510, %mul3A_511 : i32
      %dma_wait3A_513 = arith.constant 0 : i32
      %dma_wait3A_514 = tpu.memref_slice %arg3[%mul3A_512, %dma_wait3A_513] : memref<327680x128xf32, #tpu.memory_space<hbm>> -> memref<128x128xf32, #tpu.memory_space<hbm>>
      %dma_wait3A_515 = arith.constant 0 : i32
      %dma_wait3A_516 = tpu.memref_slice %arg3[%mul3A_512, %dma_wait3A_515] : memref<327680x128xf32, #tpu.memory_space<hbm>> -> memref<128x128xf32, #tpu.memory_space<hbm>>
      tpu.wait_dma2 semaphore(%arg12 : memref<!tpu.dma_semaphore, #tpu.memory_space<semaphore_mem>>) src(%dma_wait3A_516 : memref<128x128xf32, #tpu.memory_space<hbm>>) dst(%arg9 : memref<128x128xf32, #tpu.memory_space<vmem>>)
      %scan3A_517 = arith.constant 0 : i32
      %scan3A_518 = arith.constant 0 : i32
      %scan3A_519 = arith.constant 64 : i32
      %scan3A_520 = arith.addi %scan3A_518, %scan3A_519 : i32
      %scan3A_521 = arith.constant 1 : i32
      scf.for %scan3A_530 = %scan3A_518 to %scan3A_520 step %scan3A_521  : i32 {
        %mul3A_531 = arith.constant 2 : i32
        %mul3A_532 = arith.muli %mul3A_531, %scan3A_530 : i32
        %add3A_533 = arith.constant 0 : i32
        %add3A_534 = arith.addi %mul3A_532, %add3A_533 : i32
        %get3A = arith.index_cast %add3A_534 : i32 to index
        %get3A_535 = arith.constant 0 : index
        %get3A_536 = tpu.vector_load %arg10[%get3A, %get3A_535] {strides = array<i32>} : memref<128x128xf32, #tpu.memory_space<vmem>>, vector<1x16xf32>,
        %get3A_537 = vector.shape_cast %get3A_536 : vector<1x16xf32> to vector<16xf32>
        %mul3A_538 = arith.constant 2 : i32
        %mul3A_539 = arith.muli %mul3A_538, %scan3A_530 : i32
        %add3A_540 = arith.constant 0 : i32
        %add3A_541 = arith.addi %mul3A_539, %add3A_540 : i32
        %get3A_542 = arith.index_cast %add3A_541 : i32 to index
        %get3A_543 = arith.constant 0 : index
        %get3A_544 = tpu.vector_load %arg9[%get3A_542, %get3A_543] {strides = array<i32>} : memref<128x128xf32, #tpu.memory_space<vmem>>, vector<1x16xf32>,
        %get3A_545 = vector.shape_cast %get3A_544 : vector<1x16xf32> to vector<16xf32>
        %add3A_546 = arith.addf %get3A_537, %get3A_545 : vector<16xf32>
        %max3A = arith.constant 0.000000e+00 : f32
        %max3A_547 = vector.broadcast %max3A : f32 to vector<16xf32>
        %max3A_548 = arith.maximumf %add3A_546, %max3A_547 : vector<16xf32>
        %mul3A_549 = arith.constant 2 : i32
        %mul3A_550 = arith.muli %mul3A_549, %scan3A_530 : i32
        %add3A_551 = arith.constant 0 : i32
        %add3A_552 = arith.addi %mul3A_550, %add3A_551 : i32
        %swap3A = arith.index_cast %add3A_552 : i32 to index
        %swap3A_553 = arith.constant 0 : index
        %swap3A_554 = tpu.vector_load %arg9[%swap3A, %swap3A_553] {strides = array<i32>} : memref<128x128xf32, #tpu.memory_space<vmem>>, vector<1x16xf32>,
        %swap3A_555 = vector.shape_cast %swap3A_554 : vector<1x16xf32> to vector<16xf32>
        %swap3A_556 = vector.shape_cast %max3A_548 : vector<16xf32> to vector<1x16xf32>
        tpu.vector_store %arg9[%swap3A, %swap3A_553], %swap3A_556 {strides = array<i32>} : memref<128x128xf32, #tpu.memory_space<vmem>>, vector<1x16xf32>,
        %mul3A_557 = arith.constant 2 : i32
        %mul3A_558 = arith.muli %mul3A_557, %scan3A_530 : i32
        %add3A_559 = arith.constant 0 : i32
        %add3A_560 = arith.addi %mul3A_558, %add3A_559 : i32
        %get3A_561 = arith.index_cast %add3A_560 : i32 to index
        %get3A_562 = arith.constant 16 : index
        %get3A_563 = tpu.vector_load %arg10[%get3A_561, %get3A_562] {strides = array<i32>} : memref<128x128xf32, #tpu.memory_space<vmem>>, vector<1x16xf32>,
        %get3A_564 = vector.shape_cast %get3A_563 : vector<1x16xf32> to vector<16xf32>
        %mul3A_565 = arith.constant 2 : i32
        %mul3A_566 = arith.muli %mul3A_565, %scan3A_530 : i32
        %add3A_567 = arith.constant 0 : i32
        %add3A_568 = arith.addi %mul3A_566, %add3A_567 : i32
        %get3A_569 = arith.index_cast %add3A_568 : i32 to index
        %get3A_570 = arith.constant 16 : index
        %get3A_571 = tpu.vector_load %arg9[%get3A_569, %get3A_570] {strides = array<i32>} : memref<128x128xf32, #tpu.memory_space<vmem>>, vector<1x16xf32>,
        %get3A_572 = vector.shape_cast %get3A_571 : vector<1x16xf32> to vector<16xf32>
        %add3A_573 = arith.addf %get3A_564, %get3A_572 : vector<16xf32>
        %max3A_574 = arith.constant 0.000000e+00 : f32
        %max3A_575 = vector.broadcast %max3A_574 : f32 to vector<16xf32>
        %max3A_576 = arith.maximumf %add3A_573, %max3A_575 : vector<16xf32>
        %mul3A_577 = arith.constant 2 : i32
        %mul3A_578 = arith.muli %mul3A_577, %scan3A_530 : i32
        %add3A_579 = arith.constant 0 : i32
        %add3A_580 = arith.addi %mul3A_578, %add3A_579 : i32
        %swap3A_581 = arith.index_cast %add3A_580 : i32 to index
        %swap3A_582 = arith.constant 16 : index
        %swap3A_583 = tpu.vector_load %arg9[%swap3A_581, %swap3A_582] {strides = array<i32>} : memref<128x128xf32, #tpu.memory_space<vmem>>, vector<1x16xf32>,
        %swap3A_584 = vector.shape_cast %swap3A_583 : vector<1x16xf32> to vector<16xf32>
        %swap3A_585 = vector.shape_cast %max3A_576 : vector<16xf32> to vector<1x16xf32>
        tpu.vector_store %arg9[%swap3A_581, %swap3A_582], %swap3A_585 {strides = array<i32>} : memref<128x128xf32, #tpu.memory_space<vmem>>, vector<1x16xf32>,
        %mul3A_586 = arith.constant 2 : i32
        %mul3A_587 = arith.muli %mul3A_586, %scan3A_530 : i32
        %add3A_588 = arith.constant 0 : i32
        %add3A_589 = arith.addi %mul3A_587, %add3A_588 : i32
        %get3A_590 = arith.index_cast %add3A_589 : i32 to index
        %get3A_591 = arith.constant 32 : index
        %get3A_592 = tpu.vector_load %arg10[%get3A_590, %get3A_591] {strides = array<i32>} : memref<128x128xf32, #tpu.memory_space<vmem>>, vector<1x16xf32>,
        %get3A_593 = vector.shape_cast %get3A_592 : vector<1x16xf32> to vector<16xf32>
        %mul3A_594 = arith.constant 2 : i32
        %mul3A_595 = arith.muli %mul3A_594, %scan3A_530 : i32
        %add3A_596 = arith.constant 0 : i32
        %add3A_597 = arith.addi %mul3A_595, %add3A_596 : i32
        %get3A_598 = arith.index_cast %add3A_597 : i32 to index
        %get3A_599 = arith.constant 32 : index
        %get3A_600 = tpu.vector_load %arg9[%get3A_598, %get3A_599] {strides = array<i32>} : memref<128x128xf32, #tpu.memory_space<vmem>>, vector<1x16xf32>,
        %get3A_601 = vector.shape_cast %get3A_600 : vector<1x16xf32> to vector<16xf32>
        %add3A_602 = arith.addf %get3A_593, %get3A_601 : vector<16xf32>
        %max3A_603 = arith.constant 0.000000e+00 : f32
        %max3A_604 = vector.broadcast %max3A_603 : f32 to vector<16xf32>
        %max3A_605 = arith.maximumf %add3A_602, %max3A_604 : vector<16xf32>
        %mul3A_606 = arith.constant 2 : i32
        %mul3A_607 = arith.muli %mul3A_606, %scan3A_530 : i32
        %add3A_608 = arith.constant 0 : i32
        %add3A_609 = arith.addi %mul3A_607, %add3A_608 : i32
        %swap3A_610 = arith.index_cast %add3A_609 : i32 to index
        %swap3A_611 = arith.constant 32 : index
        %swap3A_612 = tpu.vector_load %arg9[%swap3A_610, %swap3A_611] {strides = array<i32>} : memref<128x128xf32, #tpu.memory_space<vmem>>, vector<1x16xf32>,
        %swap3A_613 = vector.shape_cast %swap3A_612 : vector<1x16xf32> to vector<16xf32>
        %swap3A_614 = vector.shape_cast %max3A_605 : vector<16xf32> to vector<1x16xf32>
        tpu.vector_store %arg9[%swap3A_610, %swap3A_611], %swap3A_614 {strides = array<i32>} : memref<128x128xf32, #tpu.memory_space<vmem>>, vector<1x16xf32>,
        %mul3A_615 = arith.constant 2 : i32
        %mul3A_616 = arith.muli %mul3A_615, %scan3A_530 : i32
        %add3A_617 = arith.constant 0 : i32
        %add3A_618 = arith.addi %mul3A_616, %add3A_617 : i32
        %get3A_619 = arith.index_cast %add3A_618 : i32 to index
        %get3A_620 = arith.constant 48 : index
        %get3A_621 = tpu.vector_load %arg10[%get3A_619, %get3A_620] {strides = array<i32>} : memref<128x128xf32, #tpu.memory_space<vmem>>, vector<1x16xf32>,
        %get3A_622 = vector.shape_cast %get3A_621 : vector<1x16xf32> to vector<16xf32>
        %mul3A_623 = arith.constant 2 : i32
        %mul3A_624 = arith.muli %mul3A_623, %scan3A_530 : i32
        %add3A_625 = arith.constant 0 : i32
        %add3A_626 = arith.addi %mul3A_624, %add3A_625 : i32
        %get3A_627 = arith.index_cast %add3A_626 : i32 to index
        %get3A_628 = arith.constant 48 : index
        %get3A_629 = tpu.vector_load %arg9[%get3A_627, %get3A_628] {strides = array<i32>} : memref<128x128xf32, #tpu.memory_space<vmem>>, vector<1x16xf32>,
        %get3A_630 = vector.shape_cast %get3A_629 : vector<1x16xf32> to vector<16xf32>
        %add3A_631 = arith.addf %get3A_622, %get3A_630 : vector<16xf32>
        %max3A_632 = arith.constant 0.000000e+00 : f32
        %max3A_633 = vector.broadcast %max3A_632 : f32 to vector<16xf32>
        %max3A_634 = arith.maximumf %add3A_631, %max3A_633 : vector<16xf32>
        %mul3A_635 = arith.constant 2 : i32
        %mul3A_636 = arith.muli %mul3A_635, %scan3A_530 : i32
        %add3A_637 = arith.constant 0 : i32
        %add3A_638 = arith.addi %mul3A_636, %add3A_637 : i32
        %swap3A_639 = arith.index_cast %add3A_638 : i32 to index
        %swap3A_640 = arith.constant 48 : index
        %swap3A_641 = tpu.vector_load %arg9[%swap3A_639, %swap3A_640] {strides = array<i32>} : memref<128x128xf32, #tpu.memory_space<vmem>>, vector<1x16xf32>,
        %swap3A_642 = vector.shape_cast %swap3A_641 : vector<1x16xf32> to vector<16xf32>
        %swap3A_643 = vector.shape_cast %max3A_634 : vector<16xf32> to vector<1x16xf32>
        tpu.vector_store %arg9[%swap3A_639, %swap3A_640], %swap3A_643 {strides = array<i32>} : memref<128x128xf32, #tpu.memory_space<vmem>>, vector<1x16xf32>,
        %mul3A_644 = arith.constant 2 : i32
        %mul3A_645 = arith.muli %mul3A_644, %scan3A_530 : i32
        %add3A_646 = arith.constant 0 : i32
        %add3A_647 = arith.addi %mul3A_645, %add3A_646 : i32
        %get3A_648 = arith.index_cast %add3A_647 : i32 to index
        %get3A_649 = arith.constant 64 : index
        %get3A_650 = tpu.vector_load %arg10[%get3A_648, %get3A_649] {strides = array<i32>} : memref<128x128xf32, #tpu.memory_space<vmem>>, vector<1x16xf32>,
        %get3A_651 = vector.shape_cast %get3A_650 : vector<1x16xf32> to vector<16xf32>
        %mul3A_652 = arith.constant 2 : i32
        %mul3A_653 = arith.muli %mul3A_652, %scan3A_530 : i32
        %add3A_654 = arith.constant 0 : i32
        %add3A_655 = arith.addi %mul3A_653, %add3A_654 : i32
        %get3A_656 = arith.index_cast %add3A_655 : i32 to index
        %get3A_657 = arith.constant 64 : index
        %get3A_658 = tpu.vector_load %arg9[%get3A_656, %get3A_657] {strides = array<i32>} : memref<128x128xf32, #tpu.memory_space<vmem>>, vector<1x16xf32>,
        %get3A_659 = vector.shape_cast %get3A_658 : vector<1x16xf32> to vector<16xf32>
        %add3A_660 = arith.addf %get3A_651, %get3A_659 : vector<16xf32>
        %max3A_661 = arith.constant 0.000000e+00 : f32
        %max3A_662 = vector.broadcast %max3A_661 : f32 to vector<16xf32>
        %max3A_663 = arith.maximumf %add3A_660, %max3A_662 : vector<16xf32>
        %mul3A_664 = arith.constant 2 : i32
        %mul3A_665 = arith.muli %mul3A_664, %scan3A_530 : i32
        %add3A_666 = arith.constant 0 : i32
        %add3A_667 = arith.addi %mul3A_665, %add3A_666 : i32
        %swap3A_668 = arith.index_cast %add3A_667 : i32 to index
        %swap3A_669 = arith.constant 64 : index
        %swap3A_670 = tpu.vector_load %arg9[%swap3A_668, %swap3A_669] {strides = array<i32>} : memref<128x128xf32, #tpu.memory_space<vmem>>, vector<1x16xf32>,
        %swap3A_671 = vector.shape_cast %swap3A_670 : vector<1x16xf32> to vector<16xf32>
        %swap3A_672 = vector.shape_cast %max3A_663 : vector<16xf32> to vector<1x16xf32>
        tpu.vector_store %arg9[%swap3A_668, %swap3A_669], %swap3A_672 {strides = array<i32>} : memref<128x128xf32, #tpu.memory_space<vmem>>, vector<1x16xf32>,
        %mul3A_673 = arith.constant 2 : i32
        %mul3A_674 = arith.muli %mul3A_673, %scan3A_530 : i32
        %add3A_675 = arith.constant 0 : i32
        %add3A_676 = arith.addi %mul3A_674, %add3A_675 : i32
        %get3A_677 = arith.index_cast %add3A_676 : i32 to index
        %get3A_678 = arith.constant 80 : index
        %get3A_679 = tpu.vector_load %arg10[%get3A_677, %get3A_678] {strides = array<i32>} : memref<128x128xf32, #tpu.memory_space<vmem>>, vector<1x16xf32>,
        %get3A_680 = vector.shape_cast %get3A_679 : vector<1x16xf32> to vector<16xf32>
        %mul3A_681 = arith.constant 2 : i32
        %mul3A_682 = arith.muli %mul3A_681, %scan3A_530 : i32
        %add3A_683 = arith.constant 0 : i32
        %add3A_684 = arith.addi %mul3A_682, %add3A_683 : i32
        %get3A_685 = arith.index_cast %add3A_684 : i32 to index
        %get3A_686 = arith.constant 80 : index
        %get3A_687 = tpu.vector_load %arg9[%get3A_685, %get3A_686] {strides = array<i32>} : memref<128x128xf32, #tpu.memory_space<vmem>>, vector<1x16xf32>,
        %get3A_688 = vector.shape_cast %get3A_687 : vector<1x16xf32> to vector<16xf32>
        %add3A_689 = arith.addf %get3A_680, %get3A_688 : vector<16xf32>
        %max3A_690 = arith.constant 0.000000e+00 : f32
        %max3A_691 = vector.broadcast %max3A_690 : f32 to vector<16xf32>
        %max3A_692 = arith.maximumf %add3A_689, %max3A_691 : vector<16xf32>
        %mul3A_693 = arith.constant 2 : i32
        %mul3A_694 = arith.muli %mul3A_693, %scan3A_530 : i32
        %add3A_695 = arith.constant 0 : i32
        %add3A_696 = arith.addi %mul3A_694, %add3A_695 : i32
        %swap3A_697 = arith.index_cast %add3A_696 : i32 to index
        %swap3A_698 = arith.constant 80 : index
        %swap3A_699 = tpu.vector_load %arg9[%swap3A_697, %swap3A_698] {strides = array<i32>} : memref<128x128xf32, #tpu.memory_space<vmem>>, vector<1x16xf32>,
        %swap3A_700 = vector.shape_cast %swap3A_699 : vector<1x16xf32> to vector<16xf32>
        %swap3A_701 = vector.shape_cast %max3A_692 : vector<16xf32> to vector<1x16xf32>
        tpu.vector_store %arg9[%swap3A_697, %swap3A_698], %swap3A_701 {strides = array<i32>} : memref<128x128xf32, #tpu.memory_space<vmem>>, vector<1x16xf32>,
        %mul3A_702 = arith.constant 2 : i32
        %mul3A_703 = arith.muli %mul3A_702, %scan3A_530 : i32
        %add3A_704 = arith.constant 0 : i32
        %add3A_705 = arith.addi %mul3A_703, %add3A_704 : i32
        %get3A_706 = arith.index_cast %add3A_705 : i32 to index
        %get3A_707 = arith.constant 96 : index
        %get3A_708 = tpu.vector_load %arg10[%get3A_706, %get3A_707] {strides = array<i32>} : memref<128x128xf32, #tpu.memory_space<vmem>>, vector<1x16xf32>,
        %get3A_709 = vector.shape_cast %get3A_708 : vector<1x16xf32> to vector<16xf32>
        %mul3A_710 = arith.constant 2 : i32
        %mul3A_711 = arith.muli %mul3A_710, %scan3A_530 : i32
        %add3A_712 = arith.constant 0 : i32
        %add3A_713 = arith.addi %mul3A_711, %add3A_712 : i32
        %get3A_714 = arith.index_cast %add3A_713 : i32 to index
        %get3A_715 = arith.constant 96 : index
        %get3A_716 = tpu.vector_load %arg9[%get3A_714, %get3A_715] {strides = array<i32>} : memref<128x128xf32, #tpu.memory_space<vmem>>, vector<1x16xf32>,
        %get3A_717 = vector.shape_cast %get3A_716 : vector<1x16xf32> to vector<16xf32>
        %add3A_718 = arith.addf %get3A_709, %get3A_717 : vector<16xf32>
        %max3A_719 = arith.constant 0.000000e+00 : f32
        %max3A_720 = vector.broadcast %max3A_719 : f32 to vector<16xf32>
        %max3A_721 = arith.maximumf %add3A_718, %max3A_720 : vector<16xf32>
        %mul3A_722 = arith.constant 2 : i32
        %mul3A_723 = arith.muli %mul3A_722, %scan3A_530 : i32
        %add3A_724 = arith.constant 0 : i32
        %add3A_725 = arith.addi %mul3A_723, %add3A_724 : i32
        %swap3A_726 = arith.index_cast %add3A_725 : i32 to index
        %swap3A_727 = arith.constant 96 : index
        %swap3A_728 = tpu.vector_load %arg9[%swap3A_726, %swap3A_727] {strides = array<i32>} : memref<128x128xf32, #tpu.memory_space<vmem>>, vector<1x16xf32>,
        %swap3A_729 = vector.shape_cast %swap3A_728 : vector<1x16xf32> to vector<16xf32>
        %swap3A_730 = vector.shape_cast %max3A_721 : vector<16xf32> to vector<1x16xf32>
        tpu.vector_store %arg9[%swap3A_726, %swap3A_727], %swap3A_730 {strides = array<i32>} : memref<128x128xf32, #tpu.memory_space<vmem>>, vector<1x16xf32>,
        %mul3A_731 = arith.constant 2 : i32
        %mul3A_732 = arith.muli %mul3A_731, %scan3A_530 : i32
        %add3A_733 = arith.constant 0 : i32
        %add3A_734 = arith.addi %mul3A_732, %add3A_733 : i32
        %get3A_735 = arith.index_cast %add3A_734 : i32 to index
        %get3A_736 = arith.constant 112 : index
        %get3A_737 = tpu.vector_load %arg10[%get3A_735, %get3A_736] {strides = array<i32>} : memref<128x128xf32, #tpu.memory_space<vmem>>, vector<1x16xf32>,
        %get3A_738 = vector.shape_cast %get3A_737 : vector<1x16xf32> to vector<16xf32>
        %mul3A_739 = arith.constant 2 : i32
        %mul3A_740 = arith.muli %mul3A_739, %scan3A_530 : i32
        %add3A_741 = arith.constant 0 : i32
        %add3A_742 = arith.addi %mul3A_740, %add3A_741 : i32
        %get3A_743 = arith.index_cast %add3A_742 : i32 to index
        %get3A_744 = arith.constant 112 : index
        %get3A_745 = tpu.vector_load %arg9[%get3A_743, %get3A_744] {strides = array<i32>} : memref<128x128xf32, #tpu.memory_space<vmem>>, vector<1x16xf32>,
        %get3A_746 = vector.shape_cast %get3A_745 : vector<1x16xf32> to vector<16xf32>
        %add3A_747 = arith.addf %get3A_738, %get3A_746 : vector<16xf32>
        %max3A_748 = arith.constant 0.000000e+00 : f32
        %max3A_749 = vector.broadcast %max3A_748 : f32 to vector<16xf32>
        %max3A_750 = arith.maximumf %add3A_747, %max3A_749 : vector<16xf32>
        %mul3A_751 = arith.constant 2 : i32
        %mul3A_752 = arith.muli %mul3A_751, %scan3A_530 : i32
        %add3A_753 = arith.constant 0 : i32
        %add3A_754 = arith.addi %mul3A_752, %add3A_753 : i32
        %swap3A_755 = arith.index_cast %add3A_754 : i32 to index
        %swap3A_756 = arith.constant 112 : index
        %swap3A_757 = tpu.vector_load %arg9[%swap3A_755, %swap3A_756] {strides = array<i32>} : memref<128x128xf32, #tpu.memory_space<vmem>>, vector<1x16xf32>,
        %swap3A_758 = vector.shape_cast %swap3A_757 : vector<1x16xf32> to vector<16xf32>
        %swap3A_759 = vector.shape_cast %max3A_750 : vector<16xf32> to vector<1x16xf32>
        tpu.vector_store %arg9[%swap3A_755, %swap3A_756], %swap3A_759 {strides = array<i32>} : memref<128x128xf32, #tpu.memory_space<vmem>>, vector<1x16xf32>,
        %mul3A_760 = arith.constant 2 : i32
        %mul3A_761 = arith.muli %mul3A_760, %scan3A_530 : i32
        %add3A_762 = arith.constant 1 : i32
        %add3A_763 = arith.addi %mul3A_761, %add3A_762 : i32
        %get3A_764 = arith.index_cast %add3A_763 : i32 to index
        %get3A_765 = arith.constant 0 : index
        %get3A_766 = tpu.vector_load %arg10[%get3A_764, %get3A_765] {strides = array<i32>} : memref<128x128xf32, #tpu.memory_space<vmem>>, vector<1x16xf32>,
        %get3A_767 = vector.shape_cast %get3A_766 : vector<1x16xf32> to vector<16xf32>
        %mul3A_768 = arith.constant 2 : i32
        %mul3A_769 = arith.muli %mul3A_768, %scan3A_530 : i32
        %add3A_770 = arith.constant 1 : i32
        %add3A_771 = arith.addi %mul3A_769, %add3A_770 : i32
        %get3A_772 = arith.index_cast %add3A_771 : i32 to index
        %get3A_773 = arith.constant 0 : index
        %get3A_774 = tpu.vector_load %arg9[%get3A_772, %get3A_773] {strides = array<i32>} : memref<128x128xf32, #tpu.memory_space<vmem>>, vector<1x16xf32>,
        %get3A_775 = vector.shape_cast %get3A_774 : vector<1x16xf32> to vector<16xf32>
        %add3A_776 = arith.addf %get3A_767, %get3A_775 : vector<16xf32>
        %max3A_777 = arith.constant 0.000000e+00 : f32
        %max3A_778 = vector.broadcast %max3A_777 : f32 to vector<16xf32>
        %max3A_779 = arith.maximumf %add3A_776, %max3A_778 : vector<16xf32>
        %mul3A_780 = arith.constant 2 : i32
        %mul3A_781 = arith.muli %mul3A_780, %scan3A_530 : i32
        %add3A_782 = arith.constant 1 : i32
        %add3A_783 = arith.addi %mul3A_781, %add3A_782 : i32
        %swap3A_784 = arith.index_cast %add3A_783 : i32 to index
        %swap3A_785 = arith.constant 0 : index
        %swap3A_786 = tpu.vector_load %arg9[%swap3A_784, %swap3A_785] {strides = array<i32>} : memref<128x128xf32, #tpu.memory_space<vmem>>, vector<1x16xf32>,
        %swap3A_787 = vector.shape_cast %swap3A_786 : vector<1x16xf32> to vector<16xf32>
        %swap3A_788 = vector.shape_cast %max3A_779 : vector<16xf32> to vector<1x16xf32>
        tpu.vector_store %arg9[%swap3A_784, %swap3A_785], %swap3A_788 {strides = array<i32>} : memref<128x128xf32, #tpu.memory_space<vmem>>, vector<1x16xf32>,
        %mul3A_789 = arith.constant 2 : i32
        %mul3A_790 = arith.muli %mul3A_789, %scan3A_530 : i32
        %add3A_791 = arith.constant 1 : i32
        %add3A_792 = arith.addi %mul3A_790, %add3A_791 : i32
        %get3A_793 = arith.index_cast %add3A_792 : i32 to index
        %get3A_794 = arith.constant 16 : index
        %get3A_795 = tpu.vector_load %arg10[%get3A_793, %get3A_794] {strides = array<i32>} : memref<128x128xf32, #tpu.memory_space<vmem>>, vector<1x16xf32>,
        %get3A_796 = vector.shape_cast %get3A_795 : vector<1x16xf32> to vector<16xf32>
        %mul3A_797 = arith.constant 2 : i32
        %mul3A_798 = arith.muli %mul3A_797, %scan3A_530 : i32
        %add3A_799 = arith.constant 1 : i32
        %add3A_800 = arith.addi %mul3A_798, %add3A_799 : i32
        %get3A_801 = arith.index_cast %add3A_800 : i32 to index
        %get3A_802 = arith.constant 16 : index
        %get3A_803 = tpu.vector_load %arg9[%get3A_801, %get3A_802] {strides = array<i32>} : memref<128x128xf32, #tpu.memory_space<vmem>>, vector<1x16xf32>,
        %get3A_804 = vector.shape_cast %get3A_803 : vector<1x16xf32> to vector<16xf32>
        %add3A_805 = arith.addf %get3A_796, %get3A_804 : vector<16xf32>
        %max3A_806 = arith.constant 0.000000e+00 : f32
        %max3A_807 = vector.broadcast %max3A_806 : f32 to vector<16xf32>
        %max3A_808 = arith.maximumf %add3A_805, %max3A_807 : vector<16xf32>
        %mul3A_809 = arith.constant 2 : i32
        %mul3A_810 = arith.muli %mul3A_809, %scan3A_530 : i32
        %add3A_811 = arith.constant 1 : i32
        %add3A_812 = arith.addi %mul3A_810, %add3A_811 : i32
        %swap3A_813 = arith.index_cast %add3A_812 : i32 to index
        %swap3A_814 = arith.constant 16 : index
        %swap3A_815 = tpu.vector_load %arg9[%swap3A_813, %swap3A_814] {strides = array<i32>} : memref<128x128xf32, #tpu.memory_space<vmem>>, vector<1x16xf32>,
        %swap3A_816 = vector.shape_cast %swap3A_815 : vector<1x16xf32> to vector<16xf32>
        %swap3A_817 = vector.shape_cast %max3A_808 : vector<16xf32> to vector<1x16xf32>
        tpu.vector_store %arg9[%swap3A_813, %swap3A_814], %swap3A_817 {strides = array<i32>} : memref<128x128xf32, #tpu.memory_space<vmem>>, vector<1x16xf32>,
        %mul3A_818 = arith.constant 2 : i32
        %mul3A_819 = arith.muli %mul3A_818, %scan3A_530 : i32
        %add3A_820 = arith.constant 1 : i32
        %add3A_821 = arith.addi %mul3A_819, %add3A_820 : i32
        %get3A_822 = arith.index_cast %add3A_821 : i32 to index
        %get3A_823 = arith.constant 32 : index
        %get3A_824 = tpu.vector_load %arg10[%get3A_822, %get3A_823] {strides = array<i32>} : memref<128x128xf32, #tpu.memory_space<vmem>>, vector<1x16xf32>,
        %get3A_825 = vector.shape_cast %get3A_824 : vector<1x16xf32> to vector<16xf32>
        %mul3A_826 = arith.constant 2 : i32
        %mul3A_827 = arith.muli %mul3A_826, %scan3A_530 : i32
        %add3A_828 = arith.constant 1 : i32
        %add3A_829 = arith.addi %mul3A_827, %add3A_828 : i32
        %get3A_830 = arith.index_cast %add3A_829 : i32 to index
        %get3A_831 = arith.constant 32 : index
        %get3A_832 = tpu.vector_load %arg9[%get3A_830, %get3A_831] {strides = array<i32>} : memref<128x128xf32, #tpu.memory_space<vmem>>, vector<1x16xf32>,
        %get3A_833 = vector.shape_cast %get3A_832 : vector<1x16xf32> to vector<16xf32>
        %add3A_834 = arith.addf %get3A_825, %get3A_833 : vector<16xf32>
        %max3A_835 = arith.constant 0.000000e+00 : f32
        %max3A_836 = vector.broadcast %max3A_835 : f32 to vector<16xf32>
        %max3A_837 = arith.maximumf %add3A_834, %max3A_836 : vector<16xf32>
        %mul3A_838 = arith.constant 2 : i32
        %mul3A_839 = arith.muli %mul3A_838, %scan3A_530 : i32
        %add3A_840 = arith.constant 1 : i32
        %add3A_841 = arith.addi %mul3A_839, %add3A_840 : i32
        %swap3A_842 = arith.index_cast %add3A_841 : i32 to index
        %swap3A_843 = arith.constant 32 : index
        %swap3A_844 = tpu.vector_load %arg9[%swap3A_842, %swap3A_843] {strides = array<i32>} : memref<128x128xf32, #tpu.memory_space<vmem>>, vector<1x16xf32>,
        %swap3A_845 = vector.shape_cast %swap3A_844 : vector<1x16xf32> to vector<16xf32>
        %swap3A_846 = vector.shape_cast %max3A_837 : vector<16xf32> to vector<1x16xf32>
        tpu.vector_store %arg9[%swap3A_842, %swap3A_843], %swap3A_846 {strides = array<i32>} : memref<128x128xf32, #tpu.memory_space<vmem>>, vector<1x16xf32>,
        %mul3A_847 = arith.constant 2 : i32
        %mul3A_848 = arith.muli %mul3A_847, %scan3A_530 : i32
        %add3A_849 = arith.constant 1 : i32
        %add3A_850 = arith.addi %mul3A_848, %add3A_849 : i32
        %get3A_851 = arith.index_cast %add3A_850 : i32 to index
        %get3A_852 = arith.constant 48 : index
        %get3A_853 = tpu.vector_load %arg10[%get3A_851, %get3A_852] {strides = array<i32>} : memref<128x128xf32, #tpu.memory_space<vmem>>, vector<1x16xf32>,
        %get3A_854 = vector.shape_cast %get3A_853 : vector<1x16xf32> to vector<16xf32>
        %mul3A_855 = arith.constant 2 : i32
        %mul3A_856 = arith.muli %mul3A_855, %scan3A_530 : i32
        %add3A_857 = arith.constant 1 : i32
        %add3A_858 = arith.addi %mul3A_856, %add3A_857 : i32
        %get3A_859 = arith.index_cast %add3A_858 : i32 to index
        %get3A_860 = arith.constant 48 : index
        %get3A_861 = tpu.vector_load %arg9[%get3A_859, %get3A_860] {strides = array<i32>} : memref<128x128xf32, #tpu.memory_space<vmem>>, vector<1x16xf32>,
        %get3A_862 = vector.shape_cast %get3A_861 : vector<1x16xf32> to vector<16xf32>
        %add3A_863 = arith.addf %get3A_854, %get3A_862 : vector<16xf32>
        %max3A_864 = arith.constant 0.000000e+00 : f32
        %max3A_865 = vector.broadcast %max3A_864 : f32 to vector<16xf32>
        %max3A_866 = arith.maximumf %add3A_863, %max3A_865 : vector<16xf32>
        %mul3A_867 = arith.constant 2 : i32
        %mul3A_868 = arith.muli %mul3A_867, %scan3A_530 : i32
        %add3A_869 = arith.constant 1 : i32
        %add3A_870 = arith.addi %mul3A_868, %add3A_869 : i32
        %swap3A_871 = arith.index_cast %add3A_870 : i32 to index
        %swap3A_872 = arith.constant 48 : index
        %swap3A_873 = tpu.vector_load %arg9[%swap3A_871, %swap3A_872] {strides = array<i32>} : memref<128x128xf32, #tpu.memory_space<vmem>>, vector<1x16xf32>,
        %swap3A_874 = vector.shape_cast %swap3A_873 : vector<1x16xf32> to vector<16xf32>
        %swap3A_875 = vector.shape_cast %max3A_866 : vector<16xf32> to vector<1x16xf32>
        tpu.vector_store %arg9[%swap3A_871, %swap3A_872], %swap3A_875 {strides = array<i32>} : memref<128x128xf32, #tpu.memory_space<vmem>>, vector<1x16xf32>,
        %mul3A_876 = arith.constant 2 : i32
        %mul3A_877 = arith.muli %mul3A_876, %scan3A_530 : i32
        %add3A_878 = arith.constant 1 : i32
        %add3A_879 = arith.addi %mul3A_877, %add3A_878 : i32
        %get3A_880 = arith.index_cast %add3A_879 : i32 to index
        %get3A_881 = arith.constant 64 : index
        %get3A_882 = tpu.vector_load %arg10[%get3A_880, %get3A_881] {strides = array<i32>} : memref<128x128xf32, #tpu.memory_space<vmem>>, vector<1x16xf32>,
        %get3A_883 = vector.shape_cast %get3A_882 : vector<1x16xf32> to vector<16xf32>
        %mul3A_884 = arith.constant 2 : i32
        %mul3A_885 = arith.muli %mul3A_884, %scan3A_530 : i32
        %add3A_886 = arith.constant 1 : i32
        %add3A_887 = arith.addi %mul3A_885, %add3A_886 : i32
        %get3A_888 = arith.index_cast %add3A_887 : i32 to index
        %get3A_889 = arith.constant 64 : index
        %get3A_890 = tpu.vector_load %arg9[%get3A_888, %get3A_889] {strides = array<i32>} : memref<128x128xf32, #tpu.memory_space<vmem>>, vector<1x16xf32>,
        %get3A_891 = vector.shape_cast %get3A_890 : vector<1x16xf32> to vector<16xf32>
        %add3A_892 = arith.addf %get3A_883, %get3A_891 : vector<16xf32>
        %max3A_893 = arith.constant 0.000000e+00 : f32
        %max3A_894 = vector.broadcast %max3A_893 : f32 to vector<16xf32>
        %max3A_895 = arith.maximumf %add3A_892, %max3A_894 : vector<16xf32>
        %mul3A_896 = arith.constant 2 : i32
        %mul3A_897 = arith.muli %mul3A_896, %scan3A_530 : i32
        %add3A_898 = arith.constant 1 : i32
        %add3A_899 = arith.addi %mul3A_897, %add3A_898 : i32
        %swap3A_900 = arith.index_cast %add3A_899 : i32 to index
        %swap3A_901 = arith.constant 64 : index
        %swap3A_902 = tpu.vector_load %arg9[%swap3A_900, %swap3A_901] {strides = array<i32>} : memref<128x128xf32, #tpu.memory_space<vmem>>, vector<1x16xf32>,
        %swap3A_903 = vector.shape_cast %swap3A_902 : vector<1x16xf32> to vector<16xf32>
        %swap3A_904 = vector.shape_cast %max3A_895 : vector<16xf32> to vector<1x16xf32>
        tpu.vector_store %arg9[%swap3A_900, %swap3A_901], %swap3A_904 {strides = array<i32>} : memref<128x128xf32, #tpu.memory_space<vmem>>, vector<1x16xf32>,
        %mul3A_905 = arith.constant 2 : i32
        %mul3A_906 = arith.muli %mul3A_905, %scan3A_530 : i32
        %add3A_907 = arith.constant 1 : i32
        %add3A_908 = arith.addi %mul3A_906, %add3A_907 : i32
        %get3A_909 = arith.index_cast %add3A_908 : i32 to index
        %get3A_910 = arith.constant 80 : index
        %get3A_911 = tpu.vector_load %arg10[%get3A_909, %get3A_910] {strides = array<i32>} : memref<128x128xf32, #tpu.memory_space<vmem>>, vector<1x16xf32>,
        %get3A_912 = vector.shape_cast %get3A_911 : vector<1x16xf32> to vector<16xf32>
        %mul3A_913 = arith.constant 2 : i32
        %mul3A_914 = arith.muli %mul3A_913, %scan3A_530 : i32
        %add3A_915 = arith.constant 1 : i32
        %add3A_916 = arith.addi %mul3A_914, %add3A_915 : i32
        %get3A_917 = arith.index_cast %add3A_916 : i32 to index
        %get3A_918 = arith.constant 80 : index
        %get3A_919 = tpu.vector_load %arg9[%get3A_917, %get3A_918] {strides = array<i32>} : memref<128x128xf32, #tpu.memory_space<vmem>>, vector<1x16xf32>,
        %get3A_920 = vector.shape_cast %get3A_919 : vector<1x16xf32> to vector<16xf32>
        %add3A_921 = arith.addf %get3A_912, %get3A_920 : vector<16xf32>
        %max3A_922 = arith.constant 0.000000e+00 : f32
        %max3A_923 = vector.broadcast %max3A_922 : f32 to vector<16xf32>
        %max3A_924 = arith.maximumf %add3A_921, %max3A_923 : vector<16xf32>
        %mul3A_925 = arith.constant 2 : i32
        %mul3A_926 = arith.muli %mul3A_925, %scan3A_530 : i32
        %add3A_927 = arith.constant 1 : i32
        %add3A_928 = arith.addi %mul3A_926, %add3A_927 : i32
        %swap3A_929 = arith.index_cast %add3A_928 : i32 to index
        %swap3A_930 = arith.constant 80 : index
        %swap3A_931 = tpu.vector_load %arg9[%swap3A_929, %swap3A_930] {strides = array<i32>} : memref<128x128xf32, #tpu.memory_space<vmem>>, vector<1x16xf32>,
        %swap3A_932 = vector.shape_cast %swap3A_931 : vector<1x16xf32> to vector<16xf32>
        %swap3A_933 = vector.shape_cast %max3A_924 : vector<16xf32> to vector<1x16xf32>
        tpu.vector_store %arg9[%swap3A_929, %swap3A_930], %swap3A_933 {strides = array<i32>} : memref<128x128xf32, #tpu.memory_space<vmem>>, vector<1x16xf32>,
        %mul3A_934 = arith.constant 2 : i32
        %mul3A_935 = arith.muli %mul3A_934, %scan3A_530 : i32
        %add3A_936 = arith.constant 1 : i32
        %add3A_937 = arith.addi %mul3A_935, %add3A_936 : i32
        %get3A_938 = arith.index_cast %add3A_937 : i32 to index
        %get3A_939 = arith.constant 96 : index
        %get3A_940 = tpu.vector_load %arg10[%get3A_938, %get3A_939] {strides = array<i32>} : memref<128x128xf32, #tpu.memory_space<vmem>>, vector<1x16xf32>,
        %get3A_941 = vector.shape_cast %get3A_940 : vector<1x16xf32> to vector<16xf32>
        %mul3A_942 = arith.constant 2 : i32
        %mul3A_943 = arith.muli %mul3A_942, %scan3A_530 : i32
        %add3A_944 = arith.constant 1 : i32
        %add3A_945 = arith.addi %mul3A_943, %add3A_944 : i32
        %get3A_946 = arith.index_cast %add3A_945 : i32 to index
        %get3A_947 = arith.constant 96 : index
        %get3A_948 = tpu.vector_load %arg9[%get3A_946, %get3A_947] {strides = array<i32>} : memref<128x128xf32, #tpu.memory_space<vmem>>, vector<1x16xf32>,
        %get3A_949 = vector.shape_cast %get3A_948 : vector<1x16xf32> to vector<16xf32>
        %add3A_950 = arith.addf %get3A_941, %get3A_949 : vector<16xf32>
        %max3A_951 = arith.constant 0.000000e+00 : f32
        %max3A_952 = vector.broadcast %max3A_951 : f32 to vector<16xf32>
        %max3A_953 = arith.maximumf %add3A_950, %max3A_952 : vector<16xf32>
        %mul3A_954 = arith.constant 2 : i32
        %mul3A_955 = arith.muli %mul3A_954, %scan3A_530 : i32
        %add3A_956 = arith.constant 1 : i32
        %add3A_957 = arith.addi %mul3A_955, %add3A_956 : i32
        %swap3A_958 = arith.index_cast %add3A_957 : i32 to index
        %swap3A_959 = arith.constant 96 : index
        %swap3A_960 = tpu.vector_load %arg9[%swap3A_958, %swap3A_959] {strides = array<i32>} : memref<128x128xf32, #tpu.memory_space<vmem>>, vector<1x16xf32>,
        %swap3A_961 = vector.shape_cast %swap3A_960 : vector<1x16xf32> to vector<16xf32>
        %swap3A_962 = vector.shape_cast %max3A_953 : vector<16xf32> to vector<1x16xf32>
        tpu.vector_store %arg9[%swap3A_958, %swap3A_959], %swap3A_962 {strides = array<i32>} : memref<128x128xf32, #tpu.memory_space<vmem>>, vector<1x16xf32>,
        %mul3A_963 = arith.constant 2 : i32
        %mul3A_964 = arith.muli %mul3A_963, %scan3A_530 : i32
        %add3A_965 = arith.constant 1 : i32
        %add3A_966 = arith.addi %mul3A_964, %add3A_965 : i32
        %get3A_967 = arith.index_cast %add3A_966 : i32 to index
        %get3A_968 = arith.constant 112 : index
        %get3A_969 = tpu.vector_load %arg10[%get3A_967, %get3A_968] {strides = array<i32>} : memref<128x128xf32, #tpu.memory_space<vmem>>, vector<1x16xf32>,
        %get3A_970 = vector.shape_cast %get3A_969 : vector<1x16xf32> to vector<16xf32>
        %mul3A_971 = arith.constant 2 : i32
        %mul3A_972 = arith.muli %mul3A_971, %scan3A_530 : i32
        %add3A_973 = arith.constant 1 : i32
        %add3A_974 = arith.addi %mul3A_972, %add3A_973 : i32
        %get3A_975 = arith.index_cast %add3A_974 : i32 to index
        %get3A_976 = arith.constant 112 : index
        %get3A_977 = tpu.vector_load %arg9[%get3A_975, %get3A_976] {strides = array<i32>} : memref<128x128xf32, #tpu.memory_space<vmem>>, vector<1x16xf32>,
        %get3A_978 = vector.shape_cast %get3A_977 : vector<1x16xf32> to vector<16xf32>
        %add3A_979 = arith.addf %get3A_970, %get3A_978 : vector<16xf32>
        %max3A_980 = arith.constant 0.000000e+00 : f32
        %max3A_981 = vector.broadcast %max3A_980 : f32 to vector<16xf32>
        %max3A_982 = arith.maximumf %add3A_979, %max3A_981 : vector<16xf32>
        %mul3A_983 = arith.constant 2 : i32
        %mul3A_984 = arith.muli %mul3A_983, %scan3A_530 : i32
        %add3A_985 = arith.constant 1 : i32
        %add3A_986 = arith.addi %mul3A_984, %add3A_985 : i32
        %swap3A_987 = arith.index_cast %add3A_986 : i32 to index
        %swap3A_988 = arith.constant 112 : index
        %swap3A_989 = tpu.vector_load %arg9[%swap3A_987, %swap3A_988] {strides = array<i32>} : memref<128x128xf32, #tpu.memory_space<vmem>>, vector<1x16xf32>,
        %swap3A_990 = vector.shape_cast %swap3A_989 : vector<1x16xf32> to vector<16xf32>
        %swap3A_991 = vector.shape_cast %max3A_982 : vector<16xf32> to vector<1x16xf32>
        tpu.vector_store %arg9[%swap3A_987, %swap3A_988], %swap3A_991 {strides = array<i32>} : memref<128x128xf32, #tpu.memory_space<vmem>>, vector<1x16xf32>,
      }
      %scan3A_522 = arith.constant 64 : i32
      %dma_start3A_523 = arith.constant 7 : i32
      %dma_start3A_524 = arith.constant 0 : i32
      %dma_start3A_525 = tpu.memref_slice %arg8[%dma_start3A_523, %dma_start3A_524] : memref<8x128xi32, #tpu.memory_space<vmem>> -> memref<1x128xi32, #tpu.memory_space<vmem>>
      %dma_start3A_526 = tpu.memref_squeeze %dma_start3A_525 : memref<1x128xi32, #tpu.memory_space<vmem>> -> memref<128xi32, #tpu.memory_space<vmem>>
      %dma_start3A_527 = arith.constant 0 : i32
      %dma_start3A_528 = arith.constant 0 : i32
      %dma_start3A_529 = tpu.memref_slice %arg11[%dma_start3A_527, %dma_start3A_528] : memref<10000x128xf32, #tpu.memory_space<vmem_shared>> -> memref<10000x128xf32, #tpu.memory_space<vmem_shared>>
      tpu.enqueue_indirect_dma source(%arg9 : memref<128x128xf32, #tpu.memory_space<vmem>>) target(%dma_start3A_529 : memref<10000x128xf32, #tpu.memory_space<vmem_shared>>) offsets(%dma_start3A_526 : memref<128xi32, #tpu.memory_space<vmem>>) semaphore(%arg14 : memref<!tpu.dma_semaphore, #tpu.memory_space<semaphore_mem>>) {add = true}
    }
    %scan3A_28 = arith.constant 10 : i32
    %dma_wait3A = arith.constant 7 : i32
    %dma_wait3A_29 = arith.constant 0 : i32
    %dma_wait3A_30 = tpu.memref_slice %arg8[%dma_wait3A, %dma_wait3A_29] : memref<8x128xi32, #tpu.memory_space<vmem>> -> memref<1x128xi32, #tpu.memory_space<vmem>>
    %dma_wait3A_31 = tpu.memref_squeeze %dma_wait3A_30 : memref<1x128xi32, #tpu.memory_space<vmem>> -> memref<128xi32, #tpu.memory_space<vmem>>
    %dma_wait3A_32 = arith.constant 0 : i32
    %dma_wait3A_33 = arith.constant 0 : i32
    %dma_wait3A_34 = tpu.memref_slice %arg11[%dma_wait3A_32, %dma_wait3A_33] : memref<10000x128xf32, #tpu.memory_space<vmem_shared>> -> memref<10000x128xf32, #tpu.memory_space<vmem_shared>>
    tpu.wait_indirect_dma semaphore(%arg14 : memref<!tpu.dma_semaphore, #tpu.memory_space<semaphore_mem>>) src(%arg9 : memref<128x128xf32, #tpu.memory_space<vmem>>) dst(%dma_wait3A_34 : memref<10000x128xf32, #tpu.memory_space<vmem_shared>>)
    %barrier3A_35 = arith.constant 0 : index
    tpu.barrier barrier_id(%barrier3A_35)
    %lt3A_36 = arith.constant 15 : i32
    %lt3A_37 = arith.cmpi slt, %arg1, %lt3A_36 : i32
    %convert_element_type3A_38 = arith.extui %lt3A_37 : i1 to i32
    %cond3A_39 = arith.constant 0 : i32
    %cond3A_40 = arith.cmpi ne, %convert_element_type3A_38, %cond3A_39 : i32
    scf.if %cond3A_40 {
      "tpu.region"() ({
        %run_scoped3A = tpu.sem_alloc : memref<!tpu.dma_semaphore, #tpu.memory_space<semaphore_mem>>
        %dma_start3A_46 = arith.constant 0 : i32
        %dma_start3A_47 = arith.constant 0 : i32
        %dma_start3A_48 = tpu.memref_slice %arg6[%arg0, %dma_start3A_46, %dma_start3A_47] : memref<2x10000x128xf32, #tpu.memory_space<hbm>> -> memref<1x10000x128xf32, #tpu.memory_space<hbm>>
        %dma_start3A_49 = tpu.memref_squeeze %dma_start3A_48 : memref<1x10000x128xf32, #tpu.memory_space<hbm>> -> memref<10000x128xf32, #tpu.memory_space<hbm>>
        %dma_start3A_50 = arith.constant 0 : i32
        %dma_start3A_51 = tpu.memref_slice %dma_start3A_49[%mul3A_7, %dma_start3A_50] : memref<10000x128xf32, #tpu.memory_space<hbm>> -> memref<624x128xf32, #tpu.memory_space<hbm>>
        %dma_start3A_52 = arith.constant 0 : i32
        %dma_start3A_53 = tpu.memref_slice %arg11[%mul3A_7, %dma_start3A_52] : memref<10000x128xf32, #tpu.memory_space<vmem_shared>> -> memref<624x128xf32, #tpu.memory_space<vmem_shared>>
        tpu.enqueue_dma source(%dma_start3A_53 : memref<624x128xf32, #tpu.memory_space<vmem_shared>>) target(%dma_start3A_51 : memref<624x128xf32, #tpu.memory_space<hbm>>) target_semaphore(%run_scoped3A : memref<!tpu.dma_semaphore, #tpu.memory_space<semaphore_mem>>)
        %dma_wait3A_54 = arith.constant 0 : i32
        %dma_wait3A_55 = arith.constant 0 : i32
        %dma_wait3A_56 = tpu.memref_slice %arg6[%arg0, %dma_wait3A_54, %dma_wait3A_55] : memref<2x10000x128xf32, #tpu.memory_space<hbm>> -> memref<1x10000x128xf32, #tpu.memory_space<hbm>>
        %dma_wait3A_57 = tpu.memref_squeeze %dma_wait3A_56 : memref<1x10000x128xf32, #tpu.memory_space<hbm>> -> memref<10000x128xf32, #tpu.memory_space<hbm>>
        %dma_wait3A_58 = arith.constant 0 : i32
        %dma_wait3A_59 = tpu.memref_slice %dma_wait3A_57[%mul3A_7, %dma_wait3A_58] : memref<10000x128xf32, #tpu.memory_space<hbm>> -> memref<624x128xf32, #tpu.memory_space<hbm>>
        %dma_wait3A_60 = arith.constant 0 : i32
        %dma_wait3A_61 = tpu.memref_slice %arg11[%mul3A_7, %dma_wait3A_60] : memref<10000x128xf32, #tpu.memory_space<vmem_shared>> -> memref<624x128xf32, #tpu.memory_space<vmem_shared>>
        tpu.wait_dma2 semaphore(%run_scoped3A : memref<!tpu.dma_semaphore, #tpu.memory_space<semaphore_mem>>) src(%dma_wait3A_61 : memref<624x128xf32, #tpu.memory_space<vmem_shared>>) dst(%dma_wait3A_59 : memref<624x128xf32, #tpu.memory_space<hbm>>)
        tpu.yield
      }) : () -> ()
    } else {
    }
    %eq3A_41 = arith.constant 15 : i32
    %eq3A_42 = arith.cmpi eq, %arg1, %eq3A_41 : i32
    %convert_element_type3A_43 = arith.extui %eq3A_42 : i1 to i32
    %cond3A_44 = arith.constant 0 : i32
    %cond3A_45 = arith.cmpi ne, %convert_element_type3A_43, %cond3A_44 : i32
    scf.if %cond3A_45 {
      "tpu.region"() ({
        %run_scoped3A = tpu.sem_alloc : memref<!tpu.dma_semaphore, #tpu.memory_space<semaphore_mem>>
        %dma_start3A_46 = arith.constant 0 : i32
        %dma_start3A_47 = arith.constant 0 : i32
        %dma_start3A_48 = tpu.memref_slice %arg6[%arg0, %dma_start3A_46, %dma_start3A_47] : memref<2x10000x128xf32, #tpu.memory_space<hbm>> -> memref<1x10000x128xf32, #tpu.memory_space<hbm>>
        %dma_start3A_49 = tpu.memref_squeeze %dma_start3A_48 : memref<1x10000x128xf32, #tpu.memory_space<hbm>> -> memref<10000x128xf32, #tpu.memory_space<hbm>>
        %dma_start3A_50 = arith.constant 0 : i32
        %dma_start3A_51 = tpu.memref_slice %dma_start3A_49[%mul3A_7, %dma_start3A_50] : memref<10000x128xf32, #tpu.memory_space<hbm>> -> memref<640x128xf32, #tpu.memory_space<hbm>>
        %dma_start3A_52 = arith.constant 0 : i32
        %dma_start3A_53 = tpu.memref_slice %arg11[%mul3A_7, %dma_start3A_52] : memref<10000x128xf32, #tpu.memory_space<vmem_shared>> -> memref<640x128xf32, #tpu.memory_space<vmem_shared>>
        tpu.enqueue_dma source(%dma_start3A_53 : memref<640x128xf32, #tpu.memory_space<vmem_shared>>) target(%dma_start3A_51 : memref<640x128xf32, #tpu.memory_space<hbm>>) target_semaphore(%run_scoped3A : memref<!tpu.dma_semaphore, #tpu.memory_space<semaphore_mem>>)
        %dma_wait3A_54 = arith.constant 0 : i32
        %dma_wait3A_55 = arith.constant 0 : i32
        %dma_wait3A_56 = tpu.memref_slice %arg6[%arg0, %dma_wait3A_54, %dma_wait3A_55] : memref<2x10000x128xf32, #tpu.memory_space<hbm>> -> memref<1x10000x128xf32, #tpu.memory_space<hbm>>
        %dma_wait3A_57 = tpu.memref_squeeze %dma_wait3A_56 : memref<1x10000x128xf32, #tpu.memory_space<hbm>> -> memref<10000x128xf32, #tpu.memory_space<hbm>>
        %dma_wait3A_58 = arith.constant 0 : i32
        %dma_wait3A_59 = tpu.memref_slice %dma_wait3A_57[%mul3A_7, %dma_wait3A_58] : memref<10000x128xf32, #tpu.memory_space<hbm>> -> memref<640x128xf32, #tpu.memory_space<hbm>>
        %dma_wait3A_60 = arith.constant 0 : i32
        %dma_wait3A_61 = tpu.memref_slice %arg11[%mul3A_7, %dma_wait3A_60] : memref<10000x128xf32, #tpu.memory_space<vmem_shared>> -> memref<640x128xf32, #tpu.memory_space<vmem_shared>>
        tpu.wait_dma2 semaphore(%run_scoped3A : memref<!tpu.dma_semaphore, #tpu.memory_space<semaphore_mem>>) src(%dma_wait3A_61 : memref<640x128xf32, #tpu.memory_space<vmem_shared>>) dst(%dma_wait3A_59 : memref<640x128xf32, #tpu.memory_space<hbm>>)
        tpu.yield
      }) : () -> ()
    } else {
    }
    return
  }
}

module attributes {stable_mosaic.version = 14 : i64} {
  func.func @_eproj_body(%arg0: i32, %arg1: memref<1024x16xf32, #tpu.memory_space<vmem>>, %arg2: memref<16x128xf32, #tpu.memory_space<vmem>>, %arg3: memref<1x128xf32, #tpu.memory_space<vmem>>, %arg4: memref<1024x128xf32, #tpu.memory_space<vmem>>) attributes {dimension_semantics = [#tpu.dimension_semantics<arbitrary>], iteration_bounds = array<i64: 320>, scalar_prefetch = 0 : i64, scratch_operands = 0 : i64, tpu.core_type = #tpu.core_type<tc>, window_params = [{transform_indices = @transform_0, window_bounds = array<i64: 1024, 16>}, {pipeline_mode = #tpu.pipeline_mode<synchronous>, transform_indices = @transform_1, window_bounds = array<i64: 16, 128>}, {pipeline_mode = #tpu.pipeline_mode<synchronous>, transform_indices = @transform_2, window_bounds = array<i64: 1, 128>}, {transform_indices = @transform_3, window_bounds = array<i64: 1024, 128>}]} {
    %get3A = arith.constant 0 : index
    %get3A_0 = arith.constant 0 : index
    %get3A_1 = vector.load %arg1[%get3A, %get3A_0] : memref<1024x16xf32, #tpu.memory_space<vmem>>, vector<1024x16xf32>
    %get3A_2 = arith.constant 0 : index
    %get3A_3 = arith.constant 0 : index
    %get3A_4 = vector.load %arg2[%get3A_2, %get3A_3] : memref<16x128xf32, #tpu.memory_space<vmem>>, vector<16x128xf32>
    %dot_general3A = arith.constant dense<0.000000e+00> : vector<1024x128xf32>
    %dot_general3A_5 = tpu.matmul %get3A_1, %get3A_4, %dot_general3A {dimension_numbers = #tpu.dot_dimension_numbers<[1], [0], [0], [1], [0, 0, 1, 1], [], []>, transpose_lhs_hint = false} : vector<1024x16xf32>, vector<16x128xf32>, vector<1024x128xf32> -> vector<1024x128xf32>
    %get3A_6 = arith.constant 0 : index
    %get3A_7 = arith.constant 0 : index
    %get3A_8 = vector.load %arg3[%get3A_6, %get3A_7] : memref<1x128xf32, #tpu.memory_space<vmem>>, vector<1x128xf32>
    %add3A = vector.broadcast %get3A_8 : vector<1x128xf32> to vector<1024x128xf32>
    %add3A_9 = arith.addf %dot_general3A_5, %add3A : vector<1024x128xf32>
    %iota3A = tpu.iota {dimensions = array<i32: 0>} : vector<1024x1xi32>
    %mul3A = arith.constant 1024 : i32
    %mul3A_10 = arith.muli %arg0, %mul3A : i32
    %add3A_11 = vector.broadcast %mul3A_10 : i32 to vector<1024x1xi32>
    %add3A_12 = arith.addi %iota3A, %add3A_11 : vector<1024x1xi32>
    %lt3A = arith.constant 320000 : i32
    %lt3A_13 = vector.broadcast %lt3A : i32 to vector<1024x1xi32>
    %lt3A_14 = arith.cmpi slt, %add3A_12, %lt3A_13 : vector<1024x1xi32>
    %jit3A = arith.constant -1.000000e+30 : f32
    %broadcast_in_dim3A = vector.shape_cast %lt3A_14 : vector<1024x1xi1> to vector<1024x1xi1>
    %broadcast_in_dim3A_15 = vector.broadcast %broadcast_in_dim3A : vector<1024x1xi1> to vector<1024x128xi1>
    %broadcast_in_dim3A_16 = vector.broadcast %jit3A : f32 to vector<1024x128xf32>
    %select_n3A = arith.select %broadcast_in_dim3A_15, %add3A_9, %broadcast_in_dim3A_16 : vector<1024x128xi1>, vector<1024x128xf32>
    %swap3A = arith.constant 0 : index
    %swap3A_17 = arith.constant 0 : index
    %swap3A_18 = vector.load %arg4[%swap3A, %swap3A_17] : memref<1024x128xf32, #tpu.memory_space<vmem>>, vector<1024x128xf32>
    tpu.vector_store %arg4[%swap3A, %swap3A_17], %select_n3A {strides = array<i32>} : memref<1024x128xf32, #tpu.memory_space<vmem>>, vector<1024x128xf32>,
    return
  }
  func.func @transform_0(%arg0: i32) -> (i32, i32) {
    %c0_i32 = arith.constant 0 : i32
    %c0_i32_0 = arith.constant 0 : i32
    return %arg0, %c0_i32 : i32, i32
  }
  func.func @transform_1(%arg0: i32) -> (i32, i32) {
    %c0_i32 = arith.constant 0 : i32
    %c0_i32_0 = arith.constant 0 : i32
    %c0_i32_1 = arith.constant 0 : i32
    return %c0_i32, %c0_i32_0 : i32, i32
  }
  func.func @transform_2(%arg0: i32) -> (i32, i32) {
    %c0_i32 = arith.constant 0 : i32
    %c0_i32_0 = arith.constant 0 : i32
    %c0_i32_1 = arith.constant 0 : i32
    return %c0_i32, %c0_i32_0 : i32, i32
  }
  func.func @transform_3(%arg0: i32) -> (i32, i32) {
    %c0_i32 = arith.constant 0 : i32
    %c0_i32_0 = arith.constant 0 : i32
    return %arg0, %c0_i32 : i32, i32
  }
}

module attributes {stable_mosaic.version = 14 : i64} {
  func.func @_mlp_body(%arg0: i32, %arg1: memref<1xf32, #tpu.memory_space<smem>>, %arg2: memref<1000x128xf32, #tpu.memory_space<vmem>>, %arg3: memref<1000x128xf32, #tpu.memory_space<vmem>>, %arg4: memref<1000x128xf32, #tpu.memory_space<vmem>>, %arg5: memref<128x128xf32, #tpu.memory_space<vmem>>, %arg6: memref<1x128xf32, #tpu.memory_space<vmem>>, %arg7: memref<128x128xf32, #tpu.memory_space<vmem>>, %arg8: memref<1x128xf32, #tpu.memory_space<vmem>>, %arg9: memref<1x128xf32, #tpu.memory_space<vmem>>, %arg10: memref<1x128xf32, #tpu.memory_space<vmem>>, %arg11: memref<1000x128xf32, #tpu.memory_space<vmem>>) attributes {dimension_semantics = [#tpu.dimension_semantics<arbitrary>], iteration_bounds = array<i64: 10>, scalar_prefetch = 0 : i64, scratch_operands = 0 : i64, tpu.core_type = #tpu.core_type<tc>, window_params = [{transform_indices = @transform_0, window_bounds = array<i64: 1>}, {transform_indices = @transform_1, window_bounds = array<i64: 1000, 128>}, {transform_indices = @transform_2, window_bounds = array<i64: 1000, 128>}, {transform_indices = @transform_3, window_bounds = array<i64: 1000, 128>}, {pipeline_mode = #tpu.pipeline_mode<synchronous>, transform_indices = @transform_4, window_bounds = array<i64: 128, 128>}, {pipeline_mode = #tpu.pipeline_mode<synchronous>, transform_indices = @transform_5, window_bounds = array<i64: 1, 128>}, {pipeline_mode = #tpu.pipeline_mode<synchronous>, transform_indices = @transform_6, window_bounds = array<i64: 128, 128>}, {pipeline_mode = #tpu.pipeline_mode<synchronous>, transform_indices = @transform_7, window_bounds = array<i64: 1, 128>}, {pipeline_mode = #tpu.pipeline_mode<synchronous>, transform_indices = @transform_8, window_bounds = array<i64: 1, 128>}, {pipeline_mode = #tpu.pipeline_mode<synchronous>, transform_indices = @transform_9, window_bounds = array<i64: 1, 128>}, {transform_indices = @transform_10, window_bounds = array<i64: 1000, 128>}]} {
    %get3A = arith.constant 0 : index
    %get3A_0 = arith.constant 0 : index
    %get3A_1 = vector.load %arg2[%get3A, %get3A_0] : memref<1000x128xf32, #tpu.memory_space<vmem>>, vector<1000x128xf32>
    %get3A_2 = arith.constant 0 : index
    %get3A_3 = memref.load %arg1[%get3A_2] : memref<1xf32, #tpu.memory_space<smem>>
    %mul3A = vector.broadcast %get3A_3 : f32 to vector<1000x128xf32>
    %mul3A_4 = arith.mulf %get3A_1, %mul3A : vector<1000x128xf32>
    %get3A_5 = arith.constant 0 : index
    %get3A_6 = arith.constant 0 : index
    %get3A_7 = vector.load %arg3[%get3A_5, %get3A_6] : memref<1000x128xf32, #tpu.memory_space<vmem>>, vector<1000x128xf32>
    %add3A = arith.addf %mul3A_4, %get3A_7 : vector<1000x128xf32>
    %get3A_8 = arith.constant 0 : index
    %get3A_9 = arith.constant 0 : index
    %get3A_10 = vector.load %arg4[%get3A_8, %get3A_9] : memref<1000x128xf32, #tpu.memory_space<vmem>>, vector<1000x128xf32>
    %add3A_11 = arith.addf %add3A, %get3A_10 : vector<1000x128xf32>
    %get3A_12 = arith.constant 0 : index
    %get3A_13 = arith.constant 0 : index
    %get3A_14 = vector.load %arg5[%get3A_12, %get3A_13] : memref<128x128xf32, #tpu.memory_space<vmem>>, vector<128x128xf32>
    %dot_general3A = arith.constant dense<0.000000e+00> : vector<1000x128xf32>
    %dot_general3A_15 = tpu.matmul %add3A_11, %get3A_14, %dot_general3A {dimension_numbers = #tpu.dot_dimension_numbers<[1], [0], [0], [1], [0, 0, 1, 1], [], []>, transpose_lhs_hint = false} : vector<1000x128xf32>, vector<128x128xf32>, vector<1000x128xf32> -> vector<1000x128xf32>
    %get3A_16 = arith.constant 0 : index
    %get3A_17 = arith.constant 0 : index
    %get3A_18 = vector.load %arg6[%get3A_16, %get3A_17] : memref<1x128xf32, #tpu.memory_space<vmem>>, vector<1x128xf32>
    %add3A_19 = vector.broadcast %get3A_18 : vector<1x128xf32> to vector<1000x128xf32>
    %add3A_20 = arith.addf %dot_general3A_15, %add3A_19 : vector<1000x128xf32>
    %max3A = arith.constant 0.000000e+00 : f32
    %max3A_21 = vector.broadcast %max3A : f32 to vector<1000x128xf32>
    %max3A_22 = arith.maximumf %add3A_20, %max3A_21 : vector<1000x128xf32>
    %get3A_23 = arith.constant 0 : index
    %get3A_24 = arith.constant 0 : index
    %get3A_25 = vector.load %arg7[%get3A_23, %get3A_24] : memref<128x128xf32, #tpu.memory_space<vmem>>, vector<128x128xf32>
    %dot_general3A_26 = arith.constant dense<0.000000e+00> : vector<1000x128xf32>
    %dot_general3A_27 = tpu.matmul %max3A_22, %get3A_25, %dot_general3A_26 {dimension_numbers = #tpu.dot_dimension_numbers<[1], [0], [0], [1], [0, 0, 1, 1], [], []>, transpose_lhs_hint = false} : vector<1000x128xf32>, vector<128x128xf32>, vector<1000x128xf32> -> vector<1000x128xf32>
    %get3A_28 = arith.constant 0 : index
    %get3A_29 = arith.constant 0 : index
    %get3A_30 = vector.load %arg8[%get3A_28, %get3A_29] : memref<1x128xf32, #tpu.memory_space<vmem>>, vector<1x128xf32>
    %add3A_31 = vector.broadcast %get3A_30 : vector<1x128xf32> to vector<1000x128xf32>
    %add3A_32 = arith.addf %dot_general3A_27, %add3A_31 : vector<1000x128xf32>
    %reduce_sum3A = arith.constant dense<0.000000e+00> : vector<1000xf32>
    %reduce_sum3A_33 = vector.multi_reduction <add>, %add3A_32, %reduce_sum3A [1] : vector<1000x128xf32> to vector<1000xf32>
    %broadcast_in_dim3A = vector.shape_cast %reduce_sum3A_33 : vector<1000xf32> to vector<1000x1xf32>
    %div3A = arith.constant 1.280000e+02 : f32
    %div3A_34 = vector.broadcast %div3A : f32 to vector<1000x1xf32>
    %div3A_35 = arith.divf %broadcast_in_dim3A, %div3A_34 : vector<1000x1xf32>
    %sub3A = vector.broadcast %div3A_35 : vector<1000x1xf32> to vector<1000x128xf32>
    %sub3A_36 = arith.subf %add3A_32, %sub3A : vector<1000x128xf32>
    %mul3A_37 = arith.mulf %sub3A_36, %sub3A_36 : vector<1000x128xf32>
    %reduce_sum3A_38 = arith.constant dense<0.000000e+00> : vector<1000xf32>
    %reduce_sum3A_39 = vector.multi_reduction <add>, %mul3A_37, %reduce_sum3A_38 [1] : vector<1000x128xf32> to vector<1000xf32>
    %broadcast_in_dim3A_40 = vector.shape_cast %reduce_sum3A_39 : vector<1000xf32> to vector<1000x1xf32>
    %div3A_41 = arith.constant 1.280000e+02 : f32
    %div3A_42 = vector.broadcast %div3A_41 : f32 to vector<1000x1xf32>
    %div3A_43 = arith.divf %broadcast_in_dim3A_40, %div3A_42 : vector<1000x1xf32>
    %add3A_44 = arith.constant 9.99999974E-6 : f32
    %add3A_45 = vector.broadcast %add3A_44 : f32 to vector<1000x1xf32>
    %add3A_46 = arith.addf %div3A_43, %add3A_45 : vector<1000x1xf32>
    %rsqrt3A = math.rsqrt %add3A_46 : vector<1000x1xf32>
    %mul3A_47 = vector.broadcast %rsqrt3A : vector<1000x1xf32> to vector<1000x128xf32>
    %mul3A_48 = arith.mulf %sub3A_36, %mul3A_47 : vector<1000x128xf32>
    %get3A_49 = arith.constant 0 : index
    %get3A_50 = arith.constant 0 : index
    %get3A_51 = vector.load %arg9[%get3A_49, %get3A_50] : memref<1x128xf32, #tpu.memory_space<vmem>>, vector<1x128xf32>
    %mul3A_52 = vector.broadcast %get3A_51 : vector<1x128xf32> to vector<1000x128xf32>
    %mul3A_53 = arith.mulf %mul3A_48, %mul3A_52 : vector<1000x128xf32>
    %get3A_54 = arith.constant 0 : index
    %get3A_55 = arith.constant 0 : index
    %get3A_56 = vector.load %arg10[%get3A_54, %get3A_55] : memref<1x128xf32, #tpu.memory_space<vmem>>, vector<1x128xf32>
    %add3A_57 = vector.broadcast %get3A_56 : vector<1x128xf32> to vector<1000x128xf32>
    %add3A_58 = arith.addf %mul3A_53, %add3A_57 : vector<1000x128xf32>
    %get3A_59 = arith.constant 0 : index
    %get3A_60 = arith.constant 0 : index
    %get3A_61 = vector.load %arg2[%get3A_59, %get3A_60] : memref<1000x128xf32, #tpu.memory_space<vmem>>, vector<1000x128xf32>
    %add3A_62 = arith.addf %add3A_58, %get3A_61 : vector<1000x128xf32>
    %max3A_63 = arith.constant 0.000000e+00 : f32
    %max3A_64 = vector.broadcast %max3A_63 : f32 to vector<1000x128xf32>
    %max3A_65 = arith.maximumf %add3A_62, %max3A_64 : vector<1000x128xf32>
    %swap3A = arith.constant 0 : index
    %swap3A_66 = arith.constant 0 : index
    %swap3A_67 = vector.load %arg11[%swap3A, %swap3A_66] : memref<1000x128xf32, #tpu.memory_space<vmem>>, vector<1000x128xf32>
    tpu.vector_store %arg11[%swap3A, %swap3A_66], %max3A_65 {strides = array<i32>} : memref<1000x128xf32, #tpu.memory_space<vmem>>, vector<1000x128xf32>,
    return
  }
  func.func @transform_0(%arg0: i32) -> i32 {
    %c0_i32 = arith.constant 0 : i32
    %c0_i32_0 = arith.constant 0 : i32
    return %c0_i32 : i32
  }
  func.func @transform_1(%arg0: i32) -> (i32, i32) {
    %c0_i32 = arith.constant 0 : i32
    %c0_i32_0 = arith.constant 0 : i32
    return %arg0, %c0_i32 : i32, i32
  }
  func.func @transform_2(%arg0: i32) -> (i32, i32) {
    %c0_i32 = arith.constant 0 : i32
    %c0_i32_0 = arith.constant 0 : i32
    return %arg0, %c0_i32 : i32, i32
  }
  func.func @transform_3(%arg0: i32) -> (i32, i32) {
    %c0_i32 = arith.constant 0 : i32
    %c0_i32_0 = arith.constant 0 : i32
    return %arg0, %c0_i32 : i32, i32
  }
  func.func @transform_4(%arg0: i32) -> (i32, i32) {
    %c0_i32 = arith.constant 0 : i32
    %c0_i32_0 = arith.constant 0 : i32
    %c0_i32_1 = arith.constant 0 : i32
    return %c0_i32, %c0_i32_0 : i32, i32
  }
  func.func @transform_5(%arg0: i32) -> (i32, i32) {
    %c0_i32 = arith.constant 0 : i32
    %c0_i32_0 = arith.constant 0 : i32
    %c0_i32_1 = arith.constant 0 : i32
    return %c0_i32, %c0_i32_0 : i32, i32
  }
  func.func @transform_6(%arg0: i32) -> (i32, i32) {
    %c0_i32 = arith.constant 0 : i32
    %c0_i32_0 = arith.constant 0 : i32
    %c0_i32_1 = arith.constant 0 : i32
    return %c0_i32, %c0_i32_0 : i32, i32
  }
  func.func @transform_7(%arg0: i32) -> (i32, i32) {
    %c0_i32 = arith.constant 0 : i32
    %c0_i32_0 = arith.constant 0 : i32
    %c0_i32_1 = arith.constant 0 : i32
    return %c0_i32, %c0_i32_0 : i32, i32
  }
  func.func @transform_8(%arg0: i32) -> (i32, i32) {
    %c0_i32 = arith.constant 0 : i32
    %c0_i32_0 = arith.constant 0 : i32
    %c0_i32_1 = arith.constant 0 : i32
    return %c0_i32, %c0_i32_0 : i32, i32
  }
  func.func @transform_9(%arg0: i32) -> (i32, i32) {
    %c0_i32 = arith.constant 0 : i32
    %c0_i32_0 = arith.constant 0 : i32
    %c0_i32_1 = arith.constant 0 : i32
    return %c0_i32, %c0_i32_0 : i32, i32
  }
  func.func @transform_10(%arg0: i32) -> (i32, i32) {
    %c0_i32 = arith.constant 0 : i32
    %c0_i32_0 = arith.constant 0 : i32
    return %arg0, %c0_i32 : i32, i32
  }
}

</mosaic_0001>

<sc_bundles>
// kernel: kernel.5.cloned.1.call-start
scs
__scs_entry_jumppad:
0x0: {  	(pc) =	sbr.rel $0x88, $3  }
0x1: {  	(tag) =	ssettag $0x0;
	lr =	simm.s32 $0x1  }
0x2: {  	[smem:$0x3F93] =	sst lr;
	_ =	strace $0xD0000000  }
0x3: {  	_ = 	snop  }
0x4: {  	_ = 	snop  }
0x5: {  	_ = 	snop  }
0x6: {  	_ = 	snop  }
0x7: {  	_ = 	snop  }
__scs_overlays_trampoline_lowered:
0x8: {  	[smem:$0x3FA2] =	sst s0  }
0x9: {  	[smem:$0x3FA3] =	sst s1  }
0xa: {  	[smem:$0x3FA4] =	sst s2  }
0xb: {  	[smem:$0x3FA5] =	sst s3  }
0xc: {  	[smem:$0x3FA6] =	sst s4  }
0xd: {  	[smem:$0x3FA7] =	sst s5  }
0xe: {  	[smem:$0x3FA8] =	sst s6  }
0xf: {  	[smem:$0x3FA9] =	sst s7  }
0x10: {  	[smem:$0x3FAA] =	sst s8  }
0x11: {  	[smem:$0x3FAB] =	sst s9;
	s0 =	simm.s32 @!p0 $0x0  }
0x12: {  	s1 =	sld [smem:$0x3F91];
	s0 =	simm.s32 @p0 $0x1  }
0x13: {  	[smem:$0x3FAC] =	sst s0;
	s0 =	simm.s32 @!p1 $0x0  }
0x14: {  	s2 =	sld [smem:$0x3F90];
	s0 =	simm.s32 @p1 $0x1  }
0x15: {  	[smem:$0x3FAD] =	sst s0;
	s0 =	simm.s32 @!p2 $0x0  }
0x16: {  	s3 =	sld [smem:$0x3FDB];
	s0 =	simm.s32 @p2 $0x1  }
0x17: {  	s4 =	simm.s32 $0x1BF5;
	[smem:$0x3FAF] =	sst s0  }
0x18: {  	s0 =	sld [smem:$0x3F92];
	_ =	swait.ge [sflag:s4], $0x0  }
0x19: {  	s7 =	sld [smem:$0x3F93]  }
0x1a: {  	s8 =	sadd.s32 $0xFFFFE003, lr  }
0x1b: {  	s9 =	sadd.s32 $0xFFFFFEF7, lr;
	s5 =	simm.s32 $0xFFFFFFFF;
	p2 =	slt.u32 s8, $0xFFFFF086  }
0x1c: {  	p1 =	slt.u32 s9, $0xF7A;
	s5 =	simm.s32 @!p2 $0x0  }
0x1d: {  	s5 =	simm.s32 @p1 $0x1;
	p0 =	seq.s32 s7, s2  }
0x1e: {  	s7 =	smul.u32 @!p0 $0xF7A, s2;
	p2 =	seq.s32 @!p0 s5, $0x0  }
0x1f: {  	s9 =	smul.u32 $0xF7A, s1;
	s8 =	simm.s32 @!p0 $0x1BF5;
	p2 =	por !p2, p0  }
0x20: {  	[sflag:s8] =	ssyncset.s32 @!p0 $0xFFFFF086;
	s6 =	sadd.s32 @!p0 s3, s7;
	s7 =	simm.s32 @!p0 $0x108  }
0x21: {  	s3 =	sadd.s32 s3, s9;
	s6 =	sadd.s32 @!p0 $0x88, s6;
	s7 =	simm.s32 @p2 $0x1082  }
0x22: {  	[simem:s7], [sflag:s8] =	dma.local @!p0 [hbm:s6], $0xF7A  }
0x23: {  	s9 =	sor.u32 $0xD0000000, s2;
	s6 =	simm.s32 $0x108;
	_ =	swait.ge @!p0 [sflag:s8], $0x0  }
0x24: {  	s3 =	sadd.s32 $0x88, s3;
	s6 =	simm.s32 @!p1 $0x1082;
	[sflag:s4] =	ssyncset.s32 $0xFFFFF086  }
0x25: {  	[simem:s6], [sflag:s4] =	dma.local [hbm:s3], $0xF7A  }
0x26: {  	[smem:$0x3F93] =	sst s1;
	(tag) =	ssettag s2;
	_ =	strace s9  }
0x27: {  	s1 =	sld [smem:$0x3FA3]  }
0x28: {  	s2 =	sld [smem:$0x3FA4]  }
0x29: {  	s4 =	sld [smem:$0x3FA6]  }
0x2a: {  	p0 =	seq.s32 s5, $0x0;
	s5 =	sld [smem:$0x3FA7]  }
0x2b: {  	s6 =	sld [smem:$0x3FA8]  }
0x2c: {  	s7 =	sld [smem:$0x3FA9]  }
0x2d: {  	s3 =	simm.s32 $0x108;
	s8 =	sld [smem:$0x3FAA]  }
0x2e: {  	s3 =	simm.s32 @!p0 $0x1082;
	s9 =	sld [smem:$0x3FAB]  }
0x2f: {  	lr =	sadd.s32 s0, s3;
	s0 =	sld [smem:$0x3FA2]  }
0x30: {  	s3 =	sld [smem:$0x3FA5]  }
0x31: {  	[smem:$0x3FAE] =	sst s10  }
0x32: {  	s10 =	sld [smem:$0x3FAC];
	_ =	sdelay $0x3  }
0x33: {  	p0 =	seq.s32 s10, $0x1;
	s10 =	sld [smem:$0x3FAE];
	_ =	sdelay $0x3  }
0x34: {  	[smem:$0x3FAE] =	sst s10  }
0x35: {  	s10 =	sld [smem:$0x3FAD];
	_ =	sdelay $0x3  }
0x36: {  	p1 =	seq.s32 s10, $0x1;
	s10 =	sld [smem:$0x3FAE];
	_ =	sdelay $0x3  }
0x37: {  	[smem:$0x3FAE] =	sst s10  }
0x38: {  	s10 =	sld [smem:$0x3FAF]  }
0x39: {  	_ = 	snop;
	(pc) =	sbr.ind lr, $3  }
0x3a: {  	_ = 	snop  }
0x3b: {  	_ = 	snop  }
0x3c: {  	p2 =	seq.s32 s10, $0x1;
	s10 =	sld [smem:$0x3FAE]  }
0x3d: {  	_ =	shalt  }
0x3e: {  	_ =	shalt  }
0x3f: {  	_ =	shalt  }
0x40: {  	_ =	shalt  }
0x41: {  	_ =	shalt  }
0x42: {  	_ =	shalt  }
0x43: {  	_ =	shalt  }
0x44: {  	_ =	shalt  }
0x45: {  	_ =	shalt  }
0x46: {  	_ =	shalt  }
0x47: {  	_ =	shalt  }
0x48: {  	_ =	shalt  }
0x49: {  	_ =	shalt  }
0x4a: {  	_ =	shalt  }
0x4b: {  	_ =	shalt  }
0x4c: {  	_ =	shalt  }
0x4d: {  	_ =	shalt  }
0x4e: {  	_ =	shalt  }
0x4f: {  	_ =	shalt  }
0x50: {  	_ =	shalt  }
0x51: {  	_ =	shalt  }
0x52: {  	_ =	shalt  }
0x53: {  	_ =	shalt  }
0x54: {  	_ =	shalt  }
0x55: {  	_ =	shalt  }
0x56: {  	_ =	shalt  }
0x57: {  	_ =	shalt  }
0x58: {  	_ =	shalt  }
0x59: {  	_ =	shalt  }
0x5a: {  	_ =	shalt  }
0x5b: {  	_ =	shalt  }
0x5c: {  	_ =	shalt  }
0x5d: {  	_ =	shalt  }
0x5e: {  	_ =	shalt  }
0x5f: {  	_ =	shalt  }
0x60: {  	_ =	shalt  }
0x61: {  	_ =	shalt  }
0x62: {  	_ =	shalt  }
0x63: {  	_ =	shalt  }
0x64: {  	_ =	shalt  }
0x65: {  	_ =	shalt  }
0x66: {  	_ =	shalt  }
0x67: {  	_ =	shalt  }
0x68: {  	_ =	shalt  }
0x69: {  	_ =	shalt  }
0x6a: {  	_ =	shalt  }
0x6b: {  	_ =	shalt  }
0x6c: {  	_ =	shalt  }
0x6d: {  	_ =	shalt  }
0x6e: {  	_ =	shalt  }
0x6f: {  	_ =	shalt  }
0x70: {  	_ =	shalt  }
0x71: {  	_ =	shalt  }
0x72: {  	_ =	shalt  }
0x73: {  	_ =	shalt  }
0x74: {  	_ =	shalt  }
0x75: {  	_ =	shalt  }
0x76: {  	_ =	shalt  }
0x77: {  	_ =	shalt  }
0x78: {  	_ =	shalt  }
0x79: {  	_ =	shalt  }
0x7a: {  	_ =	shalt  }
0x7b: {  	_ =	shalt  }
0x7c: {  	_ =	shalt  }
0x7d: {  	_ =	shalt  }
0x7e: {  	_ =	shalt  }
0x7f: {  	_ =	shalt  }
0x80: {  	_ =	shalt  }
0x81: {  	_ =	shalt  }
0x82: {  	_ =	shalt  }
0x83: {  	_ =	shalt  }
0x84: {  	_ =	shalt  }
0x85: {  	_ =	shalt  }
0x86: {  	_ =	shalt  }
0x87: {  	_ =	shalt  }
.Lfunc_end0:
.L_simem_size_0:
called_computation_lowered:
.L_overlay_start_0:
0x88: {  	s2 =	sld [smem:$0x3FD9]  }
0x89: {  	s3 =	sld [smem:$0x3FFE];
	_ =	sdelay $0x1  }
0x8a: {  	s1 =	srdreg.scid  }
0x8b: {  	s0 =	sand.u32 $0x1, s1  }
0x8c: {  	s17 =	sshll.u32 s0, $0xA;
	s2 =	sadd.s32 s3, s2  }
0x8d: {  	s2 =	sadd.s32 s2, s17  }
0x8e: {  	[smem:$0x3FBA] =	sst s2  }
0x8f: {  	_ = 	snop  }
0x90: {  	s2 =	sld [smem:$0x3FC9]  }
0x91: {  	s18 =	sld [smem:$0x3FD0];
	(tm) =	ssettm $0x1  }
0x92: {  	s4 =	sld [smem:$0x3FFB];
	_ =	sdelay $0x3  }
0x93: {  	_ =	strace s4  }
0x94: {  	s4 =	sld [smem:$0x3FFC];
	_ =	sdelay $0x3  }
0x95: {  	_ =	strace s4  }
0x96: {  	s4 =	sld [smem:$0x3FFD];
	_ =	sdelay $0x3  }
0x97: {  	_ =	strace s4  }
0x98: {  	_ =	strace $0x8FFFFFFF  }
0x99: {  	s19 =	sld [smem:$0x3FDB];
	_ =	sdelay $0x1  }
0x9a: {  	s5 =	simm.s32 $_scs_section_size  }
0x9b: {  	s6 =	simm.s32 $_size__tile_overlayer_lowered;
	s7 =	simm.s32 $_tile_overlayer_lowered  }
0x9c: {  	s22 =	simm.s32 $0x1BFF;
	s21 =	sshll.u32 s7, $0x1;
	s4 =	sadd.s32 s5, s19  }
0x9d: {  	s8 =	simm.s32 $0x0;
	s20 =	sshll.u32 s6, $0x1;
	s6 =	sadd.s32 s21, s4  }
0x9e: {  	[timem:s8], [sflag:s22] =	dma.local [hbm:s6], s20  }
0x9f: {  	_ =	swait.ge [sflag:s22], s20  }
0xa0: {  	s5 =	ssub.s32 $0x0, s20;
	[sflag:s22] =	ssyncset.done $0x0  }
0xa1: {  	[sflag:s22] =	ssyncadd.s32 s5;
	_ =	sdelay $0x1  }
0xa2: {  	s23 =	simm.s32 $0x1B8B  }
0xa3: {  	_ =	swait.ge [sflag:s23], $0x1  }
0xa4: {  	[sflag:s23] =	ssyncset.done $0x0  }
0xa5: {  	s25 =	simm.s32 $0x1B8E;
	s24 =	sld [smem:$0x3FFE];
	[sflag:s23] =	ssyncadd.s32 $0xFFFFFFFF  }
0xa6: {  	s26 =	simm.s32 $execute0_lowered;
	[smem:$0x3FD2] =	sst s25  }
0xa7: {  	s6 =	sshll.u32 s26, $0x1;
	_ =	strace $0x80000046;
	[dreg:$0x1] =	wrdreg $0xFFFFFFFF  }
0xa8: {  	s28 =	simm.s32 $_size_execute0_lowered;
	s4 =	sadd.s32 s4, s6;
	[dreg:$0x0] =	wrdreg $0x0  }
0xa9: {  	s6 =	sshll.u32 s28, $0x1;
	[dreg:$0x2] =	wrdreg s4  }
0xaa: {  	[dreg:$0x3] =	wrdreg s6  }
0xab: {  	[dreg:$0x4] =	wrdreg $0xC0  }
0xac: {  	_ =	task [dreg:s8], $0x5FFFF  }
0xad: {  	[dreg:$0x1] =	wrdreg $0xFFFFFFFF  }
0xae: {  	[dreg:$0x0] =	wrdreg $0x60  }
0xaf: {  	[dreg:$0x2] =	wrdreg s2  }
0xb0: {  	[dreg:$0x3] =	wrdreg s24  }
0xb1: {  	[dreg:$0x4] =	wrdreg s18  }
0xb2: {  	[dreg:$0x5] =	wrdreg $0x88000  }
0xb3: {  	[dreg:$0x6] =	wrdreg $0x9  }
0xb4: {  	_ =	task.clear_ibuf [dreg:s8], $0x7FFFF;
	_ =	strace $0x90000046  }
0xb5: {  	s29 =	simm.s32 $0x9;
	_ =	strace $0x80000048  }
0xb6: {  	_ =	swait.ge [sflag:s29], $0x1  }
0xb7: {  	[sflag:s29] =	ssyncadd.s32 $0xFFFFFFFF  }
0xb8: {  	_ =	strace $0x90000048  }
0xb9: {  	_ =	sfence  }
0xba: {  	s30 =	sld [smem:$0x0];
	_ =	sdelay $0x2  }
0xbb: {  	s31 =	sshll.u32 s1, $0xD;
	s1 =	sshrl.u32 s1, $0x2  }
0xbc: {  	s3 =	sand.u32 $0x4000, s31;
	s1 =	sadd.s32 s1, s30  }
0xbd: {  	s0 =	sor.u32 s3, s0;
	s1 =	sshll.u32 s1, $0x11  }
0xbe: {  	s0 =	sor.u32 s1, s0  }
0xbf: {  	s0 =	sadd.s32 $0x8F2B, s0  }
0xc0: {  	[sflag:s0] =	ssyncadd.remote.s32 $0x1  }
0xc1: {  	_ =	sfence.sel $0xFFFF  }
0xc2: {  	[dreg:$0x0] =	wrdreg $0xFFFFFFFF;
	(pc) =	sbr.abs _section_cstart, $3  }
0xc3: {  	[dreg:$0x1] =	wrdreg $0xFFFFFFFF  }
0xc4: {  	_ =	task.clear_ibuf [dreg:s8], $0x2FFFF;
	_ =	strace $0x9FFFFFFF  }
0xc5: {  	(tm) =	ssettm $0x7FFFFFFF  }
tec
execute0_lowered:
.L_overlay_start_1:
0x0: {  	(tag) =	ssettag $0x1  }
0x1: {  	s1 =	rddreg [dreg:$0x0]  }
0x2: {  	s0 =	rddreg [dreg:$0x1]  }
0x3: {  	s4 =	rddreg [dreg:$0x3];
	s10 =	simm.s32 $0x0  }
0x4: {  	s2 =	srdreg.scid;
	s9 =	stileid.u32;
	s31 =	simm.s32 $0x800  }
0x5: {  	s11 =	simm.s32 $0x4800;
	s12 =	simm.s32 $0x2;
	s13 =	simm.s32 $0x1  }
0x6: {  	[smem:$0x7FF] =	sst s10;
	s2 =	sand.u32 $0x1, s2;
	s3 =	smul.u32 $0x4E000, s9  }
0x7: {  	s6 =	sadd.s32 $0x9E4000, s0;
	s7 =	sadd.s32 $0x2000, s0;
	s24 =	sadd.s32 $0x124800, s4  }
0x8: {  	s16 =	sshll.u32 s9, $0x1;
	s18 =	sadd.s32 $0x128800, s4;
	s20 =	sadd.s32 $0x12C800, s4  }
0x9: {  	s25 =	sadd.s32 $0x130800, s4;
	_ =	strace $0x80000047;
	[dreg:$0x9] =	wrdreg s18  }
0xa: {  	s26 =	sadd.s32 $0x134800, s4;
	p0 =	seq.s32 s9, $0xF;
	[dreg:$0xb] =	wrdreg s20  }
0xb: {  	s5 =	smul.u32 $0x27100, s2;
	s8 =	ssub.s32 $0x2, s2;
	[dreg:$0xd] =	wrdreg s25  }
0xc: {  	s2 =	sor.u32 s2, s16;
	[dreg:$0xe] =	wrdreg s26;
	s18 =	simm.s32 $0x780  }
0xd: {  	[dreg:$0x8] =	wrdreg s24;
	s3 =	sshrl.u32 s3, $0x2;
	s21 =	smul.u32 $0x28000, s2  }
0xe: {  	s14 =	sshrl.u32 s8, $0x1;
	s16 =	smul.u32 $0x50, s2;
	s0 =	sadd.s32 s5, s0  }
0xf: {  	s23 =	sadd.s32 s3, s4;
	s15 =	ssub.s32 s8, s14;
	s14 =	simm.s32 $0x3  }
0x10: {  	s17 =	sadd.s32 $0x4000, s23;
	s19 =	sadd.s32 $0x8000, s23;
	s22 =	sadd.s32 $0xC000, s23  }
0x11: {  	s5 =	sadd.s32 s6, s21;
	s20 =	sor.u32 $0x1, s16;
	[dreg:$0x6] =	wrdreg s23  }
0x12: {  	s21 =	sor.u32 $0x2, s16;
	s0 =	sadd.s32 $0xC000, s0;
	[dreg:$0x7] =	wrdreg s17  }
0x13: {  	s3 =	smax.u32 s15, $0x1;
	s26 =	sor.u32 $0x4, s16;
	[dreg:$0xa] =	wrdreg s19  }
0x14: {  	s28 =	sor.u32 $0x5, s16;
	s29 =	sor.u32 $0x6, s16;
	[dreg:$0xc] =	wrdreg s22  }
0x15: {  	s30 =	sor.u32 $0x7, s16;
	[dreg:$0xf] =	wrdreg s5;
	s19 =	smul.u32 $0x140000, s2  }
0x16: {  	s15 =	simm.s32 $0x700;
	s2 =	smul.u32 $0x2700, s9;
	[dreg:$0x11] =	wrdreg s3  }
0x17: {  	s22 =	sor.u32 $0x3, s16;
	[dreg:$0x10] =	wrdreg s0;
	s3 =	simm.s32 $0x400  }
0x18: {  	s9 =	simm.s32 $0x80;
	s17 =	simm.s32 $0x380;
	s0 =	sadd.s32 @!p0 s2, s0  }
0x19: {  	v0 =	vimm.f32 $0.0e+00;
	s2 =	simm.s32 $0x300;
	[dreg:$0x12] =	wrdreg s0;
	s0 =	simm.s32 $0x4  }
.LBB2_1:
0x1a: {  	[dreg:$0x5] =	wrdreg s10;
	s8 =	simm.s32 $0x0;
	s10 =	simm.s32 $0x200  }
.LBB2_2:
0x1b: {  	p1 =	sne.s32 s10, $0xFE00;
	[tilespmem:s8+$0x4870] =	vst v0  }
0x1c: {  	[tilespmem:s8+$0x4800] =	vst v0  }
0x1d: {  	[tilespmem:s8+$0x4810] =	vst v0  }
.Ltmp0:
0x1e: {  	[tilespmem:s8+$0x4820] =	vst v0;
	(pc) =	sbr.rel @p1 .LBB2_2-.Ltmp0, $4  }
0x1f: {  	[tilespmem:s8+$0x4830] =	vst v0  }
0x20: {  	[tilespmem:s8+$0x4840] =	vst v0  }
0x21: {  	[tilespmem:s8+$0x4850] =	vst v0  }
0x22: {  	[tilespmem:s8+$0x4860] =	vst v0;
	s8 =	sshra.s32 s10, $0x2;
	s10 =	sadd.s32 $0x200, s10  }
0x23: {  	[tilespmem:s8+$0x4870] =	vst v0  }
0x24: {  	[tilespmem:s8+$0x4800] =	vst v0  }
0x25: {  	[tilespmem:s8+$0x4810] =	vst v0  }
0x26: {  	[tilespmem:s8+$0x4820] =	vst v0  }
0x27: {  	[tilespmem:s8+$0x4830] =	vst v0  }
0x28: {  	[tilespmem:s8+$0x4840] =	vst v0  }
0x29: {  	[tilespmem:s8+$0x4850] =	vst v0  }
0x2a: {  	[tilespmem:s8+$0x4860] =	vst v0;
	s8 =	simm.s32 @p0 $0x4800;
	s10 =	simm.s32 @p0 $0x4  }
0x2b: {  	[spmem:s24] =	stream.linear.scatter @p0 [tilespmem:s8], [sflag:$0x4], $0x4000, $0x38;
	[tilespmem:$0x1C080] =	vst v63  }
0x2c: {  	_ =	swait.ge @p0 [sflag:s10], $0x4000  }
0x2d: {  	[sflag:s10] =	ssyncset.done @p0 $0x0  }
0x2e: {  	s5 =	rddreg [dreg:$0x9];
	[sflag:s10] =	ssyncadd.s32 @p0 $0xFFFFC000  }
0x2f: {  	[spmem:s5] =	stream.linear.scatter @p0 [tilespmem:s8], [sflag:$0x4], $0x4000, $0x38;
	[tilespmem:$0x1C080] =	vst v63  }
0x30: {  	_ =	swait.ge @p0 [sflag:s10], $0x4000  }
0x31: {  	[sflag:s10] =	ssyncset.done @p0 $0x0  }
0x32: {  	s5 =	rddreg [dreg:$0xb];
	[sflag:s10] =	ssyncadd.s32 @p0 $0xFFFFC000  }
0x33: {  	[spmem:s5] =	stream.linear.scatter @p0 [tilespmem:s8], [sflag:$0x4], $0x4000, $0x38;
	[tilespmem:$0x1C080] =	vst v63  }
0x34: {  	_ =	swait.ge @p0 [sflag:s10], $0x4000  }
0x35: {  	[sflag:s10] =	ssyncset.done @p0 $0x0  }
0x36: {  	s5 =	rddreg [dreg:$0xd];
	[sflag:s10] =	ssyncadd.s32 @p0 $0xFFFFC000  }
0x37: {  	[spmem:s5] =	stream.linear.scatter @p0 [tilespmem:s8], [sflag:$0x4], $0x4000, $0x38;
	[tilespmem:$0x1C080] =	vst v63  }
0x38: {  	_ =	swait.ge @p0 [sflag:s10], $0x4000  }
0x39: {  	[sflag:s10] =	ssyncset.done @p0 $0x0  }
0x3a: {  	s5 =	rddreg [dreg:$0xe];
	[sflag:s10] =	ssyncadd.s32 @p0 $0xFFFFC000  }
0x3b: {  	[spmem:s5] =	stream.linear.scatter @p0 [tilespmem:s8], [sflag:$0x4], $0x4000, $0x38;
	[tilespmem:$0x1C080] =	vst v63  }
0x3c: {  	_ =	swait.ge @p0 [sflag:s10], $0x4000  }
0x3d: {  	[sflag:s10] =	ssyncset.done @p0 $0x0  }
0x3e: {  	s8 =	simm.s32 @!p0 $0x4800;
	[sflag:s10] =	ssyncadd.s32 @p0 $0xFFFFC000;
	s10 =	simm.s32 @!p0 $0x4  }
0x3f: {  	[spmem:s23] =	stream.linear.scatter @!p0 [tilespmem:s8], [sflag:$0x4], $0x4000, $0x38;
	[tilespmem:$0x1C080] =	vst v63  }
0x40: {  	_ =	swait.ge @!p0 [sflag:s10], $0x4000  }
0x41: {  	[sflag:s10] =	ssyncset.done @!p0 $0x0  }
0x42: {  	s5 =	rddreg [dreg:$0x7];
	[sflag:s10] =	ssyncadd.s32 @!p0 $0xFFFFC000  }
0x43: {  	[spmem:s5] =	stream.linear.scatter @!p0 [tilespmem:s8], [sflag:$0x4], $0x4000, $0x38;
	[tilespmem:$0x1C080] =	vst v63  }
0x44: {  	_ =	swait.ge @!p0 [sflag:s10], $0x4000  }
0x45: {  	[sflag:s10] =	ssyncset.done @!p0 $0x0  }
0x46: {  	s5 =	rddreg [dreg:$0xa];
	[sflag:s10] =	ssyncadd.s32 @!p0 $0xFFFFC000  }
0x47: {  	[spmem:s5] =	stream.linear.scatter @!p0 [tilespmem:s8], [sflag:$0x4], $0x4000, $0x38;
	[tilespmem:$0x1C080] =	vst v63  }
0x48: {  	_ =	swait.ge @!p0 [sflag:s10], $0x4000  }
0x49: {  	[sflag:s10] =	ssyncset.done @!p0 $0x0  }
0x4a: {  	s5 =	rddreg [dreg:$0xc];
	[sflag:s10] =	ssyncadd.s32 @!p0 $0xFFFFC000  }
0x4b: {  	[spmem:s5] =	stream.linear.scatter @!p0 [tilespmem:s8], [sflag:$0x4], $0x7800, $0x38;
	[tilespmem:$0x1C080] =	vst v63  }
0x4c: {  	_ =	swait.ge @!p0 [sflag:s10], $0x7800  }
0x4d: {  	[sflag:s10] =	ssyncset.done @!p0 $0x0  }
0x4e: {  	[sflag:s10] =	ssyncadd.s32 @!p0 $0xFFFF8800  }
0x4f: {  	[bflag:$0x0] =	sbarrier.arrive $0xFFFF  }
0x50: {  	s24 =	simm.s32 $0x0;
	s25 =	rddreg [dreg:$0xf]  }
0x51: {  	[tilespmem:s31], [sflag:$0x1] =	stream.linear.gather [hbm4b:s25+s24], $0x4000, $0x38;
	[tilespmem:$0x1C080] =	vst v63  }
0x52: {  	s25 =	simm.s32 $0x0  }
.LBB2_4:
0x53: {  	p1 =	seq.s32 s25, $0x0  }
0x54: {  	s8 =	simm.s32 @!p1 $0x3  }
0x55: {  	s10 =	sshll.u32 @!p1 s25, $0x11;
	_ =	swait.ge @!p1 [sflag:s8], $0x4000  }
0x56: {  	s10 =	sadd.s32 @!p1 s19, s10;
	[sflag:s8] =	ssyncset.done @!p1 $0x0  }
0x57: {  	[sflag:s8] =	ssyncadd.s32 @!p1 $0xFFFFC000;
	s8 =	sshrl.u32 @!p1 s10, $0x3  }
0x58: {  	s23 =	simm.s32 @!p1 $0x800;
	s10 =	simm.s32 @!p1 $0x0;
	s8 =	sadd.s32 @!p1 s6, s8  }
0x59: {  	[tilespmem:s23], [sflag:$0x1] =	stream.linear.gather @!p1 [hbm4b:s8+s10], $0x4000, $0x38;
	[tilespmem:$0x1C080] =	vst v63  }
0x5a: {  	s23 =	sshll.u32 s25, $0x3  }
0x5b: {  	s10 =	sadd.s32 s16, s23  }
0x5c: {  	s8 =	sshll.u32 s10, $0x4  }
0x5d: {  	s5 =	sadd.s32 s7, s8  }
0x5e: {  	[tilespmem:s24], [sflag:$0x4] =	stream.linear.gather [hbm4b:s5+s24], $0x400, $0x38;
	[tilespmem:$0x1C080] =	vst v63  }
0x5f: {  	_ =	swait.ge [sflag:s0], $0x400  }
0x60: {  	[sflag:s0] =	ssyncset.done $0x0  }
0x61: {  	[sflag:s0] =	ssyncadd.s32 $0xFFFFFC00  }
0x62: {  	s5 =	rddreg [dreg:$0x2]  }
0x63: {  	s8 =	sadd.s32 s5, s8  }
0x64: {  	[tilespmem:s3], [sflag:$0x4] =	stream.linear.gather [hbm4b:s8+s24], $0x400, $0x38;
	[tilespmem:$0x1C080] =	vst v63  }
0x65: {  	_ =	swait.ge [sflag:s0], $0x400  }
0x66: {  	[sflag:s0] =	ssyncset.done $0x0  }
0x67: {  	[sflag:s0] =	ssyncadd.s32 $0xFFFFFC00  }
0x68: {  	[tilespmem:s11], [sflag:$0x2] =	stream.indirect.gather [hbm4b:s1+s9], $0x80, s24, s9, $0xb8;
	[tilespmem:$0x1C080] =	vst v63  }
0x69: {  	_ =	swait.ge [sflag:s12], $0x4000  }
0x6a: {  	[sflag:s12] =	ssyncset.done $0x0  }
0x6b: {  	[sflag:s12] =	ssyncadd.s32 $0xFFFFC000  }
0x6c: {  	_ =	swait.ge [sflag:s13], $0x4000  }
0x6d: {  	[sflag:s13] =	ssyncset.done $0x0  }
0x6e: {  	s10 =	simm.s32 $0x0;
	[sflag:s13] =	ssyncadd.s32 $0xFFFFC000  }
0x6f: {  	v7 =	vld [tilespmem:s10+$0x4800]  }
0x70: {  	v8 =	vld [tilespmem:s10+$0x4810]  }
0x71: {  	v9 =	vld [tilespmem:s10+$0x4820]  }
0x72: {  	v10 =	vld [tilespmem:s10+$0x4830]  }
0x73: {  	v11 =	vld [tilespmem:s10+$0x4840]  }
0x74: {  	v12 =	vld [tilespmem:s10+$0x4850]  }
0x75: {  	v13 =	vld [tilespmem:s10+$0x4860]  }
0x76: {  	v14 =	vld [tilespmem:s10+$0x4870]  }
0x77: {  	v15 =	vld [tilespmem:s10+$0x4880]  }
0x78: {  	v16 =	vld [tilespmem:s10+$0x4890]  }
0x79: {  	v6 =	vld [tilespmem:s10+$0x48A0]  }
0x7a: {  	v5 =	vld [tilespmem:s10+$0x48B0]  }
0x7b: {  	v4 =	vld [tilespmem:s10+$0x48C0]  }
0x7c: {  	v17 =	vld [tilespmem:s10+$0x800]  }
0x7d: {  	v18 =	vld [tilespmem:s10+$0x810]  }
0x7e: {  	v3 =	vld [tilespmem:s10+$0x48D0]  }
0x7f: {  	v19 =	vld [tilespmem:s10+$0x820]  }
0x80: {  	v20 =	vld [tilespmem:s10+$0x830]  }
0x81: {  	v2 =	vld [tilespmem:s10+$0x48E0];
	v7 =	vadd.f32 v17, v7  }
0x82: {  	v21 =	vld [tilespmem:s10+$0x840];
	v8 =	vadd.f32 v18, v8  }
0x83: {  	v60 =	vld [tilespmem:s10+$0x850];
	v7 =	vmax.f32 v7, $0.0e+00  }
0x84: {  	v1 =	vld [tilespmem:s10+$0x48F0];
	v8 =	vmax.f32 v8, $0.0e+00;
	[tilespmem:s10+$0x800] =	vst v7;
	v7 =	vadd.f32 v19, v9  }
0x85: {  	v22 =	vld [tilespmem:s10+$0x860];
	[tilespmem:s10+$0x810] =	vst v8;
	v8 =	vadd.f32 v20, v10  }
0x86: {  	v61 =	vld [tilespmem:s10+$0x870];
	v7 =	vmax.f32 v7, $0.0e+00  }
0x87: {  	v62 =	vld [tilespmem:s10+$0x880];
	v9 =	vmax.f32 v8, $0.0e+00;
	[tilespmem:s10+$0x820] =	vst v7;
	v7 =	vadd.f32 v21, v11  }
0x88: {  	v63 =	vld [tilespmem:s10+$0x890];
	[tilespmem:s10+$0x830] =	vst v9;
	v9 =	vadd.f32 v60, v12  }
0x89: {  	v8 =	vld [tilespmem:s10+$0x8A0];
	v10 =	vmax.f32 v7, $0.0e+00  }
0x8a: {  	v7 =	vld [tilespmem:s10+$0x8B0];
	v11 =	vmax.f32 v9, $0.0e+00;
	[tilespmem:s10+$0x840] =	vst v10;
	v10 =	vadd.f32 v22, v13  }
0x8b: {  	v9 =	vld [tilespmem:s10+$0x8C0];
	[tilespmem:s10+$0x850] =	vst v11;
	v11 =	vadd.f32 v61, v14  }
0x8c: {  	v13 =	vadd.f32 v62, v15;
	v12 =	vmax.f32 v10, $0.0e+00;
	v10 =	vld [tilespmem:s10+$0x8D0]  }
0x8d: {  	s8 =	simm.s32 $0x400;
	v14 =	vmax.f32 v11, $0.0e+00;
	v11 =	vld [tilespmem:s10+$0x8E0];
	[tilespmem:s10+$0x860] =	vst v12;
	v12 =	vadd.f32 v63, v16  }
.LBB2_5:
0x8e: {  	s5 =	sshra.s32 s8, $0x2;
	p1 =	sne.s32 s8, $0xFC00;
	[tilespmem:s10+$0x870] =	vst v14;
	v13 =	vmax.f32 v13, $0.0e+00;
	v6 =	vadd.f32 v8, v6;
	v8 =	vld [tilespmem:s10+$0x8F0]  }
0x8f: {  	v14 =	vld [tilespmem:s5+$0x4800];
	[tilespmem:s10+$0x880] =	vst v13;
	v12 =	vmax.f32 v12, $0.0e+00;
	v5 =	vadd.f32 v7, v5  }
0x90: {  	v7 =	vld [tilespmem:s5+$0x4810];
	[tilespmem:s10+$0x890] =	vst v12;
	v6 =	vmax.f32 v6, $0.0e+00;
	v4 =	vadd.f32 v9, v4  }
0x91: {  	v9 =	vld [tilespmem:s5+$0x4820];
	[tilespmem:s10+$0x8A0] =	vst v6;
	v5 =	vmax.f32 v5, $0.0e+00;
	v3 =	vadd.f32 v10, v3  }
0x92: {  	v10 =	vld [tilespmem:s5+$0x4830];
	[tilespmem:s10+$0x8B0] =	vst v5;
	v4 =	vmax.f32 v4, $0.0e+00;
	v2 =	vadd.f32 v11, v2  }
0x93: {  	v11 =	vld [tilespmem:s5+$0x4840];
	[tilespmem:s10+$0x8C0] =	vst v4;
	v3 =	vmax.f32 v3, $0.0e+00;
	v1 =	vadd.f32 v8, v1  }
0x94: {  	v8 =	vld [tilespmem:s5+$0x4850];
	[tilespmem:s10+$0x8D0] =	vst v3;
	v2 =	vmax.f32 v2, $0.0e+00  }
0x95: {  	v12 =	vld [tilespmem:s5+$0x4860];
	[tilespmem:s10+$0x8E0] =	vst v2;
	v1 =	vmax.f32 v1, $0.0e+00  }
0x96: {  	v13 =	vld [tilespmem:s5+$0x4870];
	[tilespmem:s10+$0x8F0] =	vst v1;
	s10 =	smov.u32 s5  }
0x97: {  	v15 =	vld [tilespmem:s10+$0x4880]  }
0x98: {  	v16 =	vld [tilespmem:s10+$0x4890]  }
0x99: {  	v6 =	vld [tilespmem:s10+$0x48A0]  }
0x9a: {  	v5 =	vld [tilespmem:s10+$0x48B0]  }
0x9b: {  	v4 =	vld [tilespmem:s10+$0x48C0]  }
0x9c: {  	v3 =	vld [tilespmem:s10+$0x48D0]  }
0x9d: {  	v2 =	vld [tilespmem:s10+$0x48E0]  }
0x9e: {  	v1 =	vld [tilespmem:s10+$0x48F0]  }
0x9f: {  	v17 =	vld [tilespmem:s10+$0x800]  }
0xa0: {  	v18 =	vld [tilespmem:s10+$0x810]  }
0xa1: {  	v19 =	vld [tilespmem:s10+$0x820]  }
0xa2: {  	v20 =	vld [tilespmem:s10+$0x830]  }
0xa3: {  	v21 =	vld [tilespmem:s10+$0x840]  }
0xa4: {  	v14 =	vadd.f32 v17, v14;
	v17 =	vld [tilespmem:s10+$0x850]  }
0xa5: {  	v7 =	vadd.f32 v18, v7;
	v18 =	vld [tilespmem:s10+$0x860]  }
0xa6: {  	v14 =	vmax.f32 v14, $0.0e+00;
	v9 =	vadd.f32 v19, v9;
	v19 =	vld [tilespmem:s10+$0x870]  }
0xa7: {  	[tilespmem:s10+$0x800] =	vst v14;
	v7 =	vmax.f32 v7, $0.0e+00;
	v10 =	vadd.f32 v20, v10;
	v14 =	vld [tilespmem:s10+$0x880]  }
0xa8: {  	[tilespmem:s10+$0x810] =	vst v7;
	v7 =	vmax.f32 v9, $0.0e+00;
	v9 =	vadd.f32 v21, v11;
	v11 =	vld [tilespmem:s10+$0x890]  }
.Ltmp1:
0xa9: {  	[tilespmem:s10+$0x820] =	vst v7;
	v7 =	vmax.f32 v10, $0.0e+00;
	v10 =	vadd.f32 v17, v8;
	v8 =	vld [tilespmem:s10+$0x8A0];
	(pc) =	sbr.rel @p1 .LBB2_5-.Ltmp1, $4  }
0xaa: {  	[tilespmem:s10+$0x830] =	vst v7;
	v9 =	vmax.f32 v9, $0.0e+00;
	v12 =	vadd.f32 v18, v12;
	v7 =	vld [tilespmem:s10+$0x8B0]  }
0xab: {  	[tilespmem:s10+$0x840] =	vst v9;
	v10 =	vmax.f32 v10, $0.0e+00;
	v17 =	vadd.f32 v19, v13;
	v9 =	vld [tilespmem:s10+$0x8C0]  }
0xac: {  	[tilespmem:s10+$0x850] =	vst v10;
	v12 =	vmax.f32 v12, $0.0e+00;
	v13 =	vadd.f32 v14, v15;
	v10 =	vld [tilespmem:s10+$0x8D0]  }
0xad: {  	s8 =	sadd.s32 $0x400, s8;
	[tilespmem:s10+$0x860] =	vst v12;
	v14 =	vmax.f32 v17, $0.0e+00;
	v12 =	vadd.f32 v11, v16;
	v11 =	vld [tilespmem:s10+$0x8E0]  }
0xae: {  	[tilespmem:s10+$0x870] =	vst v14;
	v13 =	vmax.f32 v13, $0.0e+00;
	v6 =	vadd.f32 v8, v6;
	v8 =	vld [tilespmem:s10+$0x8F0]  }
0xaf: {  	[tilespmem:s10+$0x880] =	vst v13;
	v12 =	vmax.f32 v12, $0.0e+00;
	v5 =	vadd.f32 v7, v5  }
0xb0: {  	[tilespmem:s10+$0x890] =	vst v12;
	v6 =	vmax.f32 v6, $0.0e+00;
	v4 =	vadd.f32 v9, v4  }
0xb1: {  	[tilespmem:s10+$0x8A0] =	vst v6;
	v5 =	vmax.f32 v5, $0.0e+00;
	v3 =	vadd.f32 v10, v3  }
0xb2: {  	[tilespmem:s10+$0x8B0] =	vst v5;
	v4 =	vmax.f32 v4, $0.0e+00;
	v2 =	vadd.f32 v11, v2  }
0xb3: {  	[tilespmem:s10+$0x8C0] =	vst v4;
	v3 =	vmax.f32 v3, $0.0e+00;
	v1 =	vadd.f32 v8, v1  }
0xb4: {  	[tilespmem:s10+$0x8D0] =	vst v3;
	v2 =	vmax.f32 v2, $0.0e+00  }
0xb5: {  	[tilespmem:s10+$0x8E0] =	vst v2;
	v1 =	vmax.f32 v1, $0.0e+00  }
0xb6: {  	[tilespmem:s10+$0x8F0] =	vst v1  }
0xb7: {  	[spmem:s4] =	stream.indirect.scatter.add.f32 [tilespmem:s31], [sflag:$0x3], $0x80, s3, s9, $0xb8;
	[tilespmem:$0x1C080] =	vst v63  }
0xb8: {  	s5 =	sadd.s32 s23, s20  }
0xb9: {  	[tilespmem:s11], [sflag:$0x2] =	stream.indirect.gather [hbm4b:s1+s9], $0x80, s9, s9, $0xb8;
	[tilespmem:$0x1C080] =	vst v63  }
0xba: {  	s5 =	sshll.u32 s5, $0xB;
	_ =	swait.ge [sflag:s14], $0x4000  }
0xbb: {  	s5 =	sand.u32 $0x1FFFC800, s5;
	[sflag:s14] =	ssyncset.done $0x0  }
0xbc: {  	s8 =	simm.s32 $0x0;
	s5 =	sadd.s32 s6, s5;
	[sflag:s14] =	ssyncadd.s32 $0xFFFFC000  }
0xbd: {  	[tilespmem:s31], [sflag:$0x1] =	stream.linear.gather [hbm4b:s5+s8], $0x4000, $0x38;
	[tilespmem:$0x1C080] =	vst v63  }
0xbe: {  	_ =	swait.ge [sflag:s12], $0x4000  }
0xbf: {  	[sflag:s12] =	ssyncset.done $0x0  }
0xc0: {  	[sflag:s12] =	ssyncadd.s32 $0xFFFFC000  }
0xc1: {  	_ =	swait.ge [sflag:s13], $0x4000  }
0xc2: {  	[sflag:s13] =	ssyncset.done $0x0  }
0xc3: {  	s10 =	simm.s32 $0x0;
	[sflag:s13] =	ssyncadd.s32 $0xFFFFC000  }
0xc4: {  	v7 =	vld [tilespmem:s10+$0x4800]  }
0xc5: {  	v8 =	vld [tilespmem:s10+$0x4810]  }
0xc6: {  	v9 =	vld [tilespmem:s10+$0x4820]  }
0xc7: {  	v10 =	vld [tilespmem:s10+$0x4830]  }
0xc8: {  	v11 =	vld [tilespmem:s10+$0x4840]  }
0xc9: {  	v12 =	vld [tilespmem:s10+$0x4850]  }
0xca: {  	v13 =	vld [tilespmem:s10+$0x4860]  }
0xcb: {  	v14 =	vld [tilespmem:s10+$0x4870]  }
0xcc: {  	v15 =	vld [tilespmem:s10+$0x4880]  }
0xcd: {  	v16 =	vld [tilespmem:s10+$0x4890]  }
0xce: {  	v6 =	vld [tilespmem:s10+$0x48A0]  }
0xcf: {  	v5 =	vld [tilespmem:s10+$0x48B0]  }
0xd0: {  	v4 =	vld [tilespmem:s10+$0x48C0]  }
0xd1: {  	v17 =	vld [tilespmem:s10+$0x800]  }
0xd2: {  	v18 =	vld [tilespmem:s10+$0x810]  }
0xd3: {  	v3 =	vld [tilespmem:s10+$0x48D0]  }
0xd4: {  	v19 =	vld [tilespmem:s10+$0x820]  }
0xd5: {  	v20 =	vld [tilespmem:s10+$0x830]  }
0xd6: {  	v2 =	vld [tilespmem:s10+$0x48E0];
	v7 =	vadd.f32 v17, v7  }
0xd7: {  	v21 =	vld [tilespmem:s10+$0x840];
	v8 =	vadd.f32 v18, v8  }
0xd8: {  	v60 =	vld [tilespmem:s10+$0x850];
	v7 =	vmax.f32 v7, $0.0e+00  }
0xd9: {  	v1 =	vld [tilespmem:s10+$0x48F0];
	v8 =	vmax.f32 v8, $0.0e+00;
	[tilespmem:s10+$0x800] =	vst v7;
	v7 =	vadd.f32 v19, v9  }
0xda: {  	v22 =	vld [tilespmem:s10+$0x860];
	[tilespmem:s10+$0x810] =	vst v8;
	v8 =	vadd.f32 v20, v10  }
0xdb: {  	v61 =	vld [tilespmem:s10+$0x870];
	v7 =	vmax.f32 v7, $0.0e+00  }
0xdc: {  	v62 =	vld [tilespmem:s10+$0x880];
	v9 =	vmax.f32 v8, $0.0e+00;
	[tilespmem:s10+$0x820] =	vst v7;
	v7 =	vadd.f32 v21, v11  }
0xdd: {  	v63 =	vld [tilespmem:s10+$0x890];
	[tilespmem:s10+$0x830] =	vst v9;
	v9 =	vadd.f32 v60, v12  }
0xde: {  	v8 =	vld [tilespmem:s10+$0x8A0];
	v10 =	vmax.f32 v7, $0.0e+00  }
0xdf: {  	v7 =	vld [tilespmem:s10+$0x8B0];
	v11 =	vmax.f32 v9, $0.0e+00;
	[tilespmem:s10+$0x840] =	vst v10;
	v10 =	vadd.f32 v22, v13  }
0xe0: {  	v9 =	vld [tilespmem:s10+$0x8C0];
	[tilespmem:s10+$0x850] =	vst v11;
	v11 =	vadd.f32 v61, v14  }
0xe1: {  	v13 =	vadd.f32 v62, v15;
	v12 =	vmax.f32 v10, $0.0e+00;
	v10 =	vld [tilespmem:s10+$0x8D0]  }
0xe2: {  	s8 =	simm.s32 $0x400;
	v14 =	vmax.f32 v11, $0.0e+00;
	v11 =	vld [tilespmem:s10+$0x8E0];
	[tilespmem:s10+$0x860] =	vst v12;
	v12 =	vadd.f32 v63, v16  }
.LBB2_7:
0xe3: {  	s5 =	sshra.s32 s8, $0x2;
	p1 =	sne.s32 s8, $0xFC00;
	[tilespmem:s10+$0x870] =	vst v14;
	v13 =	vmax.f32 v13, $0.0e+00;
	v6 =	vadd.f32 v8, v6;
	v8 =	vld [tilespmem:s10+$0x8F0]  }
0xe4: {  	v14 =	vld [tilespmem:s5+$0x4800];
	[tilespmem:s10+$0x880] =	vst v13;
	v12 =	vmax.f32 v12, $0.0e+00;
	v5 =	vadd.f32 v7, v5  }
0xe5: {  	v7 =	vld [tilespmem:s5+$0x4810];
	[tilespmem:s10+$0x890] =	vst v12;
	v6 =	vmax.f32 v6, $0.0e+00;
	v4 =	vadd.f32 v9, v4  }
0xe6: {  	v9 =	vld [tilespmem:s5+$0x4820];
	[tilespmem:s10+$0x8A0] =	vst v6;
	v5 =	vmax.f32 v5, $0.0e+00;
	v3 =	vadd.f32 v10, v3  }
0xe7: {  	v10 =	vld [tilespmem:s5+$0x4830];
	[tilespmem:s10+$0x8B0] =	vst v5;
	v4 =	vmax.f32 v4, $0.0e+00;
	v2 =	vadd.f32 v11, v2  }
0xe8: {  	v11 =	vld [tilespmem:s5+$0x4840];
	[tilespmem:s10+$0x8C0] =	vst v4;
	v3 =	vmax.f32 v3, $0.0e+00;
	v1 =	vadd.f32 v8, v1  }
0xe9: {  	v8 =	vld [tilespmem:s5+$0x4850];
	[tilespmem:s10+$0x8D0] =	vst v3;
	v2 =	vmax.f32 v2, $0.0e+00  }
0xea: {  	v12 =	vld [tilespmem:s5+$0x4860];
	[tilespmem:s10+$0x8E0] =	vst v2;
	v1 =	vmax.f32 v1, $0.0e+00  }
0xeb: {  	v13 =	vld [tilespmem:s5+$0x4870];
	[tilespmem:s10+$0x8F0] =	vst v1;
	s10 =	smov.u32 s5  }
0xec: {  	v15 =	vld [tilespmem:s10+$0x4880]  }
0xed: {  	v16 =	vld [tilespmem:s10+$0x4890]  }
0xee: {  	v6 =	vld [tilespmem:s10+$0x48A0]  }
0xef: {  	v5 =	vld [tilespmem:s10+$0x48B0]  }
0xf0: {  	v4 =	vld [tilespmem:s10+$0x48C0]  }
0xf1: {  	v3 =	vld [tilespmem:s10+$0x48D0]  }
0xf2: {  	v2 =	vld [tilespmem:s10+$0x48E0]  }
0xf3: {  	v1 =	vld [tilespmem:s10+$0x48F0]  }
0xf4: {  	v17 =	vld [tilespmem:s10+$0x800]  }
0xf5: {  	v18 =	vld [tilespmem:s10+$0x810]  }
0xf6: {  	v19 =	vld [tilespmem:s10+$0x820]  }
0xf7: {  	v20 =	vld [tilespmem:s10+$0x830]  }
0xf8: {  	v21 =	vld [tilespmem:s10+$0x840]  }
0xf9: {  	v14 =	vadd.f32 v17, v14;
	v17 =	vld [tilespmem:s10+$0x850]  }
0xfa: {  	v7 =	vadd.f32 v18, v7;
	v18 =	vld [tilespmem:s10+$0x860]  }
0xfb: {  	v14 =	vmax.f32 v14, $0.0e+00;
	v9 =	vadd.f32 v19, v9;
	v19 =	vld [tilespmem:s10+$0x870]  }
0xfc: {  	[tilespmem:s10+$0x800] =	vst v14;
	v7 =	vmax.f32 v7, $0.0e+00;
	v10 =	vadd.f32 v20, v10;
	v14 =	vld [tilespmem:s10+$0x880]  }
0xfd: {  	[tilespmem:s10+$0x810] =	vst v7;
	v7 =	vmax.f32 v9, $0.0e+00;
	v9 =	vadd.f32 v21, v11;
	v11 =	vld [tilespmem:s10+$0x890]  }
.Ltmp2:
0xfe: {  	[tilespmem:s10+$0x820] =	vst v7;
	v7 =	vmax.f32 v10, $0.0e+00;
	v10 =	vadd.f32 v17, v8;
	v8 =	vld [tilespmem:s10+$0x8A0];
	(pc) =	sbr.rel @p1 .LBB2_7-.Ltmp2, $4  }
0xff: {  	[tilespmem:s10+$0x830] =	vst v7;
	v9 =	vmax.f32 v9, $0.0e+00;
	v12 =	vadd.f32 v18, v12;
	v7 =	vld [tilespmem:s10+$0x8B0]  }
0x100: {  	[tilespmem:s10+$0x840] =	vst v9;
	v10 =	vmax.f32 v10, $0.0e+00;
	v17 =	vadd.f32 v19, v13;
	v9 =	vld [tilespmem:s10+$0x8C0]  }
0x101: {  	[tilespmem:s10+$0x850] =	vst v10;
	v12 =	vmax.f32 v12, $0.0e+00;
	v13 =	vadd.f32 v14, v15;
	v10 =	vld [tilespmem:s10+$0x8D0]  }
0x102: {  	s8 =	sadd.s32 $0x400, s8;
	[tilespmem:s10+$0x860] =	vst v12;
	v14 =	vmax.f32 v17, $0.0e+00;
	v12 =	vadd.f32 v11, v16;
	v11 =	vld [tilespmem:s10+$0x8E0]  }
0x103: {  	[tilespmem:s10+$0x870] =	vst v14;
	v13 =	vmax.f32 v13, $0.0e+00;
	v6 =	vadd.f32 v8, v6;
	v8 =	vld [tilespmem:s10+$0x8F0]  }
0x104: {  	[tilespmem:s10+$0x880] =	vst v13;
	v12 =	vmax.f32 v12, $0.0e+00;
	v5 =	vadd.f32 v7, v5  }
0x105: {  	[tilespmem:s10+$0x890] =	vst v12;
	v6 =	vmax.f32 v6, $0.0e+00;
	v4 =	vadd.f32 v9, v4  }
0x106: {  	[tilespmem:s10+$0x8A0] =	vst v6;
	v5 =	vmax.f32 v5, $0.0e+00;
	v3 =	vadd.f32 v10, v3  }
0x107: {  	[tilespmem:s10+$0x8B0] =	vst v5;
	v4 =	vmax.f32 v4, $0.0e+00;
	v2 =	vadd.f32 v11, v2  }
0x108: {  	[tilespmem:s10+$0x8C0] =	vst v4;
	v3 =	vmax.f32 v3, $0.0e+00;
	v1 =	vadd.f32 v8, v1  }
0x109: {  	[tilespmem:s10+$0x8D0] =	vst v3;
	v2 =	vmax.f32 v2, $0.0e+00  }
0x10a: {  	[tilespmem:s10+$0x8E0] =	vst v2;
	v1 =	vmax.f32 v1, $0.0e+00  }
0x10b: {  	s5 =	simm.s32 $0x480;
	[tilespmem:s10+$0x8F0] =	vst v1  }
0x10c: {  	[spmem:s4] =	stream.indirect.scatter.add.f32 [tilespmem:s31], [sflag:$0x3], $0x80, s5, s9, $0xb8;
	[tilespmem:$0x1C080] =	vst v63  }
0x10d: {  	s8 =	simm.s32 $0x100;
	s10 =	sadd.s32 s23, s21  }
0x10e: {  	[tilespmem:s11], [sflag:$0x2] =	stream.indirect.gather [hbm4b:s1+s9], $0x80, s8, s9, $0xb8;
	[tilespmem:$0x1C080] =	vst v63  }
0x10f: {  	s5 =	sshll.u32 s10, $0xB;
	_ =	swait.ge [sflag:s14], $0x4000  }
0x110: {  	s5 =	sand.u32 $0x1FFFD000, s5;
	[sflag:s14] =	ssyncset.done $0x0  }
0x111: {  	s5 =	sadd.s32 s6, s5;
	s8 =	simm.s32 $0x0;
	[sflag:s14] =	ssyncadd.s32 $0xFFFFC000  }
0x112: {  	[tilespmem:s31], [sflag:$0x1] =	stream.linear.gather [hbm4b:s5+s8], $0x4000, $0x38;
	[tilespmem:$0x1C080] =	vst v63  }
0x113: {  	_ =	swait.ge [sflag:s12], $0x4000  }
0x114: {  	[sflag:s12] =	ssyncset.done $0x0  }
0x115: {  	[sflag:s12] =	ssyncadd.s32 $0xFFFFC000  }
0x116: {  	_ =	swait.ge [sflag:s13], $0x4000  }
0x117: {  	[sflag:s13] =	ssyncset.done $0x0  }
0x118: {  	s10 =	simm.s32 $0x0;
	[sflag:s13] =	ssyncadd.s32 $0xFFFFC000  }
0x119: {  	v7 =	vld [tilespmem:s10+$0x4800]  }
0x11a: {  	v8 =	vld [tilespmem:s10+$0x4810]  }
0x11b: {  	v9 =	vld [tilespmem:s10+$0x4820]  }
0x11c: {  	v10 =	vld [tilespmem:s10+$0x4830]  }
0x11d: {  	v11 =	vld [tilespmem:s10+$0x4840]  }
0x11e: {  	v12 =	vld [tilespmem:s10+$0x4850]  }
0x11f: {  	v13 =	vld [tilespmem:s10+$0x4860]  }
0x120: {  	v14 =	vld [tilespmem:s10+$0x4870]  }
0x121: {  	v15 =	vld [tilespmem:s10+$0x4880]  }
0x122: {  	v16 =	vld [tilespmem:s10+$0x4890]  }
0x123: {  	v6 =	vld [tilespmem:s10+$0x48A0]  }
0x124: {  	v5 =	vld [tilespmem:s10+$0x48B0]  }
0x125: {  	v4 =	vld [tilespmem:s10+$0x48C0]  }
0x126: {  	v17 =	vld [tilespmem:s10+$0x800]  }
0x127: {  	v18 =	vld [tilespmem:s10+$0x810]  }
0x128: {  	v3 =	vld [tilespmem:s10+$0x48D0]  }
0x129: {  	v19 =	vld [tilespmem:s10+$0x820]  }
0x12a: {  	v20 =	vld [tilespmem:s10+$0x830]  }
0x12b: {  	v2 =	vld [tilespmem:s10+$0x48E0];
	v7 =	vadd.f32 v17, v7  }
0x12c: {  	v21 =	vld [tilespmem:s10+$0x840];
	v8 =	vadd.f32 v18, v8  }
0x12d: {  	v60 =	vld [tilespmem:s10+$0x850];
	v7 =	vmax.f32 v7, $0.0e+00  }
0x12e: {  	v1 =	vld [tilespmem:s10+$0x48F0];
	v8 =	vmax.f32 v8, $0.0e+00;
	[tilespmem:s10+$0x800] =	vst v7;
	v7 =	vadd.f32 v19, v9  }
0x12f: {  	v22 =	vld [tilespmem:s10+$0x860];
	[tilespmem:s10+$0x810] =	vst v8;
	v8 =	vadd.f32 v20, v10  }
0x130: {  	v61 =	vld [tilespmem:s10+$0x870];
	v7 =	vmax.f32 v7, $0.0e+00  }
0x131: {  	v62 =	vld [tilespmem:s10+$0x880];
	v9 =	vmax.f32 v8, $0.0e+00;
	[tilespmem:s10+$0x820] =	vst v7;
	v7 =	vadd.f32 v21, v11  }
0x132: {  	v63 =	vld [tilespmem:s10+$0x890];
	[tilespmem:s10+$0x830] =	vst v9;
	v9 =	vadd.f32 v60, v12  }
0x133: {  	v8 =	vld [tilespmem:s10+$0x8A0];
	v10 =	vmax.f32 v7, $0.0e+00  }
0x134: {  	v7 =	vld [tilespmem:s10+$0x8B0];
	v11 =	vmax.f32 v9, $0.0e+00;
	[tilespmem:s10+$0x840] =	vst v10;
	v10 =	vadd.f32 v22, v13  }
0x135: {  	v9 =	vld [tilespmem:s10+$0x8C0];
	[tilespmem:s10+$0x850] =	vst v11;
	v11 =	vadd.f32 v61, v14  }
0x136: {  	v13 =	vadd.f32 v62, v15;
	v12 =	vmax.f32 v10, $0.0e+00;
	v10 =	vld [tilespmem:s10+$0x8D0]  }
0x137: {  	s8 =	simm.s32 $0x400;
	v14 =	vmax.f32 v11, $0.0e+00;
	v11 =	vld [tilespmem:s10+$0x8E0];
	[tilespmem:s10+$0x860] =	vst v12;
	v12 =	vadd.f32 v63, v16  }
.LBB2_9:
0x138: {  	s5 =	sshra.s32 s8, $0x2;
	p1 =	sne.s32 s8, $0xFC00;
	[tilespmem:s10+$0x870] =	vst v14;
	v13 =	vmax.f32 v13, $0.0e+00;
	v6 =	vadd.f32 v8, v6;
	v8 =	vld [tilespmem:s10+$0x8F0]  }
0x139: {  	v14 =	vld [tilespmem:s5+$0x4800];
	[tilespmem:s10+$0x880] =	vst v13;
	v12 =	vmax.f32 v12, $0.0e+00;
	v5 =	vadd.f32 v7, v5  }
0x13a: {  	v7 =	vld [tilespmem:s5+$0x4810];
	[tilespmem:s10+$0x890] =	vst v12;
	v6 =	vmax.f32 v6, $0.0e+00;
	v4 =	vadd.f32 v9, v4  }
0x13b: {  	v9 =	vld [tilespmem:s5+$0x4820];
	[tilespmem:s10+$0x8A0] =	vst v6;
	v5 =	vmax.f32 v5, $0.0e+00;
	v3 =	vadd.f32 v10, v3  }
0x13c: {  	v10 =	vld [tilespmem:s5+$0x4830];
	[tilespmem:s10+$0x8B0] =	vst v5;
	v4 =	vmax.f32 v4, $0.0e+00;
	v2 =	vadd.f32 v11, v2  }
0x13d: {  	v11 =	vld [tilespmem:s5+$0x4840];
	[tilespmem:s10+$0x8C0] =	vst v4;
	v3 =	vmax.f32 v3, $0.0e+00;
	v1 =	vadd.f32 v8, v1  }
0x13e: {  	v8 =	vld [tilespmem:s5+$0x4850];
	[tilespmem:s10+$0x8D0] =	vst v3;
	v2 =	vmax.f32 v2, $0.0e+00  }
0x13f: {  	v12 =	vld [tilespmem:s5+$0x4860];
	[tilespmem:s10+$0x8E0] =	vst v2;
	v1 =	vmax.f32 v1, $0.0e+00  }
0x140: {  	v13 =	vld [tilespmem:s5+$0x4870];
	[tilespmem:s10+$0x8F0] =	vst v1;
	s10 =	smov.u32 s5  }
0x141: {  	v15 =	vld [tilespmem:s10+$0x4880]  }
0x142: {  	v16 =	vld [tilespmem:s10+$0x4890]  }
0x143: {  	v6 =	vld [tilespmem:s10+$0x48A0]  }
0x144: {  	v5 =	vld [tilespmem:s10+$0x48B0]  }
0x145: {  	v4 =	vld [tilespmem:s10+$0x48C0]  }
0x146: {  	v3 =	vld [tilespmem:s10+$0x48D0]  }
0x147: {  	v2 =	vld [tilespmem:s10+$0x48E0]  }
0x148: {  	v1 =	vld [tilespmem:s10+$0x48F0]  }
0x149: {  	v17 =	vld [tilespmem:s10+$0x800]  }
0x14a: {  	v18 =	vld [tilespmem:s10+$0x810]  }
0x14b: {  	v19 =	vld [tilespmem:s10+$0x820]  }
0x14c: {  	v20 =	vld [tilespmem:s10+$0x830]  }
0x14d: {  	v21 =	vld [tilespmem:s10+$0x840]  }
0x14e: {  	v14 =	vadd.f32 v17, v14;
	v17 =	vld [tilespmem:s10+$0x850]  }
0x14f: {  	v7 =	vadd.f32 v18, v7;
	v18 =	vld [tilespmem:s10+$0x860]  }
0x150: {  	v14 =	vmax.f32 v14, $0.0e+00;
	v9 =	vadd.f32 v19, v9;
	v19 =	vld [tilespmem:s10+$0x870]  }
0x151: {  	[tilespmem:s10+$0x800] =	vst v14;
	v7 =	vmax.f32 v7, $0.0e+00;
	v10 =	vadd.f32 v20, v10;
	v14 =	vld [tilespmem:s10+$0x880]  }
0x152: {  	[tilespmem:s10+$0x810] =	vst v7;
	v7 =	vmax.f32 v9, $0.0e+00;
	v9 =	vadd.f32 v21, v11;
	v11 =	vld [tilespmem:s10+$0x890]  }
.Ltmp3:
0x153: {  	[tilespmem:s10+$0x820] =	vst v7;
	v7 =	vmax.f32 v10, $0.0e+00;
	v10 =	vadd.f32 v17, v8;
	v8 =	vld [tilespmem:s10+$0x8A0];
	(pc) =	sbr.rel @p1 .LBB2_9-.Ltmp3, $4  }
0x154: {  	[tilespmem:s10+$0x830] =	vst v7;
	v9 =	vmax.f32 v9, $0.0e+00;
	v12 =	vadd.f32 v18, v12;
	v7 =	vld [tilespmem:s10+$0x8B0]  }
0x155: {  	[tilespmem:s10+$0x840] =	vst v9;
	v10 =	vmax.f32 v10, $0.0e+00;
	v17 =	vadd.f32 v19, v13;
	v9 =	vld [tilespmem:s10+$0x8C0]  }
0x156: {  	[tilespmem:s10+$0x850] =	vst v10;
	v12 =	vmax.f32 v12, $0.0e+00;
	v13 =	vadd.f32 v14, v15;
	v10 =	vld [tilespmem:s10+$0x8D0]  }
0x157: {  	s8 =	sadd.s32 $0x400, s8;
	[tilespmem:s10+$0x860] =	vst v12;
	v14 =	vmax.f32 v17, $0.0e+00;
	v12 =	vadd.f32 v11, v16;
	v11 =	vld [tilespmem:s10+$0x8E0]  }
0x158: {  	[tilespmem:s10+$0x870] =	vst v14;
	v13 =	vmax.f32 v13, $0.0e+00;
	v6 =	vadd.f32 v8, v6;
	v8 =	vld [tilespmem:s10+$0x8F0]  }
0x159: {  	[tilespmem:s10+$0x880] =	vst v13;
	v12 =	vmax.f32 v12, $0.0e+00;
	v5 =	vadd.f32 v7, v5  }
0x15a: {  	[tilespmem:s10+$0x890] =	vst v12;
	v6 =	vmax.f32 v6, $0.0e+00;
	v4 =	vadd.f32 v9, v4  }
0x15b: {  	[tilespmem:s10+$0x8A0] =	vst v6;
	v5 =	vmax.f32 v5, $0.0e+00;
	v3 =	vadd.f32 v10, v3  }
0x15c: {  	[tilespmem:s10+$0x8B0] =	vst v5;
	v4 =	vmax.f32 v4, $0.0e+00;
	v2 =	vadd.f32 v11, v2  }
0x15d: {  	[tilespmem:s10+$0x8C0] =	vst v4;
	v3 =	vmax.f32 v3, $0.0e+00;
	v1 =	vadd.f32 v8, v1  }
0x15e: {  	[tilespmem:s10+$0x8D0] =	vst v3;
	v2 =	vmax.f32 v2, $0.0e+00  }
0x15f: {  	[tilespmem:s10+$0x8E0] =	vst v2;
	v1 =	vmax.f32 v1, $0.0e+00  }
0x160: {  	s5 =	simm.s32 $0x500;
	[tilespmem:s10+$0x8F0] =	vst v1  }
0x161: {  	[spmem:s4] =	stream.indirect.scatter.add.f32 [tilespmem:s31], [sflag:$0x3], $0x80, s5, s9, $0xb8;
	[tilespmem:$0x1C080] =	vst v63  }
0x162: {  	s8 =	simm.s32 $0x180;
	s10 =	sadd.s32 s23, s22  }
0x163: {  	[tilespmem:s11], [sflag:$0x2] =	stream.indirect.gather [hbm4b:s1+s9], $0x80, s8, s9, $0xb8;
	[tilespmem:$0x1C080] =	vst v63  }
0x164: {  	s5 =	sshll.u32 s10, $0xB;
	_ =	swait.ge [sflag:s14], $0x4000  }
0x165: {  	s5 =	sand.u32 $0x1FFFD800, s5;
	[sflag:s14] =	ssyncset.done $0x0  }
0x166: {  	s5 =	sadd.s32 s6, s5;
	s8 =	simm.s32 $0x0;
	[sflag:s14] =	ssyncadd.s32 $0xFFFFC000  }
0x167: {  	[tilespmem:s31], [sflag:$0x1] =	stream.linear.gather [hbm4b:s5+s8], $0x4000, $0x38;
	[tilespmem:$0x1C080] =	vst v63  }
0x168: {  	_ =	swait.ge [sflag:s12], $0x4000  }
0x169: {  	[sflag:s12] =	ssyncset.done $0x0  }
0x16a: {  	[sflag:s12] =	ssyncadd.s32 $0xFFFFC000  }
0x16b: {  	_ =	swait.ge [sflag:s13], $0x4000  }
0x16c: {  	[sflag:s13] =	ssyncset.done $0x0  }
0x16d: {  	s10 =	simm.s32 $0x0;
	[sflag:s13] =	ssyncadd.s32 $0xFFFFC000  }
0x16e: {  	v7 =	vld [tilespmem:s10+$0x4800]  }
0x16f: {  	v8 =	vld [tilespmem:s10+$0x4810]  }
0x170: {  	v9 =	vld [tilespmem:s10+$0x4820]  }
0x171: {  	v10 =	vld [tilespmem:s10+$0x4830]  }
0x172: {  	v11 =	vld [tilespmem:s10+$0x4840]  }
0x173: {  	v12 =	vld [tilespmem:s10+$0x4850]  }
0x174: {  	v13 =	vld [tilespmem:s10+$0x4860]  }
0x175: {  	v14 =	vld [tilespmem:s10+$0x4870]  }
0x176: {  	v15 =	vld [tilespmem:s10+$0x4880]  }
0x177: {  	v16 =	vld [tilespmem:s10+$0x4890]  }
0x178: {  	v6 =	vld [tilespmem:s10+$0x48A0]  }
0x179: {  	v5 =	vld [tilespmem:s10+$0x48B0]  }
0x17a: {  	v4 =	vld [tilespmem:s10+$0x48C0]  }
0x17b: {  	v17 =	vld [tilespmem:s10+$0x800]  }
0x17c: {  	v18 =	vld [tilespmem:s10+$0x810]  }
0x17d: {  	v3 =	vld [tilespmem:s10+$0x48D0]  }
0x17e: {  	v19 =	vld [tilespmem:s10+$0x820]  }
0x17f: {  	v20 =	vld [tilespmem:s10+$0x830]  }
0x180: {  	v2 =	vld [tilespmem:s10+$0x48E0];
	v7 =	vadd.f32 v17, v7  }
0x181: {  	v21 =	vld [tilespmem:s10+$0x840];
	v8 =	vadd.f32 v18, v8  }
0x182: {  	v60 =	vld [tilespmem:s10+$0x850];
	v7 =	vmax.f32 v7, $0.0e+00  }
0x183: {  	v1 =	vld [tilespmem:s10+$0x48F0];
	v8 =	vmax.f32 v8, $0.0e+00;
	[tilespmem:s10+$0x800] =	vst v7;
	v7 =	vadd.f32 v19, v9  }
0x184: {  	v22 =	vld [tilespmem:s10+$0x860];
	[tilespmem:s10+$0x810] =	vst v8;
	v8 =	vadd.f32 v20, v10  }
0x185: {  	v61 =	vld [tilespmem:s10+$0x870];
	v7 =	vmax.f32 v7, $0.0e+00  }
0x186: {  	v62 =	vld [tilespmem:s10+$0x880];
	v9 =	vmax.f32 v8, $0.0e+00;
	[tilespmem:s10+$0x820] =	vst v7;
	v7 =	vadd.f32 v21, v11  }
0x187: {  	v63 =	vld [tilespmem:s10+$0x890];
	[tilespmem:s10+$0x830] =	vst v9;
	v9 =	vadd.f32 v60, v12  }
0x188: {  	v8 =	vld [tilespmem:s10+$0x8A0];
	v10 =	vmax.f32 v7, $0.0e+00  }
0x189: {  	v7 =	vld [tilespmem:s10+$0x8B0];
	v11 =	vmax.f32 v9, $0.0e+00;
	[tilespmem:s10+$0x840] =	vst v10;
	v10 =	vadd.f32 v22, v13  }
0x18a: {  	v9 =	vld [tilespmem:s10+$0x8C0];
	[tilespmem:s10+$0x850] =	vst v11;
	v11 =	vadd.f32 v61, v14  }
0x18b: {  	v13 =	vadd.f32 v62, v15;
	v12 =	vmax.f32 v10, $0.0e+00;
	v10 =	vld [tilespmem:s10+$0x8D0]  }
0x18c: {  	s8 =	simm.s32 $0x400;
	v14 =	vmax.f32 v11, $0.0e+00;
	v11 =	vld [tilespmem:s10+$0x8E0];
	[tilespmem:s10+$0x860] =	vst v12;
	v12 =	vadd.f32 v63, v16  }
.LBB2_11:
0x18d: {  	s5 =	sshra.s32 s8, $0x2;
	p1 =	sne.s32 s8, $0xFC00;
	[tilespmem:s10+$0x870] =	vst v14;
	v13 =	vmax.f32 v13, $0.0e+00;
	v6 =	vadd.f32 v8, v6;
	v8 =	vld [tilespmem:s10+$0x8F0]  }
0x18e: {  	v14 =	vld [tilespmem:s5+$0x4800];
	[tilespmem:s10+$0x880] =	vst v13;
	v12 =	vmax.f32 v12, $0.0e+00;
	v5 =	vadd.f32 v7, v5  }
0x18f: {  	v7 =	vld [tilespmem:s5+$0x4810];
	[tilespmem:s10+$0x890] =	vst v12;
	v6 =	vmax.f32 v6, $0.0e+00;
	v4 =	vadd.f32 v9, v4  }
0x190: {  	v9 =	vld [tilespmem:s5+$0x4820];
	[tilespmem:s10+$0x8A0] =	vst v6;
	v5 =	vmax.f32 v5, $0.0e+00;
	v3 =	vadd.f32 v10, v3  }
0x191: {  	v10 =	vld [tilespmem:s5+$0x4830];
	[tilespmem:s10+$0x8B0] =	vst v5;
	v4 =	vmax.f32 v4, $0.0e+00;
	v2 =	vadd.f32 v11, v2  }
0x192: {  	v11 =	vld [tilespmem:s5+$0x4840];
	[tilespmem:s10+$0x8C0] =	vst v4;
	v3 =	vmax.f32 v3, $0.0e+00;
	v1 =	vadd.f32 v8, v1  }
0x193: {  	v8 =	vld [tilespmem:s5+$0x4850];
	[tilespmem:s10+$0x8D0] =	vst v3;
	v2 =	vmax.f32 v2, $0.0e+00  }
0x194: {  	v12 =	vld [tilespmem:s5+$0x4860];
	[tilespmem:s10+$0x8E0] =	vst v2;
	v1 =	vmax.f32 v1, $0.0e+00  }
0x195: {  	v13 =	vld [tilespmem:s5+$0x4870];
	[tilespmem:s10+$0x8F0] =	vst v1;
	s10 =	smov.u32 s5  }
0x196: {  	v15 =	vld [tilespmem:s10+$0x4880]  }
0x197: {  	v16 =	vld [tilespmem:s10+$0x4890]  }
0x198: {  	v6 =	vld [tilespmem:s10+$0x48A0]  }
0x199: {  	v5 =	vld [tilespmem:s10+$0x48B0]  }
0x19a: {  	v4 =	vld [tilespmem:s10+$0x48C0]  }
0x19b: {  	v3 =	vld [tilespmem:s10+$0x48D0]  }
0x19c: {  	v2 =	vld [tilespmem:s10+$0x48E0]  }
0x19d: {  	v1 =	vld [tilespmem:s10+$0x48F0]  }
0x19e: {  	v17 =	vld [tilespmem:s10+$0x800]  }
0x19f: {  	v18 =	vld [tilespmem:s10+$0x810]  }
0x1a0: {  	v19 =	vld [tilespmem:s10+$0x820]  }
0x1a1: {  	v20 =	vld [tilespmem:s10+$0x830]  }
0x1a2: {  	v21 =	vld [tilespmem:s10+$0x840]  }
0x1a3: {  	v14 =	vadd.f32 v17, v14;
	v17 =	vld [tilespmem:s10+$0x850]  }
0x1a4: {  	v7 =	vadd.f32 v18, v7;
	v18 =	vld [tilespmem:s10+$0x860]  }
0x1a5: {  	v14 =	vmax.f32 v14, $0.0e+00;
	v9 =	vadd.f32 v19, v9;
	v19 =	vld [tilespmem:s10+$0x870]  }
0x1a6: {  	[tilespmem:s10+$0x800] =	vst v14;
	v7 =	vmax.f32 v7, $0.0e+00;
	v10 =	vadd.f32 v20, v10;
	v14 =	vld [tilespmem:s10+$0x880]  }
0x1a7: {  	[tilespmem:s10+$0x810] =	vst v7;
	v7 =	vmax.f32 v9, $0.0e+00;
	v9 =	vadd.f32 v21, v11;
	v11 =	vld [tilespmem:s10+$0x890]  }
.Ltmp4:
0x1a8: {  	[tilespmem:s10+$0x820] =	vst v7;
	v7 =	vmax.f32 v10, $0.0e+00;
	v10 =	vadd.f32 v17, v8;
	v8 =	vld [tilespmem:s10+$0x8A0];
	(pc) =	sbr.rel @p1 .LBB2_11-.Ltmp4, $4  }
0x1a9: {  	[tilespmem:s10+$0x830] =	vst v7;
	v9 =	vmax.f32 v9, $0.0e+00;
	v12 =	vadd.f32 v18, v12;
	v7 =	vld [tilespmem:s10+$0x8B0]  }
0x1aa: {  	[tilespmem:s10+$0x840] =	vst v9;
	v10 =	vmax.f32 v10, $0.0e+00;
	v17 =	vadd.f32 v19, v13;
	v9 =	vld [tilespmem:s10+$0x8C0]  }
0x1ab: {  	[tilespmem:s10+$0x850] =	vst v10;
	v12 =	vmax.f32 v12, $0.0e+00;
	v13 =	vadd.f32 v14, v15;
	v10 =	vld [tilespmem:s10+$0x8D0]  }
0x1ac: {  	s8 =	sadd.s32 $0x400, s8;
	[tilespmem:s10+$0x860] =	vst v12;
	v14 =	vmax.f32 v17, $0.0e+00;
	v12 =	vadd.f32 v11, v16;
	v11 =	vld [tilespmem:s10+$0x8E0]  }
0x1ad: {  	[tilespmem:s10+$0x870] =	vst v14;
	v13 =	vmax.f32 v13, $0.0e+00;
	v6 =	vadd.f32 v8, v6;
	v8 =	vld [tilespmem:s10+$0x8F0]  }
0x1ae: {  	[tilespmem:s10+$0x880] =	vst v13;
	v12 =	vmax.f32 v12, $0.0e+00;
	v5 =	vadd.f32 v7, v5  }
0x1af: {  	[tilespmem:s10+$0x890] =	vst v12;
	v6 =	vmax.f32 v6, $0.0e+00;
	v4 =	vadd.f32 v9, v4  }
0x1b0: {  	[tilespmem:s10+$0x8A0] =	vst v6;
	v5 =	vmax.f32 v5, $0.0e+00;
	v3 =	vadd.f32 v10, v3  }
0x1b1: {  	[tilespmem:s10+$0x8B0] =	vst v5;
	v4 =	vmax.f32 v4, $0.0e+00;
	v2 =	vadd.f32 v11, v2  }
0x1b2: {  	[tilespmem:s10+$0x8C0] =	vst v4;
	v3 =	vmax.f32 v3, $0.0e+00;
	v1 =	vadd.f32 v8, v1  }
0x1b3: {  	[tilespmem:s10+$0x8D0] =	vst v3;
	v2 =	vmax.f32 v2, $0.0e+00  }
0x1b4: {  	[tilespmem:s10+$0x8E0] =	vst v2;
	v1 =	vmax.f32 v1, $0.0e+00  }
0x1b5: {  	s5 =	simm.s32 $0x580;
	[tilespmem:s10+$0x8F0] =	vst v1  }
0x1b6: {  	[spmem:s4] =	stream.indirect.scatter.add.f32 [tilespmem:s31], [sflag:$0x3], $0x80, s5, s9, $0xb8;
	[tilespmem:$0x1C080] =	vst v63  }
0x1b7: {  	s8 =	simm.s32 $0x200;
	s10 =	sadd.s32 s23, s26  }
0x1b8: {  	[tilespmem:s11], [sflag:$0x2] =	stream.indirect.gather [hbm4b:s1+s9], $0x80, s8, s9, $0xb8;
	[tilespmem:$0x1C080] =	vst v63  }
0x1b9: {  	s5 =	sshll.u32 s10, $0xB;
	_ =	swait.ge [sflag:s14], $0x4000  }
0x1ba: {  	s5 =	sand.u32 $0x1FFFE000, s5;
	[sflag:s14] =	ssyncset.done $0x0  }
0x1bb: {  	s5 =	sadd.s32 s6, s5;
	s8 =	simm.s32 $0x0;
	[sflag:s14] =	ssyncadd.s32 $0xFFFFC000  }
0x1bc: {  	[tilespmem:s31], [sflag:$0x1] =	stream.linear.gather [hbm4b:s5+s8], $0x4000, $0x38;
	[tilespmem:$0x1C080] =	vst v63  }
0x1bd: {  	_ =	swait.ge [sflag:s12], $0x4000  }
0x1be: {  	[sflag:s12] =	ssyncset.done $0x0  }
0x1bf: {  	[sflag:s12] =	ssyncadd.s32 $0xFFFFC000  }
0x1c0: {  	_ =	swait.ge [sflag:s13], $0x4000  }
0x1c1: {  	[sflag:s13] =	ssyncset.done $0x0  }
0x1c2: {  	s10 =	simm.s32 $0x0;
	[sflag:s13] =	ssyncadd.s32 $0xFFFFC000  }
0x1c3: {  	v7 =	vld [tilespmem:s10+$0x4800]  }
0x1c4: {  	v8 =	vld [tilespmem:s10+$0x4810]  }
0x1c5: {  	v9 =	vld [tilespmem:s10+$0x4820]  }
0x1c6: {  	v10 =	vld [tilespmem:s10+$0x4830]  }
0x1c7: {  	v11 =	vld [tilespmem:s10+$0x4840]  }
0x1c8: {  	v12 =	vld [tilespmem:s10+$0x4850]  }
0x1c9: {  	v13 =	vld [tilespmem:s10+$0x4860]  }
0x1ca: {  	v14 =	vld [tilespmem:s10+$0x4870]  }
0x1cb: {  	v15 =	vld [tilespmem:s10+$0x4880]  }
0x1cc: {  	v16 =	vld [tilespmem:s10+$0x4890]  }
0x1cd: {  	v6 =	vld [tilespmem:s10+$0x48A0]  }
0x1ce: {  	v5 =	vld [tilespmem:s10+$0x48B0]  }
0x1cf: {  	v4 =	vld [tilespmem:s10+$0x48C0]  }
0x1d0: {  	v17 =	vld [tilespmem:s10+$0x800]  }
0x1d1: {  	v18 =	vld [tilespmem:s10+$0x810]  }
0x1d2: {  	v3 =	vld [tilespmem:s10+$0x48D0]  }
0x1d3: {  	v19 =	vld [tilespmem:s10+$0x820]  }
0x1d4: {  	v20 =	vld [tilespmem:s10+$0x830]  }
0x1d5: {  	v2 =	vld [tilespmem:s10+$0x48E0];
	v7 =	vadd.f32 v17, v7  }
0x1d6: {  	v21 =	vld [tilespmem:s10+$0x840];
	v8 =	vadd.f32 v18, v8  }
0x1d7: {  	v60 =	vld [tilespmem:s10+$0x850];
	v7 =	vmax.f32 v7, $0.0e+00  }
0x1d8: {  	v1 =	vld [tilespmem:s10+$0x48F0];
	v8 =	vmax.f32 v8, $0.0e+00;
	[tilespmem:s10+$0x800] =	vst v7;
	v7 =	vadd.f32 v19, v9  }
0x1d9: {  	v22 =	vld [tilespmem:s10+$0x860];
	[tilespmem:s10+$0x810] =	vst v8;
	v8 =	vadd.f32 v20, v10  }
0x1da: {  	v61 =	vld [tilespmem:s10+$0x870];
	v7 =	vmax.f32 v7, $0.0e+00  }
0x1db: {  	v62 =	vld [tilespmem:s10+$0x880];
	v9 =	vmax.f32 v8, $0.0e+00;
	[tilespmem:s10+$0x820] =	vst v7;
	v7 =	vadd.f32 v21, v11  }
0x1dc: {  	v63 =	vld [tilespmem:s10+$0x890];
	[tilespmem:s10+$0x830] =	vst v9;
	v9 =	vadd.f32 v60, v12  }
0x1dd: {  	v8 =	vld [tilespmem:s10+$0x8A0];
	v10 =	vmax.f32 v7, $0.0e+00  }
0x1de: {  	v7 =	vld [tilespmem:s10+$0x8B0];
	v11 =	vmax.f32 v9, $0.0e+00;
	[tilespmem:s10+$0x840] =	vst v10;
	v10 =	vadd.f32 v22, v13  }
0x1df: {  	v9 =	vld [tilespmem:s10+$0x8C0];
	[tilespmem:s10+$0x850] =	vst v11;
	v11 =	vadd.f32 v61, v14  }
0x1e0: {  	v13 =	vadd.f32 v62, v15;
	v12 =	vmax.f32 v10, $0.0e+00;
	v10 =	vld [tilespmem:s10+$0x8D0]  }
0x1e1: {  	s8 =	simm.s32 $0x400;
	v14 =	vmax.f32 v11, $0.0e+00;
	v11 =	vld [tilespmem:s10+$0x8E0];
	[tilespmem:s10+$0x860] =	vst v12;
	v12 =	vadd.f32 v63, v16  }
.LBB2_13:
0x1e2: {  	s5 =	sshra.s32 s8, $0x2;
	p1 =	sne.s32 s8, $0xFC00;
	[tilespmem:s10+$0x870] =	vst v14;
	v13 =	vmax.f32 v13, $0.0e+00;
	v6 =	vadd.f32 v8, v6;
	v8 =	vld [tilespmem:s10+$0x8F0]  }
0x1e3: {  	v14 =	vld [tilespmem:s5+$0x4800];
	[tilespmem:s10+$0x880] =	vst v13;
	v12 =	vmax.f32 v12, $0.0e+00;
	v5 =	vadd.f32 v7, v5  }
0x1e4: {  	v7 =	vld [tilespmem:s5+$0x4810];
	[tilespmem:s10+$0x890] =	vst v12;
	v6 =	vmax.f32 v6, $0.0e+00;
	v4 =	vadd.f32 v9, v4  }
0x1e5: {  	v9 =	vld [tilespmem:s5+$0x4820];
	[tilespmem:s10+$0x8A0] =	vst v6;
	v5 =	vmax.f32 v5, $0.0e+00;
	v3 =	vadd.f32 v10, v3  }
0x1e6: {  	v10 =	vld [tilespmem:s5+$0x4830];
	[tilespmem:s10+$0x8B0] =	vst v5;
	v4 =	vmax.f32 v4, $0.0e+00;
	v2 =	vadd.f32 v11, v2  }
0x1e7: {  	v11 =	vld [tilespmem:s5+$0x4840];
	[tilespmem:s10+$0x8C0] =	vst v4;
	v3 =	vmax.f32 v3, $0.0e+00;
	v1 =	vadd.f32 v8, v1  }
0x1e8: {  	v8 =	vld [tilespmem:s5+$0x4850];
	[tilespmem:s10+$0x8D0] =	vst v3;
	v2 =	vmax.f32 v2, $0.0e+00  }
0x1e9: {  	v12 =	vld [tilespmem:s5+$0x4860];
	[tilespmem:s10+$0x8E0] =	vst v2;
	v1 =	vmax.f32 v1, $0.0e+00  }
0x1ea: {  	v13 =	vld [tilespmem:s5+$0x4870];
	[tilespmem:s10+$0x8F0] =	vst v1;
	s10 =	smov.u32 s5  }
0x1eb: {  	v15 =	vld [tilespmem:s10+$0x4880]  }
0x1ec: {  	v16 =	vld [tilespmem:s10+$0x4890]  }
0x1ed: {  	v6 =	vld [tilespmem:s10+$0x48A0]  }
0x1ee: {  	v5 =	vld [tilespmem:s10+$0x48B0]  }
0x1ef: {  	v4 =	vld [tilespmem:s10+$0x48C0]  }
0x1f0: {  	v3 =	vld [tilespmem:s10+$0x48D0]  }
0x1f1: {  	v2 =	vld [tilespmem:s10+$0x48E0]  }
0x1f2: {  	v1 =	vld [tilespmem:s10+$0x48F0]  }
0x1f3: {  	v17 =	vld [tilespmem:s10+$0x800]  }
0x1f4: {  	v18 =	vld [tilespmem:s10+$0x810]  }
0x1f5: {  	v19 =	vld [tilespmem:s10+$0x820]  }
0x1f6: {  	v20 =	vld [tilespmem:s10+$0x830]  }
0x1f7: {  	v21 =	vld [tilespmem:s10+$0x840]  }
0x1f8: {  	v14 =	vadd.f32 v17, v14;
	v17 =	vld [tilespmem:s10+$0x850]  }
0x1f9: {  	v7 =	vadd.f32 v18, v7;
	v18 =	vld [tilespmem:s10+$0x860]  }
0x1fa: {  	v14 =	vmax.f32 v14, $0.0e+00;
	v9 =	vadd.f32 v19, v9;
	v19 =	vld [tilespmem:s10+$0x870]  }
0x1fb: {  	[tilespmem:s10+$0x800] =	vst v14;
	v7 =	vmax.f32 v7, $0.0e+00;
	v10 =	vadd.f32 v20, v10;
	v14 =	vld [tilespmem:s10+$0x880]  }
0x1fc: {  	[tilespmem:s10+$0x810] =	vst v7;
	v7 =	vmax.f32 v9, $0.0e+00;
	v9 =	vadd.f32 v21, v11;
	v11 =	vld [tilespmem:s10+$0x890]  }
.Ltmp5:
0x1fd: {  	[tilespmem:s10+$0x820] =	vst v7;
	v7 =	vmax.f32 v10, $0.0e+00;
	v10 =	vadd.f32 v17, v8;
	v8 =	vld [tilespmem:s10+$0x8A0];
	(pc) =	sbr.rel @p1 .LBB2_13-.Ltmp5, $4  }
0x1fe: {  	[tilespmem:s10+$0x830] =	vst v7;
	v9 =	vmax.f32 v9, $0.0e+00;
	v12 =	vadd.f32 v18, v12;
	v7 =	vld [tilespmem:s10+$0x8B0]  }
0x1ff: {  	[tilespmem:s10+$0x840] =	vst v9;
	v10 =	vmax.f32 v10, $0.0e+00;
	v17 =	vadd.f32 v19, v13;
	v9 =	vld [tilespmem:s10+$0x8C0]  }
0x200: {  	[tilespmem:s10+$0x850] =	vst v10;
	v12 =	vmax.f32 v12, $0.0e+00;
	v13 =	vadd.f32 v14, v15;
	v10 =	vld [tilespmem:s10+$0x8D0]  }
0x201: {  	s8 =	sadd.s32 $0x400, s8;
	[tilespmem:s10+$0x860] =	vst v12;
	v14 =	vmax.f32 v17, $0.0e+00;
	v12 =	vadd.f32 v11, v16;
	v11 =	vld [tilespmem:s10+$0x8E0]  }
0x202: {  	[tilespmem:s10+$0x870] =	vst v14;
	v13 =	vmax.f32 v13, $0.0e+00;
	v6 =	vadd.f32 v8, v6;
	v8 =	vld [tilespmem:s10+$0x8F0]  }
0x203: {  	[tilespmem:s10+$0x880] =	vst v13;
	v12 =	vmax.f32 v12, $0.0e+00;
	v5 =	vadd.f32 v7, v5  }
0x204: {  	[tilespmem:s10+$0x890] =	vst v12;
	v6 =	vmax.f32 v6, $0.0e+00;
	v4 =	vadd.f32 v9, v4  }
0x205: {  	[tilespmem:s10+$0x8A0] =	vst v6;
	v5 =	vmax.f32 v5, $0.0e+00;
	v3 =	vadd.f32 v10, v3  }
0x206: {  	[tilespmem:s10+$0x8B0] =	vst v5;
	v4 =	vmax.f32 v4, $0.0e+00;
	v2 =	vadd.f32 v11, v2  }
0x207: {  	[tilespmem:s10+$0x8C0] =	vst v4;
	v3 =	vmax.f32 v3, $0.0e+00;
	v1 =	vadd.f32 v8, v1  }
0x208: {  	[tilespmem:s10+$0x8D0] =	vst v3;
	v2 =	vmax.f32 v2, $0.0e+00  }
0x209: {  	[tilespmem:s10+$0x8E0] =	vst v2;
	v1 =	vmax.f32 v1, $0.0e+00  }
0x20a: {  	s5 =	simm.s32 $0x600;
	[tilespmem:s10+$0x8F0] =	vst v1  }
0x20b: {  	[spmem:s4] =	stream.indirect.scatter.add.f32 [tilespmem:s31], [sflag:$0x3], $0x80, s5, s9, $0xb8;
	[tilespmem:$0x1C080] =	vst v63  }
0x20c: {  	s8 =	simm.s32 $0x280;
	s10 =	sadd.s32 s23, s28  }
0x20d: {  	[tilespmem:s11], [sflag:$0x2] =	stream.indirect.gather [hbm4b:s1+s9], $0x80, s8, s9, $0xb8;
	[tilespmem:$0x1C080] =	vst v63  }
0x20e: {  	s5 =	sshll.u32 s10, $0xB;
	_ =	swait.ge [sflag:s14], $0x4000  }
0x20f: {  	s5 =	sand.u32 $0x1FFFE800, s5;
	[sflag:s14] =	ssyncset.done $0x0  }
0x210: {  	s5 =	sadd.s32 s6, s5;
	s8 =	simm.s32 $0x0;
	[sflag:s14] =	ssyncadd.s32 $0xFFFFC000  }
0x211: {  	[tilespmem:s31], [sflag:$0x1] =	stream.linear.gather [hbm4b:s5+s8], $0x4000, $0x38;
	[tilespmem:$0x1C080] =	vst v63  }
0x212: {  	_ =	swait.ge [sflag:s12], $0x4000  }
0x213: {  	[sflag:s12] =	ssyncset.done $0x0  }
0x214: {  	[sflag:s12] =	ssyncadd.s32 $0xFFFFC000  }
0x215: {  	_ =	swait.ge [sflag:s13], $0x4000  }
0x216: {  	[sflag:s13] =	ssyncset.done $0x0  }
0x217: {  	s10 =	simm.s32 $0x0;
	[sflag:s13] =	ssyncadd.s32 $0xFFFFC000  }
0x218: {  	v7 =	vld [tilespmem:s10+$0x4800]  }
0x219: {  	v8 =	vld [tilespmem:s10+$0x4810]  }
0x21a: {  	v9 =	vld [tilespmem:s10+$0x4820]  }
0x21b: {  	v10 =	vld [tilespmem:s10+$0x4830]  }
0x21c: {  	v11 =	vld [tilespmem:s10+$0x4840]  }
0x21d: {  	v12 =	vld [tilespmem:s10+$0x4850]  }
0x21e: {  	v13 =	vld [tilespmem:s10+$0x4860]  }
0x21f: {  	v14 =	vld [tilespmem:s10+$0x4870]  }
0x220: {  	v15 =	vld [tilespmem:s10+$0x4880]  }
0x221: {  	v16 =	vld [tilespmem:s10+$0x4890]  }
0x222: {  	v6 =	vld [tilespmem:s10+$0x48A0]  }
0x223: {  	v5 =	vld [tilespmem:s10+$0x48B0]  }
0x224: {  	v4 =	vld [tilespmem:s10+$0x48C0]  }
0x225: {  	v17 =	vld [tilespmem:s10+$0x800]  }
0x226: {  	v18 =	vld [tilespmem:s10+$0x810]  }
0x227: {  	v3 =	vld [tilespmem:s10+$0x48D0]  }
0x228: {  	v19 =	vld [tilespmem:s10+$0x820]  }
0x229: {  	v20 =	vld [tilespmem:s10+$0x830]  }
0x22a: {  	v2 =	vld [tilespmem:s10+$0x48E0];
	v7 =	vadd.f32 v17, v7  }
0x22b: {  	v21 =	vld [tilespmem:s10+$0x840];
	v8 =	vadd.f32 v18, v8  }
0x22c: {  	v60 =	vld [tilespmem:s10+$0x850];
	v7 =	vmax.f32 v7, $0.0e+00  }
0x22d: {  	v1 =	vld [tilespmem:s10+$0x48F0];
	v8 =	vmax.f32 v8, $0.0e+00;
	[tilespmem:s10+$0x800] =	vst v7;
	v7 =	vadd.f32 v19, v9  }
0x22e: {  	v22 =	vld [tilespmem:s10+$0x860];
	[tilespmem:s10+$0x810] =	vst v8;
	v8 =	vadd.f32 v20, v10  }
0x22f: {  	v61 =	vld [tilespmem:s10+$0x870];
	v7 =	vmax.f32 v7, $0.0e+00  }
0x230: {  	v62 =	vld [tilespmem:s10+$0x880];
	v9 =	vmax.f32 v8, $0.0e+00;
	[tilespmem:s10+$0x820] =	vst v7;
	v7 =	vadd.f32 v21, v11  }
0x231: {  	v63 =	vld [tilespmem:s10+$0x890];
	[tilespmem:s10+$0x830] =	vst v9;
	v9 =	vadd.f32 v60, v12  }
0x232: {  	v8 =	vld [tilespmem:s10+$0x8A0];
	v10 =	vmax.f32 v7, $0.0e+00  }
0x233: {  	v7 =	vld [tilespmem:s10+$0x8B0];
	v11 =	vmax.f32 v9, $0.0e+00;
	[tilespmem:s10+$0x840] =	vst v10;
	v10 =	vadd.f32 v22, v13  }
0x234: {  	v9 =	vld [tilespmem:s10+$0x8C0];
	[tilespmem:s10+$0x850] =	vst v11;
	v11 =	vadd.f32 v61, v14  }
0x235: {  	v13 =	vadd.f32 v62, v15;
	v12 =	vmax.f32 v10, $0.0e+00;
	v10 =	vld [tilespmem:s10+$0x8D0]  }
0x236: {  	s8 =	simm.s32 $0x400;
	v14 =	vmax.f32 v11, $0.0e+00;
	v11 =	vld [tilespmem:s10+$0x8E0];
	[tilespmem:s10+$0x860] =	vst v12;
	v12 =	vadd.f32 v63, v16  }
.LBB2_15:
0x237: {  	s5 =	sshra.s32 s8, $0x2;
	p1 =	sne.s32 s8, $0xFC00;
	[tilespmem:s10+$0x870] =	vst v14;
	v13 =	vmax.f32 v13, $0.0e+00;
	v6 =	vadd.f32 v8, v6;
	v8 =	vld [tilespmem:s10+$0x8F0]  }
0x238: {  	v14 =	vld [tilespmem:s5+$0x4800];
	[tilespmem:s10+$0x880] =	vst v13;
	v12 =	vmax.f32 v12, $0.0e+00;
	v5 =	vadd.f32 v7, v5  }
0x239: {  	v7 =	vld [tilespmem:s5+$0x4810];
	[tilespmem:s10+$0x890] =	vst v12;
	v6 =	vmax.f32 v6, $0.0e+00;
	v4 =	vadd.f32 v9, v4  }
0x23a: {  	v9 =	vld [tilespmem:s5+$0x4820];
	[tilespmem:s10+$0x8A0] =	vst v6;
	v5 =	vmax.f32 v5, $0.0e+00;
	v3 =	vadd.f32 v10, v3  }
0x23b: {  	v10 =	vld [tilespmem:s5+$0x4830];
	[tilespmem:s10+$0x8B0] =	vst v5;
	v4 =	vmax.f32 v4, $0.0e+00;
	v2 =	vadd.f32 v11, v2  }
0x23c: {  	v11 =	vld [tilespmem:s5+$0x4840];
	[tilespmem:s10+$0x8C0] =	vst v4;
	v3 =	vmax.f32 v3, $0.0e+00;
	v1 =	vadd.f32 v8, v1  }
0x23d: {  	v8 =	vld [tilespmem:s5+$0x4850];
	[tilespmem:s10+$0x8D0] =	vst v3;
	v2 =	vmax.f32 v2, $0.0e+00  }
0x23e: {  	v12 =	vld [tilespmem:s5+$0x4860];
	[tilespmem:s10+$0x8E0] =	vst v2;
	v1 =	vmax.f32 v1, $0.0e+00  }
0x23f: {  	v13 =	vld [tilespmem:s5+$0x4870];
	[tilespmem:s10+$0x8F0] =	vst v1;
	s10 =	smov.u32 s5  }
0x240: {  	v15 =	vld [tilespmem:s10+$0x4880]  }
0x241: {  	v16 =	vld [tilespmem:s10+$0x4890]  }
0x242: {  	v6 =	vld [tilespmem:s10+$0x48A0]  }
0x243: {  	v5 =	vld [tilespmem:s10+$0x48B0]  }
0x244: {  	v4 =	vld [tilespmem:s10+$0x48C0]  }
0x245: {  	v3 =	vld [tilespmem:s10+$0x48D0]  }
0x246: {  	v2 =	vld [tilespmem:s10+$0x48E0]  }
0x247: {  	v1 =	vld [tilespmem:s10+$0x48F0]  }
0x248: {  	v17 =	vld [tilespmem:s10+$0x800]  }
0x249: {  	v18 =	vld [tilespmem:s10+$0x810]  }
0x24a: {  	v19 =	vld [tilespmem:s10+$0x820]  }
0x24b: {  	v20 =	vld [tilespmem:s10+$0x830]  }
0x24c: {  	v21 =	vld [tilespmem:s10+$0x840]  }
0x24d: {  	v14 =	vadd.f32 v17, v14;
	v17 =	vld [tilespmem:s10+$0x850]  }
0x24e: {  	v7 =	vadd.f32 v18, v7;
	v18 =	vld [tilespmem:s10+$0x860]  }
0x24f: {  	v14 =	vmax.f32 v14, $0.0e+00;
	v9 =	vadd.f32 v19, v9;
	v19 =	vld [tilespmem:s10+$0x870]  }
0x250: {  	[tilespmem:s10+$0x800] =	vst v14;
	v7 =	vmax.f32 v7, $0.0e+00;
	v10 =	vadd.f32 v20, v10;
	v14 =	vld [tilespmem:s10+$0x880]  }
0x251: {  	[tilespmem:s10+$0x810] =	vst v7;
	v7 =	vmax.f32 v9, $0.0e+00;
	v9 =	vadd.f32 v21, v11;
	v11 =	vld [tilespmem:s10+$0x890]  }
.Ltmp6:
0x252: {  	[tilespmem:s10+$0x820] =	vst v7;
	v7 =	vmax.f32 v10, $0.0e+00;
	v10 =	vadd.f32 v17, v8;
	v8 =	vld [tilespmem:s10+$0x8A0];
	(pc) =	sbr.rel @p1 .LBB2_15-.Ltmp6, $4  }
0x253: {  	[tilespmem:s10+$0x830] =	vst v7;
	v9 =	vmax.f32 v9, $0.0e+00;
	v12 =	vadd.f32 v18, v12;
	v7 =	vld [tilespmem:s10+$0x8B0]  }
0x254: {  	[tilespmem:s10+$0x840] =	vst v9;
	v10 =	vmax.f32 v10, $0.0e+00;
	v17 =	vadd.f32 v19, v13;
	v9 =	vld [tilespmem:s10+$0x8C0]  }
0x255: {  	[tilespmem:s10+$0x850] =	vst v10;
	v12 =	vmax.f32 v12, $0.0e+00;
	v13 =	vadd.f32 v14, v15;
	v10 =	vld [tilespmem:s10+$0x8D0]  }
0x256: {  	s8 =	sadd.s32 $0x400, s8;
	[tilespmem:s10+$0x860] =	vst v12;
	v14 =	vmax.f32 v17, $0.0e+00;
	v12 =	vadd.f32 v11, v16;
	v11 =	vld [tilespmem:s10+$0x8E0]  }
0x257: {  	[tilespmem:s10+$0x870] =	vst v14;
	v13 =	vmax.f32 v13, $0.0e+00;
	v6 =	vadd.f32 v8, v6;
	v8 =	vld [tilespmem:s10+$0x8F0]  }
0x258: {  	[tilespmem:s10+$0x880] =	vst v13;
	v12 =	vmax.f32 v12, $0.0e+00;
	v5 =	vadd.f32 v7, v5  }
0x259: {  	[tilespmem:s10+$0x890] =	vst v12;
	v6 =	vmax.f32 v6, $0.0e+00;
	v4 =	vadd.f32 v9, v4  }
0x25a: {  	[tilespmem:s10+$0x8A0] =	vst v6;
	v5 =	vmax.f32 v5, $0.0e+00;
	v3 =	vadd.f32 v10, v3  }
0x25b: {  	[tilespmem:s10+$0x8B0] =	vst v5;
	v4 =	vmax.f32 v4, $0.0e+00;
	v2 =	vadd.f32 v11, v2  }
0x25c: {  	[tilespmem:s10+$0x8C0] =	vst v4;
	v3 =	vmax.f32 v3, $0.0e+00;
	v1 =	vadd.f32 v8, v1  }
0x25d: {  	[tilespmem:s10+$0x8D0] =	vst v3;
	v2 =	vmax.f32 v2, $0.0e+00  }
0x25e: {  	[tilespmem:s10+$0x8E0] =	vst v2;
	v1 =	vmax.f32 v1, $0.0e+00  }
0x25f: {  	s5 =	simm.s32 $0x680;
	[tilespmem:s10+$0x8F0] =	vst v1  }
0x260: {  	[spmem:s4] =	stream.indirect.scatter.add.f32 [tilespmem:s31], [sflag:$0x3], $0x80, s5, s9, $0xb8;
	[tilespmem:$0x1C080] =	vst v63  }
0x261: {  	s10 =	sadd.s32 s23, s29  }
0x262: {  	[tilespmem:s11], [sflag:$0x2] =	stream.indirect.gather [hbm4b:s1+s9], $0x80, s2, s9, $0xb8;
	[tilespmem:$0x1C080] =	vst v63  }
0x263: {  	s5 =	sshll.u32 s10, $0xB;
	_ =	swait.ge [sflag:s14], $0x4000  }
0x264: {  	s5 =	sand.u32 $0x1FFFF000, s5;
	[sflag:s14] =	ssyncset.done $0x0  }
0x265: {  	s8 =	simm.s32 $0x0;
	s5 =	sadd.s32 s6, s5;
	[sflag:s14] =	ssyncadd.s32 $0xFFFFC000  }
0x266: {  	[tilespmem:s31], [sflag:$0x1] =	stream.linear.gather [hbm4b:s5+s8], $0x4000, $0x38;
	[tilespmem:$0x1C080] =	vst v63  }
0x267: {  	_ =	swait.ge [sflag:s12], $0x4000  }
0x268: {  	[sflag:s12] =	ssyncset.done $0x0  }
0x269: {  	[sflag:s12] =	ssyncadd.s32 $0xFFFFC000  }
0x26a: {  	_ =	swait.ge [sflag:s13], $0x4000  }
0x26b: {  	[sflag:s13] =	ssyncset.done $0x0  }
0x26c: {  	s10 =	simm.s32 $0x0;
	[sflag:s13] =	ssyncadd.s32 $0xFFFFC000  }
0x26d: {  	v7 =	vld [tilespmem:s10+$0x4800]  }
0x26e: {  	v8 =	vld [tilespmem:s10+$0x4810]  }
0x26f: {  	v9 =	vld [tilespmem:s10+$0x4820]  }
0x270: {  	v10 =	vld [tilespmem:s10+$0x4830]  }
0x271: {  	v11 =	vld [tilespmem:s10+$0x4840]  }
0x272: {  	v12 =	vld [tilespmem:s10+$0x4850]  }
0x273: {  	v13 =	vld [tilespmem:s10+$0x4860]  }
0x274: {  	v14 =	vld [tilespmem:s10+$0x4870]  }
0x275: {  	v15 =	vld [tilespmem:s10+$0x4880]  }
0x276: {  	v16 =	vld [tilespmem:s10+$0x4890]  }
0x277: {  	v6 =	vld [tilespmem:s10+$0x48A0]  }
0x278: {  	v5 =	vld [tilespmem:s10+$0x48B0]  }
0x279: {  	v4 =	vld [tilespmem:s10+$0x48C0]  }
0x27a: {  	v17 =	vld [tilespmem:s10+$0x800]  }
0x27b: {  	v18 =	vld [tilespmem:s10+$0x810]  }
0x27c: {  	v3 =	vld [tilespmem:s10+$0x48D0]  }
0x27d: {  	v19 =	vld [tilespmem:s10+$0x820]  }
0x27e: {  	v20 =	vld [tilespmem:s10+$0x830]  }
0x27f: {  	v2 =	vld [tilespmem:s10+$0x48E0];
	v7 =	vadd.f32 v17, v7  }
0x280: {  	v21 =	vld [tilespmem:s10+$0x840];
	v8 =	vadd.f32 v18, v8  }
0x281: {  	v60 =	vld [tilespmem:s10+$0x850];
	v7 =	vmax.f32 v7, $0.0e+00  }
0x282: {  	v1 =	vld [tilespmem:s10+$0x48F0];
	v8 =	vmax.f32 v8, $0.0e+00;
	[tilespmem:s10+$0x800] =	vst v7;
	v7 =	vadd.f32 v19, v9  }
0x283: {  	v22 =	vld [tilespmem:s10+$0x860];
	[tilespmem:s10+$0x810] =	vst v8;
	v8 =	vadd.f32 v20, v10  }
0x284: {  	v61 =	vld [tilespmem:s10+$0x870];
	v7 =	vmax.f32 v7, $0.0e+00  }
0x285: {  	v62 =	vld [tilespmem:s10+$0x880];
	v9 =	vmax.f32 v8, $0.0e+00;
	[tilespmem:s10+$0x820] =	vst v7;
	v7 =	vadd.f32 v21, v11  }
0x286: {  	v63 =	vld [tilespmem:s10+$0x890];
	[tilespmem:s10+$0x830] =	vst v9;
	v9 =	vadd.f32 v60, v12  }
0x287: {  	v8 =	vld [tilespmem:s10+$0x8A0];
	v10 =	vmax.f32 v7, $0.0e+00  }
0x288: {  	v7 =	vld [tilespmem:s10+$0x8B0];
	v11 =	vmax.f32 v9, $0.0e+00;
	[tilespmem:s10+$0x840] =	vst v10;
	v10 =	vadd.f32 v22, v13  }
0x289: {  	v9 =	vld [tilespmem:s10+$0x8C0];
	[tilespmem:s10+$0x850] =	vst v11;
	v11 =	vadd.f32 v61, v14  }
0x28a: {  	v13 =	vadd.f32 v62, v15;
	v12 =	vmax.f32 v10, $0.0e+00;
	v10 =	vld [tilespmem:s10+$0x8D0]  }
0x28b: {  	s8 =	simm.s32 $0x400;
	v14 =	vmax.f32 v11, $0.0e+00;
	v11 =	vld [tilespmem:s10+$0x8E0];
	[tilespmem:s10+$0x860] =	vst v12;
	v12 =	vadd.f32 v63, v16  }
.LBB2_17:
0x28c: {  	s5 =	sshra.s32 s8, $0x2;
	p1 =	sne.s32 s8, $0xFC00;
	[tilespmem:s10+$0x870] =	vst v14;
	v13 =	vmax.f32 v13, $0.0e+00;
	v6 =	vadd.f32 v8, v6;
	v8 =	vld [tilespmem:s10+$0x8F0]  }
0x28d: {  	v14 =	vld [tilespmem:s5+$0x4800];
	[tilespmem:s10+$0x880] =	vst v13;
	v12 =	vmax.f32 v12, $0.0e+00;
	v5 =	vadd.f32 v7, v5  }
0x28e: {  	v7 =	vld [tilespmem:s5+$0x4810];
	[tilespmem:s10+$0x890] =	vst v12;
	v6 =	vmax.f32 v6, $0.0e+00;
	v4 =	vadd.f32 v9, v4  }
0x28f: {  	v9 =	vld [tilespmem:s5+$0x4820];
	[tilespmem:s10+$0x8A0] =	vst v6;
	v5 =	vmax.f32 v5, $0.0e+00;
	v3 =	vadd.f32 v10, v3  }
0x290: {  	v10 =	vld [tilespmem:s5+$0x4830];
	[tilespmem:s10+$0x8B0] =	vst v5;
	v4 =	vmax.f32 v4, $0.0e+00;
	v2 =	vadd.f32 v11, v2  }
0x291: {  	v11 =	vld [tilespmem:s5+$0x4840];
	[tilespmem:s10+$0x8C0] =	vst v4;
	v3 =	vmax.f32 v3, $0.0e+00;
	v1 =	vadd.f32 v8, v1  }
0x292: {  	v8 =	vld [tilespmem:s5+$0x4850];
	[tilespmem:s10+$0x8D0] =	vst v3;
	v2 =	vmax.f32 v2, $0.0e+00  }
0x293: {  	v12 =	vld [tilespmem:s5+$0x4860];
	[tilespmem:s10+$0x8E0] =	vst v2;
	v1 =	vmax.f32 v1, $0.0e+00  }
0x294: {  	v13 =	vld [tilespmem:s5+$0x4870];
	[tilespmem:s10+$0x8F0] =	vst v1;
	s10 =	smov.u32 s5  }
0x295: {  	v15 =	vld [tilespmem:s10+$0x4880]  }
0x296: {  	v16 =	vld [tilespmem:s10+$0x4890]  }
0x297: {  	v6 =	vld [tilespmem:s10+$0x48A0]  }
0x298: {  	v5 =	vld [tilespmem:s10+$0x48B0]  }
0x299: {  	v4 =	vld [tilespmem:s10+$0x48C0]  }
0x29a: {  	v3 =	vld [tilespmem:s10+$0x48D0]  }
0x29b: {  	v2 =	vld [tilespmem:s10+$0x48E0]  }
0x29c: {  	v1 =	vld [tilespmem:s10+$0x48F0]  }
0x29d: {  	v17 =	vld [tilespmem:s10+$0x800]  }
0x29e: {  	v18 =	vld [tilespmem:s10+$0x810]  }
0x29f: {  	v19 =	vld [tilespmem:s10+$0x820]  }
0x2a0: {  	v20 =	vld [tilespmem:s10+$0x830]  }
0x2a1: {  	v21 =	vld [tilespmem:s10+$0x840]  }
0x2a2: {  	v14 =	vadd.f32 v17, v14;
	v17 =	vld [tilespmem:s10+$0x850]  }
0x2a3: {  	v7 =	vadd.f32 v18, v7;
	v18 =	vld [tilespmem:s10+$0x860]  }
0x2a4: {  	v14 =	vmax.f32 v14, $0.0e+00;
	v9 =	vadd.f32 v19, v9;
	v19 =	vld [tilespmem:s10+$0x870]  }
0x2a5: {  	[tilespmem:s10+$0x800] =	vst v14;
	v7 =	vmax.f32 v7, $0.0e+00;
	v10 =	vadd.f32 v20, v10;
	v14 =	vld [tilespmem:s10+$0x880]  }
0x2a6: {  	[tilespmem:s10+$0x810] =	vst v7;
	v7 =	vmax.f32 v9, $0.0e+00;
	v9 =	vadd.f32 v21, v11;
	v11 =	vld [tilespmem:s10+$0x890]  }
.Ltmp7:
0x2a7: {  	[tilespmem:s10+$0x820] =	vst v7;
	v7 =	vmax.f32 v10, $0.0e+00;
	v10 =	vadd.f32 v17, v8;
	v8 =	vld [tilespmem:s10+$0x8A0];
	(pc) =	sbr.rel @p1 .LBB2_17-.Ltmp7, $4  }
0x2a8: {  	[tilespmem:s10+$0x830] =	vst v7;
	v9 =	vmax.f32 v9, $0.0e+00;
	v12 =	vadd.f32 v18, v12;
	v7 =	vld [tilespmem:s10+$0x8B0]  }
0x2a9: {  	[tilespmem:s10+$0x840] =	vst v9;
	v10 =	vmax.f32 v10, $0.0e+00;
	v17 =	vadd.f32 v19, v13;
	v9 =	vld [tilespmem:s10+$0x8C0]  }
0x2aa: {  	[tilespmem:s10+$0x850] =	vst v10;
	v12 =	vmax.f32 v12, $0.0e+00;
	v13 =	vadd.f32 v14, v15;
	v10 =	vld [tilespmem:s10+$0x8D0]  }
0x2ab: {  	s8 =	sadd.s32 $0x400, s8;
	[tilespmem:s10+$0x860] =	vst v12;
	v14 =	vmax.f32 v17, $0.0e+00;
	v12 =	vadd.f32 v11, v16;
	v11 =	vld [tilespmem:s10+$0x8E0]  }
0x2ac: {  	[tilespmem:s10+$0x870] =	vst v14;
	v13 =	vmax.f32 v13, $0.0e+00;
	v6 =	vadd.f32 v8, v6;
	v8 =	vld [tilespmem:s10+$0x8F0]  }
0x2ad: {  	[tilespmem:s10+$0x880] =	vst v13;
	v12 =	vmax.f32 v12, $0.0e+00;
	v5 =	vadd.f32 v7, v5  }
0x2ae: {  	[tilespmem:s10+$0x890] =	vst v12;
	v6 =	vmax.f32 v6, $0.0e+00;
	v4 =	vadd.f32 v9, v4  }
0x2af: {  	[tilespmem:s10+$0x8A0] =	vst v6;
	v5 =	vmax.f32 v5, $0.0e+00;
	v3 =	vadd.f32 v10, v3  }
0x2b0: {  	[tilespmem:s10+$0x8B0] =	vst v5;
	v4 =	vmax.f32 v4, $0.0e+00;
	v2 =	vadd.f32 v11, v2  }
0x2b1: {  	[tilespmem:s10+$0x8C0] =	vst v4;
	v3 =	vmax.f32 v3, $0.0e+00;
	v1 =	vadd.f32 v8, v1  }
0x2b2: {  	[tilespmem:s10+$0x8D0] =	vst v3;
	v2 =	vmax.f32 v2, $0.0e+00  }
0x2b3: {  	[tilespmem:s10+$0x8E0] =	vst v2;
	v1 =	vmax.f32 v1, $0.0e+00  }
0x2b4: {  	[tilespmem:s10+$0x8F0] =	vst v1  }
0x2b5: {  	[spmem:s4] =	stream.indirect.scatter.add.f32 [tilespmem:s31], [sflag:$0x3], $0x80, s15, s9, $0xb8;
	[tilespmem:$0x1C080] =	vst v63  }
0x2b6: {  	s5 =	sadd.s32 s23, s30  }
0x2b7: {  	[tilespmem:s11], [sflag:$0x2] =	stream.indirect.gather [hbm4b:s1+s9], $0x80, s17, s9, $0xb8;
	[tilespmem:$0x1C080] =	vst v63  }
0x2b8: {  	s5 =	sshll.u32 s5, $0xB;
	_ =	swait.ge [sflag:s14], $0x4000  }
0x2b9: {  	s5 =	sand.u32 $0x1FFFF800, s5;
	[sflag:s14] =	ssyncset.done $0x0  }
0x2ba: {  	s8 =	simm.s32 $0x0;
	s5 =	sadd.s32 s6, s5;
	[sflag:s14] =	ssyncadd.s32 $0xFFFFC000  }
0x2bb: {  	[tilespmem:s31], [sflag:$0x1] =	stream.linear.gather [hbm4b:s5+s8], $0x4000, $0x38;
	[tilespmem:$0x1C080] =	vst v63  }
0x2bc: {  	_ =	swait.ge [sflag:s12], $0x4000  }
0x2bd: {  	[sflag:s12] =	ssyncset.done $0x0  }
0x2be: {  	[sflag:s12] =	ssyncadd.s32 $0xFFFFC000  }
0x2bf: {  	_ =	swait.ge [sflag:s13], $0x4000  }
0x2c0: {  	[sflag:s13] =	ssyncset.done $0x0  }
0x2c1: {  	s10 =	simm.s32 $0x0;
	[sflag:s13] =	ssyncadd.s32 $0xFFFFC000  }
0x2c2: {  	v7 =	vld [tilespmem:s10+$0x4800]  }
0x2c3: {  	v8 =	vld [tilespmem:s10+$0x4810]  }
0x2c4: {  	v9 =	vld [tilespmem:s10+$0x4820]  }
0x2c5: {  	v10 =	vld [tilespmem:s10+$0x4830]  }
0x2c6: {  	v11 =	vld [tilespmem:s10+$0x4840]  }
0x2c7: {  	v12 =	vld [tilespmem:s10+$0x4850]  }
0x2c8: {  	v13 =	vld [tilespmem:s10+$0x4860]  }
0x2c9: {  	v14 =	vld [tilespmem:s10+$0x4870]  }
0x2ca: {  	v15 =	vld [tilespmem:s10+$0x4880]  }
0x2cb: {  	v16 =	vld [tilespmem:s10+$0x4890]  }
0x2cc: {  	v6 =	vld [tilespmem:s10+$0x48A0]  }
0x2cd: {  	v5 =	vld [tilespmem:s10+$0x48B0]  }
0x2ce: {  	v4 =	vld [tilespmem:s10+$0x48C0]  }
0x2cf: {  	v17 =	vld [tilespmem:s10+$0x800]  }
0x2d0: {  	v18 =	vld [tilespmem:s10+$0x810]  }
0x2d1: {  	v3 =	vld [tilespmem:s10+$0x48D0]  }
0x2d2: {  	v19 =	vld [tilespmem:s10+$0x820]  }
0x2d3: {  	v20 =	vld [tilespmem:s10+$0x830]  }
0x2d4: {  	v2 =	vld [tilespmem:s10+$0x48E0];
	v7 =	vadd.f32 v17, v7  }
0x2d5: {  	v21 =	vld [tilespmem:s10+$0x840];
	v8 =	vadd.f32 v18, v8  }
0x2d6: {  	v60 =	vld [tilespmem:s10+$0x850];
	v7 =	vmax.f32 v7, $0.0e+00  }
0x2d7: {  	v1 =	vld [tilespmem:s10+$0x48F0];
	v8 =	vmax.f32 v8, $0.0e+00;
	[tilespmem:s10+$0x800] =	vst v7;
	v7 =	vadd.f32 v19, v9  }
0x2d8: {  	v22 =	vld [tilespmem:s10+$0x860];
	[tilespmem:s10+$0x810] =	vst v8;
	v8 =	vadd.f32 v20, v10  }
0x2d9: {  	v61 =	vld [tilespmem:s10+$0x870];
	v7 =	vmax.f32 v7, $0.0e+00  }
0x2da: {  	v62 =	vld [tilespmem:s10+$0x880];
	v9 =	vmax.f32 v8, $0.0e+00;
	[tilespmem:s10+$0x820] =	vst v7;
	v7 =	vadd.f32 v21, v11  }
0x2db: {  	v63 =	vld [tilespmem:s10+$0x890];
	[tilespmem:s10+$0x830] =	vst v9;
	v9 =	vadd.f32 v60, v12  }
0x2dc: {  	v8 =	vld [tilespmem:s10+$0x8A0];
	v10 =	vmax.f32 v7, $0.0e+00  }
0x2dd: {  	v7 =	vld [tilespmem:s10+$0x8B0];
	v11 =	vmax.f32 v9, $0.0e+00;
	[tilespmem:s10+$0x840] =	vst v10;
	v10 =	vadd.f32 v22, v13  }
0x2de: {  	v9 =	vld [tilespmem:s10+$0x8C0];
	[tilespmem:s10+$0x850] =	vst v11;
	v11 =	vadd.f32 v61, v14  }
0x2df: {  	v13 =	vadd.f32 v62, v15;
	v12 =	vmax.f32 v10, $0.0e+00;
	v10 =	vld [tilespmem:s10+$0x8D0]  }
0x2e0: {  	s8 =	simm.s32 $0x400;
	v14 =	vmax.f32 v11, $0.0e+00;
	v11 =	vld [tilespmem:s10+$0x8E0];
	[tilespmem:s10+$0x860] =	vst v12;
	v12 =	vadd.f32 v63, v16  }
.LBB2_19:
0x2e1: {  	s5 =	sshra.s32 s8, $0x2;
	p1 =	sne.s32 s8, $0xFC00;
	[tilespmem:s10+$0x870] =	vst v14;
	v13 =	vmax.f32 v13, $0.0e+00;
	v6 =	vadd.f32 v8, v6;
	v8 =	vld [tilespmem:s10+$0x8F0]  }
0x2e2: {  	v14 =	vld [tilespmem:s5+$0x4800];
	[tilespmem:s10+$0x880] =	vst v13;
	v12 =	vmax.f32 v12, $0.0e+00;
	v5 =	vadd.f32 v7, v5  }
0x2e3: {  	v7 =	vld [tilespmem:s5+$0x4810];
	[tilespmem:s10+$0x890] =	vst v12;
	v6 =	vmax.f32 v6, $0.0e+00;
	v4 =	vadd.f32 v9, v4  }
0x2e4: {  	v9 =	vld [tilespmem:s5+$0x4820];
	[tilespmem:s10+$0x8A0] =	vst v6;
	v5 =	vmax.f32 v5, $0.0e+00;
	v3 =	vadd.f32 v10, v3  }
0x2e5: {  	v10 =	vld [tilespmem:s5+$0x4830];
	[tilespmem:s10+$0x8B0] =	vst v5;
	v4 =	vmax.f32 v4, $0.0e+00;
	v2 =	vadd.f32 v11, v2  }
0x2e6: {  	v11 =	vld [tilespmem:s5+$0x4840];
	[tilespmem:s10+$0x8C0] =	vst v4;
	v3 =	vmax.f32 v3, $0.0e+00;
	v1 =	vadd.f32 v8, v1  }
0x2e7: {  	v8 =	vld [tilespmem:s5+$0x4850];
	[tilespmem:s10+$0x8D0] =	vst v3;
	v2 =	vmax.f32 v2, $0.0e+00  }
0x2e8: {  	v12 =	vld [tilespmem:s5+$0x4860];
	[tilespmem:s10+$0x8E0] =	vst v2;
	v1 =	vmax.f32 v1, $0.0e+00  }
0x2e9: {  	v13 =	vld [tilespmem:s5+$0x4870];
	[tilespmem:s10+$0x8F0] =	vst v1;
	s10 =	smov.u32 s5  }
0x2ea: {  	v15 =	vld [tilespmem:s10+$0x4880]  }
0x2eb: {  	v16 =	vld [tilespmem:s10+$0x4890]  }
0x2ec: {  	v6 =	vld [tilespmem:s10+$0x48A0]  }
0x2ed: {  	v5 =	vld [tilespmem:s10+$0x48B0]  }
0x2ee: {  	v4 =	vld [tilespmem:s10+$0x48C0]  }
0x2ef: {  	v3 =	vld [tilespmem:s10+$0x48D0]  }
0x2f0: {  	v2 =	vld [tilespmem:s10+$0x48E0]  }
0x2f1: {  	v1 =	vld [tilespmem:s10+$0x48F0]  }
0x2f2: {  	v17 =	vld [tilespmem:s10+$0x800]  }
0x2f3: {  	v18 =	vld [tilespmem:s10+$0x810]  }
0x2f4: {  	v19 =	vld [tilespmem:s10+$0x820]  }
0x2f5: {  	v20 =	vld [tilespmem:s10+$0x830]  }
0x2f6: {  	v21 =	vld [tilespmem:s10+$0x840]  }
0x2f7: {  	v14 =	vadd.f32 v17, v14;
	v17 =	vld [tilespmem:s10+$0x850]  }
0x2f8: {  	v7 =	vadd.f32 v18, v7;
	v18 =	vld [tilespmem:s10+$0x860]  }
0x2f9: {  	v14 =	vmax.f32 v14, $0.0e+00;
	v9 =	vadd.f32 v19, v9;
	v19 =	vld [tilespmem:s10+$0x870]  }
0x2fa: {  	[tilespmem:s10+$0x800] =	vst v14;
	v7 =	vmax.f32 v7, $0.0e+00;
	v10 =	vadd.f32 v20, v10;
	v14 =	vld [tilespmem:s10+$0x880]  }
0x2fb: {  	[tilespmem:s10+$0x810] =	vst v7;
	v7 =	vmax.f32 v9, $0.0e+00;
	v9 =	vadd.f32 v21, v11;
	v11 =	vld [tilespmem:s10+$0x890]  }
.Ltmp8:
0x2fc: {  	[tilespmem:s10+$0x820] =	vst v7;
	v7 =	vmax.f32 v10, $0.0e+00;
	v10 =	vadd.f32 v17, v8;
	v8 =	vld [tilespmem:s10+$0x8A0];
	(pc) =	sbr.rel @p1 .LBB2_19-.Ltmp8, $4  }
0x2fd: {  	[tilespmem:s10+$0x830] =	vst v7;
	v9 =	vmax.f32 v9, $0.0e+00;
	v12 =	vadd.f32 v18, v12;
	v7 =	vld [tilespmem:s10+$0x8B0]  }
0x2fe: {  	[tilespmem:s10+$0x840] =	vst v9;
	v10 =	vmax.f32 v10, $0.0e+00;
	v17 =	vadd.f32 v19, v13;
	v9 =	vld [tilespmem:s10+$0x8C0]  }
0x2ff: {  	[tilespmem:s10+$0x850] =	vst v10;
	v12 =	vmax.f32 v12, $0.0e+00;
	v13 =	vadd.f32 v14, v15;
	v10 =	vld [tilespmem:s10+$0x8D0]  }
0x300: {  	s8 =	sadd.s32 $0x400, s8;
	[tilespmem:s10+$0x860] =	vst v12;
	v14 =	vmax.f32 v17, $0.0e+00;
	v12 =	vadd.f32 v11, v16;
	v11 =	vld [tilespmem:s10+$0x8E0]  }
0x301: {  	[tilespmem:s10+$0x870] =	vst v14;
	v13 =	vmax.f32 v13, $0.0e+00;
	v6 =	vadd.f32 v8, v6;
	v63 =	vld [tilespmem:s10+$0x8F0]  }
0x302: {  	[tilespmem:s10+$0x880] =	vst v13;
	v12 =	vmax.f32 v12, $0.0e+00;
	v5 =	vadd.f32 v7, v5  }
0x303: {  	[tilespmem:s10+$0x890] =	vst v12;
	v6 =	vmax.f32 v6, $0.0e+00;
	v4 =	vadd.f32 v9, v4  }
0x304: {  	s25 =	sadd.s32 $0x1, s25;
	[tilespmem:s10+$0x8A0] =	vst v6;
	v5 =	vmax.f32 v5, $0.0e+00;
	v3 =	vadd.f32 v10, v3  }
0x305: {  	p1 =	sne.s32 s25, $0xA;
	[tilespmem:s10+$0x8B0] =	vst v5;
	v4 =	vmax.f32 v4, $0.0e+00;
	v2 =	vadd.f32 v11, v2  }
.Ltmp9:
0x306: {  	[tilespmem:s10+$0x8C0] =	vst v4;
	v3 =	vmax.f32 v3, $0.0e+00;
	v1 =	vadd.f32 v63, v1;
	(pc) =	sbr.rel @p1 .LBB2_4-.Ltmp9, $4  }
0x307: {  	[tilespmem:s10+$0x8D0] =	vst v3;
	v2 =	vmax.f32 v2, $0.0e+00  }
0x308: {  	[tilespmem:s10+$0x8E0] =	vst v2;
	v1 =	vmax.f32 v1, $0.0e+00  }
0x309: {  	[tilespmem:s10+$0x8F0] =	vst v1  }
0x30a: {  	[spmem:s4] =	stream.indirect.scatter.add.f32 [tilespmem:s31], [sflag:$0x3], $0x80, s18, s9, $0xb8;
	[tilespmem:$0x1C080] =	vst v63  }
0x30b: {  	_ =	swait.ge [sflag:s14], $0x4000  }
0x30c: {  	[sflag:s14] =	ssyncset.done $0x0  }
0x30d: {  	[sflag:s14] =	ssyncadd.s32 $0xFFFFC000  }
0x30e: {  	[bflag:$0x0] =	sbarrier.arrive $0xFFFF  }
0x30f: {  	s5 =	rddreg [dreg:$0x10]  }
0x310: {  	s24 =	rddreg [dreg:$0x8]  }
0x311: {  	s10 =	simm.s32 @p0 $0x1FC4;
	s5 =	sadd.s32 @p0 $0x24900, s5;
	s8 =	sshrl.u32 @p0 s24, $0x3  }
0x312: {  	[hbm:s5], [sflag:s10] =	dma.local @p0 [spmem:s8], $0x2800  }
0x313: {  	s5 =	simm.s32 @p0 $0x4  }
0x314: {  	_ =	swait.ge @p0 [sflag:s5], $0x2800  }
0x315: {  	s8 =	stileid.u32;
	s23 =	rddreg [dreg:$0x6]  }
0x316: {  	s8 =	sshll.u32 @!p0 s8, $0x6;
	[sflag:s5] =	ssyncset.done @p0 $0x0;
	s10 =	rddreg [dreg:$0x12]  }
0x317: {  	[sflag:s5] =	ssyncadd.s32 @p0 $0xFFFFD800;
	s5 =	sor.u32 @!p0 $0x1C04, s8;
	s8 =	sshrl.u32 @!p0 s23, $0x3  }
0x318: {  	[hbm:s10], [sflag:s5] =	dma.local @!p0 [spmem:s8], $0x2700  }
0x319: {  	s5 =	simm.s32 @!p0 $0x4  }
0x31a: {  	_ =	swait.ge @!p0 [sflag:s5], $0x2700  }
0x31b: {  	s8 =	rddreg [dreg:$0x5]  }
0x31c: {  	s25 =	rddreg [dreg:$0x11];
	s10 =	sadd.s32 $0x1, s8  }
0x31d: {  	p1 =	sne.s32 s10, s25  }
.Ltmp10:
0x31e: {  	_ = 	snop;
	(pc) =	sbr.rel @p1 .LBB2_1-.Ltmp10, $3  }
0x31f: {  	_ =	sdelay $0x1  }
0x320: {  	[sflag:s5] =	ssyncset.done @!p0 $0x0  }
0x321: {  	[sflag:s5] =	ssyncadd.s32 @!p0 $0xFFFFD900  }
0x322: {  	_ =	sfence.sel $0x180000  }
0x323: {  	[bflag:$0x0] =	sbarrier.arrive $0xFFFF  }
0x324: {  	_ =	strace $0x90000047  }
0x325: {  	s0 =	stileid.u32;
	[bflag:$0x2] =	sbarrier.arrive $0xFFFF  }
0x326: {  	p0 =	sne.s32 s0, $0x0;
	s0 =	rddreg [dreg:$0x4]  }
0x327: {  	s0 =	sadd.s32 @!p0 $0x100000, s0  }
0x328: {  	[sflag:s0] =	ssyncadd.tile.s32 @!p0 $0x1;
	_ =	shalt  }
.Lfunc_end2:
_tile_overlayer_lowered:
.L_overlay_start_2:
0x329: {  	(tag) =	ssettag $0x2  }
0x32a: {  	s0 =	rddreg [dreg:$0x0];
	s2 =	stileid.u32  }
0x32b: {  	s1 =	rddreg [dreg:$0x1];
	p0 =	sne.s32 s2, $0x0  }
0x32c: {  	s3 =	rddreg [dreg:$0x2];
	[bflag:$0x3] =	sbarrier.arrive $0xFFFF;
	s2 =	simm.s32 @!p0 $0x1C04  }
0x32d: {  	[timem:s3], [sflag:s2] =	dma.local @!p0 [hbm:s0], s1  }
0x32e: {  	s0 =	simm.s32 @!p0 $0x4  }
0x32f: {  	_ =	swait.ge @!p0 [sflag:s0], s1  }
0x330: {  	s1 =	ssub.s32 @!p0 $0x0, s1;
	[sflag:s0] =	ssyncset.done @!p0 $0x0  }
0x331: {  	[sflag:s0] =	ssyncadd.s32 @!p0 s1  }
0x332: {  	[bflag:$0x3] =	sbarrier.arrive $0xFFFF  }
0x333: {  	_ =	shalt  }

</sc_bundles>
